<compile_context>
chip_gen: v7x
topology: tpu7x:2x2x1
jax: 0.10.2.dev20260603
libtpu: 0.0.44.dev20260713+nightly
codegen_flags: <defaults>
</compile_context>

<pallas_src>
import dataclasses
import functools

import jax
import jax.numpy as jnp
import numpy as np
from jax import lax
from jax.experimental import pallas as pl
from jax.experimental.pallas import tpu as pltpu
from jax.experimental.pallas import tpu_sc as plsc

N = 10000
D = 128
NC = 2
NS = 16
L = 16
C = 128
E_RAW = 320000
G = 8
NG0 = 10
NG1 = 10
DEPTH = 2
E_PAD = NS * G * C * (NG0 + NG1)
NSTRIPE = -(-N // C)
N_PAD = NSTRIPE * C
DEG_W = D

@functools.lru_cache(maxsize=None)
def _get_mesh():
    return plsc.VectorSubcoreMesh(core_axis_name="c", subcore_axis_name="s",
                                  num_cores=NC, num_subcores=NS)


def _fill(ref, rows, cols, val):
    @pl.loop(0, rows)
    def _(r):
        @pl.loop(0, cols, step=L)
        def _(c0):
            ref[r, pl.ds(c0, L)] = jnp.full((L,), val, jnp.float32)


def _deg_kernel(ei_p):
    @functools.partial(
        pl.kernel,
        out_type=jax.ShapeDtypeStruct((NC * NS, N_PAD), jnp.float32),
        mesh=_get_mesh(),
        scratch_types=[
            pltpu.VMEM((2, G, C), jnp.int32),
            pltpu.VMEM((N_PAD,), jnp.float32),
        ],
        compiler_params=dataclasses.replace(pltpu.CompilerParams(),
                                            needs_layout_passes=False),
    )
    def k(ei_hbm, out_hbm, sdg, acc):
        cid = lax.axis_index("c")
        sid = lax.axis_index("s")
        wid = cid * NS + sid
        ngc = jnp.where(cid == 0, NG0, NG1)
        grp0 = jnp.where(cid == 0, sid * NG0, NS * NG0 + sid * NG1)

        @pl.loop(0, N_PAD, step=L)
        def _(i):
            acc[pl.ds(i, L)] = jnp.zeros((L,), jnp.float32)

        ones = jnp.ones((L,), jnp.float32)

        @pl.loop(0, ngc)
        def _(g):
            crow = (grp0 + g) * G
            pltpu.sync_copy(ei_hbm.at[:, pl.ds(crow, G)], sdg)
            for j in range(G):
                for c0 in range(0, C, L):
                    idx16 = sdg[1, j, pl.ds(c0, L)]
                    plsc.addupdate_scatter(acc, [idx16], ones)

        pltpu.sync_copy(acc, out_hbm.at[wid])

    return k(ei_p)


def _agg_kernel(y, ei_p):
    @functools.partial(
        pl.kernel,
        out_type=jax.ShapeDtypeStruct((NC, N, D), jnp.float32),
        mesh=_get_mesh(),
        scratch_types=[
            pltpu.VMEM((2, G, C), jnp.int32),
        ] + [pltpu.VMEM((C, D), jnp.float32)] * DEPTH + [
            pltpu.VMEM_SHARED((N_PAD, D), jnp.float32),
        ] + [pltpu.SemaphoreType.DMA] * DEPTH,
    )
    def k(y_hbm, ei_hbm, out_hbm, sdg, *rest):
        bufs = rest[:DEPTH]
        zacc = rest[DEPTH]
        sems = rest[DEPTH + 1:]
        cid = lax.axis_index("c")
        sid = lax.axis_index("s")
        ngc = jnp.where(cid == 0, NG0, NG1)
        grp0 = jnp.where(cid == 0, sid * NG0, NS * NG0 + sid * NG1)
        _fill(bufs[0], C, D, 0.0)
        nk = -(-NSTRIPE // NS)
        for kk in range(nk):
            s = jnp.minimum(sid + NS * kk, NSTRIPE - 1)
            pltpu.sync_copy(bufs[0], zacc.at[pl.ds(s * C, C)])
        plsc.subcore_barrier()

        @pl.loop(0, ngc)
        def _(g):
            crow = (grp0 + g) * G
            pltpu.sync_copy(ei_hbm.at[:, pl.ds(crow, G)], sdg)
            hs = [pltpu.async_copy(y_hbm.at[sdg.at[0, j]], bufs[j % DEPTH],
                                   sems[j % DEPTH])
                  for j in range(DEPTH - 1)]
            for j in range(G):
                jn = j + DEPTH - 1
                if jn < G:
                    hs.append(pltpu.async_copy(y_hbm.at[sdg.at[0, jn]],
                                               bufs[jn % DEPTH],
                                               sems[jn % DEPTH]))
                hs[j].wait()
                pltpu.sync_copy(bufs[j % DEPTH], zacc.at[sdg.at[1, j]],
                                add=True)

        plsc.subcore_barrier()
        for kk in range(nk):
            s = jnp.minimum(sid + NS * kk, NSTRIPE - 1)
            start = jnp.minimum(s * C, N - C)
            pltpu.sync_copy(zacc.at[pl.ds(start, C)],
                            out_hbm.at[cid, pl.ds(start, C)])

    return k(y, ei_p)


R = 2000


def _dinv_body(dp_ref, dinv_ref):
    deg = jnp.sum(dp_ref[...], axis=0, keepdims=True) + 1.0
    dinv = lax.rsqrt(deg).T
    dinv_ref[...] = jnp.broadcast_to(dinv, dinv_ref.shape)


def _dinv_call(dp):
    return pl.pallas_call(
        _dinv_body,
        out_shape=jax.ShapeDtypeStruct((N_PAD, 8), jnp.float32),
    )(dp)


def _prep_body(dinv8_ref, x0_ref, y1_ref):
    y1_ref[...] = x0_ref[...] * dinv8_ref[:, 0:1]


def _mid_body(p_ref, y1_ref, dinv8_ref, w1_ref, b1_ref, y2_ref):
    dinv = dinv8_ref[:, 0:1]
    ax = (p_ref[0] + p_ref[1] + y1_ref[...]) * dinv
    h = jnp.dot(ax, w1_ref[...], preferred_element_type=jnp.float32)
    x = jnp.maximum(h + b1_ref[...], 0.0)
    y2_ref[...] = x * dinv


def _softmax(v):
    m = jnp.max(v, axis=-1, keepdims=True)
    e = jnp.exp(v - m)
    return e / jnp.sum(e, axis=-1, keepdims=True)


def _head_body(q_ref, y2_ref, dinv8_ref, x0_ref,
               wt_ref, bt_ref, lt_w_ref, lt_b_ref,
               ws_ref, bs_ref, ls_w_ref, ls_b_ref,
               wa_ref, ba_ref, la_w_ref, la_b_ref,
               ltf_w_ref, ltf_b_ref,
               ot_ref, os_ref, otm_ref, oa_ref):
    dinv = dinv8_ref[:, 0:1]
    agg = (q_ref[0] + q_ref[1] + y2_ref[...]) * dinv

    def head(w_ref, b_ref, l_w_ref, l_b_ref):
        c = jnp.dot(agg, w_ref[...], preferred_element_type=jnp.float32)
        c = c + b_ref[...]
        t = jnp.dot(c, l_w_ref[...], preferred_element_type=jnp.float32)
        return _softmax(t + l_b_ref[...])

    ot_ref[...] = head(wt_ref, bt_ref, lt_w_ref, lt_b_ref)
    os_ref[...] = head(ws_ref, bs_ref, ls_w_ref, ls_b_ref)
    oa_ref[...] = head(wa_ref, ba_ref, la_w_ref, la_b_ref)
    tm = jnp.dot(x0_ref[...], ltf_w_ref[...], preferred_element_type=jnp.float32)
    otm_ref[...] = _softmax(tm + ltf_b_ref[...])


def _row_spec(shape):
    nd = len(shape)
    if nd == 3:
        return pl.BlockSpec((shape[0], R, shape[2]), lambda i: (0, i, 0))
    return pl.BlockSpec((R, shape[1]), lambda i: (i, 0))


def _full_spec(shape):
    return pl.BlockSpec(shape, lambda i: tuple(0 for _ in shape))


def _tc_call(body, ins, out_shapes):
    specs = [_row_spec(a.shape) if a.shape[-2] in (N, N_PAD)
             else _full_spec(a.shape) for a in ins]
    out_specs = [_row_spec(s.shape) for s in out_shapes]
    return pl.pallas_call(
        body,
        grid=(N // R,),
        in_specs=specs,
        out_specs=out_specs if len(out_specs) > 1 else out_specs[0],
        out_shape=out_shapes if len(out_shapes) > 1 else out_shapes[0],
    )(*ins)


def kernel(x0, edge_index, W1, b1, Wt, bt, Ws, bs, Wtm, btm, Wa, ba,
           Lt_W, Lt_b, Ls_W, Ls_b, Ltf_W, Ltf_b, La_W, La_b):
    pad = E_PAD - E_RAW
    pad_i = np.arange(pad, dtype=np.int32)
    pad_c = jnp.asarray(np.stack([pad_i % N, N + pad_i % (N_PAD - N)])
                        .reshape(2, -1, C))
    ei_p = jnp.concatenate(
        [edge_index.astype(jnp.int32).reshape(2, -1, C), pad_c], axis=1)

    dp = _deg_kernel(ei_p)
    dinv8 = _dinv_call(dp)
    y1 = _tc_call(_prep_body, [dinv8, x0],
                  [jax.ShapeDtypeStruct((N, D), jnp.float32)])
    p = _agg_kernel(y1, ei_p)
    y2 = _tc_call(_mid_body, [p, y1, dinv8, W1, b1.reshape(1, -1)],
                  [jax.ShapeDtypeStruct((N, D), jnp.float32)])
    q = _agg_kernel(y2, ei_p)
    heads = _tc_call(
        _head_body,
        [q, y2, dinv8, x0,
         Wt, bt.reshape(1, -1), Lt_W, Lt_b.reshape(1, -1),
         Ws, bs.reshape(1, -1), Ls_W, Ls_b.reshape(1, -1),
         Wa, ba.reshape(1, -1), La_W, La_b.reshape(1, -1),
         Ltf_W, Ltf_b.reshape(1, -1)],
        [jax.ShapeDtypeStruct((N, 16), jnp.float32),
         jax.ShapeDtypeStruct((N, 32), jnp.float32),
         jax.ShapeDtypeStruct((N, 8), jnp.float32),
         jax.ShapeDtypeStruct((N, 64), jnp.float32)])
    out_type, out_school, out_time, out_author = heads
    return (out_type, out_school, out_time, out_author)

# --- scband reference (transcript-rebuilt; emitter-appended) ---
"""Pipeline reference for scband-gcn-87703232184569 (READ-ONLY COPY).

The authoritative reference and input builder live on the scoring server;
editing this copy changes nothing except your own understanding.
"""

import jax, jax.numpy as jnp
import numpy as np

N = 10000
D_IN = 128
HID = 128
NTYPE, NSCHOOL, NTIME, NAUTHOR = 16, 32, 8, 64
E = 320000


def gcn_conv(x, edge_index, W, b):
    # PyG GCNConv: add self-loops, symmetric normalization, aggregate at dst, then bias.
    n = x.shape[0]
    loop = jnp.arange(n, dtype=edge_index.dtype)
    src = jnp.concatenate([edge_index[0], loop])
    dst = jnp.concatenate([edge_index[1], loop])
    deg = jnp.zeros((n,), x.dtype).at[dst].add(1.0)
    dinv = jnp.where(deg > 0, jax.lax.rsqrt(jnp.maximum(deg, 1e-12)), 0.0)
    norm = dinv[src] * dinv[dst]
    h = x @ W
    out = jnp.zeros((n, W.shape[1]), x.dtype).at[dst].add(h[src] * norm[:, None])
    return out + b


def glorot(k, shape):
    return jax.random.normal(k, shape, jnp.float32) * (1.0 / np.sqrt(shape[0]))


def setup_inputs(seed: int = 0) -> dict:
    key = jax.random.key(seed)
    ks = [jax.random.fold_in(key, i) for i in range(32)]
    x0 = jax.random.normal(ks[0], (N, D_IN), jnp.float32)
    edge_index = jax.random.randint(ks[1], (2, E), 0, N)
    inp = {"x0": x0, "edge_index": edge_index}
    inp["W1"] = glorot(ks[2], (D_IN, HID)); inp["b1"] = jnp.zeros((HID,), jnp.float32)
    inp["Wt"] = glorot(ks[3], (HID, NTYPE)); inp["bt"] = jnp.zeros((NTYPE,), jnp.float32)
    inp["Ws"] = glorot(ks[4], (HID, NSCHOOL)); inp["bs"] = jnp.zeros((NSCHOOL,), jnp.float32)
    inp["Wtm"] = glorot(ks[5], (HID, NTIME)); inp["btm"] = jnp.zeros((NTIME,), jnp.float32)
    inp["Wa"] = glorot(ks[6], (HID, NAUTHOR)); inp["ba"] = jnp.zeros((NAUTHOR,), jnp.float32)
    inp["Lt_W"] = glorot(ks[7], (NTYPE, NTYPE)); inp["Lt_b"] = jnp.zeros((NTYPE,), jnp.float32)
    inp["Ls_W"] = glorot(ks[8], (NSCHOOL, NSCHOOL)); inp["Ls_b"] = jnp.zeros((NSCHOOL,), jnp.float32)
    inp["Ltf_W"] = glorot(ks[9], (D_IN, NTIME)); inp["Ltf_b"] = jnp.zeros((NTIME,), jnp.float32)
    inp["La_W"] = glorot(ks[10], (NAUTHOR, NAUTHOR)); inp["La_b"] = jnp.zeros((NAUTHOR,), jnp.float32)
    return inp


def reference(x0, edge_index, W1, b1, Wt, bt, Ws, bs, Wtm, btm, Wa, ba,
              Lt_W, Lt_b, Ls_W, Ls_b, Ltf_W, Ltf_b, La_W, La_b):
    # target_class == 'all', eval mode (dropout is identity)
    x = jax.nn.relu(gcn_conv(x0, edge_index, W1, b1))
    out_type = jax.nn.softmax(gcn_conv(x, edge_index, Wt, bt) @ Lt_W + Lt_b, axis=-1)
    out_school = jax.nn.softmax(gcn_conv(x, edge_index, Ws, bs) @ Ls_W + Ls_b, axis=-1)
    _unused = gcn_conv(x, edge_index, Wtm, btm)  # computed then discarded in the original forward
    out_time = jax.nn.softmax(x0 @ Ltf_W + Ltf_b, axis=-1)  # class_tf acts on x0
    out_author = jax.nn.softmax(gcn_conv(x, edge_index, Wa, ba) @ La_W + La_b, axis=-1)
    return (out_type, out_school, out_time, out_author)

if __name__ == "__main__":
    import jax
    _d = setup_inputs()
    print(jax.jit(kernel)(*tuple(_d.values())))

</pallas_src>

<mosaic_0001>
#map = affine_map<(d0, d1) -> (0, 0, 0)>
#map1 = affine_map<(d0, d1) -> (0, 0)>
module attributes {stable_mosaic.version = 14 : i64} {
  func.func @k(%arg0: i32, %arg1: i32, %arg2: memref<2x2560x128xi32, #tpu.memory_space<hbm>>, %arg3: memref<32x10112xf32, #tpu.memory_space<hbm>>, %arg4: memref<2x8x128xi32, #tpu.memory_space<vmem>>, %arg5: memref<10112xf32, #tpu.memory_space<vmem>>) attributes {dimension_semantics = [#tpu.dimension_semantics<core_parallel>, #tpu.dimension_semantics<subcore_parallel>], iteration_bounds = array<i64: 2, 16>, scalar_prefetch = 0 : i64, scratch_operands = 2 : i64, tpu.core_type = #tpu.core_type<sc_vector_subcore>, window_params = [{transform_indices = #map}, {transform_indices = #map1}]} {
    %mul3A = arith.constant 16 : i32
    %mul3A_0 = arith.muli %arg0, %mul3A : i32
    %add3A = arith.addi %mul3A_0, %arg1 : i32
    %eq3A = arith.constant 0 : i32
    %eq3A_1 = arith.cmpi eq, %arg0, %eq3A : i32
    %jit3A = arith.constant 10 : i32
    %jit3A_2 = arith.constant 10 : i32
    %select_n3A = arith.select %eq3A_1, %jit3A, %jit3A_2 : i32
    %eq3A_3 = arith.constant 0 : i32
    %eq3A_4 = arith.cmpi eq, %arg0, %eq3A_3 : i32
    %mul3A_5 = arith.constant 10 : i32
    %mul3A_6 = arith.muli %arg1, %mul3A_5 : i32
    %mul3A_7 = arith.constant 10 : i32
    %mul3A_8 = arith.muli %arg1, %mul3A_7 : i32
    %add3A_9 = arith.constant 160 : i32
    %add3A_10 = arith.addi %add3A_9, %mul3A_8 : i32
    %select_n3A_11 = arith.select %eq3A_4, %mul3A_6, %add3A_10 : i32
    %scan3A = arith.constant 0 : i32
    %scan3A_12 = arith.constant 632 : i32
    %scan3A_13 = arith.addi %scan3A, %scan3A_12 : i32
    %scan3A_14 = arith.constant 1 : i32
    scf.for %scan3A_33 = %scan3A to %scan3A_13 step %scan3A_14  : i32 {
      %mul3A_34 = arith.constant 16 : i32
      %mul3A_35 = arith.muli %scan3A_33, %mul3A_34 : i32
      %add3A_36 = arith.constant 0 : i32
      %add3A_37 = arith.addi %add3A_36, %mul3A_35 : i32
      %broadcast_in_dim3A_38 = arith.constant 0.000000e+00 : f32
      %broadcast_in_dim3A_39 = vector.broadcast %broadcast_in_dim3A_38 : f32 to vector<16xf32>
      %swap3A = arith.index_cast %add3A_37 : i32 to index
      %swap3A_40 = tpu.vector_load %arg5[%swap3A] {strides = array<i32>} : memref<10112xf32, #tpu.memory_space<vmem>>, vector<16xf32>,
      tpu.vector_store %arg5[%swap3A], %broadcast_in_dim3A_39 {strides = array<i32>} : memref<10112xf32, #tpu.memory_space<vmem>>, vector<16xf32>,
    }
    %scan3A_15 = arith.constant 632 : i32
    %broadcast_in_dim3A = arith.constant 1.000000e+00 : f32
    %broadcast_in_dim3A_16 = vector.broadcast %broadcast_in_dim3A : f32 to vector<16xf32>
    %sub3A = arith.constant 0 : i32
    %sub3A_17 = arith.subi %select_n3A, %sub3A : i32
    %sub3A_18 = arith.constant 1 : i32
    %sub3A_19 = arith.constant 1 : i32
    %sub3A_20 = arith.subi %sub3A_18, %sub3A_19 : i32
    %add3A_21 = arith.addi %sub3A_17, %sub3A_20 : i32
    %div3A = arith.constant 1 : i32
    %div3A_22 = arith.divsi %add3A_21, %div3A : i32
    %while3A = arith.constant 1 : i32
    %while3A_23 = arith.constant 0 : i32
    %while3A_24 = arith.constant 0 : i32
    %while3A_25 = arith.subi %div3A_22, %while3A_24 : i32
    %while3A_26 = arith.addi %while3A_24, %while3A_25 : i32
    %while3A_27 = arith.constant 1 : i32
    %while3A_28 = arith.divsi %while3A_25, %while3A_27 : i32
    %while3A_29 = arith.muli %while3A_28, %while3A_27 : i32
    %while3A_30 = arith.addi %while3A_24, %while3A_29 : i32
    %while3A_31 = arith.constant 1 : i32
    scf.for %while3A_33 = %while3A_24 to %while3A_30 step %while3A_31  : i32 {
      %mul3A_34 = arith.muli %while3A_33, %while3A : i32
      %add3A_35 = arith.addi %while3A_23, %mul3A_34 : i32
      %add3A_36 = arith.addi %select_n3A_11, %add3A_35 : i32
      %mul3A_37 = arith.constant 8 : i32
      %mul3A_38 = arith.muli %add3A_36, %mul3A_37 : i32
      "tpu.region"() ({
        %run_scoped3A = tpu.sem_alloc : memref<!tpu.dma_semaphore, #tpu.memory_space<semaphore_mem>>
        %dma_start3A = arith.constant 0 : i32
        %dma_start3A_422 = arith.constant 0 : i32
        %dma_start3A_423 = tpu.memref_slice %arg2[%dma_start3A, %mul3A_38, %dma_start3A_422] : memref<2x2560x128xi32, #tpu.memory_space<hbm>> -> memref<2x8x128xi32, #tpu.memory_space<hbm>>
        %dma_start3A_424 = arith.constant 0 : i32
        %dma_start3A_425 = arith.constant 0 : i32
        %dma_start3A_426 = tpu.memref_slice %arg2[%dma_start3A_424, %mul3A_38, %dma_start3A_425] : memref<2x2560x128xi32, #tpu.memory_space<hbm>> -> memref<2x8x128xi32, #tpu.memory_space<hbm>>
        tpu.enqueue_dma source(%dma_start3A_426 : memref<2x8x128xi32, #tpu.memory_space<hbm>>) target(%arg4 : memref<2x8x128xi32, #tpu.memory_space<vmem>>) target_semaphore(%run_scoped3A : memref<!tpu.dma_semaphore, #tpu.memory_space<semaphore_mem>>)
        %dma_wait3A = arith.constant 0 : i32
        %dma_wait3A_427 = arith.constant 0 : i32
        %dma_wait3A_428 = tpu.memref_slice %arg2[%dma_wait3A, %mul3A_38, %dma_wait3A_427] : memref<2x2560x128xi32, #tpu.memory_space<hbm>> -> memref<2x8x128xi32, #tpu.memory_space<hbm>>
        %dma_wait3A_429 = arith.constant 0 : i32
        %dma_wait3A_430 = arith.constant 0 : i32
        %dma_wait3A_431 = tpu.memref_slice %arg2[%dma_wait3A_429, %mul3A_38, %dma_wait3A_430] : memref<2x2560x128xi32, #tpu.memory_space<hbm>> -> memref<2x8x128xi32, #tpu.memory_space<hbm>>
        tpu.wait_dma2 semaphore(%run_scoped3A : memref<!tpu.dma_semaphore, #tpu.memory_space<semaphore_mem>>) src(%dma_wait3A_431 : memref<2x8x128xi32, #tpu.memory_space<hbm>>) dst(%arg4 : memref<2x8x128xi32, #tpu.memory_space<vmem>>)
        tpu.yield
      }) : () -> ()
      %get3A = arith.constant 1 : i32
      %get3A_39 = arith.constant 0 : i32
      %get3A_40 = arith.index_cast %get3A : i32 to index
      %get3A_41 = arith.index_cast %get3A_39 : i32 to index
      %get3A_42 = arith.constant 0 : index
      %get3A_43 = tpu.vector_load %arg4[%get3A_40, %get3A_41, %get3A_42] {strides = array<i32>} : memref<2x8x128xi32, #tpu.memory_space<vmem>>, vector<16xi32>,
      tpu.vector_store_idx %arg5[%get3A_43], %broadcast_in_dim3A_16 {add = true} : memref<10112xf32, #tpu.memory_space<vmem>>[vector<16xi32>], vector<16xf32>,
      %get3A_44 = arith.constant 1 : i32
      %get3A_45 = arith.constant 0 : i32
      %get3A_46 = arith.index_cast %get3A_44 : i32 to index
      %get3A_47 = arith.index_cast %get3A_45 : i32 to index
      %get3A_48 = arith.constant 16 : index
      %get3A_49 = tpu.vector_load %arg4[%get3A_46, %get3A_47, %get3A_48] {strides = array<i32>} : memref<2x8x128xi32, #tpu.memory_space<vmem>>, vector<16xi32>,
      tpu.vector_store_idx %arg5[%get3A_49], %broadcast_in_dim3A_16 {add = true} : memref<10112xf32, #tpu.memory_space<vmem>>[vector<16xi32>], vector<16xf32>,
      %get3A_50 = arith.constant 1 : i32
      %get3A_51 = arith.constant 0 : i32
      %get3A_52 = arith.index_cast %get3A_50 : i32 to index
      %get3A_53 = arith.index_cast %get3A_51 : i32 to index
      %get3A_54 = arith.constant 32 : index
      %get3A_55 = tpu.vector_load %arg4[%get3A_52, %get3A_53, %get3A_54] {strides = array<i32>} : memref<2x8x128xi32, #tpu.memory_space<vmem>>, vector<16xi32>,
      tpu.vector_store_idx %arg5[%get3A_55], %broadcast_in_dim3A_16 {add = true} : memref<10112xf32, #tpu.memory_space<vmem>>[vector<16xi32>], vector<16xf32>,
      %get3A_56 = arith.constant 1 : i32
      %get3A_57 = arith.constant 0 : i32
      %get3A_58 = arith.index_cast %get3A_56 : i32 to index
      %get3A_59 = arith.index_cast %get3A_57 : i32 to index
      %get3A_60 = arith.constant 48 : index
      %get3A_61 = tpu.vector_load %arg4[%get3A_58, %get3A_59, %get3A_60] {strides = array<i32>} : memref<2x8x128xi32, #tpu.memory_space<vmem>>, vector<16xi32>,
      tpu.vector_store_idx %arg5[%get3A_61], %broadcast_in_dim3A_16 {add = true} : memref<10112xf32, #tpu.memory_space<vmem>>[vector<16xi32>], vector<16xf32>,
      %get3A_62 = arith.constant 1 : i32
      %get3A_63 = arith.constant 0 : i32
      %get3A_64 = arith.index_cast %get3A_62 : i32 to index
      %get3A_65 = arith.index_cast %get3A_63 : i32 to index
      %get3A_66 = arith.constant 64 : index
      %get3A_67 = tpu.vector_load %arg4[%get3A_64, %get3A_65, %get3A_66] {strides = array<i32>} : memref<2x8x128xi32, #tpu.memory_space<vmem>>, vector<16xi32>,
      tpu.vector_store_idx %arg5[%get3A_67], %broadcast_in_dim3A_16 {add = true} : memref<10112xf32, #tpu.memory_space<vmem>>[vector<16xi32>], vector<16xf32>,
      %get3A_68 = arith.constant 1 : i32
      %get3A_69 = arith.constant 0 : i32
      %get3A_70 = arith.index_cast %get3A_68 : i32 to index
      %get3A_71 = arith.index_cast %get3A_69 : i32 to index
      %get3A_72 = arith.constant 80 : index
      %get3A_73 = tpu.vector_load %arg4[%get3A_70, %get3A_71, %get3A_72] {strides = array<i32>} : memref<2x8x128xi32, #tpu.memory_space<vmem>>, vector<16xi32>,
      tpu.vector_store_idx %arg5[%get3A_73], %broadcast_in_dim3A_16 {add = true} : memref<10112xf32, #tpu.memory_space<vmem>>[vector<16xi32>], vector<16xf32>,
      %get3A_74 = arith.constant 1 : i32
      %get3A_75 = arith.constant 0 : i32
      %get3A_76 = arith.index_cast %get3A_74 : i32 to index
      %get3A_77 = arith.index_cast %get3A_75 : i32 to index
      %get3A_78 = arith.constant 96 : index
      %get3A_79 = tpu.vector_load %arg4[%get3A_76, %get3A_77, %get3A_78] {strides = array<i32>} : memref<2x8x128xi32, #tpu.memory_space<vmem>>, vector<16xi32>,
      tpu.vector_store_idx %arg5[%get3A_79], %broadcast_in_dim3A_16 {add = true} : memref<10112xf32, #tpu.memory_space<vmem>>[vector<16xi32>], vector<16xf32>,
      %get3A_80 = arith.constant 1 : i32
      %get3A_81 = arith.constant 0 : i32
      %get3A_82 = arith.index_cast %get3A_80 : i32 to index
      %get3A_83 = arith.index_cast %get3A_81 : i32 to index
      %get3A_84 = arith.constant 112 : index
      %get3A_85 = tpu.vector_load %arg4[%get3A_82, %get3A_83, %get3A_84] {strides = array<i32>} : memref<2x8x128xi32, #tpu.memory_space<vmem>>, vector<16xi32>,
      tpu.vector_store_idx %arg5[%get3A_85], %broadcast_in_dim3A_16 {add = true} : memref<10112xf32, #tpu.memory_space<vmem>>[vector<16xi32>], vector<16xf32>,
      %get3A_86 = arith.constant 1 : i32
      %get3A_87 = arith.constant 1 : i32
      %get3A_88 = arith.index_cast %get3A_86 : i32 to index
      %get3A_89 = arith.index_cast %get3A_87 : i32 to index
      %get3A_90 = arith.constant 0 : index
      %get3A_91 = tpu.vector_load %arg4[%get3A_88, %get3A_89, %get3A_90] {strides = array<i32>} : memref<2x8x128xi32, #tpu.memory_space<vmem>>, vector<16xi32>,
      tpu.vector_store_idx %arg5[%get3A_91], %broadcast_in_dim3A_16 {add = true} : memref<10112xf32, #tpu.memory_space<vmem>>[vector<16xi32>], vector<16xf32>,
      %get3A_92 = arith.constant 1 : i32
      %get3A_93 = arith.constant 1 : i32
      %get3A_94 = arith.index_cast %get3A_92 : i32 to index
      %get3A_95 = arith.index_cast %get3A_93 : i32 to index
      %get3A_96 = arith.constant 16 : index
      %get3A_97 = tpu.vector_load %arg4[%get3A_94, %get3A_95, %get3A_96] {strides = array<i32>} : memref<2x8x128xi32, #tpu.memory_space<vmem>>, vector<16xi32>,
      tpu.vector_store_idx %arg5[%get3A_97], %broadcast_in_dim3A_16 {add = true} : memref<10112xf32, #tpu.memory_space<vmem>>[vector<16xi32>], vector<16xf32>,
      %get3A_98 = arith.constant 1 : i32
      %get3A_99 = arith.constant 1 : i32
      %get3A_100 = arith.index_cast %get3A_98 : i32 to index
      %get3A_101 = arith.index_cast %get3A_99 : i32 to index
      %get3A_102 = arith.constant 32 : index
      %get3A_103 = tpu.vector_load %arg4[%get3A_100, %get3A_101, %get3A_102] {strides = array<i32>} : memref<2x8x128xi32, #tpu.memory_space<vmem>>, vector<16xi32>,
      tpu.vector_store_idx %arg5[%get3A_103], %broadcast_in_dim3A_16 {add = true} : memref<10112xf32, #tpu.memory_space<vmem>>[vector<16xi32>], vector<16xf32>,
      %get3A_104 = arith.constant 1 : i32
      %get3A_105 = arith.constant 1 : i32
      %get3A_106 = arith.index_cast %get3A_104 : i32 to index
      %get3A_107 = arith.index_cast %get3A_105 : i32 to index
      %get3A_108 = arith.constant 48 : index
      %get3A_109 = tpu.vector_load %arg4[%get3A_106, %get3A_107, %get3A_108] {strides = array<i32>} : memref<2x8x128xi32, #tpu.memory_space<vmem>>, vector<16xi32>,
      tpu.vector_store_idx %arg5[%get3A_109], %broadcast_in_dim3A_16 {add = true} : memref<10112xf32, #tpu.memory_space<vmem>>[vector<16xi32>], vector<16xf32>,
      %get3A_110 = arith.constant 1 : i32
      %get3A_111 = arith.constant 1 : i32
      %get3A_112 = arith.index_cast %get3A_110 : i32 to index
      %get3A_113 = arith.index_cast %get3A_111 : i32 to index
      %get3A_114 = arith.constant 64 : index
      %get3A_115 = tpu.vector_load %arg4[%get3A_112, %get3A_113, %get3A_114] {strides = array<i32>} : memref<2x8x128xi32, #tpu.memory_space<vmem>>, vector<16xi32>,
      tpu.vector_store_idx %arg5[%get3A_115], %broadcast_in_dim3A_16 {add = true} : memref<10112xf32, #tpu.memory_space<vmem>>[vector<16xi32>], vector<16xf32>,
      %get3A_116 = arith.constant 1 : i32
      %get3A_117 = arith.constant 1 : i32
      %get3A_118 = arith.index_cast %get3A_116 : i32 to index
      %get3A_119 = arith.index_cast %get3A_117 : i32 to index
      %get3A_120 = arith.constant 80 : index
      %get3A_121 = tpu.vector_load %arg4[%get3A_118, %get3A_119, %get3A_120] {strides = array<i32>} : memref<2x8x128xi32, #tpu.memory_space<vmem>>, vector<16xi32>,
      tpu.vector_store_idx %arg5[%get3A_121], %broadcast_in_dim3A_16 {add = true} : memref<10112xf32, #tpu.memory_space<vmem>>[vector<16xi32>], vector<16xf32>,
      %get3A_122 = arith.constant 1 : i32
      %get3A_123 = arith.constant 1 : i32
      %get3A_124 = arith.index_cast %get3A_122 : i32 to index
      %get3A_125 = arith.index_cast %get3A_123 : i32 to index
      %get3A_126 = arith.constant 96 : index
      %get3A_127 = tpu.vector_load %arg4[%get3A_124, %get3A_125, %get3A_126] {strides = array<i32>} : memref<2x8x128xi32, #tpu.memory_space<vmem>>, vector<16xi32>,
      tpu.vector_store_idx %arg5[%get3A_127], %broadcast_in_dim3A_16 {add = true} : memref<10112xf32, #tpu.memory_space<vmem>>[vector<16xi32>], vector<16xf32>,
      %get3A_128 = arith.constant 1 : i32
      %get3A_129 = arith.constant 1 : i32
      %get3A_130 = arith.index_cast %get3A_128 : i32 to index
      %get3A_131 = arith.index_cast %get3A_129 : i32 to index
      %get3A_132 = arith.constant 112 : index
      %get3A_133 = tpu.vector_load %arg4[%get3A_130, %get3A_131, %get3A_132] {strides = array<i32>} : memref<2x8x128xi32, #tpu.memory_space<vmem>>, vector<16xi32>,
      tpu.vector_store_idx %arg5[%get3A_133], %broadcast_in_dim3A_16 {add = true} : memref<10112xf32, #tpu.memory_space<vmem>>[vector<16xi32>], vector<16xf32>,
      %get3A_134 = arith.constant 1 : i32
      %get3A_135 = arith.constant 2 : i32
      %get3A_136 = arith.index_cast %get3A_134 : i32 to index
      %get3A_137 = arith.index_cast %get3A_135 : i32 to index
      %get3A_138 = arith.constant 0 : index
      %get3A_139 = tpu.vector_load %arg4[%get3A_136, %get3A_137, %get3A_138] {strides = array<i32>} : memref<2x8x128xi32, #tpu.memory_space<vmem>>, vector<16xi32>,
      tpu.vector_store_idx %arg5[%get3A_139], %broadcast_in_dim3A_16 {add = true} : memref<10112xf32, #tpu.memory_space<vmem>>[vector<16xi32>], vector<16xf32>,
      %get3A_140 = arith.constant 1 : i32
      %get3A_141 = arith.constant 2 : i32
      %get3A_142 = arith.index_cast %get3A_140 : i32 to index
      %get3A_143 = arith.index_cast %get3A_141 : i32 to index
      %get3A_144 = arith.constant 16 : index
      %get3A_145 = tpu.vector_load %arg4[%get3A_142, %get3A_143, %get3A_144] {strides = array<i32>} : memref<2x8x128xi32, #tpu.memory_space<vmem>>, vector<16xi32>,
      tpu.vector_store_idx %arg5[%get3A_145], %broadcast_in_dim3A_16 {add = true} : memref<10112xf32, #tpu.memory_space<vmem>>[vector<16xi32>], vector<16xf32>,
      %get3A_146 = arith.constant 1 : i32
      %get3A_147 = arith.constant 2 : i32
      %get3A_148 = arith.index_cast %get3A_146 : i32 to index
      %get3A_149 = arith.index_cast %get3A_147 : i32 to index
      %get3A_150 = arith.constant 32 : index
      %get3A_151 = tpu.vector_load %arg4[%get3A_148, %get3A_149, %get3A_150] {strides = array<i32>} : memref<2x8x128xi32, #tpu.memory_space<vmem>>, vector<16xi32>,
      tpu.vector_store_idx %arg5[%get3A_151], %broadcast_in_dim3A_16 {add = true} : memref<10112xf32, #tpu.memory_space<vmem>>[vector<16xi32>], vector<16xf32>,
      %get3A_152 = arith.constant 1 : i32
      %get3A_153 = arith.constant 2 : i32
      %get3A_154 = arith.index_cast %get3A_152 : i32 to index
      %get3A_155 = arith.index_cast %get3A_153 : i32 to index
      %get3A_156 = arith.constant 48 : index
      %get3A_157 = tpu.vector_load %arg4[%get3A_154, %get3A_155, %get3A_156] {strides = array<i32>} : memref<2x8x128xi32, #tpu.memory_space<vmem>>, vector<16xi32>,
      tpu.vector_store_idx %arg5[%get3A_157], %broadcast_in_dim3A_16 {add = true} : memref<10112xf32, #tpu.memory_space<vmem>>[vector<16xi32>], vector<16xf32>,
      %get3A_158 = arith.constant 1 : i32
      %get3A_159 = arith.constant 2 : i32
      %get3A_160 = arith.index_cast %get3A_158 : i32 to index
      %get3A_161 = arith.index_cast %get3A_159 : i32 to index
      %get3A_162 = arith.constant 64 : index
      %get3A_163 = tpu.vector_load %arg4[%get3A_160, %get3A_161, %get3A_162] {strides = array<i32>} : memref<2x8x128xi32, #tpu.memory_space<vmem>>, vector<16xi32>,
      tpu.vector_store_idx %arg5[%get3A_163], %broadcast_in_dim3A_16 {add = true} : memref<10112xf32, #tpu.memory_space<vmem>>[vector<16xi32>], vector<16xf32>,
      %get3A_164 = arith.constant 1 : i32
      %get3A_165 = arith.constant 2 : i32
      %get3A_166 = arith.index_cast %get3A_164 : i32 to index
      %get3A_167 = arith.index_cast %get3A_165 : i32 to index
      %get3A_168 = arith.constant 80 : index
      %get3A_169 = tpu.vector_load %arg4[%get3A_166, %get3A_167, %get3A_168] {strides = array<i32>} : memref<2x8x128xi32, #tpu.memory_space<vmem>>, vector<16xi32>,
      tpu.vector_store_idx %arg5[%get3A_169], %broadcast_in_dim3A_16 {add = true} : memref<10112xf32, #tpu.memory_space<vmem>>[vector<16xi32>], vector<16xf32>,
      %get3A_170 = arith.constant 1 : i32
      %get3A_171 = arith.constant 2 : i32
      %get3A_172 = arith.index_cast %get3A_170 : i32 to index
      %get3A_173 = arith.index_cast %get3A_171 : i32 to index
      %get3A_174 = arith.constant 96 : index
      %get3A_175 = tpu.vector_load %arg4[%get3A_172, %get3A_173, %get3A_174] {strides = array<i32>} : memref<2x8x128xi32, #tpu.memory_space<vmem>>, vector<16xi32>,
      tpu.vector_store_idx %arg5[%get3A_175], %broadcast_in_dim3A_16 {add = true} : memref<10112xf32, #tpu.memory_space<vmem>>[vector<16xi32>], vector<16xf32>,
      %get3A_176 = arith.constant 1 : i32
      %get3A_177 = arith.constant 2 : i32
      %get3A_178 = arith.index_cast %get3A_176 : i32 to index
      %get3A_179 = arith.index_cast %get3A_177 : i32 to index
      %get3A_180 = arith.constant 112 : index
      %get3A_181 = tpu.vector_load %arg4[%get3A_178, %get3A_179, %get3A_180] {strides = array<i32>} : memref<2x8x128xi32, #tpu.memory_space<vmem>>, vector<16xi32>,
      tpu.vector_store_idx %arg5[%get3A_181], %broadcast_in_dim3A_16 {add = true} : memref<10112xf32, #tpu.memory_space<vmem>>[vector<16xi32>], vector<16xf32>,
      %get3A_182 = arith.constant 1 : i32
      %get3A_183 = arith.constant 3 : i32
      %get3A_184 = arith.index_cast %get3A_182 : i32 to index
      %get3A_185 = arith.index_cast %get3A_183 : i32 to index
      %get3A_186 = arith.constant 0 : index
      %get3A_187 = tpu.vector_load %arg4[%get3A_184, %get3A_185, %get3A_186] {strides = array<i32>} : memref<2x8x128xi32, #tpu.memory_space<vmem>>, vector<16xi32>,
      tpu.vector_store_idx %arg5[%get3A_187], %broadcast_in_dim3A_16 {add = true} : memref<10112xf32, #tpu.memory_space<vmem>>[vector<16xi32>], vector<16xf32>,
      %get3A_188 = arith.constant 1 : i32
      %get3A_189 = arith.constant 3 : i32
      %get3A_190 = arith.index_cast %get3A_188 : i32 to index
      %get3A_191 = arith.index_cast %get3A_189 : i32 to index
      %get3A_192 = arith.constant 16 : index
      %get3A_193 = tpu.vector_load %arg4[%get3A_190, %get3A_191, %get3A_192] {strides = array<i32>} : memref<2x8x128xi32, #tpu.memory_space<vmem>>, vector<16xi32>,
      tpu.vector_store_idx %arg5[%get3A_193], %broadcast_in_dim3A_16 {add = true} : memref<10112xf32, #tpu.memory_space<vmem>>[vector<16xi32>], vector<16xf32>,
      %get3A_194 = arith.constant 1 : i32
      %get3A_195 = arith.constant 3 : i32
      %get3A_196 = arith.index_cast %get3A_194 : i32 to index
      %get3A_197 = arith.index_cast %get3A_195 : i32 to index
      %get3A_198 = arith.constant 32 : index
      %get3A_199 = tpu.vector_load %arg4[%get3A_196, %get3A_197, %get3A_198] {strides = array<i32>} : memref<2x8x128xi32, #tpu.memory_space<vmem>>, vector<16xi32>,
      tpu.vector_store_idx %arg5[%get3A_199], %broadcast_in_dim3A_16 {add = true} : memref<10112xf32, #tpu.memory_space<vmem>>[vector<16xi32>], vector<16xf32>,
      %get3A_200 = arith.constant 1 : i32
      %get3A_201 = arith.constant 3 : i32
      %get3A_202 = arith.index_cast %get3A_200 : i32 to index
      %get3A_203 = arith.index_cast %get3A_201 : i32 to index
      %get3A_204 = arith.constant 48 : index
      %get3A_205 = tpu.vector_load %arg4[%get3A_202, %get3A_203, %get3A_204] {strides = array<i32>} : memref<2x8x128xi32, #tpu.memory_space<vmem>>, vector<16xi32>,
      tpu.vector_store_idx %arg5[%get3A_205], %broadcast_in_dim3A_16 {add = true} : memref<10112xf32, #tpu.memory_space<vmem>>[vector<16xi32>], vector<16xf32>,
      %get3A_206 = arith.constant 1 : i32
      %get3A_207 = arith.constant 3 : i32
      %get3A_208 = arith.index_cast %get3A_206 : i32 to index
      %get3A_209 = arith.index_cast %get3A_207 : i32 to index
      %get3A_210 = arith.constant 64 : index
      %get3A_211 = tpu.vector_load %arg4[%get3A_208, %get3A_209, %get3A_210] {strides = array<i32>} : memref<2x8x128xi32, #tpu.memory_space<vmem>>, vector<16xi32>,
      tpu.vector_store_idx %arg5[%get3A_211], %broadcast_in_dim3A_16 {add = true} : memref<10112xf32, #tpu.memory_space<vmem>>[vector<16xi32>], vector<16xf32>,
      %get3A_212 = arith.constant 1 : i32
      %get3A_213 = arith.constant 3 : i32
      %get3A_214 = arith.index_cast %get3A_212 : i32 to index
      %get3A_215 = arith.index_cast %get3A_213 : i32 to index
      %get3A_216 = arith.constant 80 : index
      %get3A_217 = tpu.vector_load %arg4[%get3A_214, %get3A_215, %get3A_216] {strides = array<i32>} : memref<2x8x128xi32, #tpu.memory_space<vmem>>, vector<16xi32>,
      tpu.vector_store_idx %arg5[%get3A_217], %broadcast_in_dim3A_16 {add = true} : memref<10112xf32, #tpu.memory_space<vmem>>[vector<16xi32>], vector<16xf32>,
      %get3A_218 = arith.constant 1 : i32
      %get3A_219 = arith.constant 3 : i32
      %get3A_220 = arith.index_cast %get3A_218 : i32 to index
      %get3A_221 = arith.index_cast %get3A_219 : i32 to index
      %get3A_222 = arith.constant 96 : index
      %get3A_223 = tpu.vector_load %arg4[%get3A_220, %get3A_221, %get3A_222] {strides = array<i32>} : memref<2x8x128xi32, #tpu.memory_space<vmem>>, vector<16xi32>,
      tpu.vector_store_idx %arg5[%get3A_223], %broadcast_in_dim3A_16 {add = true} : memref<10112xf32, #tpu.memory_space<vmem>>[vector<16xi32>], vector<16xf32>,
      %get3A_224 = arith.constant 1 : i32
      %get3A_225 = arith.constant 3 : i32
      %get3A_226 = arith.index_cast %get3A_224 : i32 to index
      %get3A_227 = arith.index_cast %get3A_225 : i32 to index
      %get3A_228 = arith.constant 112 : index
      %get3A_229 = tpu.vector_load %arg4[%get3A_226, %get3A_227, %get3A_228] {strides = array<i32>} : memref<2x8x128xi32, #tpu.memory_space<vmem>>, vector<16xi32>,
      tpu.vector_store_idx %arg5[%get3A_229], %broadcast_in_dim3A_16 {add = true} : memref<10112xf32, #tpu.memory_space<vmem>>[vector<16xi32>], vector<16xf32>,
      %get3A_230 = arith.constant 1 : i32
      %get3A_231 = arith.constant 4 : i32
      %get3A_232 = arith.index_cast %get3A_230 : i32 to index
      %get3A_233 = arith.index_cast %get3A_231 : i32 to index
      %get3A_234 = arith.constant 0 : index
      %get3A_235 = tpu.vector_load %arg4[%get3A_232, %get3A_233, %get3A_234] {strides = array<i32>} : memref<2x8x128xi32, #tpu.memory_space<vmem>>, vector<16xi32>,
      tpu.vector_store_idx %arg5[%get3A_235], %broadcast_in_dim3A_16 {add = true} : memref<10112xf32, #tpu.memory_space<vmem>>[vector<16xi32>], vector<16xf32>,
      %get3A_236 = arith.constant 1 : i32
      %get3A_237 = arith.constant 4 : i32
      %get3A_238 = arith.index_cast %get3A_236 : i32 to index
      %get3A_239 = arith.index_cast %get3A_237 : i32 to index
      %get3A_240 = arith.constant 16 : index
      %get3A_241 = tpu.vector_load %arg4[%get3A_238, %get3A_239, %get3A_240] {strides = array<i32>} : memref<2x8x128xi32, #tpu.memory_space<vmem>>, vector<16xi32>,
      tpu.vector_store_idx %arg5[%get3A_241], %broadcast_in_dim3A_16 {add = true} : memref<10112xf32, #tpu.memory_space<vmem>>[vector<16xi32>], vector<16xf32>,
      %get3A_242 = arith.constant 1 : i32
      %get3A_243 = arith.constant 4 : i32
      %get3A_244 = arith.index_cast %get3A_242 : i32 to index
      %get3A_245 = arith.index_cast %get3A_243 : i32 to index
      %get3A_246 = arith.constant 32 : index
      %get3A_247 = tpu.vector_load %arg4[%get3A_244, %get3A_245, %get3A_246] {strides = array<i32>} : memref<2x8x128xi32, #tpu.memory_space<vmem>>, vector<16xi32>,
      tpu.vector_store_idx %arg5[%get3A_247], %broadcast_in_dim3A_16 {add = true} : memref<10112xf32, #tpu.memory_space<vmem>>[vector<16xi32>], vector<16xf32>,
      %get3A_248 = arith.constant 1 : i32
      %get3A_249 = arith.constant 4 : i32
      %get3A_250 = arith.index_cast %get3A_248 : i32 to index
      %get3A_251 = arith.index_cast %get3A_249 : i32 to index
      %get3A_252 = arith.constant 48 : index
      %get3A_253 = tpu.vector_load %arg4[%get3A_250, %get3A_251, %get3A_252] {strides = array<i32>} : memref<2x8x128xi32, #tpu.memory_space<vmem>>, vector<16xi32>,
      tpu.vector_store_idx %arg5[%get3A_253], %broadcast_in_dim3A_16 {add = true} : memref<10112xf32, #tpu.memory_space<vmem>>[vector<16xi32>], vector<16xf32>,
      %get3A_254 = arith.constant 1 : i32
      %get3A_255 = arith.constant 4 : i32
      %get3A_256 = arith.index_cast %get3A_254 : i32 to index
      %get3A_257 = arith.index_cast %get3A_255 : i32 to index
      %get3A_258 = arith.constant 64 : index
      %get3A_259 = tpu.vector_load %arg4[%get3A_256, %get3A_257, %get3A_258] {strides = array<i32>} : memref<2x8x128xi32, #tpu.memory_space<vmem>>, vector<16xi32>,
      tpu.vector_store_idx %arg5[%get3A_259], %broadcast_in_dim3A_16 {add = true} : memref<10112xf32, #tpu.memory_space<vmem>>[vector<16xi32>], vector<16xf32>,
      %get3A_260 = arith.constant 1 : i32
      %get3A_261 = arith.constant 4 : i32
      %get3A_262 = arith.index_cast %get3A_260 : i32 to index
      %get3A_263 = arith.index_cast %get3A_261 : i32 to index
      %get3A_264 = arith.constant 80 : index
      %get3A_265 = tpu.vector_load %arg4[%get3A_262, %get3A_263, %get3A_264] {strides = array<i32>} : memref<2x8x128xi32, #tpu.memory_space<vmem>>, vector<16xi32>,
      tpu.vector_store_idx %arg5[%get3A_265], %broadcast_in_dim3A_16 {add = true} : memref<10112xf32, #tpu.memory_space<vmem>>[vector<16xi32>], vector<16xf32>,
      %get3A_266 = arith.constant 1 : i32
      %get3A_267 = arith.constant 4 : i32
      %get3A_268 = arith.index_cast %get3A_266 : i32 to index
      %get3A_269 = arith.index_cast %get3A_267 : i32 to index
      %get3A_270 = arith.constant 96 : index
      %get3A_271 = tpu.vector_load %arg4[%get3A_268, %get3A_269, %get3A_270] {strides = array<i32>} : memref<2x8x128xi32, #tpu.memory_space<vmem>>, vector<16xi32>,
      tpu.vector_store_idx %arg5[%get3A_271], %broadcast_in_dim3A_16 {add = true} : memref<10112xf32, #tpu.memory_space<vmem>>[vector<16xi32>], vector<16xf32>,
      %get3A_272 = arith.constant 1 : i32
      %get3A_273 = arith.constant 4 : i32
      %get3A_274 = arith.index_cast %get3A_272 : i32 to index
      %get3A_275 = arith.index_cast %get3A_273 : i32 to index
      %get3A_276 = arith.constant 112 : index
      %get3A_277 = tpu.vector_load %arg4[%get3A_274, %get3A_275, %get3A_276] {strides = array<i32>} : memref<2x8x128xi32, #tpu.memory_space<vmem>>, vector<16xi32>,
      tpu.vector_store_idx %arg5[%get3A_277], %broadcast_in_dim3A_16 {add = true} : memref<10112xf32, #tpu.memory_space<vmem>>[vector<16xi32>], vector<16xf32>,
      %get3A_278 = arith.constant 1 : i32
      %get3A_279 = arith.constant 5 : i32
      %get3A_280 = arith.index_cast %get3A_278 : i32 to index
      %get3A_281 = arith.index_cast %get3A_279 : i32 to index
      %get3A_282 = arith.constant 0 : index
      %get3A_283 = tpu.vector_load %arg4[%get3A_280, %get3A_281, %get3A_282] {strides = array<i32>} : memref<2x8x128xi32, #tpu.memory_space<vmem>>, vector<16xi32>,
      tpu.vector_store_idx %arg5[%get3A_283], %broadcast_in_dim3A_16 {add = true} : memref<10112xf32, #tpu.memory_space<vmem>>[vector<16xi32>], vector<16xf32>,
      %get3A_284 = arith.constant 1 : i32
      %get3A_285 = arith.constant 5 : i32
      %get3A_286 = arith.index_cast %get3A_284 : i32 to index
      %get3A_287 = arith.index_cast %get3A_285 : i32 to index
      %get3A_288 = arith.constant 16 : index
      %get3A_289 = tpu.vector_load %arg4[%get3A_286, %get3A_287, %get3A_288] {strides = array<i32>} : memref<2x8x128xi32, #tpu.memory_space<vmem>>, vector<16xi32>,
      tpu.vector_store_idx %arg5[%get3A_289], %broadcast_in_dim3A_16 {add = true} : memref<10112xf32, #tpu.memory_space<vmem>>[vector<16xi32>], vector<16xf32>,
      %get3A_290 = arith.constant 1 : i32
      %get3A_291 = arith.constant 5 : i32
      %get3A_292 = arith.index_cast %get3A_290 : i32 to index
      %get3A_293 = arith.index_cast %get3A_291 : i32 to index
      %get3A_294 = arith.constant 32 : index
      %get3A_295 = tpu.vector_load %arg4[%get3A_292, %get3A_293, %get3A_294] {strides = array<i32>} : memref<2x8x128xi32, #tpu.memory_space<vmem>>, vector<16xi32>,
      tpu.vector_store_idx %arg5[%get3A_295], %broadcast_in_dim3A_16 {add = true} : memref<10112xf32, #tpu.memory_space<vmem>>[vector<16xi32>], vector<16xf32>,
      %get3A_296 = arith.constant 1 : i32
      %get3A_297 = arith.constant 5 : i32
      %get3A_298 = arith.index_cast %get3A_296 : i32 to index
      %get3A_299 = arith.index_cast %get3A_297 : i32 to index
      %get3A_300 = arith.constant 48 : index
      %get3A_301 = tpu.vector_load %arg4[%get3A_298, %get3A_299, %get3A_300] {strides = array<i32>} : memref<2x8x128xi32, #tpu.memory_space<vmem>>, vector<16xi32>,
      tpu.vector_store_idx %arg5[%get3A_301], %broadcast_in_dim3A_16 {add = true} : memref<10112xf32, #tpu.memory_space<vmem>>[vector<16xi32>], vector<16xf32>,
      %get3A_302 = arith.constant 1 : i32
      %get3A_303 = arith.constant 5 : i32
      %get3A_304 = arith.index_cast %get3A_302 : i32 to index
      %get3A_305 = arith.index_cast %get3A_303 : i32 to index
      %get3A_306 = arith.constant 64 : index
      %get3A_307 = tpu.vector_load %arg4[%get3A_304, %get3A_305, %get3A_306] {strides = array<i32>} : memref<2x8x128xi32, #tpu.memory_space<vmem>>, vector<16xi32>,
      tpu.vector_store_idx %arg5[%get3A_307], %broadcast_in_dim3A_16 {add = true} : memref<10112xf32, #tpu.memory_space<vmem>>[vector<16xi32>], vector<16xf32>,
      %get3A_308 = arith.constant 1 : i32
      %get3A_309 = arith.constant 5 : i32
      %get3A_310 = arith.index_cast %get3A_308 : i32 to index
      %get3A_311 = arith.index_cast %get3A_309 : i32 to index
      %get3A_312 = arith.constant 80 : index
      %get3A_313 = tpu.vector_load %arg4[%get3A_310, %get3A_311, %get3A_312] {strides = array<i32>} : memref<2x8x128xi32, #tpu.memory_space<vmem>>, vector<16xi32>,
      tpu.vector_store_idx %arg5[%get3A_313], %broadcast_in_dim3A_16 {add = true} : memref<10112xf32, #tpu.memory_space<vmem>>[vector<16xi32>], vector<16xf32>,
      %get3A_314 = arith.constant 1 : i32
      %get3A_315 = arith.constant 5 : i32
      %get3A_316 = arith.index_cast %get3A_314 : i32 to index
      %get3A_317 = arith.index_cast %get3A_315 : i32 to index
      %get3A_318 = arith.constant 96 : index
      %get3A_319 = tpu.vector_load %arg4[%get3A_316, %get3A_317, %get3A_318] {strides = array<i32>} : memref<2x8x128xi32, #tpu.memory_space<vmem>>, vector<16xi32>,
      tpu.vector_store_idx %arg5[%get3A_319], %broadcast_in_dim3A_16 {add = true} : memref<10112xf32, #tpu.memory_space<vmem>>[vector<16xi32>], vector<16xf32>,
      %get3A_320 = arith.constant 1 : i32
      %get3A_321 = arith.constant 5 : i32
      %get3A_322 = arith.index_cast %get3A_320 : i32 to index
      %get3A_323 = arith.index_cast %get3A_321 : i32 to index
      %get3A_324 = arith.constant 112 : index
      %get3A_325 = tpu.vector_load %arg4[%get3A_322, %get3A_323, %get3A_324] {strides = array<i32>} : memref<2x8x128xi32, #tpu.memory_space<vmem>>, vector<16xi32>,
      tpu.vector_store_idx %arg5[%get3A_325], %broadcast_in_dim3A_16 {add = true} : memref<10112xf32, #tpu.memory_space<vmem>>[vector<16xi32>], vector<16xf32>,
      %get3A_326 = arith.constant 1 : i32
      %get3A_327 = arith.constant 6 : i32
      %get3A_328 = arith.index_cast %get3A_326 : i32 to index
      %get3A_329 = arith.index_cast %get3A_327 : i32 to index
      %get3A_330 = arith.constant 0 : index
      %get3A_331 = tpu.vector_load %arg4[%get3A_328, %get3A_329, %get3A_330] {strides = array<i32>} : memref<2x8x128xi32, #tpu.memory_space<vmem>>, vector<16xi32>,
      tpu.vector_store_idx %arg5[%get3A_331], %broadcast_in_dim3A_16 {add = true} : memref<10112xf32, #tpu.memory_space<vmem>>[vector<16xi32>], vector<16xf32>,
      %get3A_332 = arith.constant 1 : i32
      %get3A_333 = arith.constant 6 : i32
      %get3A_334 = arith.index_cast %get3A_332 : i32 to index
      %get3A_335 = arith.index_cast %get3A_333 : i32 to index
      %get3A_336 = arith.constant 16 : index
      %get3A_337 = tpu.vector_load %arg4[%get3A_334, %get3A_335, %get3A_336] {strides = array<i32>} : memref<2x8x128xi32, #tpu.memory_space<vmem>>, vector<16xi32>,
      tpu.vector_store_idx %arg5[%get3A_337], %broadcast_in_dim3A_16 {add = true} : memref<10112xf32, #tpu.memory_space<vmem>>[vector<16xi32>], vector<16xf32>,
      %get3A_338 = arith.constant 1 : i32
      %get3A_339 = arith.constant 6 : i32
      %get3A_340 = arith.index_cast %get3A_338 : i32 to index
      %get3A_341 = arith.index_cast %get3A_339 : i32 to index
      %get3A_342 = arith.constant 32 : index
      %get3A_343 = tpu.vector_load %arg4[%get3A_340, %get3A_341, %get3A_342] {strides = array<i32>} : memref<2x8x128xi32, #tpu.memory_space<vmem>>, vector<16xi32>,
      tpu.vector_store_idx %arg5[%get3A_343], %broadcast_in_dim3A_16 {add = true} : memref<10112xf32, #tpu.memory_space<vmem>>[vector<16xi32>], vector<16xf32>,
      %get3A_344 = arith.constant 1 : i32
      %get3A_345 = arith.constant 6 : i32
      %get3A_346 = arith.index_cast %get3A_344 : i32 to index
      %get3A_347 = arith.index_cast %get3A_345 : i32 to index
      %get3A_348 = arith.constant 48 : index
      %get3A_349 = tpu.vector_load %arg4[%get3A_346, %get3A_347, %get3A_348] {strides = array<i32>} : memref<2x8x128xi32, #tpu.memory_space<vmem>>, vector<16xi32>,
      tpu.vector_store_idx %arg5[%get3A_349], %broadcast_in_dim3A_16 {add = true} : memref<10112xf32, #tpu.memory_space<vmem>>[vector<16xi32>], vector<16xf32>,
      %get3A_350 = arith.constant 1 : i32
      %get3A_351 = arith.constant 6 : i32
      %get3A_352 = arith.index_cast %get3A_350 : i32 to index
      %get3A_353 = arith.index_cast %get3A_351 : i32 to index
      %get3A_354 = arith.constant 64 : index
      %get3A_355 = tpu.vector_load %arg4[%get3A_352, %get3A_353, %get3A_354] {strides = array<i32>} : memref<2x8x128xi32, #tpu.memory_space<vmem>>, vector<16xi32>,
      tpu.vector_store_idx %arg5[%get3A_355], %broadcast_in_dim3A_16 {add = true} : memref<10112xf32, #tpu.memory_space<vmem>>[vector<16xi32>], vector<16xf32>,
      %get3A_356 = arith.constant 1 : i32
      %get3A_357 = arith.constant 6 : i32
      %get3A_358 = arith.index_cast %get3A_356 : i32 to index
      %get3A_359 = arith.index_cast %get3A_357 : i32 to index
      %get3A_360 = arith.constant 80 : index
      %get3A_361 = tpu.vector_load %arg4[%get3A_358, %get3A_359, %get3A_360] {strides = array<i32>} : memref<2x8x128xi32, #tpu.memory_space<vmem>>, vector<16xi32>,
      tpu.vector_store_idx %arg5[%get3A_361], %broadcast_in_dim3A_16 {add = true} : memref<10112xf32, #tpu.memory_space<vmem>>[vector<16xi32>], vector<16xf32>,
      %get3A_362 = arith.constant 1 : i32
      %get3A_363 = arith.constant 6 : i32
      %get3A_364 = arith.index_cast %get3A_362 : i32 to index
      %get3A_365 = arith.index_cast %get3A_363 : i32 to index
      %get3A_366 = arith.constant 96 : index
      %get3A_367 = tpu.vector_load %arg4[%get3A_364, %get3A_365, %get3A_366] {strides = array<i32>} : memref<2x8x128xi32, #tpu.memory_space<vmem>>, vector<16xi32>,
      tpu.vector_store_idx %arg5[%get3A_367], %broadcast_in_dim3A_16 {add = true} : memref<10112xf32, #tpu.memory_space<vmem>>[vector<16xi32>], vector<16xf32>,
      %get3A_368 = arith.constant 1 : i32
      %get3A_369 = arith.constant 6 : i32
      %get3A_370 = arith.index_cast %get3A_368 : i32 to index
      %get3A_371 = arith.index_cast %get3A_369 : i32 to index
      %get3A_372 = arith.constant 112 : index
      %get3A_373 = tpu.vector_load %arg4[%get3A_370, %get3A_371, %get3A_372] {strides = array<i32>} : memref<2x8x128xi32, #tpu.memory_space<vmem>>, vector<16xi32>,
      tpu.vector_store_idx %arg5[%get3A_373], %broadcast_in_dim3A_16 {add = true} : memref<10112xf32, #tpu.memory_space<vmem>>[vector<16xi32>], vector<16xf32>,
      %get3A_374 = arith.constant 1 : i32
      %get3A_375 = arith.constant 7 : i32
      %get3A_376 = arith.index_cast %get3A_374 : i32 to index
      %get3A_377 = arith.index_cast %get3A_375 : i32 to index
      %get3A_378 = arith.constant 0 : index
      %get3A_379 = tpu.vector_load %arg4[%get3A_376, %get3A_377, %get3A_378] {strides = array<i32>} : memref<2x8x128xi32, #tpu.memory_space<vmem>>, vector<16xi32>,
      tpu.vector_store_idx %arg5[%get3A_379], %broadcast_in_dim3A_16 {add = true} : memref<10112xf32, #tpu.memory_space<vmem>>[vector<16xi32>], vector<16xf32>,
      %get3A_380 = arith.constant 1 : i32
      %get3A_381 = arith.constant 7 : i32
      %get3A_382 = arith.index_cast %get3A_380 : i32 to index
      %get3A_383 = arith.index_cast %get3A_381 : i32 to index
      %get3A_384 = arith.constant 16 : index
      %get3A_385 = tpu.vector_load %arg4[%get3A_382, %get3A_383, %get3A_384] {strides = array<i32>} : memref<2x8x128xi32, #tpu.memory_space<vmem>>, vector<16xi32>,
      tpu.vector_store_idx %arg5[%get3A_385], %broadcast_in_dim3A_16 {add = true} : memref<10112xf32, #tpu.memory_space<vmem>>[vector<16xi32>], vector<16xf32>,
      %get3A_386 = arith.constant 1 : i32
      %get3A_387 = arith.constant 7 : i32
      %get3A_388 = arith.index_cast %get3A_386 : i32 to index
      %get3A_389 = arith.index_cast %get3A_387 : i32 to index
      %get3A_390 = arith.constant 32 : index
      %get3A_391 = tpu.vector_load %arg4[%get3A_388, %get3A_389, %get3A_390] {strides = array<i32>} : memref<2x8x128xi32, #tpu.memory_space<vmem>>, vector<16xi32>,
      tpu.vector_store_idx %arg5[%get3A_391], %broadcast_in_dim3A_16 {add = true} : memref<10112xf32, #tpu.memory_space<vmem>>[vector<16xi32>], vector<16xf32>,
      %get3A_392 = arith.constant 1 : i32
      %get3A_393 = arith.constant 7 : i32
      %get3A_394 = arith.index_cast %get3A_392 : i32 to index
      %get3A_395 = arith.index_cast %get3A_393 : i32 to index
      %get3A_396 = arith.constant 48 : index
      %get3A_397 = tpu.vector_load %arg4[%get3A_394, %get3A_395, %get3A_396] {strides = array<i32>} : memref<2x8x128xi32, #tpu.memory_space<vmem>>, vector<16xi32>,
      tpu.vector_store_idx %arg5[%get3A_397], %broadcast_in_dim3A_16 {add = true} : memref<10112xf32, #tpu.memory_space<vmem>>[vector<16xi32>], vector<16xf32>,
      %get3A_398 = arith.constant 1 : i32
      %get3A_399 = arith.constant 7 : i32
      %get3A_400 = arith.index_cast %get3A_398 : i32 to index
      %get3A_401 = arith.index_cast %get3A_399 : i32 to index
      %get3A_402 = arith.constant 64 : index
      %get3A_403 = tpu.vector_load %arg4[%get3A_400, %get3A_401, %get3A_402] {strides = array<i32>} : memref<2x8x128xi32, #tpu.memory_space<vmem>>, vector<16xi32>,
      tpu.vector_store_idx %arg5[%get3A_403], %broadcast_in_dim3A_16 {add = true} : memref<10112xf32, #tpu.memory_space<vmem>>[vector<16xi32>], vector<16xf32>,
      %get3A_404 = arith.constant 1 : i32
      %get3A_405 = arith.constant 7 : i32
      %get3A_406 = arith.index_cast %get3A_404 : i32 to index
      %get3A_407 = arith.index_cast %get3A_405 : i32 to index
      %get3A_408 = arith.constant 80 : index
      %get3A_409 = tpu.vector_load %arg4[%get3A_406, %get3A_407, %get3A_408] {strides = array<i32>} : memref<2x8x128xi32, #tpu.memory_space<vmem>>, vector<16xi32>,
      tpu.vector_store_idx %arg5[%get3A_409], %broadcast_in_dim3A_16 {add = true} : memref<10112xf32, #tpu.memory_space<vmem>>[vector<16xi32>], vector<16xf32>,
      %get3A_410 = arith.constant 1 : i32
      %get3A_411 = arith.constant 7 : i32
      %get3A_412 = arith.index_cast %get3A_410 : i32 to index
      %get3A_413 = arith.index_cast %get3A_411 : i32 to index
      %get3A_414 = arith.constant 96 : index
      %get3A_415 = tpu.vector_load %arg4[%get3A_412, %get3A_413, %get3A_414] {strides = array<i32>} : memref<2x8x128xi32, #tpu.memory_space<vmem>>, vector<16xi32>,
      tpu.vector_store_idx %arg5[%get3A_415], %broadcast_in_dim3A_16 {add = true} : memref<10112xf32, #tpu.memory_space<vmem>>[vector<16xi32>], vector<16xf32>,
      %get3A_416 = arith.constant 1 : i32
      %get3A_417 = arith.constant 7 : i32
      %get3A_418 = arith.index_cast %get3A_416 : i32 to index
      %get3A_419 = arith.index_cast %get3A_417 : i32 to index
      %get3A_420 = arith.constant 112 : index
      %get3A_421 = tpu.vector_load %arg4[%get3A_418, %get3A_419, %get3A_420] {strides = array<i32>} : memref<2x8x128xi32, #tpu.memory_space<vmem>>, vector<16xi32>,
      tpu.vector_store_idx %arg5[%get3A_421], %broadcast_in_dim3A_16 {add = true} : memref<10112xf32, #tpu.memory_space<vmem>>[vector<16xi32>], vector<16xf32>,
    }
    %while3A_32 = arith.constant 1 : i32
    scf.for %while3A_33 = %while3A_30 to %while3A_26 step %while3A_32  : i32 {
      %mul3A_34 = arith.muli %while3A_33, %while3A : i32
      %add3A_35 = arith.addi %while3A_23, %mul3A_34 : i32
      %add3A_36 = arith.addi %select_n3A_11, %add3A_35 : i32
      %mul3A_37 = arith.constant 8 : i32
      %mul3A_38 = arith.muli %add3A_36, %mul3A_37 : i32
      "tpu.region"() ({
        %run_scoped3A = tpu.sem_alloc : memref<!tpu.dma_semaphore, #tpu.memory_space<semaphore_mem>>
        %dma_start3A = arith.constant 0 : i32
        %dma_start3A_422 = arith.constant 0 : i32
        %dma_start3A_423 = tpu.memref_slice %arg2[%dma_start3A, %mul3A_38, %dma_start3A_422] : memref<2x2560x128xi32, #tpu.memory_space<hbm>> -> memref<2x8x128xi32, #tpu.memory_space<hbm>>
        %dma_start3A_424 = arith.constant 0 : i32
        %dma_start3A_425 = arith.constant 0 : i32
        %dma_start3A_426 = tpu.memref_slice %arg2[%dma_start3A_424, %mul3A_38, %dma_start3A_425] : memref<2x2560x128xi32, #tpu.memory_space<hbm>> -> memref<2x8x128xi32, #tpu.memory_space<hbm>>
        tpu.enqueue_dma source(%dma_start3A_426 : memref<2x8x128xi32, #tpu.memory_space<hbm>>) target(%arg4 : memref<2x8x128xi32, #tpu.memory_space<vmem>>) target_semaphore(%run_scoped3A : memref<!tpu.dma_semaphore, #tpu.memory_space<semaphore_mem>>)
        %dma_wait3A = arith.constant 0 : i32
        %dma_wait3A_427 = arith.constant 0 : i32
        %dma_wait3A_428 = tpu.memref_slice %arg2[%dma_wait3A, %mul3A_38, %dma_wait3A_427] : memref<2x2560x128xi32, #tpu.memory_space<hbm>> -> memref<2x8x128xi32, #tpu.memory_space<hbm>>
        %dma_wait3A_429 = arith.constant 0 : i32
        %dma_wait3A_430 = arith.constant 0 : i32
        %dma_wait3A_431 = tpu.memref_slice %arg2[%dma_wait3A_429, %mul3A_38, %dma_wait3A_430] : memref<2x2560x128xi32, #tpu.memory_space<hbm>> -> memref<2x8x128xi32, #tpu.memory_space<hbm>>
        tpu.wait_dma2 semaphore(%run_scoped3A : memref<!tpu.dma_semaphore, #tpu.memory_space<semaphore_mem>>) src(%dma_wait3A_431 : memref<2x8x128xi32, #tpu.memory_space<hbm>>) dst(%arg4 : memref<2x8x128xi32, #tpu.memory_space<vmem>>)
        tpu.yield
      }) : () -> ()
      %get3A = arith.constant 1 : i32
      %get3A_39 = arith.constant 0 : i32
      %get3A_40 = arith.index_cast %get3A : i32 to index
      %get3A_41 = arith.index_cast %get3A_39 : i32 to index
      %get3A_42 = arith.constant 0 : index
      %get3A_43 = tpu.vector_load %arg4[%get3A_40, %get3A_41, %get3A_42] {strides = array<i32>} : memref<2x8x128xi32, #tpu.memory_space<vmem>>, vector<16xi32>,
      tpu.vector_store_idx %arg5[%get3A_43], %broadcast_in_dim3A_16 {add = true} : memref<10112xf32, #tpu.memory_space<vmem>>[vector<16xi32>], vector<16xf32>,
      %get3A_44 = arith.constant 1 : i32
      %get3A_45 = arith.constant 0 : i32
      %get3A_46 = arith.index_cast %get3A_44 : i32 to index
      %get3A_47 = arith.index_cast %get3A_45 : i32 to index
      %get3A_48 = arith.constant 16 : index
      %get3A_49 = tpu.vector_load %arg4[%get3A_46, %get3A_47, %get3A_48] {strides = array<i32>} : memref<2x8x128xi32, #tpu.memory_space<vmem>>, vector<16xi32>,
      tpu.vector_store_idx %arg5[%get3A_49], %broadcast_in_dim3A_16 {add = true} : memref<10112xf32, #tpu.memory_space<vmem>>[vector<16xi32>], vector<16xf32>,
      %get3A_50 = arith.constant 1 : i32
      %get3A_51 = arith.constant 0 : i32
      %get3A_52 = arith.index_cast %get3A_50 : i32 to index
      %get3A_53 = arith.index_cast %get3A_51 : i32 to index
      %get3A_54 = arith.constant 32 : index
      %get3A_55 = tpu.vector_load %arg4[%get3A_52, %get3A_53, %get3A_54] {strides = array<i32>} : memref<2x8x128xi32, #tpu.memory_space<vmem>>, vector<16xi32>,
      tpu.vector_store_idx %arg5[%get3A_55], %broadcast_in_dim3A_16 {add = true} : memref<10112xf32, #tpu.memory_space<vmem>>[vector<16xi32>], vector<16xf32>,
      %get3A_56 = arith.constant 1 : i32
      %get3A_57 = arith.constant 0 : i32
      %get3A_58 = arith.index_cast %get3A_56 : i32 to index
      %get3A_59 = arith.index_cast %get3A_57 : i32 to index
      %get3A_60 = arith.constant 48 : index
      %get3A_61 = tpu.vector_load %arg4[%get3A_58, %get3A_59, %get3A_60] {strides = array<i32>} : memref<2x8x128xi32, #tpu.memory_space<vmem>>, vector<16xi32>,
      tpu.vector_store_idx %arg5[%get3A_61], %broadcast_in_dim3A_16 {add = true} : memref<10112xf32, #tpu.memory_space<vmem>>[vector<16xi32>], vector<16xf32>,
      %get3A_62 = arith.constant 1 : i32
      %get3A_63 = arith.constant 0 : i32
      %get3A_64 = arith.index_cast %get3A_62 : i32 to index
      %get3A_65 = arith.index_cast %get3A_63 : i32 to index
      %get3A_66 = arith.constant 64 : index
      %get3A_67 = tpu.vector_load %arg4[%get3A_64, %get3A_65, %get3A_66] {strides = array<i32>} : memref<2x8x128xi32, #tpu.memory_space<vmem>>, vector<16xi32>,
      tpu.vector_store_idx %arg5[%get3A_67], %broadcast_in_dim3A_16 {add = true} : memref<10112xf32, #tpu.memory_space<vmem>>[vector<16xi32>], vector<16xf32>,
      %get3A_68 = arith.constant 1 : i32
      %get3A_69 = arith.constant 0 : i32
      %get3A_70 = arith.index_cast %get3A_68 : i32 to index
      %get3A_71 = arith.index_cast %get3A_69 : i32 to index
      %get3A_72 = arith.constant 80 : index
      %get3A_73 = tpu.vector_load %arg4[%get3A_70, %get3A_71, %get3A_72] {strides = array<i32>} : memref<2x8x128xi32, #tpu.memory_space<vmem>>, vector<16xi32>,
      tpu.vector_store_idx %arg5[%get3A_73], %broadcast_in_dim3A_16 {add = true} : memref<10112xf32, #tpu.memory_space<vmem>>[vector<16xi32>], vector<16xf32>,
      %get3A_74 = arith.constant 1 : i32
      %get3A_75 = arith.constant 0 : i32
      %get3A_76 = arith.index_cast %get3A_74 : i32 to index
      %get3A_77 = arith.index_cast %get3A_75 : i32 to index
      %get3A_78 = arith.constant 96 : index
      %get3A_79 = tpu.vector_load %arg4[%get3A_76, %get3A_77, %get3A_78] {strides = array<i32>} : memref<2x8x128xi32, #tpu.memory_space<vmem>>, vector<16xi32>,
      tpu.vector_store_idx %arg5[%get3A_79], %broadcast_in_dim3A_16 {add = true} : memref<10112xf32, #tpu.memory_space<vmem>>[vector<16xi32>], vector<16xf32>,
      %get3A_80 = arith.constant 1 : i32
      %get3A_81 = arith.constant 0 : i32
      %get3A_82 = arith.index_cast %get3A_80 : i32 to index
      %get3A_83 = arith.index_cast %get3A_81 : i32 to index
      %get3A_84 = arith.constant 112 : index
      %get3A_85 = tpu.vector_load %arg4[%get3A_82, %get3A_83, %get3A_84] {strides = array<i32>} : memref<2x8x128xi32, #tpu.memory_space<vmem>>, vector<16xi32>,
      tpu.vector_store_idx %arg5[%get3A_85], %broadcast_in_dim3A_16 {add = true} : memref<10112xf32, #tpu.memory_space<vmem>>[vector<16xi32>], vector<16xf32>,
      %get3A_86 = arith.constant 1 : i32
      %get3A_87 = arith.constant 1 : i32
      %get3A_88 = arith.index_cast %get3A_86 : i32 to index
      %get3A_89 = arith.index_cast %get3A_87 : i32 to index
      %get3A_90 = arith.constant 0 : index
      %get3A_91 = tpu.vector_load %arg4[%get3A_88, %get3A_89, %get3A_90] {strides = array<i32>} : memref<2x8x128xi32, #tpu.memory_space<vmem>>, vector<16xi32>,
      tpu.vector_store_idx %arg5[%get3A_91], %broadcast_in_dim3A_16 {add = true} : memref<10112xf32, #tpu.memory_space<vmem>>[vector<16xi32>], vector<16xf32>,
      %get3A_92 = arith.constant 1 : i32
      %get3A_93 = arith.constant 1 : i32
      %get3A_94 = arith.index_cast %get3A_92 : i32 to index
      %get3A_95 = arith.index_cast %get3A_93 : i32 to index
      %get3A_96 = arith.constant 16 : index
      %get3A_97 = tpu.vector_load %arg4[%get3A_94, %get3A_95, %get3A_96] {strides = array<i32>} : memref<2x8x128xi32, #tpu.memory_space<vmem>>, vector<16xi32>,
      tpu.vector_store_idx %arg5[%get3A_97], %broadcast_in_dim3A_16 {add = true} : memref<10112xf32, #tpu.memory_space<vmem>>[vector<16xi32>], vector<16xf32>,
      %get3A_98 = arith.constant 1 : i32
      %get3A_99 = arith.constant 1 : i32
      %get3A_100 = arith.index_cast %get3A_98 : i32 to index
      %get3A_101 = arith.index_cast %get3A_99 : i32 to index
      %get3A_102 = arith.constant 32 : index
      %get3A_103 = tpu.vector_load %arg4[%get3A_100, %get3A_101, %get3A_102] {strides = array<i32>} : memref<2x8x128xi32, #tpu.memory_space<vmem>>, vector<16xi32>,
      tpu.vector_store_idx %arg5[%get3A_103], %broadcast_in_dim3A_16 {add = true} : memref<10112xf32, #tpu.memory_space<vmem>>[vector<16xi32>], vector<16xf32>,
      %get3A_104 = arith.constant 1 : i32
      %get3A_105 = arith.constant 1 : i32
      %get3A_106 = arith.index_cast %get3A_104 : i32 to index
      %get3A_107 = arith.index_cast %get3A_105 : i32 to index
      %get3A_108 = arith.constant 48 : index
      %get3A_109 = tpu.vector_load %arg4[%get3A_106, %get3A_107, %get3A_108] {strides = array<i32>} : memref<2x8x128xi32, #tpu.memory_space<vmem>>, vector<16xi32>,
      tpu.vector_store_idx %arg5[%get3A_109], %broadcast_in_dim3A_16 {add = true} : memref<10112xf32, #tpu.memory_space<vmem>>[vector<16xi32>], vector<16xf32>,
      %get3A_110 = arith.constant 1 : i32
      %get3A_111 = arith.constant 1 : i32
      %get3A_112 = arith.index_cast %get3A_110 : i32 to index
      %get3A_113 = arith.index_cast %get3A_111 : i32 to index
      %get3A_114 = arith.constant 64 : index
      %get3A_115 = tpu.vector_load %arg4[%get3A_112, %get3A_113, %get3A_114] {strides = array<i32>} : memref<2x8x128xi32, #tpu.memory_space<vmem>>, vector<16xi32>,
      tpu.vector_store_idx %arg5[%get3A_115], %broadcast_in_dim3A_16 {add = true} : memref<10112xf32, #tpu.memory_space<vmem>>[vector<16xi32>], vector<16xf32>,
      %get3A_116 = arith.constant 1 : i32
      %get3A_117 = arith.constant 1 : i32
      %get3A_118 = arith.index_cast %get3A_116 : i32 to index
      %get3A_119 = arith.index_cast %get3A_117 : i32 to index
      %get3A_120 = arith.constant 80 : index
      %get3A_121 = tpu.vector_load %arg4[%get3A_118, %get3A_119, %get3A_120] {strides = array<i32>} : memref<2x8x128xi32, #tpu.memory_space<vmem>>, vector<16xi32>,
      tpu.vector_store_idx %arg5[%get3A_121], %broadcast_in_dim3A_16 {add = true} : memref<10112xf32, #tpu.memory_space<vmem>>[vector<16xi32>], vector<16xf32>,
      %get3A_122 = arith.constant 1 : i32
      %get3A_123 = arith.constant 1 : i32
      %get3A_124 = arith.index_cast %get3A_122 : i32 to index
      %get3A_125 = arith.index_cast %get3A_123 : i32 to index
      %get3A_126 = arith.constant 96 : index
      %get3A_127 = tpu.vector_load %arg4[%get3A_124, %get3A_125, %get3A_126] {strides = array<i32>} : memref<2x8x128xi32, #tpu.memory_space<vmem>>, vector<16xi32>,
      tpu.vector_store_idx %arg5[%get3A_127], %broadcast_in_dim3A_16 {add = true} : memref<10112xf32, #tpu.memory_space<vmem>>[vector<16xi32>], vector<16xf32>,
      %get3A_128 = arith.constant 1 : i32
      %get3A_129 = arith.constant 1 : i32
      %get3A_130 = arith.index_cast %get3A_128 : i32 to index
      %get3A_131 = arith.index_cast %get3A_129 : i32 to index
      %get3A_132 = arith.constant 112 : index
      %get3A_133 = tpu.vector_load %arg4[%get3A_130, %get3A_131, %get3A_132] {strides = array<i32>} : memref<2x8x128xi32, #tpu.memory_space<vmem>>, vector<16xi32>,
      tpu.vector_store_idx %arg5[%get3A_133], %broadcast_in_dim3A_16 {add = true} : memref<10112xf32, #tpu.memory_space<vmem>>[vector<16xi32>], vector<16xf32>,
      %get3A_134 = arith.constant 1 : i32
      %get3A_135 = arith.constant 2 : i32
      %get3A_136 = arith.index_cast %get3A_134 : i32 to index
      %get3A_137 = arith.index_cast %get3A_135 : i32 to index
      %get3A_138 = arith.constant 0 : index
      %get3A_139 = tpu.vector_load %arg4[%get3A_136, %get3A_137, %get3A_138] {strides = array<i32>} : memref<2x8x128xi32, #tpu.memory_space<vmem>>, vector<16xi32>,
      tpu.vector_store_idx %arg5[%get3A_139], %broadcast_in_dim3A_16 {add = true} : memref<10112xf32, #tpu.memory_space<vmem>>[vector<16xi32>], vector<16xf32>,
      %get3A_140 = arith.constant 1 : i32
      %get3A_141 = arith.constant 2 : i32
      %get3A_142 = arith.index_cast %get3A_140 : i32 to index
      %get3A_143 = arith.index_cast %get3A_141 : i32 to index
      %get3A_144 = arith.constant 16 : index
      %get3A_145 = tpu.vector_load %arg4[%get3A_142, %get3A_143, %get3A_144] {strides = array<i32>} : memref<2x8x128xi32, #tpu.memory_space<vmem>>, vector<16xi32>,
      tpu.vector_store_idx %arg5[%get3A_145], %broadcast_in_dim3A_16 {add = true} : memref<10112xf32, #tpu.memory_space<vmem>>[vector<16xi32>], vector<16xf32>,
      %get3A_146 = arith.constant 1 : i32
      %get3A_147 = arith.constant 2 : i32
      %get3A_148 = arith.index_cast %get3A_146 : i32 to index
      %get3A_149 = arith.index_cast %get3A_147 : i32 to index
      %get3A_150 = arith.constant 32 : index
      %get3A_151 = tpu.vector_load %arg4[%get3A_148, %get3A_149, %get3A_150] {strides = array<i32>} : memref<2x8x128xi32, #tpu.memory_space<vmem>>, vector<16xi32>,
      tpu.vector_store_idx %arg5[%get3A_151], %broadcast_in_dim3A_16 {add = true} : memref<10112xf32, #tpu.memory_space<vmem>>[vector<16xi32>], vector<16xf32>,
      %get3A_152 = arith.constant 1 : i32
      %get3A_153 = arith.constant 2 : i32
      %get3A_154 = arith.index_cast %get3A_152 : i32 to index
      %get3A_155 = arith.index_cast %get3A_153 : i32 to index
      %get3A_156 = arith.constant 48 : index
      %get3A_157 = tpu.vector_load %arg4[%get3A_154, %get3A_155, %get3A_156] {strides = array<i32>} : memref<2x8x128xi32, #tpu.memory_space<vmem>>, vector<16xi32>,
      tpu.vector_store_idx %arg5[%get3A_157], %broadcast_in_dim3A_16 {add = true} : memref<10112xf32, #tpu.memory_space<vmem>>[vector<16xi32>], vector<16xf32>,
      %get3A_158 = arith.constant 1 : i32
      %get3A_159 = arith.constant 2 : i32
      %get3A_160 = arith.index_cast %get3A_158 : i32 to index
      %get3A_161 = arith.index_cast %get3A_159 : i32 to index
      %get3A_162 = arith.constant 64 : index
      %get3A_163 = tpu.vector_load %arg4[%get3A_160, %get3A_161, %get3A_162] {strides = array<i32>} : memref<2x8x128xi32, #tpu.memory_space<vmem>>, vector<16xi32>,
      tpu.vector_store_idx %arg5[%get3A_163], %broadcast_in_dim3A_16 {add = true} : memref<10112xf32, #tpu.memory_space<vmem>>[vector<16xi32>], vector<16xf32>,
      %get3A_164 = arith.constant 1 : i32
      %get3A_165 = arith.constant 2 : i32
      %get3A_166 = arith.index_cast %get3A_164 : i32 to index
      %get3A_167 = arith.index_cast %get3A_165 : i32 to index
      %get3A_168 = arith.constant 80 : index
      %get3A_169 = tpu.vector_load %arg4[%get3A_166, %get3A_167, %get3A_168] {strides = array<i32>} : memref<2x8x128xi32, #tpu.memory_space<vmem>>, vector<16xi32>,
      tpu.vector_store_idx %arg5[%get3A_169], %broadcast_in_dim3A_16 {add = true} : memref<10112xf32, #tpu.memory_space<vmem>>[vector<16xi32>], vector<16xf32>,
      %get3A_170 = arith.constant 1 : i32
      %get3A_171 = arith.constant 2 : i32
      %get3A_172 = arith.index_cast %get3A_170 : i32 to index
      %get3A_173 = arith.index_cast %get3A_171 : i32 to index
      %get3A_174 = arith.constant 96 : index
      %get3A_175 = tpu.vector_load %arg4[%get3A_172, %get3A_173, %get3A_174] {strides = array<i32>} : memref<2x8x128xi32, #tpu.memory_space<vmem>>, vector<16xi32>,
      tpu.vector_store_idx %arg5[%get3A_175], %broadcast_in_dim3A_16 {add = true} : memref<10112xf32, #tpu.memory_space<vmem>>[vector<16xi32>], vector<16xf32>,
      %get3A_176 = arith.constant 1 : i32
      %get3A_177 = arith.constant 2 : i32
      %get3A_178 = arith.index_cast %get3A_176 : i32 to index
      %get3A_179 = arith.index_cast %get3A_177 : i32 to index
      %get3A_180 = arith.constant 112 : index
      %get3A_181 = tpu.vector_load %arg4[%get3A_178, %get3A_179, %get3A_180] {strides = array<i32>} : memref<2x8x128xi32, #tpu.memory_space<vmem>>, vector<16xi32>,
      tpu.vector_store_idx %arg5[%get3A_181], %broadcast_in_dim3A_16 {add = true} : memref<10112xf32, #tpu.memory_space<vmem>>[vector<16xi32>], vector<16xf32>,
      %get3A_182 = arith.constant 1 : i32
      %get3A_183 = arith.constant 3 : i32
      %get3A_184 = arith.index_cast %get3A_182 : i32 to index
      %get3A_185 = arith.index_cast %get3A_183 : i32 to index
      %get3A_186 = arith.constant 0 : index
      %get3A_187 = tpu.vector_load %arg4[%get3A_184, %get3A_185, %get3A_186] {strides = array<i32>} : memref<2x8x128xi32, #tpu.memory_space<vmem>>, vector<16xi32>,
      tpu.vector_store_idx %arg5[%get3A_187], %broadcast_in_dim3A_16 {add = true} : memref<10112xf32, #tpu.memory_space<vmem>>[vector<16xi32>], vector<16xf32>,
      %get3A_188 = arith.constant 1 : i32
      %get3A_189 = arith.constant 3 : i32
      %get3A_190 = arith.index_cast %get3A_188 : i32 to index
      %get3A_191 = arith.index_cast %get3A_189 : i32 to index
      %get3A_192 = arith.constant 16 : index
      %get3A_193 = tpu.vector_load %arg4[%get3A_190, %get3A_191, %get3A_192] {strides = array<i32>} : memref<2x8x128xi32, #tpu.memory_space<vmem>>, vector<16xi32>,
      tpu.vector_store_idx %arg5[%get3A_193], %broadcast_in_dim3A_16 {add = true} : memref<10112xf32, #tpu.memory_space<vmem>>[vector<16xi32>], vector<16xf32>,
      %get3A_194 = arith.constant 1 : i32
      %get3A_195 = arith.constant 3 : i32
      %get3A_196 = arith.index_cast %get3A_194 : i32 to index
      %get3A_197 = arith.index_cast %get3A_195 : i32 to index
      %get3A_198 = arith.constant 32 : index
      %get3A_199 = tpu.vector_load %arg4[%get3A_196, %get3A_197, %get3A_198] {strides = array<i32>} : memref<2x8x128xi32, #tpu.memory_space<vmem>>, vector<16xi32>,
      tpu.vector_store_idx %arg5[%get3A_199], %broadcast_in_dim3A_16 {add = true} : memref<10112xf32, #tpu.memory_space<vmem>>[vector<16xi32>], vector<16xf32>,
      %get3A_200 = arith.constant 1 : i32
      %get3A_201 = arith.constant 3 : i32
      %get3A_202 = arith.index_cast %get3A_200 : i32 to index
      %get3A_203 = arith.index_cast %get3A_201 : i32 to index
      %get3A_204 = arith.constant 48 : index
      %get3A_205 = tpu.vector_load %arg4[%get3A_202, %get3A_203, %get3A_204] {strides = array<i32>} : memref<2x8x128xi32, #tpu.memory_space<vmem>>, vector<16xi32>,
      tpu.vector_store_idx %arg5[%get3A_205], %broadcast_in_dim3A_16 {add = true} : memref<10112xf32, #tpu.memory_space<vmem>>[vector<16xi32>], vector<16xf32>,
      %get3A_206 = arith.constant 1 : i32
      %get3A_207 = arith.constant 3 : i32
      %get3A_208 = arith.index_cast %get3A_206 : i32 to index
      %get3A_209 = arith.index_cast %get3A_207 : i32 to index
      %get3A_210 = arith.constant 64 : index
      %get3A_211 = tpu.vector_load %arg4[%get3A_208, %get3A_209, %get3A_210] {strides = array<i32>} : memref<2x8x128xi32, #tpu.memory_space<vmem>>, vector<16xi32>,
      tpu.vector_store_idx %arg5[%get3A_211], %broadcast_in_dim3A_16 {add = true} : memref<10112xf32, #tpu.memory_space<vmem>>[vector<16xi32>], vector<16xf32>,
      %get3A_212 = arith.constant 1 : i32
      %get3A_213 = arith.constant 3 : i32
      %get3A_214 = arith.index_cast %get3A_212 : i32 to index
      %get3A_215 = arith.index_cast %get3A_213 : i32 to index
      %get3A_216 = arith.constant 80 : index
      %get3A_217 = tpu.vector_load %arg4[%get3A_214, %get3A_215, %get3A_216] {strides = array<i32>} : memref<2x8x128xi32, #tpu.memory_space<vmem>>, vector<16xi32>,
      tpu.vector_store_idx %arg5[%get3A_217], %broadcast_in_dim3A_16 {add = true} : memref<10112xf32, #tpu.memory_space<vmem>>[vector<16xi32>], vector<16xf32>,
      %get3A_218 = arith.constant 1 : i32
      %get3A_219 = arith.constant 3 : i32
      %get3A_220 = arith.index_cast %get3A_218 : i32 to index
      %get3A_221 = arith.index_cast %get3A_219 : i32 to index
      %get3A_222 = arith.constant 96 : index
      %get3A_223 = tpu.vector_load %arg4[%get3A_220, %get3A_221, %get3A_222] {strides = array<i32>} : memref<2x8x128xi32, #tpu.memory_space<vmem>>, vector<16xi32>,
      tpu.vector_store_idx %arg5[%get3A_223], %broadcast_in_dim3A_16 {add = true} : memref<10112xf32, #tpu.memory_space<vmem>>[vector<16xi32>], vector<16xf32>,
      %get3A_224 = arith.constant 1 : i32
      %get3A_225 = arith.constant 3 : i32
      %get3A_226 = arith.index_cast %get3A_224 : i32 to index
      %get3A_227 = arith.index_cast %get3A_225 : i32 to index
      %get3A_228 = arith.constant 112 : index
      %get3A_229 = tpu.vector_load %arg4[%get3A_226, %get3A_227, %get3A_228] {strides = array<i32>} : memref<2x8x128xi32, #tpu.memory_space<vmem>>, vector<16xi32>,
      tpu.vector_store_idx %arg5[%get3A_229], %broadcast_in_dim3A_16 {add = true} : memref<10112xf32, #tpu.memory_space<vmem>>[vector<16xi32>], vector<16xf32>,
      %get3A_230 = arith.constant 1 : i32
      %get3A_231 = arith.constant 4 : i32
      %get3A_232 = arith.index_cast %get3A_230 : i32 to index
      %get3A_233 = arith.index_cast %get3A_231 : i32 to index
      %get3A_234 = arith.constant 0 : index
      %get3A_235 = tpu.vector_load %arg4[%get3A_232, %get3A_233, %get3A_234] {strides = array<i32>} : memref<2x8x128xi32, #tpu.memory_space<vmem>>, vector<16xi32>,
      tpu.vector_store_idx %arg5[%get3A_235], %broadcast_in_dim3A_16 {add = true} : memref<10112xf32, #tpu.memory_space<vmem>>[vector<16xi32>], vector<16xf32>,
      %get3A_236 = arith.constant 1 : i32
      %get3A_237 = arith.constant 4 : i32
      %get3A_238 = arith.index_cast %get3A_236 : i32 to index
      %get3A_239 = arith.index_cast %get3A_237 : i32 to index
      %get3A_240 = arith.constant 16 : index
      %get3A_241 = tpu.vector_load %arg4[%get3A_238, %get3A_239, %get3A_240] {strides = array<i32>} : memref<2x8x128xi32, #tpu.memory_space<vmem>>, vector<16xi32>,
      tpu.vector_store_idx %arg5[%get3A_241], %broadcast_in_dim3A_16 {add = true} : memref<10112xf32, #tpu.memory_space<vmem>>[vector<16xi32>], vector<16xf32>,
      %get3A_242 = arith.constant 1 : i32
      %get3A_243 = arith.constant 4 : i32
      %get3A_244 = arith.index_cast %get3A_242 : i32 to index
      %get3A_245 = arith.index_cast %get3A_243 : i32 to index
      %get3A_246 = arith.constant 32 : index
      %get3A_247 = tpu.vector_load %arg4[%get3A_244, %get3A_245, %get3A_246] {strides = array<i32>} : memref<2x8x128xi32, #tpu.memory_space<vmem>>, vector<16xi32>,
      tpu.vector_store_idx %arg5[%get3A_247], %broadcast_in_dim3A_16 {add = true} : memref<10112xf32, #tpu.memory_space<vmem>>[vector<16xi32>], vector<16xf32>,
      %get3A_248 = arith.constant 1 : i32
      %get3A_249 = arith.constant 4 : i32
      %get3A_250 = arith.index_cast %get3A_248 : i32 to index
      %get3A_251 = arith.index_cast %get3A_249 : i32 to index
      %get3A_252 = arith.constant 48 : index
      %get3A_253 = tpu.vector_load %arg4[%get3A_250, %get3A_251, %get3A_252] {strides = array<i32>} : memref<2x8x128xi32, #tpu.memory_space<vmem>>, vector<16xi32>,
      tpu.vector_store_idx %arg5[%get3A_253], %broadcast_in_dim3A_16 {add = true} : memref<10112xf32, #tpu.memory_space<vmem>>[vector<16xi32>], vector<16xf32>,
      %get3A_254 = arith.constant 1 : i32
      %get3A_255 = arith.constant 4 : i32
      %get3A_256 = arith.index_cast %get3A_254 : i32 to index
      %get3A_257 = arith.index_cast %get3A_255 : i32 to index
      %get3A_258 = arith.constant 64 : index
      %get3A_259 = tpu.vector_load %arg4[%get3A_256, %get3A_257, %get3A_258] {strides = array<i32>} : memref<2x8x128xi32, #tpu.memory_space<vmem>>, vector<16xi32>,
      tpu.vector_store_idx %arg5[%get3A_259], %broadcast_in_dim3A_16 {add = true} : memref<10112xf32, #tpu.memory_space<vmem>>[vector<16xi32>], vector<16xf32>,
      %get3A_260 = arith.constant 1 : i32
      %get3A_261 = arith.constant 4 : i32
      %get3A_262 = arith.index_cast %get3A_260 : i32 to index
      %get3A_263 = arith.index_cast %get3A_261 : i32 to index
      %get3A_264 = arith.constant 80 : index
      %get3A_265 = tpu.vector_load %arg4[%get3A_262, %get3A_263, %get3A_264] {strides = array<i32>} : memref<2x8x128xi32, #tpu.memory_space<vmem>>, vector<16xi32>,
      tpu.vector_store_idx %arg5[%get3A_265], %broadcast_in_dim3A_16 {add = true} : memref<10112xf32, #tpu.memory_space<vmem>>[vector<16xi32>], vector<16xf32>,
      %get3A_266 = arith.constant 1 : i32
      %get3A_267 = arith.constant 4 : i32
      %get3A_268 = arith.index_cast %get3A_266 : i32 to index
      %get3A_269 = arith.index_cast %get3A_267 : i32 to index
      %get3A_270 = arith.constant 96 : index
      %get3A_271 = tpu.vector_load %arg4[%get3A_268, %get3A_269, %get3A_270] {strides = array<i32>} : memref<2x8x128xi32, #tpu.memory_space<vmem>>, vector<16xi32>,
      tpu.vector_store_idx %arg5[%get3A_271], %broadcast_in_dim3A_16 {add = true} : memref<10112xf32, #tpu.memory_space<vmem>>[vector<16xi32>], vector<16xf32>,
      %get3A_272 = arith.constant 1 : i32
      %get3A_273 = arith.constant 4 : i32
      %get3A_274 = arith.index_cast %get3A_272 : i32 to index
      %get3A_275 = arith.index_cast %get3A_273 : i32 to index
      %get3A_276 = arith.constant 112 : index
      %get3A_277 = tpu.vector_load %arg4[%get3A_274, %get3A_275, %get3A_276] {strides = array<i32>} : memref<2x8x128xi32, #tpu.memory_space<vmem>>, vector<16xi32>,
      tpu.vector_store_idx %arg5[%get3A_277], %broadcast_in_dim3A_16 {add = true} : memref<10112xf32, #tpu.memory_space<vmem>>[vector<16xi32>], vector<16xf32>,
      %get3A_278 = arith.constant 1 : i32
      %get3A_279 = arith.constant 5 : i32
      %get3A_280 = arith.index_cast %get3A_278 : i32 to index
      %get3A_281 = arith.index_cast %get3A_279 : i32 to index
      %get3A_282 = arith.constant 0 : index
      %get3A_283 = tpu.vector_load %arg4[%get3A_280, %get3A_281, %get3A_282] {strides = array<i32>} : memref<2x8x128xi32, #tpu.memory_space<vmem>>, vector<16xi32>,
      tpu.vector_store_idx %arg5[%get3A_283], %broadcast_in_dim3A_16 {add = true} : memref<10112xf32, #tpu.memory_space<vmem>>[vector<16xi32>], vector<16xf32>,
      %get3A_284 = arith.constant 1 : i32
      %get3A_285 = arith.constant 5 : i32
      %get3A_286 = arith.index_cast %get3A_284 : i32 to index
      %get3A_287 = arith.index_cast %get3A_285 : i32 to index
      %get3A_288 = arith.constant 16 : index
      %get3A_289 = tpu.vector_load %arg4[%get3A_286, %get3A_287, %get3A_288] {strides = array<i32>} : memref<2x8x128xi32, #tpu.memory_space<vmem>>, vector<16xi32>,
      tpu.vector_store_idx %arg5[%get3A_289], %broadcast_in_dim3A_16 {add = true} : memref<10112xf32, #tpu.memory_space<vmem>>[vector<16xi32>], vector<16xf32>,
      %get3A_290 = arith.constant 1 : i32
      %get3A_291 = arith.constant 5 : i32
      %get3A_292 = arith.index_cast %get3A_290 : i32 to index
      %get3A_293 = arith.index_cast %get3A_291 : i32 to index
      %get3A_294 = arith.constant 32 : index
      %get3A_295 = tpu.vector_load %arg4[%get3A_292, %get3A_293, %get3A_294] {strides = array<i32>} : memref<2x8x128xi32, #tpu.memory_space<vmem>>, vector<16xi32>,
      tpu.vector_store_idx %arg5[%get3A_295], %broadcast_in_dim3A_16 {add = true} : memref<10112xf32, #tpu.memory_space<vmem>>[vector<16xi32>], vector<16xf32>,
      %get3A_296 = arith.constant 1 : i32
      %get3A_297 = arith.constant 5 : i32
      %get3A_298 = arith.index_cast %get3A_296 : i32 to index
      %get3A_299 = arith.index_cast %get3A_297 : i32 to index
      %get3A_300 = arith.constant 48 : index
      %get3A_301 = tpu.vector_load %arg4[%get3A_298, %get3A_299, %get3A_300] {strides = array<i32>} : memref<2x8x128xi32, #tpu.memory_space<vmem>>, vector<16xi32>,
      tpu.vector_store_idx %arg5[%get3A_301], %broadcast_in_dim3A_16 {add = true} : memref<10112xf32, #tpu.memory_space<vmem>>[vector<16xi32>], vector<16xf32>,
      %get3A_302 = arith.constant 1 : i32
      %get3A_303 = arith.constant 5 : i32
      %get3A_304 = arith.index_cast %get3A_302 : i32 to index
      %get3A_305 = arith.index_cast %get3A_303 : i32 to index
      %get3A_306 = arith.constant 64 : index
      %get3A_307 = tpu.vector_load %arg4[%get3A_304, %get3A_305, %get3A_306] {strides = array<i32>} : memref<2x8x128xi32, #tpu.memory_space<vmem>>, vector<16xi32>,
      tpu.vector_store_idx %arg5[%get3A_307], %broadcast_in_dim3A_16 {add = true} : memref<10112xf32, #tpu.memory_space<vmem>>[vector<16xi32>], vector<16xf32>,
      %get3A_308 = arith.constant 1 : i32
      %get3A_309 = arith.constant 5 : i32
      %get3A_310 = arith.index_cast %get3A_308 : i32 to index
      %get3A_311 = arith.index_cast %get3A_309 : i32 to index
      %get3A_312 = arith.constant 80 : index
      %get3A_313 = tpu.vector_load %arg4[%get3A_310, %get3A_311, %get3A_312] {strides = array<i32>} : memref<2x8x128xi32, #tpu.memory_space<vmem>>, vector<16xi32>,
      tpu.vector_store_idx %arg5[%get3A_313], %broadcast_in_dim3A_16 {add = true} : memref<10112xf32, #tpu.memory_space<vmem>>[vector<16xi32>], vector<16xf32>,
      %get3A_314 = arith.constant 1 : i32
      %get3A_315 = arith.constant 5 : i32
      %get3A_316 = arith.index_cast %get3A_314 : i32 to index
      %get3A_317 = arith.index_cast %get3A_315 : i32 to index
      %get3A_318 = arith.constant 96 : index
      %get3A_319 = tpu.vector_load %arg4[%get3A_316, %get3A_317, %get3A_318] {strides = array<i32>} : memref<2x8x128xi32, #tpu.memory_space<vmem>>, vector<16xi32>,
      tpu.vector_store_idx %arg5[%get3A_319], %broadcast_in_dim3A_16 {add = true} : memref<10112xf32, #tpu.memory_space<vmem>>[vector<16xi32>], vector<16xf32>,
      %get3A_320 = arith.constant 1 : i32
      %get3A_321 = arith.constant 5 : i32
      %get3A_322 = arith.index_cast %get3A_320 : i32 to index
      %get3A_323 = arith.index_cast %get3A_321 : i32 to index
      %get3A_324 = arith.constant 112 : index
      %get3A_325 = tpu.vector_load %arg4[%get3A_322, %get3A_323, %get3A_324] {strides = array<i32>} : memref<2x8x128xi32, #tpu.memory_space<vmem>>, vector<16xi32>,
      tpu.vector_store_idx %arg5[%get3A_325], %broadcast_in_dim3A_16 {add = true} : memref<10112xf32, #tpu.memory_space<vmem>>[vector<16xi32>], vector<16xf32>,
      %get3A_326 = arith.constant 1 : i32
      %get3A_327 = arith.constant 6 : i32
      %get3A_328 = arith.index_cast %get3A_326 : i32 to index
      %get3A_329 = arith.index_cast %get3A_327 : i32 to index
      %get3A_330 = arith.constant 0 : index
      %get3A_331 = tpu.vector_load %arg4[%get3A_328, %get3A_329, %get3A_330] {strides = array<i32>} : memref<2x8x128xi32, #tpu.memory_space<vmem>>, vector<16xi32>,
      tpu.vector_store_idx %arg5[%get3A_331], %broadcast_in_dim3A_16 {add = true} : memref<10112xf32, #tpu.memory_space<vmem>>[vector<16xi32>], vector<16xf32>,
      %get3A_332 = arith.constant 1 : i32
      %get3A_333 = arith.constant 6 : i32
      %get3A_334 = arith.index_cast %get3A_332 : i32 to index
      %get3A_335 = arith.index_cast %get3A_333 : i32 to index
      %get3A_336 = arith.constant 16 : index
      %get3A_337 = tpu.vector_load %arg4[%get3A_334, %get3A_335, %get3A_336] {strides = array<i32>} : memref<2x8x128xi32, #tpu.memory_space<vmem>>, vector<16xi32>,
      tpu.vector_store_idx %arg5[%get3A_337], %broadcast_in_dim3A_16 {add = true} : memref<10112xf32, #tpu.memory_space<vmem>>[vector<16xi32>], vector<16xf32>,
      %get3A_338 = arith.constant 1 : i32
      %get3A_339 = arith.constant 6 : i32
      %get3A_340 = arith.index_cast %get3A_338 : i32 to index
      %get3A_341 = arith.index_cast %get3A_339 : i32 to index
      %get3A_342 = arith.constant 32 : index
      %get3A_343 = tpu.vector_load %arg4[%get3A_340, %get3A_341, %get3A_342] {strides = array<i32>} : memref<2x8x128xi32, #tpu.memory_space<vmem>>, vector<16xi32>,
      tpu.vector_store_idx %arg5[%get3A_343], %broadcast_in_dim3A_16 {add = true} : memref<10112xf32, #tpu.memory_space<vmem>>[vector<16xi32>], vector<16xf32>,
      %get3A_344 = arith.constant 1 : i32
      %get3A_345 = arith.constant 6 : i32
      %get3A_346 = arith.index_cast %get3A_344 : i32 to index
      %get3A_347 = arith.index_cast %get3A_345 : i32 to index
      %get3A_348 = arith.constant 48 : index
      %get3A_349 = tpu.vector_load %arg4[%get3A_346, %get3A_347, %get3A_348] {strides = array<i32>} : memref<2x8x128xi32, #tpu.memory_space<vmem>>, vector<16xi32>,
      tpu.vector_store_idx %arg5[%get3A_349], %broadcast_in_dim3A_16 {add = true} : memref<10112xf32, #tpu.memory_space<vmem>>[vector<16xi32>], vector<16xf32>,
      %get3A_350 = arith.constant 1 : i32
      %get3A_351 = arith.constant 6 : i32
      %get3A_352 = arith.index_cast %get3A_350 : i32 to index
      %get3A_353 = arith.index_cast %get3A_351 : i32 to index
      %get3A_354 = arith.constant 64 : index
      %get3A_355 = tpu.vector_load %arg4[%get3A_352, %get3A_353, %get3A_354] {strides = array<i32>} : memref<2x8x128xi32, #tpu.memory_space<vmem>>, vector<16xi32>,
      tpu.vector_store_idx %arg5[%get3A_355], %broadcast_in_dim3A_16 {add = true} : memref<10112xf32, #tpu.memory_space<vmem>>[vector<16xi32>], vector<16xf32>,
      %get3A_356 = arith.constant 1 : i32
      %get3A_357 = arith.constant 6 : i32
      %get3A_358 = arith.index_cast %get3A_356 : i32 to index
      %get3A_359 = arith.index_cast %get3A_357 : i32 to index
      %get3A_360 = arith.constant 80 : index
      %get3A_361 = tpu.vector_load %arg4[%get3A_358, %get3A_359, %get3A_360] {strides = array<i32>} : memref<2x8x128xi32, #tpu.memory_space<vmem>>, vector<16xi32>,
      tpu.vector_store_idx %arg5[%get3A_361], %broadcast_in_dim3A_16 {add = true} : memref<10112xf32, #tpu.memory_space<vmem>>[vector<16xi32>], vector<16xf32>,
      %get3A_362 = arith.constant 1 : i32
      %get3A_363 = arith.constant 6 : i32
      %get3A_364 = arith.index_cast %get3A_362 : i32 to index
      %get3A_365 = arith.index_cast %get3A_363 : i32 to index
      %get3A_366 = arith.constant 96 : index
      %get3A_367 = tpu.vector_load %arg4[%get3A_364, %get3A_365, %get3A_366] {strides = array<i32>} : memref<2x8x128xi32, #tpu.memory_space<vmem>>, vector<16xi32>,
      tpu.vector_store_idx %arg5[%get3A_367], %broadcast_in_dim3A_16 {add = true} : memref<10112xf32, #tpu.memory_space<vmem>>[vector<16xi32>], vector<16xf32>,
      %get3A_368 = arith.constant 1 : i32
      %get3A_369 = arith.constant 6 : i32
      %get3A_370 = arith.index_cast %get3A_368 : i32 to index
      %get3A_371 = arith.index_cast %get3A_369 : i32 to index
      %get3A_372 = arith.constant 112 : index
      %get3A_373 = tpu.vector_load %arg4[%get3A_370, %get3A_371, %get3A_372] {strides = array<i32>} : memref<2x8x128xi32, #tpu.memory_space<vmem>>, vector<16xi32>,
      tpu.vector_store_idx %arg5[%get3A_373], %broadcast_in_dim3A_16 {add = true} : memref<10112xf32, #tpu.memory_space<vmem>>[vector<16xi32>], vector<16xf32>,
      %get3A_374 = arith.constant 1 : i32
      %get3A_375 = arith.constant 7 : i32
      %get3A_376 = arith.index_cast %get3A_374 : i32 to index
      %get3A_377 = arith.index_cast %get3A_375 : i32 to index
      %get3A_378 = arith.constant 0 : index
      %get3A_379 = tpu.vector_load %arg4[%get3A_376, %get3A_377, %get3A_378] {strides = array<i32>} : memref<2x8x128xi32, #tpu.memory_space<vmem>>, vector<16xi32>,
      tpu.vector_store_idx %arg5[%get3A_379], %broadcast_in_dim3A_16 {add = true} : memref<10112xf32, #tpu.memory_space<vmem>>[vector<16xi32>], vector<16xf32>,
      %get3A_380 = arith.constant 1 : i32
      %get3A_381 = arith.constant 7 : i32
      %get3A_382 = arith.index_cast %get3A_380 : i32 to index
      %get3A_383 = arith.index_cast %get3A_381 : i32 to index
      %get3A_384 = arith.constant 16 : index
      %get3A_385 = tpu.vector_load %arg4[%get3A_382, %get3A_383, %get3A_384] {strides = array<i32>} : memref<2x8x128xi32, #tpu.memory_space<vmem>>, vector<16xi32>,
      tpu.vector_store_idx %arg5[%get3A_385], %broadcast_in_dim3A_16 {add = true} : memref<10112xf32, #tpu.memory_space<vmem>>[vector<16xi32>], vector<16xf32>,
      %get3A_386 = arith.constant 1 : i32
      %get3A_387 = arith.constant 7 : i32
      %get3A_388 = arith.index_cast %get3A_386 : i32 to index
      %get3A_389 = arith.index_cast %get3A_387 : i32 to index
      %get3A_390 = arith.constant 32 : index
      %get3A_391 = tpu.vector_load %arg4[%get3A_388, %get3A_389, %get3A_390] {strides = array<i32>} : memref<2x8x128xi32, #tpu.memory_space<vmem>>, vector<16xi32>,
      tpu.vector_store_idx %arg5[%get3A_391], %broadcast_in_dim3A_16 {add = true} : memref<10112xf32, #tpu.memory_space<vmem>>[vector<16xi32>], vector<16xf32>,
      %get3A_392 = arith.constant 1 : i32
      %get3A_393 = arith.constant 7 : i32
      %get3A_394 = arith.index_cast %get3A_392 : i32 to index
      %get3A_395 = arith.index_cast %get3A_393 : i32 to index
      %get3A_396 = arith.constant 48 : index
      %get3A_397 = tpu.vector_load %arg4[%get3A_394, %get3A_395, %get3A_396] {strides = array<i32>} : memref<2x8x128xi32, #tpu.memory_space<vmem>>, vector<16xi32>,
      tpu.vector_store_idx %arg5[%get3A_397], %broadcast_in_dim3A_16 {add = true} : memref<10112xf32, #tpu.memory_space<vmem>>[vector<16xi32>], vector<16xf32>,
      %get3A_398 = arith.constant 1 : i32
      %get3A_399 = arith.constant 7 : i32
      %get3A_400 = arith.index_cast %get3A_398 : i32 to index
      %get3A_401 = arith.index_cast %get3A_399 : i32 to index
      %get3A_402 = arith.constant 64 : index
      %get3A_403 = tpu.vector_load %arg4[%get3A_400, %get3A_401, %get3A_402] {strides = array<i32>} : memref<2x8x128xi32, #tpu.memory_space<vmem>>, vector<16xi32>,
      tpu.vector_store_idx %arg5[%get3A_403], %broadcast_in_dim3A_16 {add = true} : memref<10112xf32, #tpu.memory_space<vmem>>[vector<16xi32>], vector<16xf32>,
      %get3A_404 = arith.constant 1 : i32
      %get3A_405 = arith.constant 7 : i32
      %get3A_406 = arith.index_cast %get3A_404 : i32 to index
      %get3A_407 = arith.index_cast %get3A_405 : i32 to index
      %get3A_408 = arith.constant 80 : index
      %get3A_409 = tpu.vector_load %arg4[%get3A_406, %get3A_407, %get3A_408] {strides = array<i32>} : memref<2x8x128xi32, #tpu.memory_space<vmem>>, vector<16xi32>,
      tpu.vector_store_idx %arg5[%get3A_409], %broadcast_in_dim3A_16 {add = true} : memref<10112xf32, #tpu.memory_space<vmem>>[vector<16xi32>], vector<16xf32>,
      %get3A_410 = arith.constant 1 : i32
      %get3A_411 = arith.constant 7 : i32
      %get3A_412 = arith.index_cast %get3A_410 : i32 to index
      %get3A_413 = arith.index_cast %get3A_411 : i32 to index
      %get3A_414 = arith.constant 96 : index
      %get3A_415 = tpu.vector_load %arg4[%get3A_412, %get3A_413, %get3A_414] {strides = array<i32>} : memref<2x8x128xi32, #tpu.memory_space<vmem>>, vector<16xi32>,
      tpu.vector_store_idx %arg5[%get3A_415], %broadcast_in_dim3A_16 {add = true} : memref<10112xf32, #tpu.memory_space<vmem>>[vector<16xi32>], vector<16xf32>,
      %get3A_416 = arith.constant 1 : i32
      %get3A_417 = arith.constant 7 : i32
      %get3A_418 = arith.index_cast %get3A_416 : i32 to index
      %get3A_419 = arith.index_cast %get3A_417 : i32 to index
      %get3A_420 = arith.constant 112 : index
      %get3A_421 = tpu.vector_load %arg4[%get3A_418, %get3A_419, %get3A_420] {strides = array<i32>} : memref<2x8x128xi32, #tpu.memory_space<vmem>>, vector<16xi32>,
      tpu.vector_store_idx %arg5[%get3A_421], %broadcast_in_dim3A_16 {add = true} : memref<10112xf32, #tpu.memory_space<vmem>>[vector<16xi32>], vector<16xf32>,
    }
    "tpu.region"() ({
      %run_scoped3A = tpu.sem_alloc : memref<!tpu.dma_semaphore, #tpu.memory_space<semaphore_mem>>
      %dma_start3A = arith.constant 0 : i32
      %dma_start3A_33 = tpu.memref_slice %arg3[%add3A, %dma_start3A] : memref<32x10112xf32, #tpu.memory_space<hbm>> -> memref<1x10112xf32, #tpu.memory_space<hbm>>
      %dma_start3A_34 = tpu.memref_squeeze %dma_start3A_33 : memref<1x10112xf32, #tpu.memory_space<hbm>> -> memref<10112xf32, #tpu.memory_space<hbm>>
      %dma_start3A_35 = arith.constant 0 : i32
      %dma_start3A_36 = tpu.memref_slice %arg3[%add3A, %dma_start3A_35] : memref<32x10112xf32, #tpu.memory_space<hbm>> -> memref<1x10112xf32, #tpu.memory_space<hbm>>
      %dma_start3A_37 = tpu.memref_squeeze %dma_start3A_36 : memref<1x10112xf32, #tpu.memory_space<hbm>> -> memref<10112xf32, #tpu.memory_space<hbm>>
      tpu.enqueue_dma source(%arg5 : memref<10112xf32, #tpu.memory_space<vmem>>) target(%dma_start3A_37 : memref<10112xf32, #tpu.memory_space<hbm>>) target_semaphore(%run_scoped3A : memref<!tpu.dma_semaphore, #tpu.memory_space<semaphore_mem>>)
      %dma_wait3A = arith.constant 0 : i32
      %dma_wait3A_38 = tpu.memref_slice %arg3[%add3A, %dma_wait3A] : memref<32x10112xf32, #tpu.memory_space<hbm>> -> memref<1x10112xf32, #tpu.memory_space<hbm>>
      %dma_wait3A_39 = tpu.memref_squeeze %dma_wait3A_38 : memref<1x10112xf32, #tpu.memory_space<hbm>> -> memref<10112xf32, #tpu.memory_space<hbm>>
      %dma_wait3A_40 = arith.constant 0 : i32
      %dma_wait3A_41 = tpu.memref_slice %arg3[%add3A, %dma_wait3A_40] : memref<32x10112xf32, #tpu.memory_space<hbm>> -> memref<1x10112xf32, #tpu.memory_space<hbm>>
      %dma_wait3A_42 = tpu.memref_squeeze %dma_wait3A_41 : memref<1x10112xf32, #tpu.memory_space<hbm>> -> memref<10112xf32, #tpu.memory_space<hbm>>
      tpu.wait_dma2 semaphore(%run_scoped3A : memref<!tpu.dma_semaphore, #tpu.memory_space<semaphore_mem>>) src(%arg5 : memref<10112xf32, #tpu.memory_space<vmem>>) dst(%dma_wait3A_42 : memref<10112xf32, #tpu.memory_space<hbm>>)
      tpu.yield
    }) : () -> ()
    return
  }
}

#map = affine_map<(d0, d1) -> (0, 0)>
#map1 = affine_map<(d0, d1) -> (0, 0, 0)>
module attributes {stable_mosaic.version = 14 : i64} {
  func.func @k(%arg0: i32, %arg1: i32, %arg2: memref<10000x128xf32, #tpu.memory_space<hbm>>, %arg3: memref<2x2560x128xi32, #tpu.memory_space<hbm>>, %arg4: memref<2x10000x128xf32, #tpu.memory_space<hbm>>, %arg5: memref<2x8x128xi32, #tpu.memory_space<vmem>>, %arg6: memref<128x128xf32, #tpu.memory_space<vmem>>, %arg7: memref<128x128xf32, #tpu.memory_space<vmem>>, %arg8: memref<10112x128xf32, #tpu.memory_space<vmem_shared>>, %arg9: memref<!tpu.dma_semaphore, #tpu.memory_space<semaphore_mem>>, %arg10: memref<!tpu.dma_semaphore, #tpu.memory_space<semaphore_mem>>) attributes {dimension_semantics = [#tpu.dimension_semantics<core_parallel>, #tpu.dimension_semantics<subcore_parallel>], iteration_bounds = array<i64: 2, 16>, scalar_prefetch = 0 : i64, scratch_operands = 6 : i64, tpu.core_type = #tpu.core_type<sc_vector_subcore>, window_params = [{transform_indices = #map}, {transform_indices = #map1}, {transform_indices = #map1}]} {
    %eq3A = arith.constant 0 : i32
    %eq3A_0 = arith.cmpi eq, %arg0, %eq3A : i32
    %jit3A = arith.constant 10 : i32
    %jit3A_1 = arith.constant 10 : i32
    %select_n3A = arith.select %eq3A_0, %jit3A, %jit3A_1 : i32
    %eq3A_2 = arith.constant 0 : i32
    %eq3A_3 = arith.cmpi eq, %arg0, %eq3A_2 : i32
    %mul3A = arith.constant 10 : i32
    %mul3A_4 = arith.muli %arg1, %mul3A : i32
    %mul3A_5 = arith.constant 10 : i32
    %mul3A_6 = arith.muli %arg1, %mul3A_5 : i32
    %add3A = arith.constant 160 : i32
    %add3A_7 = arith.addi %add3A, %mul3A_6 : i32
    %select_n3A_8 = arith.select %eq3A_3, %mul3A_4, %add3A_7 : i32
    %scan3A = arith.constant 0 : i32
    %scan3A_9 = arith.constant 128 : i32
    %scan3A_10 = arith.addi %scan3A, %scan3A_9 : i32
    %scan3A_11 = arith.constant 1 : i32
    scf.for %scan3A_99 = %scan3A to %scan3A_10 step %scan3A_11  : i32 {
      %mul3A_100 = arith.constant 1 : i32
      %mul3A_101 = arith.muli %scan3A_99, %mul3A_100 : i32
      %add3A_102 = arith.constant 0 : i32
      %add3A_103 = arith.addi %add3A_102, %mul3A_101 : i32
      %scan3A_104 = arith.constant 0 : i32
      %scan3A_105 = arith.constant 8 : i32
      %scan3A_106 = arith.addi %scan3A_104, %scan3A_105 : i32
      %scan3A_107 = arith.constant 1 : i32
      scf.for %scan3A_109 = %scan3A_104 to %scan3A_106 step %scan3A_107  : i32 {
        %mul3A_110 = arith.constant 16 : i32
        %mul3A_111 = arith.muli %scan3A_109, %mul3A_110 : i32
        %add3A_112 = arith.constant 0 : i32
        %add3A_113 = arith.addi %add3A_112, %mul3A_111 : i32
        %broadcast_in_dim3A = arith.constant 0.000000e+00 : f32
        %broadcast_in_dim3A_114 = vector.broadcast %broadcast_in_dim3A : f32 to vector<16xf32>
        %swap3A = arith.index_cast %add3A_103 : i32 to index
        %swap3A_115 = arith.index_cast %add3A_113 : i32 to index
        %swap3A_116 = tpu.vector_load %arg6[%swap3A, %swap3A_115] {strides = array<i32>} : memref<128x128xf32, #tpu.memory_space<vmem>>, vector<1x16xf32>,
        %swap3A_117 = vector.shape_cast %swap3A_116 : vector<1x16xf32> to vector<16xf32>
        %swap3A_118 = vector.shape_cast %broadcast_in_dim3A_114 : vector<16xf32> to vector<1x16xf32>
        tpu.vector_store %arg6[%swap3A, %swap3A_115], %swap3A_118 {strides = array<i32>} : memref<128x128xf32, #tpu.memory_space<vmem>>, vector<1x16xf32>,
      }
      %scan3A_108 = arith.constant 8 : i32
    }
    %scan3A_12 = arith.constant 128 : i32
    %add3A_13 = arith.constant 0 : i32
    %add3A_14 = arith.addi %arg1, %add3A_13 : i32
    %min3A = arith.constant 78 : i32
    %min3A_15 = arith.minsi %add3A_14, %min3A : i32
    %mul3A_16 = arith.constant 128 : i32
    %mul3A_17 = arith.muli %min3A_15, %mul3A_16 : i32
    "tpu.region"() ({
      %run_scoped3A = tpu.sem_alloc : memref<!tpu.dma_semaphore, #tpu.memory_space<semaphore_mem>>
      %dma_start3A = arith.constant 0 : i32
      %dma_start3A_99 = tpu.memref_slice %arg8[%mul3A_17, %dma_start3A] : memref<10112x128xf32, #tpu.memory_space<vmem_shared>> -> memref<128x128xf32, #tpu.memory_space<vmem_shared>>
      %dma_start3A_100 = arith.constant 0 : i32
      %dma_start3A_101 = tpu.memref_slice %arg8[%mul3A_17, %dma_start3A_100] : memref<10112x128xf32, #tpu.memory_space<vmem_shared>> -> memref<128x128xf32, #tpu.memory_space<vmem_shared>>
      tpu.enqueue_dma source(%arg6 : memref<128x128xf32, #tpu.memory_space<vmem>>) target(%dma_start3A_101 : memref<128x128xf32, #tpu.memory_space<vmem_shared>>) target_semaphore(%run_scoped3A : memref<!tpu.dma_semaphore, #tpu.memory_space<semaphore_mem>>)
      %dma_wait3A = arith.constant 0 : i32
      %dma_wait3A_102 = tpu.memref_slice %arg8[%mul3A_17, %dma_wait3A] : memref<10112x128xf32, #tpu.memory_space<vmem_shared>> -> memref<128x128xf32, #tpu.memory_space<vmem_shared>>
      %dma_wait3A_103 = arith.constant 0 : i32
      %dma_wait3A_104 = tpu.memref_slice %arg8[%mul3A_17, %dma_wait3A_103] : memref<10112x128xf32, #tpu.memory_space<vmem_shared>> -> memref<128x128xf32, #tpu.memory_space<vmem_shared>>
      tpu.wait_dma2 semaphore(%run_scoped3A : memref<!tpu.dma_semaphore, #tpu.memory_space<semaphore_mem>>) src(%arg6 : memref<128x128xf32, #tpu.memory_space<vmem>>) dst(%dma_wait3A_104 : memref<128x128xf32, #tpu.memory_space<vmem_shared>>)
      tpu.yield
    }) : () -> ()
    %add3A_18 = arith.constant 16 : i32
    %add3A_19 = arith.addi %arg1, %add3A_18 : i32
    %min3A_20 = arith.constant 78 : i32
    %min3A_21 = arith.minsi %add3A_19, %min3A_20 : i32
    %mul3A_22 = arith.constant 128 : i32
    %mul3A_23 = arith.muli %min3A_21, %mul3A_22 : i32
    "tpu.region"() ({
      %run_scoped3A = tpu.sem_alloc : memref<!tpu.dma_semaphore, #tpu.memory_space<semaphore_mem>>
      %dma_start3A = arith.constant 0 : i32
      %dma_start3A_99 = tpu.memref_slice %arg8[%mul3A_23, %dma_start3A] : memref<10112x128xf32, #tpu.memory_space<vmem_shared>> -> memref<128x128xf32, #tpu.memory_space<vmem_shared>>
      %dma_start3A_100 = arith.constant 0 : i32
      %dma_start3A_101 = tpu.memref_slice %arg8[%mul3A_23, %dma_start3A_100] : memref<10112x128xf32, #tpu.memory_space<vmem_shared>> -> memref<128x128xf32, #tpu.memory_space<vmem_shared>>
      tpu.enqueue_dma source(%arg6 : memref<128x128xf32, #tpu.memory_space<vmem>>) target(%dma_start3A_101 : memref<128x128xf32, #tpu.memory_space<vmem_shared>>) target_semaphore(%run_scoped3A : memref<!tpu.dma_semaphore, #tpu.memory_space<semaphore_mem>>)
      %dma_wait3A = arith.constant 0 : i32
      %dma_wait3A_102 = tpu.memref_slice %arg8[%mul3A_23, %dma_wait3A] : memref<10112x128xf32, #tpu.memory_space<vmem_shared>> -> memref<128x128xf32, #tpu.memory_space<vmem_shared>>
      %dma_wait3A_103 = arith.constant 0 : i32
      %dma_wait3A_104 = tpu.memref_slice %arg8[%mul3A_23, %dma_wait3A_103] : memref<10112x128xf32, #tpu.memory_space<vmem_shared>> -> memref<128x128xf32, #tpu.memory_space<vmem_shared>>
      tpu.wait_dma2 semaphore(%run_scoped3A : memref<!tpu.dma_semaphore, #tpu.memory_space<semaphore_mem>>) src(%arg6 : memref<128x128xf32, #tpu.memory_space<vmem>>) dst(%dma_wait3A_104 : memref<128x128xf32, #tpu.memory_space<vmem_shared>>)
      tpu.yield
    }) : () -> ()
    %add3A_24 = arith.constant 32 : i32
    %add3A_25 = arith.addi %arg1, %add3A_24 : i32
    %min3A_26 = arith.constant 78 : i32
    %min3A_27 = arith.minsi %add3A_25, %min3A_26 : i32
    %mul3A_28 = arith.constant 128 : i32
    %mul3A_29 = arith.muli %min3A_27, %mul3A_28 : i32
    "tpu.region"() ({
      %run_scoped3A = tpu.sem_alloc : memref<!tpu.dma_semaphore, #tpu.memory_space<semaphore_mem>>
      %dma_start3A = arith.constant 0 : i32
      %dma_start3A_99 = tpu.memref_slice %arg8[%mul3A_29, %dma_start3A] : memref<10112x128xf32, #tpu.memory_space<vmem_shared>> -> memref<128x128xf32, #tpu.memory_space<vmem_shared>>
      %dma_start3A_100 = arith.constant 0 : i32
      %dma_start3A_101 = tpu.memref_slice %arg8[%mul3A_29, %dma_start3A_100] : memref<10112x128xf32, #tpu.memory_space<vmem_shared>> -> memref<128x128xf32, #tpu.memory_space<vmem_shared>>
      tpu.enqueue_dma source(%arg6 : memref<128x128xf32, #tpu.memory_space<vmem>>) target(%dma_start3A_101 : memref<128x128xf32, #tpu.memory_space<vmem_shared>>) target_semaphore(%run_scoped3A : memref<!tpu.dma_semaphore, #tpu.memory_space<semaphore_mem>>)
      %dma_wait3A = arith.constant 0 : i32
      %dma_wait3A_102 = tpu.memref_slice %arg8[%mul3A_29, %dma_wait3A] : memref<10112x128xf32, #tpu.memory_space<vmem_shared>> -> memref<128x128xf32, #tpu.memory_space<vmem_shared>>
      %dma_wait3A_103 = arith.constant 0 : i32
      %dma_wait3A_104 = tpu.memref_slice %arg8[%mul3A_29, %dma_wait3A_103] : memref<10112x128xf32, #tpu.memory_space<vmem_shared>> -> memref<128x128xf32, #tpu.memory_space<vmem_shared>>
      tpu.wait_dma2 semaphore(%run_scoped3A : memref<!tpu.dma_semaphore, #tpu.memory_space<semaphore_mem>>) src(%arg6 : memref<128x128xf32, #tpu.memory_space<vmem>>) dst(%dma_wait3A_104 : memref<128x128xf32, #tpu.memory_space<vmem_shared>>)
      tpu.yield
    }) : () -> ()
    %add3A_30 = arith.constant 48 : i32
    %add3A_31 = arith.addi %arg1, %add3A_30 : i32
    %min3A_32 = arith.constant 78 : i32
    %min3A_33 = arith.minsi %add3A_31, %min3A_32 : i32
    %mul3A_34 = arith.constant 128 : i32
    %mul3A_35 = arith.muli %min3A_33, %mul3A_34 : i32
    "tpu.region"() ({
      %run_scoped3A = tpu.sem_alloc : memref<!tpu.dma_semaphore, #tpu.memory_space<semaphore_mem>>
      %dma_start3A = arith.constant 0 : i32
      %dma_start3A_99 = tpu.memref_slice %arg8[%mul3A_35, %dma_start3A] : memref<10112x128xf32, #tpu.memory_space<vmem_shared>> -> memref<128x128xf32, #tpu.memory_space<vmem_shared>>
      %dma_start3A_100 = arith.constant 0 : i32
      %dma_start3A_101 = tpu.memref_slice %arg8[%mul3A_35, %dma_start3A_100] : memref<10112x128xf32, #tpu.memory_space<vmem_shared>> -> memref<128x128xf32, #tpu.memory_space<vmem_shared>>
      tpu.enqueue_dma source(%arg6 : memref<128x128xf32, #tpu.memory_space<vmem>>) target(%dma_start3A_101 : memref<128x128xf32, #tpu.memory_space<vmem_shared>>) target_semaphore(%run_scoped3A : memref<!tpu.dma_semaphore, #tpu.memory_space<semaphore_mem>>)
      %dma_wait3A = arith.constant 0 : i32
      %dma_wait3A_102 = tpu.memref_slice %arg8[%mul3A_35, %dma_wait3A] : memref<10112x128xf32, #tpu.memory_space<vmem_shared>> -> memref<128x128xf32, #tpu.memory_space<vmem_shared>>
      %dma_wait3A_103 = arith.constant 0 : i32
      %dma_wait3A_104 = tpu.memref_slice %arg8[%mul3A_35, %dma_wait3A_103] : memref<10112x128xf32, #tpu.memory_space<vmem_shared>> -> memref<128x128xf32, #tpu.memory_space<vmem_shared>>
      tpu.wait_dma2 semaphore(%run_scoped3A : memref<!tpu.dma_semaphore, #tpu.memory_space<semaphore_mem>>) src(%arg6 : memref<128x128xf32, #tpu.memory_space<vmem>>) dst(%dma_wait3A_104 : memref<128x128xf32, #tpu.memory_space<vmem_shared>>)
      tpu.yield
    }) : () -> ()
    %add3A_36 = arith.constant 64 : i32
    %add3A_37 = arith.addi %arg1, %add3A_36 : i32
    %min3A_38 = arith.constant 78 : i32
    %min3A_39 = arith.minsi %add3A_37, %min3A_38 : i32
    %mul3A_40 = arith.constant 128 : i32
    %mul3A_41 = arith.muli %min3A_39, %mul3A_40 : i32
    "tpu.region"() ({
      %run_scoped3A = tpu.sem_alloc : memref<!tpu.dma_semaphore, #tpu.memory_space<semaphore_mem>>
      %dma_start3A = arith.constant 0 : i32
      %dma_start3A_99 = tpu.memref_slice %arg8[%mul3A_41, %dma_start3A] : memref<10112x128xf32, #tpu.memory_space<vmem_shared>> -> memref<128x128xf32, #tpu.memory_space<vmem_shared>>
      %dma_start3A_100 = arith.constant 0 : i32
      %dma_start3A_101 = tpu.memref_slice %arg8[%mul3A_41, %dma_start3A_100] : memref<10112x128xf32, #tpu.memory_space<vmem_shared>> -> memref<128x128xf32, #tpu.memory_space<vmem_shared>>
      tpu.enqueue_dma source(%arg6 : memref<128x128xf32, #tpu.memory_space<vmem>>) target(%dma_start3A_101 : memref<128x128xf32, #tpu.memory_space<vmem_shared>>) target_semaphore(%run_scoped3A : memref<!tpu.dma_semaphore, #tpu.memory_space<semaphore_mem>>)
      %dma_wait3A = arith.constant 0 : i32
      %dma_wait3A_102 = tpu.memref_slice %arg8[%mul3A_41, %dma_wait3A] : memref<10112x128xf32, #tpu.memory_space<vmem_shared>> -> memref<128x128xf32, #tpu.memory_space<vmem_shared>>
      %dma_wait3A_103 = arith.constant 0 : i32
      %dma_wait3A_104 = tpu.memref_slice %arg8[%mul3A_41, %dma_wait3A_103] : memref<10112x128xf32, #tpu.memory_space<vmem_shared>> -> memref<128x128xf32, #tpu.memory_space<vmem_shared>>
      tpu.wait_dma2 semaphore(%run_scoped3A : memref<!tpu.dma_semaphore, #tpu.memory_space<semaphore_mem>>) src(%arg6 : memref<128x128xf32, #tpu.memory_space<vmem>>) dst(%dma_wait3A_104 : memref<128x128xf32, #tpu.memory_space<vmem_shared>>)
      tpu.yield
    }) : () -> ()
    %barrier3A = arith.constant 0 : index
    tpu.barrier barrier_id(%barrier3A)
    %sub3A = arith.constant 0 : i32
    %sub3A_42 = arith.subi %select_n3A, %sub3A : i32
    %sub3A_43 = arith.constant 1 : i32
    %sub3A_44 = arith.constant 1 : i32
    %sub3A_45 = arith.subi %sub3A_43, %sub3A_44 : i32
    %add3A_46 = arith.addi %sub3A_42, %sub3A_45 : i32
    %div3A = arith.constant 1 : i32
    %div3A_47 = arith.divsi %add3A_46, %div3A : i32
    %while3A = arith.constant 1 : i32
    %while3A_48 = arith.constant 0 : i32
    %while3A_49 = arith.constant 0 : i32
    %while3A_50 = arith.subi %div3A_47, %while3A_49 : i32
    %while3A_51 = arith.addi %while3A_49, %while3A_50 : i32
    %while3A_52 = arith.constant 1 : i32
    %while3A_53 = arith.divsi %while3A_50, %while3A_52 : i32
    %while3A_54 = arith.muli %while3A_53, %while3A_52 : i32
    %while3A_55 = arith.addi %while3A_49, %while3A_54 : i32
    %while3A_56 = arith.constant 1 : i32
    scf.for %while3A_99 = %while3A_49 to %while3A_55 step %while3A_56  : i32 {
      %mul3A_100 = arith.muli %while3A_99, %while3A : i32
      %add3A_101 = arith.addi %while3A_48, %mul3A_100 : i32
      %add3A_102 = arith.addi %select_n3A_8, %add3A_101 : i32
      %mul3A_103 = arith.constant 8 : i32
      %mul3A_104 = arith.muli %add3A_102, %mul3A_103 : i32
      "tpu.region"() ({
        %run_scoped3A_246 = tpu.sem_alloc : memref<!tpu.dma_semaphore, #tpu.memory_space<semaphore_mem>>
        %dma_start3A_247 = arith.constant 0 : i32
        %dma_start3A_248 = arith.constant 0 : i32
        %dma_start3A_249 = tpu.memref_slice %arg3[%dma_start3A_247, %mul3A_104, %dma_start3A_248] : memref<2x2560x128xi32, #tpu.memory_space<hbm>> -> memref<2x8x128xi32, #tpu.memory_space<hbm>>
        %dma_start3A_250 = arith.constant 0 : i32
        %dma_start3A_251 = arith.constant 0 : i32
        %dma_start3A_252 = tpu.memref_slice %arg3[%dma_start3A_250, %mul3A_104, %dma_start3A_251] : memref<2x2560x128xi32, #tpu.memory_space<hbm>> -> memref<2x8x128xi32, #tpu.memory_space<hbm>>
        tpu.enqueue_dma source(%dma_start3A_252 : memref<2x8x128xi32, #tpu.memory_space<hbm>>) target(%arg5 : memref<2x8x128xi32, #tpu.memory_space<vmem>>) target_semaphore(%run_scoped3A_246 : memref<!tpu.dma_semaphore, #tpu.memory_space<semaphore_mem>>)
        %dma_wait3A_253 = arith.constant 0 : i32
        %dma_wait3A_254 = arith.constant 0 : i32
        %dma_wait3A_255 = tpu.memref_slice %arg3[%dma_wait3A_253, %mul3A_104, %dma_wait3A_254] : memref<2x2560x128xi32, #tpu.memory_space<hbm>> -> memref<2x8x128xi32, #tpu.memory_space<hbm>>
        %dma_wait3A_256 = arith.constant 0 : i32
        %dma_wait3A_257 = arith.constant 0 : i32
        %dma_wait3A_258 = tpu.memref_slice %arg3[%dma_wait3A_256, %mul3A_104, %dma_wait3A_257] : memref<2x2560x128xi32, #tpu.memory_space<hbm>> -> memref<2x8x128xi32, #tpu.memory_space<hbm>>
        tpu.wait_dma2 semaphore(%run_scoped3A_246 : memref<!tpu.dma_semaphore, #tpu.memory_space<semaphore_mem>>) src(%dma_wait3A_258 : memref<2x8x128xi32, #tpu.memory_space<hbm>>) dst(%arg5 : memref<2x8x128xi32, #tpu.memory_space<vmem>>)
        tpu.yield
      }) : () -> ()
      %dma_start3A = arith.constant 0 : i32
      %dma_start3A_105 = arith.constant 0 : i32
      %dma_start3A_106 = arith.constant 0 : i32
      %dma_start3A_107 = tpu.memref_slice %arg5[%dma_start3A, %dma_start3A_105, %dma_start3A_106] : memref<2x8x128xi32, #tpu.memory_space<vmem>> -> memref<1x1x128xi32, #tpu.memory_space<vmem>>
      %dma_start3A_108 = tpu.memref_squeeze %dma_start3A_107 : memref<1x1x128xi32, #tpu.memory_space<vmem>> -> memref<128xi32, #tpu.memory_space<vmem>>
      %dma_start3A_109 = arith.constant 0 : i32
      %dma_start3A_110 = arith.constant 0 : i32
      %dma_start3A_111 = tpu.memref_slice %arg2[%dma_start3A_109, %dma_start3A_110] : memref<10000x128xf32, #tpu.memory_space<hbm>> -> memref<10000x128xf32, #tpu.memory_space<hbm>>
      tpu.enqueue_indirect_dma source(%dma_start3A_111 : memref<10000x128xf32, #tpu.memory_space<hbm>>) target(%arg6 : memref<128x128xf32, #tpu.memory_space<vmem>>) offsets(%dma_start3A_108 : memref<128xi32, #tpu.memory_space<vmem>>) semaphore(%arg9 : memref<!tpu.dma_semaphore, #tpu.memory_space<semaphore_mem>>)
      %dma_start3A_112 = arith.constant 0 : i32
      %dma_start3A_113 = arith.constant 1 : i32
      %dma_start3A_114 = arith.constant 0 : i32
      %dma_start3A_115 = tpu.memref_slice %arg5[%dma_start3A_112, %dma_start3A_113, %dma_start3A_114] : memref<2x8x128xi32, #tpu.memory_space<vmem>> -> memref<1x1x128xi32, #tpu.memory_space<vmem>>
      %dma_start3A_116 = tpu.memref_squeeze %dma_start3A_115 : memref<1x1x128xi32, #tpu.memory_space<vmem>> -> memref<128xi32, #tpu.memory_space<vmem>>
      %dma_start3A_117 = arith.constant 0 : i32
      %dma_start3A_118 = arith.constant 0 : i32
      %dma_start3A_119 = tpu.memref_slice %arg2[%dma_start3A_117, %dma_start3A_118] : memref<10000x128xf32, #tpu.memory_space<hbm>> -> memref<10000x128xf32, #tpu.memory_space<hbm>>
      tpu.enqueue_indirect_dma source(%dma_start3A_119 : memref<10000x128xf32, #tpu.memory_space<hbm>>) target(%arg7 : memref<128x128xf32, #tpu.memory_space<vmem>>) offsets(%dma_start3A_116 : memref<128xi32, #tpu.memory_space<vmem>>) semaphore(%arg10 : memref<!tpu.dma_semaphore, #tpu.memory_space<semaphore_mem>>)
      %dma_wait3A = arith.constant 0 : i32
      %dma_wait3A_120 = arith.constant 0 : i32
      %dma_wait3A_121 = arith.constant 0 : i32
      %dma_wait3A_122 = tpu.memref_slice %arg5[%dma_wait3A, %dma_wait3A_120, %dma_wait3A_121] : memref<2x8x128xi32, #tpu.memory_space<vmem>> -> memref<1x1x128xi32, #tpu.memory_space<vmem>>
      %dma_wait3A_123 = tpu.memref_squeeze %dma_wait3A_122 : memref<1x1x128xi32, #tpu.memory_space<vmem>> -> memref<128xi32, #tpu.memory_space<vmem>>
      %dma_wait3A_124 = arith.constant 0 : i32
      %dma_wait3A_125 = arith.constant 0 : i32
      %dma_wait3A_126 = tpu.memref_slice %arg2[%dma_wait3A_124, %dma_wait3A_125] : memref<10000x128xf32, #tpu.memory_space<hbm>> -> memref<10000x128xf32, #tpu.memory_space<hbm>>
      tpu.wait_indirect_dma semaphore(%arg9 : memref<!tpu.dma_semaphore, #tpu.memory_space<semaphore_mem>>) src(%dma_wait3A_126 : memref<10000x128xf32, #tpu.memory_space<hbm>>) dst(%arg6 : memref<128x128xf32, #tpu.memory_space<vmem>>)
      %run_scoped3A = arith.constant 1 : i32
      %run_scoped3A_127 = arith.constant 0 : i32
      "tpu.region"() ({
        %run_scoped3A_246 = tpu.sem_alloc : memref<!tpu.dma_semaphore, #tpu.memory_space<semaphore_mem>>
        %dma_start3A_247 = arith.constant 0 : i32
        %dma_start3A_248 = tpu.memref_slice %arg5[%run_scoped3A, %run_scoped3A_127, %dma_start3A_247] : memref<2x8x128xi32, #tpu.memory_space<vmem>> -> memref<1x1x128xi32, #tpu.memory_space<vmem>>
        %dma_start3A_249 = tpu.memref_squeeze %dma_start3A_248 : memref<1x1x128xi32, #tpu.memory_space<vmem>> -> memref<128xi32, #tpu.memory_space<vmem>>
        %dma_start3A_250 = arith.constant 0 : i32
        %dma_start3A_251 = arith.constant 0 : i32
        %dma_start3A_252 = tpu.memref_slice %arg8[%dma_start3A_250, %dma_start3A_251] : memref<10112x128xf32, #tpu.memory_space<vmem_shared>> -> memref<10112x128xf32, #tpu.memory_space<vmem_shared>>
        tpu.enqueue_indirect_dma source(%arg6 : memref<128x128xf32, #tpu.memory_space<vmem>>) target(%dma_start3A_252 : memref<10112x128xf32, #tpu.memory_space<vmem_shared>>) offsets(%dma_start3A_249 : memref<128xi32, #tpu.memory_space<vmem>>) semaphore(%run_scoped3A_246 : memref<!tpu.dma_semaphore, #tpu.memory_space<semaphore_mem>>) {add = true}
        %dma_wait3A_253 = arith.constant 0 : i32
        %dma_wait3A_254 = tpu.memref_slice %arg5[%run_scoped3A, %run_scoped3A_127, %dma_wait3A_253] : memref<2x8x128xi32, #tpu.memory_space<vmem>> -> memref<1x1x128xi32, #tpu.memory_space<vmem>>
        %dma_wait3A_255 = tpu.memref_squeeze %dma_wait3A_254 : memref<1x1x128xi32, #tpu.memory_space<vmem>> -> memref<128xi32, #tpu.memory_space<vmem>>
        %dma_wait3A_256 = arith.constant 0 : i32
        %dma_wait3A_257 = arith.constant 0 : i32
        %dma_wait3A_258 = tpu.memref_slice %arg8[%dma_wait3A_256, %dma_wait3A_257] : memref<10112x128xf32, #tpu.memory_space<vmem_shared>> -> memref<10112x128xf32, #tpu.memory_space<vmem_shared>>
        tpu.wait_indirect_dma semaphore(%run_scoped3A_246 : memref<!tpu.dma_semaphore, #tpu.memory_space<semaphore_mem>>) src(%arg6 : memref<128x128xf32, #tpu.memory_space<vmem>>) dst(%dma_wait3A_258 : memref<10112x128xf32, #tpu.memory_space<vmem_shared>>)
        tpu.yield
      }) : () -> ()
      %dma_start3A_128 = arith.constant 0 : i32
      %dma_start3A_129 = arith.constant 2 : i32
      %dma_start3A_130 = arith.constant 0 : i32
      %dma_start3A_131 = tpu.memref_slice %arg5[%dma_start3A_128, %dma_start3A_129, %dma_start3A_130] : memref<2x8x128xi32, #tpu.memory_space<vmem>> -> memref<1x1x128xi32, #tpu.memory_space<vmem>>
      %dma_start3A_132 = tpu.memref_squeeze %dma_start3A_131 : memref<1x1x128xi32, #tpu.memory_space<vmem>> -> memref<128xi32, #tpu.memory_space<vmem>>
      %dma_start3A_133 = arith.constant 0 : i32
      %dma_start3A_134 = arith.constant 0 : i32
      %dma_start3A_135 = tpu.memref_slice %arg2[%dma_start3A_133, %dma_start3A_134] : memref<10000x128xf32, #tpu.memory_space<hbm>> -> memref<10000x128xf32, #tpu.memory_space<hbm>>
      tpu.enqueue_indirect_dma source(%dma_start3A_135 : memref<10000x128xf32, #tpu.memory_space<hbm>>) target(%arg6 : memref<128x128xf32, #tpu.memory_space<vmem>>) offsets(%dma_start3A_132 : memref<128xi32, #tpu.memory_space<vmem>>) semaphore(%arg9 : memref<!tpu.dma_semaphore, #tpu.memory_space<semaphore_mem>>)
      %dma_wait3A_136 = arith.constant 0 : i32
      %dma_wait3A_137 = arith.constant 1 : i32
      %dma_wait3A_138 = arith.constant 0 : i32
      %dma_wait3A_139 = tpu.memref_slice %arg5[%dma_wait3A_136, %dma_wait3A_137, %dma_wait3A_138] : memref<2x8x128xi32, #tpu.memory_space<vmem>> -> memref<1x1x128xi32, #tpu.memory_space<vmem>>
      %dma_wait3A_140 = tpu.memref_squeeze %dma_wait3A_139 : memref<1x1x128xi32, #tpu.memory_space<vmem>> -> memref<128xi32, #tpu.memory_space<vmem>>
      %dma_wait3A_141 = arith.constant 0 : i32
      %dma_wait3A_142 = arith.constant 0 : i32
      %dma_wait3A_143 = tpu.memref_slice %arg2[%dma_wait3A_141, %dma_wait3A_142] : memref<10000x128xf32, #tpu.memory_space<hbm>> -> memref<10000x128xf32, #tpu.memory_space<hbm>>
      tpu.wait_indirect_dma semaphore(%arg10 : memref<!tpu.dma_semaphore, #tpu.memory_space<semaphore_mem>>) src(%dma_wait3A_143 : memref<10000x128xf32, #tpu.memory_space<hbm>>) dst(%arg7 : memref<128x128xf32, #tpu.memory_space<vmem>>)
      %run_scoped3A_144 = arith.constant 1 : i32
      %run_scoped3A_145 = arith.constant 1 : i32
      "tpu.region"() ({
        %run_scoped3A_246 = tpu.sem_alloc : memref<!tpu.dma_semaphore, #tpu.memory_space<semaphore_mem>>
        %dma_start3A_247 = arith.constant 0 : i32
        %dma_start3A_248 = tpu.memref_slice %arg5[%run_scoped3A_144, %run_scoped3A_145, %dma_start3A_247] : memref<2x8x128xi32, #tpu.memory_space<vmem>> -> memref<1x1x128xi32, #tpu.memory_space<vmem>>
        %dma_start3A_249 = tpu.memref_squeeze %dma_start3A_248 : memref<1x1x128xi32, #tpu.memory_space<vmem>> -> memref<128xi32, #tpu.memory_space<vmem>>
        %dma_start3A_250 = arith.constant 0 : i32
        %dma_start3A_251 = arith.constant 0 : i32
        %dma_start3A_252 = tpu.memref_slice %arg8[%dma_start3A_250, %dma_start3A_251] : memref<10112x128xf32, #tpu.memory_space<vmem_shared>> -> memref<10112x128xf32, #tpu.memory_space<vmem_shared>>
        tpu.enqueue_indirect_dma source(%arg7 : memref<128x128xf32, #tpu.memory_space<vmem>>) target(%dma_start3A_252 : memref<10112x128xf32, #tpu.memory_space<vmem_shared>>) offsets(%dma_start3A_249 : memref<128xi32, #tpu.memory_space<vmem>>) semaphore(%run_scoped3A_246 : memref<!tpu.dma_semaphore, #tpu.memory_space<semaphore_mem>>) {add = true}
        %dma_wait3A_253 = arith.constant 0 : i32
        %dma_wait3A_254 = tpu.memref_slice %arg5[%run_scoped3A_144, %run_scoped3A_145, %dma_wait3A_253] : memref<2x8x128xi32, #tpu.memory_space<vmem>> -> memref<1x1x128xi32, #tpu.memory_space<vmem>>
        %dma_wait3A_255 = tpu.memref_squeeze %dma_wait3A_254 : memref<1x1x128xi32, #tpu.memory_space<vmem>> -> memref<128xi32, #tpu.memory_space<vmem>>
        %dma_wait3A_256 = arith.constant 0 : i32
        %dma_wait3A_257 = arith.constant 0 : i32
        %dma_wait3A_258 = tpu.memref_slice %arg8[%dma_wait3A_256, %dma_wait3A_257] : memref<10112x128xf32, #tpu.memory_space<vmem_shared>> -> memref<10112x128xf32, #tpu.memory_space<vmem_shared>>
        tpu.wait_indirect_dma semaphore(%run_scoped3A_246 : memref<!tpu.dma_semaphore, #tpu.memory_space<semaphore_mem>>) src(%arg7 : memref<128x128xf32, #tpu.memory_space<vmem>>) dst(%dma_wait3A_258 : memref<10112x128xf32, #tpu.memory_space<vmem_shared>>)
        tpu.yield
      }) : () -> ()
      %dma_start3A_146 = arith.constant 0 : i32
      %dma_start3A_147 = arith.constant 3 : i32
      %dma_start3A_148 = arith.constant 0 : i32
      %dma_start3A_149 = tpu.memref_slice %arg5[%dma_start3A_146, %dma_start3A_147, %dma_start3A_148] : memref<2x8x128xi32, #tpu.memory_space<vmem>> -> memref<1x1x128xi32, #tpu.memory_space<vmem>>
      %dma_start3A_150 = tpu.memref_squeeze %dma_start3A_149 : memref<1x1x128xi32, #tpu.memory_space<vmem>> -> memref<128xi32, #tpu.memory_space<vmem>>
      %dma_start3A_151 = arith.constant 0 : i32
      %dma_start3A_152 = arith.constant 0 : i32
      %dma_start3A_153 = tpu.memref_slice %arg2[%dma_start3A_151, %dma_start3A_152] : memref<10000x128xf32, #tpu.memory_space<hbm>> -> memref<10000x128xf32, #tpu.memory_space<hbm>>
      tpu.enqueue_indirect_dma source(%dma_start3A_153 : memref<10000x128xf32, #tpu.memory_space<hbm>>) target(%arg7 : memref<128x128xf32, #tpu.memory_space<vmem>>) offsets(%dma_start3A_150 : memref<128xi32, #tpu.memory_space<vmem>>) semaphore(%arg10 : memref<!tpu.dma_semaphore, #tpu.memory_space<semaphore_mem>>)
      %dma_wait3A_154 = arith.constant 0 : i32
      %dma_wait3A_155 = arith.constant 2 : i32
      %dma_wait3A_156 = arith.constant 0 : i32
      %dma_wait3A_157 = tpu.memref_slice %arg5[%dma_wait3A_154, %dma_wait3A_155, %dma_wait3A_156] : memref<2x8x128xi32, #tpu.memory_space<vmem>> -> memref<1x1x128xi32, #tpu.memory_space<vmem>>
      %dma_wait3A_158 = tpu.memref_squeeze %dma_wait3A_157 : memref<1x1x128xi32, #tpu.memory_space<vmem>> -> memref<128xi32, #tpu.memory_space<vmem>>
      %dma_wait3A_159 = arith.constant 0 : i32
      %dma_wait3A_160 = arith.constant 0 : i32
      %dma_wait3A_161 = tpu.memref_slice %arg2[%dma_wait3A_159, %dma_wait3A_160] : memref<10000x128xf32, #tpu.memory_space<hbm>> -> memref<10000x128xf32, #tpu.memory_space<hbm>>
      tpu.wait_indirect_dma semaphore(%arg9 : memref<!tpu.dma_semaphore, #tpu.memory_space<semaphore_mem>>) src(%dma_wait3A_161 : memref<10000x128xf32, #tpu.memory_space<hbm>>) dst(%arg6 : memref<128x128xf32, #tpu.memory_space<vmem>>)
      %run_scoped3A_162 = arith.constant 1 : i32
      %run_scoped3A_163 = arith.constant 2 : i32
      "tpu.region"() ({
        %run_scoped3A_246 = tpu.sem_alloc : memref<!tpu.dma_semaphore, #tpu.memory_space<semaphore_mem>>
        %dma_start3A_247 = arith.constant 0 : i32
        %dma_start3A_248 = tpu.memref_slice %arg5[%run_scoped3A_162, %run_scoped3A_163, %dma_start3A_247] : memref<2x8x128xi32, #tpu.memory_space<vmem>> -> memref<1x1x128xi32, #tpu.memory_space<vmem>>
        %dma_start3A_249 = tpu.memref_squeeze %dma_start3A_248 : memref<1x1x128xi32, #tpu.memory_space<vmem>> -> memref<128xi32, #tpu.memory_space<vmem>>
        %dma_start3A_250 = arith.constant 0 : i32
        %dma_start3A_251 = arith.constant 0 : i32
        %dma_start3A_252 = tpu.memref_slice %arg8[%dma_start3A_250, %dma_start3A_251] : memref<10112x128xf32, #tpu.memory_space<vmem_shared>> -> memref<10112x128xf32, #tpu.memory_space<vmem_shared>>
        tpu.enqueue_indirect_dma source(%arg6 : memref<128x128xf32, #tpu.memory_space<vmem>>) target(%dma_start3A_252 : memref<10112x128xf32, #tpu.memory_space<vmem_shared>>) offsets(%dma_start3A_249 : memref<128xi32, #tpu.memory_space<vmem>>) semaphore(%run_scoped3A_246 : memref<!tpu.dma_semaphore, #tpu.memory_space<semaphore_mem>>) {add = true}
        %dma_wait3A_253 = arith.constant 0 : i32
        %dma_wait3A_254 = tpu.memref_slice %arg5[%run_scoped3A_162, %run_scoped3A_163, %dma_wait3A_253] : memref<2x8x128xi32, #tpu.memory_space<vmem>> -> memref<1x1x128xi32, #tpu.memory_space<vmem>>
        %dma_wait3A_255 = tpu.memref_squeeze %dma_wait3A_254 : memref<1x1x128xi32, #tpu.memory_space<vmem>> -> memref<128xi32, #tpu.memory_space<vmem>>
        %dma_wait3A_256 = arith.constant 0 : i32
        %dma_wait3A_257 = arith.constant 0 : i32
        %dma_wait3A_258 = tpu.memref_slice %arg8[%dma_wait3A_256, %dma_wait3A_257] : memref<10112x128xf32, #tpu.memory_space<vmem_shared>> -> memref<10112x128xf32, #tpu.memory_space<vmem_shared>>
        tpu.wait_indirect_dma semaphore(%run_scoped3A_246 : memref<!tpu.dma_semaphore, #tpu.memory_space<semaphore_mem>>) src(%arg6 : memref<128x128xf32, #tpu.memory_space<vmem>>) dst(%dma_wait3A_258 : memref<10112x128xf32, #tpu.memory_space<vmem_shared>>)
        tpu.yield
      }) : () -> ()
      %dma_start3A_164 = arith.constant 0 : i32
      %dma_start3A_165 = arith.constant 4 : i32
      %dma_start3A_166 = arith.constant 0 : i32
      %dma_start3A_167 = tpu.memref_slice %arg5[%dma_start3A_164, %dma_start3A_165, %dma_start3A_166] : memref<2x8x128xi32, #tpu.memory_space<vmem>> -> memref<1x1x128xi32, #tpu.memory_space<vmem>>
      %dma_start3A_168 = tpu.memref_squeeze %dma_start3A_167 : memref<1x1x128xi32, #tpu.memory_space<vmem>> -> memref<128xi32, #tpu.memory_space<vmem>>
      %dma_start3A_169 = arith.constant 0 : i32
      %dma_start3A_170 = arith.constant 0 : i32
      %dma_start3A_171 = tpu.memref_slice %arg2[%dma_start3A_169, %dma_start3A_170] : memref<10000x128xf32, #tpu.memory_space<hbm>> -> memref<10000x128xf32, #tpu.memory_space<hbm>>
      tpu.enqueue_indirect_dma source(%dma_start3A_171 : memref<10000x128xf32, #tpu.memory_space<hbm>>) target(%arg6 : memref<128x128xf32, #tpu.memory_space<vmem>>) offsets(%dma_start3A_168 : memref<128xi32, #tpu.memory_space<vmem>>) semaphore(%arg9 : memref<!tpu.dma_semaphore, #tpu.memory_space<semaphore_mem>>)
      %dma_wait3A_172 = arith.constant 0 : i32
      %dma_wait3A_173 = arith.constant 3 : i32
      %dma_wait3A_174 = arith.constant 0 : i32
      %dma_wait3A_175 = tpu.memref_slice %arg5[%dma_wait3A_172, %dma_wait3A_173, %dma_wait3A_174] : memref<2x8x128xi32, #tpu.memory_space<vmem>> -> memref<1x1x128xi32, #tpu.memory_space<vmem>>
      %dma_wait3A_176 = tpu.memref_squeeze %dma_wait3A_175 : memref<1x1x128xi32, #tpu.memory_space<vmem>> -> memref<128xi32, #tpu.memory_space<vmem>>
      %dma_wait3A_177 = arith.constant 0 : i32
      %dma_wait3A_178 = arith.constant 0 : i32
      %dma_wait3A_179 = tpu.memref_slice %arg2[%dma_wait3A_177, %dma_wait3A_178] : memref<10000x128xf32, #tpu.memory_space<hbm>> -> memref<10000x128xf32, #tpu.memory_space<hbm>>
      tpu.wait_indirect_dma semaphore(%arg10 : memref<!tpu.dma_semaphore, #tpu.memory_space<semaphore_mem>>) src(%dma_wait3A_179 : memref<10000x128xf32, #tpu.memory_space<hbm>>) dst(%arg7 : memref<128x128xf32, #tpu.memory_space<vmem>>)
      %run_scoped3A_180 = arith.constant 1 : i32
      %run_scoped3A_181 = arith.constant 3 : i32
      "tpu.region"() ({
        %run_scoped3A_246 = tpu.sem_alloc : memref<!tpu.dma_semaphore, #tpu.memory_space<semaphore_mem>>
        %dma_start3A_247 = arith.constant 0 : i32
        %dma_start3A_248 = tpu.memref_slice %arg5[%run_scoped3A_180, %run_scoped3A_181, %dma_start3A_247] : memref<2x8x128xi32, #tpu.memory_space<vmem>> -> memref<1x1x128xi32, #tpu.memory_space<vmem>>
        %dma_start3A_249 = tpu.memref_squeeze %dma_start3A_248 : memref<1x1x128xi32, #tpu.memory_space<vmem>> -> memref<128xi32, #tpu.memory_space<vmem>>
        %dma_start3A_250 = arith.constant 0 : i32
        %dma_start3A_251 = arith.constant 0 : i32
        %dma_start3A_252 = tpu.memref_slice %arg8[%dma_start3A_250, %dma_start3A_251] : memref<10112x128xf32, #tpu.memory_space<vmem_shared>> -> memref<10112x128xf32, #tpu.memory_space<vmem_shared>>
        tpu.enqueue_indirect_dma source(%arg7 : memref<128x128xf32, #tpu.memory_space<vmem>>) target(%dma_start3A_252 : memref<10112x128xf32, #tpu.memory_space<vmem_shared>>) offsets(%dma_start3A_249 : memref<128xi32, #tpu.memory_space<vmem>>) semaphore(%run_scoped3A_246 : memref<!tpu.dma_semaphore, #tpu.memory_space<semaphore_mem>>) {add = true}
        %dma_wait3A_253 = arith.constant 0 : i32
        %dma_wait3A_254 = tpu.memref_slice %arg5[%run_scoped3A_180, %run_scoped3A_181, %dma_wait3A_253] : memref<2x8x128xi32, #tpu.memory_space<vmem>> -> memref<1x1x128xi32, #tpu.memory_space<vmem>>
        %dma_wait3A_255 = tpu.memref_squeeze %dma_wait3A_254 : memref<1x1x128xi32, #tpu.memory_space<vmem>> -> memref<128xi32, #tpu.memory_space<vmem>>
        %dma_wait3A_256 = arith.constant 0 : i32
        %dma_wait3A_257 = arith.constant 0 : i32
        %dma_wait3A_258 = tpu.memref_slice %arg8[%dma_wait3A_256, %dma_wait3A_257] : memref<10112x128xf32, #tpu.memory_space<vmem_shared>> -> memref<10112x128xf32, #tpu.memory_space<vmem_shared>>
        tpu.wait_indirect_dma semaphore(%run_scoped3A_246 : memref<!tpu.dma_semaphore, #tpu.memory_space<semaphore_mem>>) src(%arg7 : memref<128x128xf32, #tpu.memory_space<vmem>>) dst(%dma_wait3A_258 : memref<10112x128xf32, #tpu.memory_space<vmem_shared>>)
        tpu.yield
      }) : () -> ()
      %dma_start3A_182 = arith.constant 0 : i32
      %dma_start3A_183 = arith.constant 5 : i32
      %dma_start3A_184 = arith.constant 0 : i32
      %dma_start3A_185 = tpu.memref_slice %arg5[%dma_start3A_182, %dma_start3A_183, %dma_start3A_184] : memref<2x8x128xi32, #tpu.memory_space<vmem>> -> memref<1x1x128xi32, #tpu.memory_space<vmem>>
      %dma_start3A_186 = tpu.memref_squeeze %dma_start3A_185 : memref<1x1x128xi32, #tpu.memory_space<vmem>> -> memref<128xi32, #tpu.memory_space<vmem>>
      %dma_start3A_187 = arith.constant 0 : i32
      %dma_start3A_188 = arith.constant 0 : i32
      %dma_start3A_189 = tpu.memref_slice %arg2[%dma_start3A_187, %dma_start3A_188] : memref<10000x128xf32, #tpu.memory_space<hbm>> -> memref<10000x128xf32, #tpu.memory_space<hbm>>
      tpu.enqueue_indirect_dma source(%dma_start3A_189 : memref<10000x128xf32, #tpu.memory_space<hbm>>) target(%arg7 : memref<128x128xf32, #tpu.memory_space<vmem>>) offsets(%dma_start3A_186 : memref<128xi32, #tpu.memory_space<vmem>>) semaphore(%arg10 : memref<!tpu.dma_semaphore, #tpu.memory_space<semaphore_mem>>)
      %dma_wait3A_190 = arith.constant 0 : i32
      %dma_wait3A_191 = arith.constant 4 : i32
      %dma_wait3A_192 = arith.constant 0 : i32
      %dma_wait3A_193 = tpu.memref_slice %arg5[%dma_wait3A_190, %dma_wait3A_191, %dma_wait3A_192] : memref<2x8x128xi32, #tpu.memory_space<vmem>> -> memref<1x1x128xi32, #tpu.memory_space<vmem>>
      %dma_wait3A_194 = tpu.memref_squeeze %dma_wait3A_193 : memref<1x1x128xi32, #tpu.memory_space<vmem>> -> memref<128xi32, #tpu.memory_space<vmem>>
      %dma_wait3A_195 = arith.constant 0 : i32
      %dma_wait3A_196 = arith.constant 0 : i32
      %dma_wait3A_197 = tpu.memref_slice %arg2[%dma_wait3A_195, %dma_wait3A_196] : memref<10000x128xf32, #tpu.memory_space<hbm>> -> memref<10000x128xf32, #tpu.memory_space<hbm>>
      tpu.wait_indirect_dma semaphore(%arg9 : memref<!tpu.dma_semaphore, #tpu.memory_space<semaphore_mem>>) src(%dma_wait3A_197 : memref<10000x128xf32, #tpu.memory_space<hbm>>) dst(%arg6 : memref<128x128xf32, #tpu.memory_space<vmem>>)
      %run_scoped3A_198 = arith.constant 1 : i32
      %run_scoped3A_199 = arith.constant 4 : i32
      "tpu.region"() ({
        %run_scoped3A_246 = tpu.sem_alloc : memref<!tpu.dma_semaphore, #tpu.memory_space<semaphore_mem>>
        %dma_start3A_247 = arith.constant 0 : i32
        %dma_start3A_248 = tpu.memref_slice %arg5[%run_scoped3A_198, %run_scoped3A_199, %dma_start3A_247] : memref<2x8x128xi32, #tpu.memory_space<vmem>> -> memref<1x1x128xi32, #tpu.memory_space<vmem>>
        %dma_start3A_249 = tpu.memref_squeeze %dma_start3A_248 : memref<1x1x128xi32, #tpu.memory_space<vmem>> -> memref<128xi32, #tpu.memory_space<vmem>>
        %dma_start3A_250 = arith.constant 0 : i32
        %dma_start3A_251 = arith.constant 0 : i32
        %dma_start3A_252 = tpu.memref_slice %arg8[%dma_start3A_250, %dma_start3A_251] : memref<10112x128xf32, #tpu.memory_space<vmem_shared>> -> memref<10112x128xf32, #tpu.memory_space<vmem_shared>>
        tpu.enqueue_indirect_dma source(%arg6 : memref<128x128xf32, #tpu.memory_space<vmem>>) target(%dma_start3A_252 : memref<10112x128xf32, #tpu.memory_space<vmem_shared>>) offsets(%dma_start3A_249 : memref<128xi32, #tpu.memory_space<vmem>>) semaphore(%run_scoped3A_246 : memref<!tpu.dma_semaphore, #tpu.memory_space<semaphore_mem>>) {add = true}
        %dma_wait3A_253 = arith.constant 0 : i32
        %dma_wait3A_254 = tpu.memref_slice %arg5[%run_scoped3A_198, %run_scoped3A_199, %dma_wait3A_253] : memref<2x8x128xi32, #tpu.memory_space<vmem>> -> memref<1x1x128xi32, #tpu.memory_space<vmem>>
        %dma_wait3A_255 = tpu.memref_squeeze %dma_wait3A_254 : memref<1x1x128xi32, #tpu.memory_space<vmem>> -> memref<128xi32, #tpu.memory_space<vmem>>
        %dma_wait3A_256 = arith.constant 0 : i32
        %dma_wait3A_257 = arith.constant 0 : i32
        %dma_wait3A_258 = tpu.memref_slice %arg8[%dma_wait3A_256, %dma_wait3A_257] : memref<10112x128xf32, #tpu.memory_space<vmem_shared>> -> memref<10112x128xf32, #tpu.memory_space<vmem_shared>>
        tpu.wait_indirect_dma semaphore(%run_scoped3A_246 : memref<!tpu.dma_semaphore, #tpu.memory_space<semaphore_mem>>) src(%arg6 : memref<128x128xf32, #tpu.memory_space<vmem>>) dst(%dma_wait3A_258 : memref<10112x128xf32, #tpu.memory_space<vmem_shared>>)
        tpu.yield
      }) : () -> ()
      %dma_start3A_200 = arith.constant 0 : i32
      %dma_start3A_201 = arith.constant 6 : i32
      %dma_start3A_202 = arith.constant 0 : i32
      %dma_start3A_203 = tpu.memref_slice %arg5[%dma_start3A_200, %dma_start3A_201, %dma_start3A_202] : memref<2x8x128xi32, #tpu.memory_space<vmem>> -> memref<1x1x128xi32, #tpu.memory_space<vmem>>
      %dma_start3A_204 = tpu.memref_squeeze %dma_start3A_203 : memref<1x1x128xi32, #tpu.memory_space<vmem>> -> memref<128xi32, #tpu.memory_space<vmem>>
      %dma_start3A_205 = arith.constant 0 : i32
      %dma_start3A_206 = arith.constant 0 : i32
      %dma_start3A_207 = tpu.memref_slice %arg2[%dma_start3A_205, %dma_start3A_206] : memref<10000x128xf32, #tpu.memory_space<hbm>> -> memref<10000x128xf32, #tpu.memory_space<hbm>>
      tpu.enqueue_indirect_dma source(%dma_start3A_207 : memref<10000x128xf32, #tpu.memory_space<hbm>>) target(%arg6 : memref<128x128xf32, #tpu.memory_space<vmem>>) offsets(%dma_start3A_204 : memref<128xi32, #tpu.memory_space<vmem>>) semaphore(%arg9 : memref<!tpu.dma_semaphore, #tpu.memory_space<semaphore_mem>>)
      %dma_wait3A_208 = arith.constant 0 : i32
      %dma_wait3A_209 = arith.constant 5 : i32
      %dma_wait3A_210 = arith.constant 0 : i32
      %dma_wait3A_211 = tpu.memref_slice %arg5[%dma_wait3A_208, %dma_wait3A_209, %dma_wait3A_210] : memref<2x8x128xi32, #tpu.memory_space<vmem>> -> memref<1x1x128xi32, #tpu.memory_space<vmem>>
      %dma_wait3A_212 = tpu.memref_squeeze %dma_wait3A_211 : memref<1x1x128xi32, #tpu.memory_space<vmem>> -> memref<128xi32, #tpu.memory_space<vmem>>
      %dma_wait3A_213 = arith.constant 0 : i32
      %dma_wait3A_214 = arith.constant 0 : i32
      %dma_wait3A_215 = tpu.memref_slice %arg2[%dma_wait3A_213, %dma_wait3A_214] : memref<10000x128xf32, #tpu.memory_space<hbm>> -> memref<10000x128xf32, #tpu.memory_space<hbm>>
      tpu.wait_indirect_dma semaphore(%arg10 : memref<!tpu.dma_semaphore, #tpu.memory_space<semaphore_mem>>) src(%dma_wait3A_215 : memref<10000x128xf32, #tpu.memory_space<hbm>>) dst(%arg7 : memref<128x128xf32, #tpu.memory_space<vmem>>)
      %run_scoped3A_216 = arith.constant 1 : i32
      %run_scoped3A_217 = arith.constant 5 : i32
      "tpu.region"() ({
        %run_scoped3A_246 = tpu.sem_alloc : memref<!tpu.dma_semaphore, #tpu.memory_space<semaphore_mem>>
        %dma_start3A_247 = arith.constant 0 : i32
        %dma_start3A_248 = tpu.memref_slice %arg5[%run_scoped3A_216, %run_scoped3A_217, %dma_start3A_247] : memref<2x8x128xi32, #tpu.memory_space<vmem>> -> memref<1x1x128xi32, #tpu.memory_space<vmem>>
        %dma_start3A_249 = tpu.memref_squeeze %dma_start3A_248 : memref<1x1x128xi32, #tpu.memory_space<vmem>> -> memref<128xi32, #tpu.memory_space<vmem>>
        %dma_start3A_250 = arith.constant 0 : i32
        %dma_start3A_251 = arith.constant 0 : i32
        %dma_start3A_252 = tpu.memref_slice %arg8[%dma_start3A_250, %dma_start3A_251] : memref<10112x128xf32, #tpu.memory_space<vmem_shared>> -> memref<10112x128xf32, #tpu.memory_space<vmem_shared>>
        tpu.enqueue_indirect_dma source(%arg7 : memref<128x128xf32, #tpu.memory_space<vmem>>) target(%dma_start3A_252 : memref<10112x128xf32, #tpu.memory_space<vmem_shared>>) offsets(%dma_start3A_249 : memref<128xi32, #tpu.memory_space<vmem>>) semaphore(%run_scoped3A_246 : memref<!tpu.dma_semaphore, #tpu.memory_space<semaphore_mem>>) {add = true}
        %dma_wait3A_253 = arith.constant 0 : i32
        %dma_wait3A_254 = tpu.memref_slice %arg5[%run_scoped3A_216, %run_scoped3A_217, %dma_wait3A_253] : memref<2x8x128xi32, #tpu.memory_space<vmem>> -> memref<1x1x128xi32, #tpu.memory_space<vmem>>
        %dma_wait3A_255 = tpu.memref_squeeze %dma_wait3A_254 : memref<1x1x128xi32, #tpu.memory_space<vmem>> -> memref<128xi32, #tpu.memory_space<vmem>>
        %dma_wait3A_256 = arith.constant 0 : i32
        %dma_wait3A_257 = arith.constant 0 : i32
        %dma_wait3A_258 = tpu.memref_slice %arg8[%dma_wait3A_256, %dma_wait3A_257] : memref<10112x128xf32, #tpu.memory_space<vmem_shared>> -> memref<10112x128xf32, #tpu.memory_space<vmem_shared>>
        tpu.wait_indirect_dma semaphore(%run_scoped3A_246 : memref<!tpu.dma_semaphore, #tpu.memory_space<semaphore_mem>>) src(%arg7 : memref<128x128xf32, #tpu.memory_space<vmem>>) dst(%dma_wait3A_258 : memref<10112x128xf32, #tpu.memory_space<vmem_shared>>)
        tpu.yield
      }) : () -> ()
      %dma_start3A_218 = arith.constant 0 : i32
      %dma_start3A_219 = arith.constant 7 : i32
      %dma_start3A_220 = arith.constant 0 : i32
      %dma_start3A_221 = tpu.memref_slice %arg5[%dma_start3A_218, %dma_start3A_219, %dma_start3A_220] : memref<2x8x128xi32, #tpu.memory_space<vmem>> -> memref<1x1x128xi32, #tpu.memory_space<vmem>>
      %dma_start3A_222 = tpu.memref_squeeze %dma_start3A_221 : memref<1x1x128xi32, #tpu.memory_space<vmem>> -> memref<128xi32, #tpu.memory_space<vmem>>
      %dma_start3A_223 = arith.constant 0 : i32
      %dma_start3A_224 = arith.constant 0 : i32
      %dma_start3A_225 = tpu.memref_slice %arg2[%dma_start3A_223, %dma_start3A_224] : memref<10000x128xf32, #tpu.memory_space<hbm>> -> memref<10000x128xf32, #tpu.memory_space<hbm>>
      tpu.enqueue_indirect_dma source(%dma_start3A_225 : memref<10000x128xf32, #tpu.memory_space<hbm>>) target(%arg7 : memref<128x128xf32, #tpu.memory_space<vmem>>) offsets(%dma_start3A_222 : memref<128xi32, #tpu.memory_space<vmem>>) semaphore(%arg10 : memref<!tpu.dma_semaphore, #tpu.memory_space<semaphore_mem>>)
      %dma_wait3A_226 = arith.constant 0 : i32
      %dma_wait3A_227 = arith.constant 6 : i32
      %dma_wait3A_228 = arith.constant 0 : i32
      %dma_wait3A_229 = tpu.memref_slice %arg5[%dma_wait3A_226, %dma_wait3A_227, %dma_wait3A_228] : memref<2x8x128xi32, #tpu.memory_space<vmem>> -> memref<1x1x128xi32, #tpu.memory_space<vmem>>
      %dma_wait3A_230 = tpu.memref_squeeze %dma_wait3A_229 : memref<1x1x128xi32, #tpu.memory_space<vmem>> -> memref<128xi32, #tpu.memory_space<vmem>>
      %dma_wait3A_231 = arith.constant 0 : i32
      %dma_wait3A_232 = arith.constant 0 : i32
      %dma_wait3A_233 = tpu.memref_slice %arg2[%dma_wait3A_231, %dma_wait3A_232] : memref<10000x128xf32, #tpu.memory_space<hbm>> -> memref<10000x128xf32, #tpu.memory_space<hbm>>
      tpu.wait_indirect_dma semaphore(%arg9 : memref<!tpu.dma_semaphore, #tpu.memory_space<semaphore_mem>>) src(%dma_wait3A_233 : memref<10000x128xf32, #tpu.memory_space<hbm>>) dst(%arg6 : memref<128x128xf32, #tpu.memory_space<vmem>>)
      %run_scoped3A_234 = arith.constant 1 : i32
      %run_scoped3A_235 = arith.constant 6 : i32
      "tpu.region"() ({
        %run_scoped3A_246 = tpu.sem_alloc : memref<!tpu.dma_semaphore, #tpu.memory_space<semaphore_mem>>
        %dma_start3A_247 = arith.constant 0 : i32
        %dma_start3A_248 = tpu.memref_slice %arg5[%run_scoped3A_234, %run_scoped3A_235, %dma_start3A_247] : memref<2x8x128xi32, #tpu.memory_space<vmem>> -> memref<1x1x128xi32, #tpu.memory_space<vmem>>
        %dma_start3A_249 = tpu.memref_squeeze %dma_start3A_248 : memref<1x1x128xi32, #tpu.memory_space<vmem>> -> memref<128xi32, #tpu.memory_space<vmem>>
        %dma_start3A_250 = arith.constant 0 : i32
        %dma_start3A_251 = arith.constant 0 : i32
        %dma_start3A_252 = tpu.memref_slice %arg8[%dma_start3A_250, %dma_start3A_251] : memref<10112x128xf32, #tpu.memory_space<vmem_shared>> -> memref<10112x128xf32, #tpu.memory_space<vmem_shared>>
        tpu.enqueue_indirect_dma source(%arg6 : memref<128x128xf32, #tpu.memory_space<vmem>>) target(%dma_start3A_252 : memref<10112x128xf32, #tpu.memory_space<vmem_shared>>) offsets(%dma_start3A_249 : memref<128xi32, #tpu.memory_space<vmem>>) semaphore(%run_scoped3A_246 : memref<!tpu.dma_semaphore, #tpu.memory_space<semaphore_mem>>) {add = true}
        %dma_wait3A_253 = arith.constant 0 : i32
        %dma_wait3A_254 = tpu.memref_slice %arg5[%run_scoped3A_234, %run_scoped3A_235, %dma_wait3A_253] : memref<2x8x128xi32, #tpu.memory_space<vmem>> -> memref<1x1x128xi32, #tpu.memory_space<vmem>>
        %dma_wait3A_255 = tpu.memref_squeeze %dma_wait3A_254 : memref<1x1x128xi32, #tpu.memory_space<vmem>> -> memref<128xi32, #tpu.memory_space<vmem>>
        %dma_wait3A_256 = arith.constant 0 : i32
        %dma_wait3A_257 = arith.constant 0 : i32
        %dma_wait3A_258 = tpu.memref_slice %arg8[%dma_wait3A_256, %dma_wait3A_257] : memref<10112x128xf32, #tpu.memory_space<vmem_shared>> -> memref<10112x128xf32, #tpu.memory_space<vmem_shared>>
        tpu.wait_indirect_dma semaphore(%run_scoped3A_246 : memref<!tpu.dma_semaphore, #tpu.memory_space<semaphore_mem>>) src(%arg6 : memref<128x128xf32, #tpu.memory_space<vmem>>) dst(%dma_wait3A_258 : memref<10112x128xf32, #tpu.memory_space<vmem_shared>>)
        tpu.yield
      }) : () -> ()
      %dma_wait3A_236 = arith.constant 0 : i32
      %dma_wait3A_237 = arith.constant 7 : i32
      %dma_wait3A_238 = arith.constant 0 : i32
      %dma_wait3A_239 = tpu.memref_slice %arg5[%dma_wait3A_236, %dma_wait3A_237, %dma_wait3A_238] : memref<2x8x128xi32, #tpu.memory_space<vmem>> -> memref<1x1x128xi32, #tpu.memory_space<vmem>>
      %dma_wait3A_240 = tpu.memref_squeeze %dma_wait3A_239 : memref<1x1x128xi32, #tpu.memory_space<vmem>> -> memref<128xi32, #tpu.memory_space<vmem>>
      %dma_wait3A_241 = arith.constant 0 : i32
      %dma_wait3A_242 = arith.constant 0 : i32
      %dma_wait3A_243 = tpu.memref_slice %arg2[%dma_wait3A_241, %dma_wait3A_242] : memref<10000x128xf32, #tpu.memory_space<hbm>> -> memref<10000x128xf32, #tpu.memory_space<hbm>>
      tpu.wait_indirect_dma semaphore(%arg10 : memref<!tpu.dma_semaphore, #tpu.memory_space<semaphore_mem>>) src(%dma_wait3A_243 : memref<10000x128xf32, #tpu.memory_space<hbm>>) dst(%arg7 : memref<128x128xf32, #tpu.memory_space<vmem>>)
      %run_scoped3A_244 = arith.constant 1 : i32
      %run_scoped3A_245 = arith.constant 7 : i32
      "tpu.region"() ({
        %run_scoped3A_246 = tpu.sem_alloc : memref<!tpu.dma_semaphore, #tpu.memory_space<semaphore_mem>>
        %dma_start3A_247 = arith.constant 0 : i32
        %dma_start3A_248 = tpu.memref_slice %arg5[%run_scoped3A_244, %run_scoped3A_245, %dma_start3A_247] : memref<2x8x128xi32, #tpu.memory_space<vmem>> -> memref<1x1x128xi32, #tpu.memory_space<vmem>>
        %dma_start3A_249 = tpu.memref_squeeze %dma_start3A_248 : memref<1x1x128xi32, #tpu.memory_space<vmem>> -> memref<128xi32, #tpu.memory_space<vmem>>
        %dma_start3A_250 = arith.constant 0 : i32
        %dma_start3A_251 = arith.constant 0 : i32
        %dma_start3A_252 = tpu.memref_slice %arg8[%dma_start3A_250, %dma_start3A_251] : memref<10112x128xf32, #tpu.memory_space<vmem_shared>> -> memref<10112x128xf32, #tpu.memory_space<vmem_shared>>
        tpu.enqueue_indirect_dma source(%arg7 : memref<128x128xf32, #tpu.memory_space<vmem>>) target(%dma_start3A_252 : memref<10112x128xf32, #tpu.memory_space<vmem_shared>>) offsets(%dma_start3A_249 : memref<128xi32, #tpu.memory_space<vmem>>) semaphore(%run_scoped3A_246 : memref<!tpu.dma_semaphore, #tpu.memory_space<semaphore_mem>>) {add = true}
        %dma_wait3A_253 = arith.constant 0 : i32
        %dma_wait3A_254 = tpu.memref_slice %arg5[%run_scoped3A_244, %run_scoped3A_245, %dma_wait3A_253] : memref<2x8x128xi32, #tpu.memory_space<vmem>> -> memref<1x1x128xi32, #tpu.memory_space<vmem>>
        %dma_wait3A_255 = tpu.memref_squeeze %dma_wait3A_254 : memref<1x1x128xi32, #tpu.memory_space<vmem>> -> memref<128xi32, #tpu.memory_space<vmem>>
        %dma_wait3A_256 = arith.constant 0 : i32
        %dma_wait3A_257 = arith.constant 0 : i32
        %dma_wait3A_258 = tpu.memref_slice %arg8[%dma_wait3A_256, %dma_wait3A_257] : memref<10112x128xf32, #tpu.memory_space<vmem_shared>> -> memref<10112x128xf32, #tpu.memory_space<vmem_shared>>
        tpu.wait_indirect_dma semaphore(%run_scoped3A_246 : memref<!tpu.dma_semaphore, #tpu.memory_space<semaphore_mem>>) src(%arg7 : memref<128x128xf32, #tpu.memory_space<vmem>>) dst(%dma_wait3A_258 : memref<10112x128xf32, #tpu.memory_space<vmem_shared>>)
        tpu.yield
      }) : () -> ()
    }
    %while3A_57 = arith.constant 1 : i32
    scf.for %while3A_99 = %while3A_55 to %while3A_51 step %while3A_57  : i32 {
      %mul3A_100 = arith.muli %while3A_99, %while3A : i32
      %add3A_101 = arith.addi %while3A_48, %mul3A_100 : i32
      %add3A_102 = arith.addi %select_n3A_8, %add3A_101 : i32
      %mul3A_103 = arith.constant 8 : i32
      %mul3A_104 = arith.muli %add3A_102, %mul3A_103 : i32
      "tpu.region"() ({
        %run_scoped3A_246 = tpu.sem_alloc : memref<!tpu.dma_semaphore, #tpu.memory_space<semaphore_mem>>
        %dma_start3A_247 = arith.constant 0 : i32
        %dma_start3A_248 = arith.constant 0 : i32
        %dma_start3A_249 = tpu.memref_slice %arg3[%dma_start3A_247, %mul3A_104, %dma_start3A_248] : memref<2x2560x128xi32, #tpu.memory_space<hbm>> -> memref<2x8x128xi32, #tpu.memory_space<hbm>>
        %dma_start3A_250 = arith.constant 0 : i32
        %dma_start3A_251 = arith.constant 0 : i32
        %dma_start3A_252 = tpu.memref_slice %arg3[%dma_start3A_250, %mul3A_104, %dma_start3A_251] : memref<2x2560x128xi32, #tpu.memory_space<hbm>> -> memref<2x8x128xi32, #tpu.memory_space<hbm>>
        tpu.enqueue_dma source(%dma_start3A_252 : memref<2x8x128xi32, #tpu.memory_space<hbm>>) target(%arg5 : memref<2x8x128xi32, #tpu.memory_space<vmem>>) target_semaphore(%run_scoped3A_246 : memref<!tpu.dma_semaphore, #tpu.memory_space<semaphore_mem>>)
        %dma_wait3A_253 = arith.constant 0 : i32
        %dma_wait3A_254 = arith.constant 0 : i32
        %dma_wait3A_255 = tpu.memref_slice %arg3[%dma_wait3A_253, %mul3A_104, %dma_wait3A_254] : memref<2x2560x128xi32, #tpu.memory_space<hbm>> -> memref<2x8x128xi32, #tpu.memory_space<hbm>>
        %dma_wait3A_256 = arith.constant 0 : i32
        %dma_wait3A_257 = arith.constant 0 : i32
        %dma_wait3A_258 = tpu.memref_slice %arg3[%dma_wait3A_256, %mul3A_104, %dma_wait3A_257] : memref<2x2560x128xi32, #tpu.memory_space<hbm>> -> memref<2x8x128xi32, #tpu.memory_space<hbm>>
        tpu.wait_dma2 semaphore(%run_scoped3A_246 : memref<!tpu.dma_semaphore, #tpu.memory_space<semaphore_mem>>) src(%dma_wait3A_258 : memref<2x8x128xi32, #tpu.memory_space<hbm>>) dst(%arg5 : memref<2x8x128xi32, #tpu.memory_space<vmem>>)
        tpu.yield
      }) : () -> ()
      %dma_start3A = arith.constant 0 : i32
      %dma_start3A_105 = arith.constant 0 : i32
      %dma_start3A_106 = arith.constant 0 : i32
      %dma_start3A_107 = tpu.memref_slice %arg5[%dma_start3A, %dma_start3A_105, %dma_start3A_106] : memref<2x8x128xi32, #tpu.memory_space<vmem>> -> memref<1x1x128xi32, #tpu.memory_space<vmem>>
      %dma_start3A_108 = tpu.memref_squeeze %dma_start3A_107 : memref<1x1x128xi32, #tpu.memory_space<vmem>> -> memref<128xi32, #tpu.memory_space<vmem>>
      %dma_start3A_109 = arith.constant 0 : i32
      %dma_start3A_110 = arith.constant 0 : i32
      %dma_start3A_111 = tpu.memref_slice %arg2[%dma_start3A_109, %dma_start3A_110] : memref<10000x128xf32, #tpu.memory_space<hbm>> -> memref<10000x128xf32, #tpu.memory_space<hbm>>
      tpu.enqueue_indirect_dma source(%dma_start3A_111 : memref<10000x128xf32, #tpu.memory_space<hbm>>) target(%arg6 : memref<128x128xf32, #tpu.memory_space<vmem>>) offsets(%dma_start3A_108 : memref<128xi32, #tpu.memory_space<vmem>>) semaphore(%arg9 : memref<!tpu.dma_semaphore, #tpu.memory_space<semaphore_mem>>)
      %dma_start3A_112 = arith.constant 0 : i32
      %dma_start3A_113 = arith.constant 1 : i32
      %dma_start3A_114 = arith.constant 0 : i32
      %dma_start3A_115 = tpu.memref_slice %arg5[%dma_start3A_112, %dma_start3A_113, %dma_start3A_114] : memref<2x8x128xi32, #tpu.memory_space<vmem>> -> memref<1x1x128xi32, #tpu.memory_space<vmem>>
      %dma_start3A_116 = tpu.memref_squeeze %dma_start3A_115 : memref<1x1x128xi32, #tpu.memory_space<vmem>> -> memref<128xi32, #tpu.memory_space<vmem>>
      %dma_start3A_117 = arith.constant 0 : i32
      %dma_start3A_118 = arith.constant 0 : i32
      %dma_start3A_119 = tpu.memref_slice %arg2[%dma_start3A_117, %dma_start3A_118] : memref<10000x128xf32, #tpu.memory_space<hbm>> -> memref<10000x128xf32, #tpu.memory_space<hbm>>
      tpu.enqueue_indirect_dma source(%dma_start3A_119 : memref<10000x128xf32, #tpu.memory_space<hbm>>) target(%arg7 : memref<128x128xf32, #tpu.memory_space<vmem>>) offsets(%dma_start3A_116 : memref<128xi32, #tpu.memory_space<vmem>>) semaphore(%arg10 : memref<!tpu.dma_semaphore, #tpu.memory_space<semaphore_mem>>)
      %dma_wait3A = arith.constant 0 : i32
      %dma_wait3A_120 = arith.constant 0 : i32
      %dma_wait3A_121 = arith.constant 0 : i32
      %dma_wait3A_122 = tpu.memref_slice %arg5[%dma_wait3A, %dma_wait3A_120, %dma_wait3A_121] : memref<2x8x128xi32, #tpu.memory_space<vmem>> -> memref<1x1x128xi32, #tpu.memory_space<vmem>>
      %dma_wait3A_123 = tpu.memref_squeeze %dma_wait3A_122 : memref<1x1x128xi32, #tpu.memory_space<vmem>> -> memref<128xi32, #tpu.memory_space<vmem>>
      %dma_wait3A_124 = arith.constant 0 : i32
      %dma_wait3A_125 = arith.constant 0 : i32
      %dma_wait3A_126 = tpu.memref_slice %arg2[%dma_wait3A_124, %dma_wait3A_125] : memref<10000x128xf32, #tpu.memory_space<hbm>> -> memref<10000x128xf32, #tpu.memory_space<hbm>>
      tpu.wait_indirect_dma semaphore(%arg9 : memref<!tpu.dma_semaphore, #tpu.memory_space<semaphore_mem>>) src(%dma_wait3A_126 : memref<10000x128xf32, #tpu.memory_space<hbm>>) dst(%arg6 : memref<128x128xf32, #tpu.memory_space<vmem>>)
      %run_scoped3A = arith.constant 1 : i32
      %run_scoped3A_127 = arith.constant 0 : i32
      "tpu.region"() ({
        %run_scoped3A_246 = tpu.sem_alloc : memref<!tpu.dma_semaphore, #tpu.memory_space<semaphore_mem>>
        %dma_start3A_247 = arith.constant 0 : i32
        %dma_start3A_248 = tpu.memref_slice %arg5[%run_scoped3A, %run_scoped3A_127, %dma_start3A_247] : memref<2x8x128xi32, #tpu.memory_space<vmem>> -> memref<1x1x128xi32, #tpu.memory_space<vmem>>
        %dma_start3A_249 = tpu.memref_squeeze %dma_start3A_248 : memref<1x1x128xi32, #tpu.memory_space<vmem>> -> memref<128xi32, #tpu.memory_space<vmem>>
        %dma_start3A_250 = arith.constant 0 : i32
        %dma_start3A_251 = arith.constant 0 : i32
        %dma_start3A_252 = tpu.memref_slice %arg8[%dma_start3A_250, %dma_start3A_251] : memref<10112x128xf32, #tpu.memory_space<vmem_shared>> -> memref<10112x128xf32, #tpu.memory_space<vmem_shared>>
        tpu.enqueue_indirect_dma source(%arg6 : memref<128x128xf32, #tpu.memory_space<vmem>>) target(%dma_start3A_252 : memref<10112x128xf32, #tpu.memory_space<vmem_shared>>) offsets(%dma_start3A_249 : memref<128xi32, #tpu.memory_space<vmem>>) semaphore(%run_scoped3A_246 : memref<!tpu.dma_semaphore, #tpu.memory_space<semaphore_mem>>) {add = true}
        %dma_wait3A_253 = arith.constant 0 : i32
        %dma_wait3A_254 = tpu.memref_slice %arg5[%run_scoped3A, %run_scoped3A_127, %dma_wait3A_253] : memref<2x8x128xi32, #tpu.memory_space<vmem>> -> memref<1x1x128xi32, #tpu.memory_space<vmem>>
        %dma_wait3A_255 = tpu.memref_squeeze %dma_wait3A_254 : memref<1x1x128xi32, #tpu.memory_space<vmem>> -> memref<128xi32, #tpu.memory_space<vmem>>
        %dma_wait3A_256 = arith.constant 0 : i32
        %dma_wait3A_257 = arith.constant 0 : i32
        %dma_wait3A_258 = tpu.memref_slice %arg8[%dma_wait3A_256, %dma_wait3A_257] : memref<10112x128xf32, #tpu.memory_space<vmem_shared>> -> memref<10112x128xf32, #tpu.memory_space<vmem_shared>>
        tpu.wait_indirect_dma semaphore(%run_scoped3A_246 : memref<!tpu.dma_semaphore, #tpu.memory_space<semaphore_mem>>) src(%arg6 : memref<128x128xf32, #tpu.memory_space<vmem>>) dst(%dma_wait3A_258 : memref<10112x128xf32, #tpu.memory_space<vmem_shared>>)
        tpu.yield
      }) : () -> ()
      %dma_start3A_128 = arith.constant 0 : i32
      %dma_start3A_129 = arith.constant 2 : i32
      %dma_start3A_130 = arith.constant 0 : i32
      %dma_start3A_131 = tpu.memref_slice %arg5[%dma_start3A_128, %dma_start3A_129, %dma_start3A_130] : memref<2x8x128xi32, #tpu.memory_space<vmem>> -> memref<1x1x128xi32, #tpu.memory_space<vmem>>
      %dma_start3A_132 = tpu.memref_squeeze %dma_start3A_131 : memref<1x1x128xi32, #tpu.memory_space<vmem>> -> memref<128xi32, #tpu.memory_space<vmem>>
      %dma_start3A_133 = arith.constant 0 : i32
      %dma_start3A_134 = arith.constant 0 : i32
      %dma_start3A_135 = tpu.memref_slice %arg2[%dma_start3A_133, %dma_start3A_134] : memref<10000x128xf32, #tpu.memory_space<hbm>> -> memref<10000x128xf32, #tpu.memory_space<hbm>>
      tpu.enqueue_indirect_dma source(%dma_start3A_135 : memref<10000x128xf32, #tpu.memory_space<hbm>>) target(%arg6 : memref<128x128xf32, #tpu.memory_space<vmem>>) offsets(%dma_start3A_132 : memref<128xi32, #tpu.memory_space<vmem>>) semaphore(%arg9 : memref<!tpu.dma_semaphore, #tpu.memory_space<semaphore_mem>>)
      %dma_wait3A_136 = arith.constant 0 : i32
      %dma_wait3A_137 = arith.constant 1 : i32
      %dma_wait3A_138 = arith.constant 0 : i32
      %dma_wait3A_139 = tpu.memref_slice %arg5[%dma_wait3A_136, %dma_wait3A_137, %dma_wait3A_138] : memref<2x8x128xi32, #tpu.memory_space<vmem>> -> memref<1x1x128xi32, #tpu.memory_space<vmem>>
      %dma_wait3A_140 = tpu.memref_squeeze %dma_wait3A_139 : memref<1x1x128xi32, #tpu.memory_space<vmem>> -> memref<128xi32, #tpu.memory_space<vmem>>
      %dma_wait3A_141 = arith.constant 0 : i32
      %dma_wait3A_142 = arith.constant 0 : i32
      %dma_wait3A_143 = tpu.memref_slice %arg2[%dma_wait3A_141, %dma_wait3A_142] : memref<10000x128xf32, #tpu.memory_space<hbm>> -> memref<10000x128xf32, #tpu.memory_space<hbm>>
      tpu.wait_indirect_dma semaphore(%arg10 : memref<!tpu.dma_semaphore, #tpu.memory_space<semaphore_mem>>) src(%dma_wait3A_143 : memref<10000x128xf32, #tpu.memory_space<hbm>>) dst(%arg7 : memref<128x128xf32, #tpu.memory_space<vmem>>)
      %run_scoped3A_144 = arith.constant 1 : i32
      %run_scoped3A_145 = arith.constant 1 : i32
      "tpu.region"() ({
        %run_scoped3A_246 = tpu.sem_alloc : memref<!tpu.dma_semaphore, #tpu.memory_space<semaphore_mem>>
        %dma_start3A_247 = arith.constant 0 : i32
        %dma_start3A_248 = tpu.memref_slice %arg5[%run_scoped3A_144, %run_scoped3A_145, %dma_start3A_247] : memref<2x8x128xi32, #tpu.memory_space<vmem>> -> memref<1x1x128xi32, #tpu.memory_space<vmem>>
        %dma_start3A_249 = tpu.memref_squeeze %dma_start3A_248 : memref<1x1x128xi32, #tpu.memory_space<vmem>> -> memref<128xi32, #tpu.memory_space<vmem>>
        %dma_start3A_250 = arith.constant 0 : i32
        %dma_start3A_251 = arith.constant 0 : i32
        %dma_start3A_252 = tpu.memref_slice %arg8[%dma_start3A_250, %dma_start3A_251] : memref<10112x128xf32, #tpu.memory_space<vmem_shared>> -> memref<10112x128xf32, #tpu.memory_space<vmem_shared>>
        tpu.enqueue_indirect_dma source(%arg7 : memref<128x128xf32, #tpu.memory_space<vmem>>) target(%dma_start3A_252 : memref<10112x128xf32, #tpu.memory_space<vmem_shared>>) offsets(%dma_start3A_249 : memref<128xi32, #tpu.memory_space<vmem>>) semaphore(%run_scoped3A_246 : memref<!tpu.dma_semaphore, #tpu.memory_space<semaphore_mem>>) {add = true}
        %dma_wait3A_253 = arith.constant 0 : i32
        %dma_wait3A_254 = tpu.memref_slice %arg5[%run_scoped3A_144, %run_scoped3A_145, %dma_wait3A_253] : memref<2x8x128xi32, #tpu.memory_space<vmem>> -> memref<1x1x128xi32, #tpu.memory_space<vmem>>
        %dma_wait3A_255 = tpu.memref_squeeze %dma_wait3A_254 : memref<1x1x128xi32, #tpu.memory_space<vmem>> -> memref<128xi32, #tpu.memory_space<vmem>>
        %dma_wait3A_256 = arith.constant 0 : i32
        %dma_wait3A_257 = arith.constant 0 : i32
        %dma_wait3A_258 = tpu.memref_slice %arg8[%dma_wait3A_256, %dma_wait3A_257] : memref<10112x128xf32, #tpu.memory_space<vmem_shared>> -> memref<10112x128xf32, #tpu.memory_space<vmem_shared>>
        tpu.wait_indirect_dma semaphore(%run_scoped3A_246 : memref<!tpu.dma_semaphore, #tpu.memory_space<semaphore_mem>>) src(%arg7 : memref<128x128xf32, #tpu.memory_space<vmem>>) dst(%dma_wait3A_258 : memref<10112x128xf32, #tpu.memory_space<vmem_shared>>)
        tpu.yield
      }) : () -> ()
      %dma_start3A_146 = arith.constant 0 : i32
      %dma_start3A_147 = arith.constant 3 : i32
      %dma_start3A_148 = arith.constant 0 : i32
      %dma_start3A_149 = tpu.memref_slice %arg5[%dma_start3A_146, %dma_start3A_147, %dma_start3A_148] : memref<2x8x128xi32, #tpu.memory_space<vmem>> -> memref<1x1x128xi32, #tpu.memory_space<vmem>>
      %dma_start3A_150 = tpu.memref_squeeze %dma_start3A_149 : memref<1x1x128xi32, #tpu.memory_space<vmem>> -> memref<128xi32, #tpu.memory_space<vmem>>
      %dma_start3A_151 = arith.constant 0 : i32
      %dma_start3A_152 = arith.constant 0 : i32
      %dma_start3A_153 = tpu.memref_slice %arg2[%dma_start3A_151, %dma_start3A_152] : memref<10000x128xf32, #tpu.memory_space<hbm>> -> memref<10000x128xf32, #tpu.memory_space<hbm>>
      tpu.enqueue_indirect_dma source(%dma_start3A_153 : memref<10000x128xf32, #tpu.memory_space<hbm>>) target(%arg7 : memref<128x128xf32, #tpu.memory_space<vmem>>) offsets(%dma_start3A_150 : memref<128xi32, #tpu.memory_space<vmem>>) semaphore(%arg10 : memref<!tpu.dma_semaphore, #tpu.memory_space<semaphore_mem>>)
      %dma_wait3A_154 = arith.constant 0 : i32
      %dma_wait3A_155 = arith.constant 2 : i32
      %dma_wait3A_156 = arith.constant 0 : i32
      %dma_wait3A_157 = tpu.memref_slice %arg5[%dma_wait3A_154, %dma_wait3A_155, %dma_wait3A_156] : memref<2x8x128xi32, #tpu.memory_space<vmem>> -> memref<1x1x128xi32, #tpu.memory_space<vmem>>
      %dma_wait3A_158 = tpu.memref_squeeze %dma_wait3A_157 : memref<1x1x128xi32, #tpu.memory_space<vmem>> -> memref<128xi32, #tpu.memory_space<vmem>>
      %dma_wait3A_159 = arith.constant 0 : i32
      %dma_wait3A_160 = arith.constant 0 : i32
      %dma_wait3A_161 = tpu.memref_slice %arg2[%dma_wait3A_159, %dma_wait3A_160] : memref<10000x128xf32, #tpu.memory_space<hbm>> -> memref<10000x128xf32, #tpu.memory_space<hbm>>
      tpu.wait_indirect_dma semaphore(%arg9 : memref<!tpu.dma_semaphore, #tpu.memory_space<semaphore_mem>>) src(%dma_wait3A_161 : memref<10000x128xf32, #tpu.memory_space<hbm>>) dst(%arg6 : memref<128x128xf32, #tpu.memory_space<vmem>>)
      %run_scoped3A_162 = arith.constant 1 : i32
      %run_scoped3A_163 = arith.constant 2 : i32
      "tpu.region"() ({
        %run_scoped3A_246 = tpu.sem_alloc : memref<!tpu.dma_semaphore, #tpu.memory_space<semaphore_mem>>
        %dma_start3A_247 = arith.constant 0 : i32
        %dma_start3A_248 = tpu.memref_slice %arg5[%run_scoped3A_162, %run_scoped3A_163, %dma_start3A_247] : memref<2x8x128xi32, #tpu.memory_space<vmem>> -> memref<1x1x128xi32, #tpu.memory_space<vmem>>
        %dma_start3A_249 = tpu.memref_squeeze %dma_start3A_248 : memref<1x1x128xi32, #tpu.memory_space<vmem>> -> memref<128xi32, #tpu.memory_space<vmem>>
        %dma_start3A_250 = arith.constant 0 : i32
        %dma_start3A_251 = arith.constant 0 : i32
        %dma_start3A_252 = tpu.memref_slice %arg8[%dma_start3A_250, %dma_start3A_251] : memref<10112x128xf32, #tpu.memory_space<vmem_shared>> -> memref<10112x128xf32, #tpu.memory_space<vmem_shared>>
        tpu.enqueue_indirect_dma source(%arg6 : memref<128x128xf32, #tpu.memory_space<vmem>>) target(%dma_start3A_252 : memref<10112x128xf32, #tpu.memory_space<vmem_shared>>) offsets(%dma_start3A_249 : memref<128xi32, #tpu.memory_space<vmem>>) semaphore(%run_scoped3A_246 : memref<!tpu.dma_semaphore, #tpu.memory_space<semaphore_mem>>) {add = true}
        %dma_wait3A_253 = arith.constant 0 : i32
        %dma_wait3A_254 = tpu.memref_slice %arg5[%run_scoped3A_162, %run_scoped3A_163, %dma_wait3A_253] : memref<2x8x128xi32, #tpu.memory_space<vmem>> -> memref<1x1x128xi32, #tpu.memory_space<vmem>>
        %dma_wait3A_255 = tpu.memref_squeeze %dma_wait3A_254 : memref<1x1x128xi32, #tpu.memory_space<vmem>> -> memref<128xi32, #tpu.memory_space<vmem>>
        %dma_wait3A_256 = arith.constant 0 : i32
        %dma_wait3A_257 = arith.constant 0 : i32
        %dma_wait3A_258 = tpu.memref_slice %arg8[%dma_wait3A_256, %dma_wait3A_257] : memref<10112x128xf32, #tpu.memory_space<vmem_shared>> -> memref<10112x128xf32, #tpu.memory_space<vmem_shared>>
        tpu.wait_indirect_dma semaphore(%run_scoped3A_246 : memref<!tpu.dma_semaphore, #tpu.memory_space<semaphore_mem>>) src(%arg6 : memref<128x128xf32, #tpu.memory_space<vmem>>) dst(%dma_wait3A_258 : memref<10112x128xf32, #tpu.memory_space<vmem_shared>>)
        tpu.yield
      }) : () -> ()
      %dma_start3A_164 = arith.constant 0 : i32
      %dma_start3A_165 = arith.constant 4 : i32
      %dma_start3A_166 = arith.constant 0 : i32
      %dma_start3A_167 = tpu.memref_slice %arg5[%dma_start3A_164, %dma_start3A_165, %dma_start3A_166] : memref<2x8x128xi32, #tpu.memory_space<vmem>> -> memref<1x1x128xi32, #tpu.memory_space<vmem>>
      %dma_start3A_168 = tpu.memref_squeeze %dma_start3A_167 : memref<1x1x128xi32, #tpu.memory_space<vmem>> -> memref<128xi32, #tpu.memory_space<vmem>>
      %dma_start3A_169 = arith.constant 0 : i32
      %dma_start3A_170 = arith.constant 0 : i32
      %dma_start3A_171 = tpu.memref_slice %arg2[%dma_start3A_169, %dma_start3A_170] : memref<10000x128xf32, #tpu.memory_space<hbm>> -> memref<10000x128xf32, #tpu.memory_space<hbm>>
      tpu.enqueue_indirect_dma source(%dma_start3A_171 : memref<10000x128xf32, #tpu.memory_space<hbm>>) target(%arg6 : memref<128x128xf32, #tpu.memory_space<vmem>>) offsets(%dma_start3A_168 : memref<128xi32, #tpu.memory_space<vmem>>) semaphore(%arg9 : memref<!tpu.dma_semaphore, #tpu.memory_space<semaphore_mem>>)
      %dma_wait3A_172 = arith.constant 0 : i32
      %dma_wait3A_173 = arith.constant 3 : i32
      %dma_wait3A_174 = arith.constant 0 : i32
      %dma_wait3A_175 = tpu.memref_slice %arg5[%dma_wait3A_172, %dma_wait3A_173, %dma_wait3A_174] : memref<2x8x128xi32, #tpu.memory_space<vmem>> -> memref<1x1x128xi32, #tpu.memory_space<vmem>>
      %dma_wait3A_176 = tpu.memref_squeeze %dma_wait3A_175 : memref<1x1x128xi32, #tpu.memory_space<vmem>> -> memref<128xi32, #tpu.memory_space<vmem>>
      %dma_wait3A_177 = arith.constant 0 : i32
      %dma_wait3A_178 = arith.constant 0 : i32
      %dma_wait3A_179 = tpu.memref_slice %arg2[%dma_wait3A_177, %dma_wait3A_178] : memref<10000x128xf32, #tpu.memory_space<hbm>> -> memref<10000x128xf32, #tpu.memory_space<hbm>>
      tpu.wait_indirect_dma semaphore(%arg10 : memref<!tpu.dma_semaphore, #tpu.memory_space<semaphore_mem>>) src(%dma_wait3A_179 : memref<10000x128xf32, #tpu.memory_space<hbm>>) dst(%arg7 : memref<128x128xf32, #tpu.memory_space<vmem>>)
      %run_scoped3A_180 = arith.constant 1 : i32
      %run_scoped3A_181 = arith.constant 3 : i32
      "tpu.region"() ({
        %run_scoped3A_246 = tpu.sem_alloc : memref<!tpu.dma_semaphore, #tpu.memory_space<semaphore_mem>>
        %dma_start3A_247 = arith.constant 0 : i32
        %dma_start3A_248 = tpu.memref_slice %arg5[%run_scoped3A_180, %run_scoped3A_181, %dma_start3A_247] : memref<2x8x128xi32, #tpu.memory_space<vmem>> -> memref<1x1x128xi32, #tpu.memory_space<vmem>>
        %dma_start3A_249 = tpu.memref_squeeze %dma_start3A_248 : memref<1x1x128xi32, #tpu.memory_space<vmem>> -> memref<128xi32, #tpu.memory_space<vmem>>
        %dma_start3A_250 = arith.constant 0 : i32
        %dma_start3A_251 = arith.constant 0 : i32
        %dma_start3A_252 = tpu.memref_slice %arg8[%dma_start3A_250, %dma_start3A_251] : memref<10112x128xf32, #tpu.memory_space<vmem_shared>> -> memref<10112x128xf32, #tpu.memory_space<vmem_shared>>
        tpu.enqueue_indirect_dma source(%arg7 : memref<128x128xf32, #tpu.memory_space<vmem>>) target(%dma_start3A_252 : memref<10112x128xf32, #tpu.memory_space<vmem_shared>>) offsets(%dma_start3A_249 : memref<128xi32, #tpu.memory_space<vmem>>) semaphore(%run_scoped3A_246 : memref<!tpu.dma_semaphore, #tpu.memory_space<semaphore_mem>>) {add = true}
        %dma_wait3A_253 = arith.constant 0 : i32
        %dma_wait3A_254 = tpu.memref_slice %arg5[%run_scoped3A_180, %run_scoped3A_181, %dma_wait3A_253] : memref<2x8x128xi32, #tpu.memory_space<vmem>> -> memref<1x1x128xi32, #tpu.memory_space<vmem>>
        %dma_wait3A_255 = tpu.memref_squeeze %dma_wait3A_254 : memref<1x1x128xi32, #tpu.memory_space<vmem>> -> memref<128xi32, #tpu.memory_space<vmem>>
        %dma_wait3A_256 = arith.constant 0 : i32
        %dma_wait3A_257 = arith.constant 0 : i32
        %dma_wait3A_258 = tpu.memref_slice %arg8[%dma_wait3A_256, %dma_wait3A_257] : memref<10112x128xf32, #tpu.memory_space<vmem_shared>> -> memref<10112x128xf32, #tpu.memory_space<vmem_shared>>
        tpu.wait_indirect_dma semaphore(%run_scoped3A_246 : memref<!tpu.dma_semaphore, #tpu.memory_space<semaphore_mem>>) src(%arg7 : memref<128x128xf32, #tpu.memory_space<vmem>>) dst(%dma_wait3A_258 : memref<10112x128xf32, #tpu.memory_space<vmem_shared>>)
        tpu.yield
      }) : () -> ()
      %dma_start3A_182 = arith.constant 0 : i32
      %dma_start3A_183 = arith.constant 5 : i32
      %dma_start3A_184 = arith.constant 0 : i32
      %dma_start3A_185 = tpu.memref_slice %arg5[%dma_start3A_182, %dma_start3A_183, %dma_start3A_184] : memref<2x8x128xi32, #tpu.memory_space<vmem>> -> memref<1x1x128xi32, #tpu.memory_space<vmem>>
      %dma_start3A_186 = tpu.memref_squeeze %dma_start3A_185 : memref<1x1x128xi32, #tpu.memory_space<vmem>> -> memref<128xi32, #tpu.memory_space<vmem>>
      %dma_start3A_187 = arith.constant 0 : i32
      %dma_start3A_188 = arith.constant 0 : i32
      %dma_start3A_189 = tpu.memref_slice %arg2[%dma_start3A_187, %dma_start3A_188] : memref<10000x128xf32, #tpu.memory_space<hbm>> -> memref<10000x128xf32, #tpu.memory_space<hbm>>
      tpu.enqueue_indirect_dma source(%dma_start3A_189 : memref<10000x128xf32, #tpu.memory_space<hbm>>) target(%arg7 : memref<128x128xf32, #tpu.memory_space<vmem>>) offsets(%dma_start3A_186 : memref<128xi32, #tpu.memory_space<vmem>>) semaphore(%arg10 : memref<!tpu.dma_semaphore, #tpu.memory_space<semaphore_mem>>)
      %dma_wait3A_190 = arith.constant 0 : i32
      %dma_wait3A_191 = arith.constant 4 : i32
      %dma_wait3A_192 = arith.constant 0 : i32
      %dma_wait3A_193 = tpu.memref_slice %arg5[%dma_wait3A_190, %dma_wait3A_191, %dma_wait3A_192] : memref<2x8x128xi32, #tpu.memory_space<vmem>> -> memref<1x1x128xi32, #tpu.memory_space<vmem>>
      %dma_wait3A_194 = tpu.memref_squeeze %dma_wait3A_193 : memref<1x1x128xi32, #tpu.memory_space<vmem>> -> memref<128xi32, #tpu.memory_space<vmem>>
      %dma_wait3A_195 = arith.constant 0 : i32
      %dma_wait3A_196 = arith.constant 0 : i32
      %dma_wait3A_197 = tpu.memref_slice %arg2[%dma_wait3A_195, %dma_wait3A_196] : memref<10000x128xf32, #tpu.memory_space<hbm>> -> memref<10000x128xf32, #tpu.memory_space<hbm>>
      tpu.wait_indirect_dma semaphore(%arg9 : memref<!tpu.dma_semaphore, #tpu.memory_space<semaphore_mem>>) src(%dma_wait3A_197 : memref<10000x128xf32, #tpu.memory_space<hbm>>) dst(%arg6 : memref<128x128xf32, #tpu.memory_space<vmem>>)
      %run_scoped3A_198 = arith.constant 1 : i32
      %run_scoped3A_199 = arith.constant 4 : i32
      "tpu.region"() ({
        %run_scoped3A_246 = tpu.sem_alloc : memref<!tpu.dma_semaphore, #tpu.memory_space<semaphore_mem>>
        %dma_start3A_247 = arith.constant 0 : i32
        %dma_start3A_248 = tpu.memref_slice %arg5[%run_scoped3A_198, %run_scoped3A_199, %dma_start3A_247] : memref<2x8x128xi32, #tpu.memory_space<vmem>> -> memref<1x1x128xi32, #tpu.memory_space<vmem>>
        %dma_start3A_249 = tpu.memref_squeeze %dma_start3A_248 : memref<1x1x128xi32, #tpu.memory_space<vmem>> -> memref<128xi32, #tpu.memory_space<vmem>>
        %dma_start3A_250 = arith.constant 0 : i32
        %dma_start3A_251 = arith.constant 0 : i32
        %dma_start3A_252 = tpu.memref_slice %arg8[%dma_start3A_250, %dma_start3A_251] : memref<10112x128xf32, #tpu.memory_space<vmem_shared>> -> memref<10112x128xf32, #tpu.memory_space<vmem_shared>>
        tpu.enqueue_indirect_dma source(%arg6 : memref<128x128xf32, #tpu.memory_space<vmem>>) target(%dma_start3A_252 : memref<10112x128xf32, #tpu.memory_space<vmem_shared>>) offsets(%dma_start3A_249 : memref<128xi32, #tpu.memory_space<vmem>>) semaphore(%run_scoped3A_246 : memref<!tpu.dma_semaphore, #tpu.memory_space<semaphore_mem>>) {add = true}
        %dma_wait3A_253 = arith.constant 0 : i32
        %dma_wait3A_254 = tpu.memref_slice %arg5[%run_scoped3A_198, %run_scoped3A_199, %dma_wait3A_253] : memref<2x8x128xi32, #tpu.memory_space<vmem>> -> memref<1x1x128xi32, #tpu.memory_space<vmem>>
        %dma_wait3A_255 = tpu.memref_squeeze %dma_wait3A_254 : memref<1x1x128xi32, #tpu.memory_space<vmem>> -> memref<128xi32, #tpu.memory_space<vmem>>
        %dma_wait3A_256 = arith.constant 0 : i32
        %dma_wait3A_257 = arith.constant 0 : i32
        %dma_wait3A_258 = tpu.memref_slice %arg8[%dma_wait3A_256, %dma_wait3A_257] : memref<10112x128xf32, #tpu.memory_space<vmem_shared>> -> memref<10112x128xf32, #tpu.memory_space<vmem_shared>>
        tpu.wait_indirect_dma semaphore(%run_scoped3A_246 : memref<!tpu.dma_semaphore, #tpu.memory_space<semaphore_mem>>) src(%arg6 : memref<128x128xf32, #tpu.memory_space<vmem>>) dst(%dma_wait3A_258 : memref<10112x128xf32, #tpu.memory_space<vmem_shared>>)
        tpu.yield
      }) : () -> ()
      %dma_start3A_200 = arith.constant 0 : i32
      %dma_start3A_201 = arith.constant 6 : i32
      %dma_start3A_202 = arith.constant 0 : i32
      %dma_start3A_203 = tpu.memref_slice %arg5[%dma_start3A_200, %dma_start3A_201, %dma_start3A_202] : memref<2x8x128xi32, #tpu.memory_space<vmem>> -> memref<1x1x128xi32, #tpu.memory_space<vmem>>
      %dma_start3A_204 = tpu.memref_squeeze %dma_start3A_203 : memref<1x1x128xi32, #tpu.memory_space<vmem>> -> memref<128xi32, #tpu.memory_space<vmem>>
      %dma_start3A_205 = arith.constant 0 : i32
      %dma_start3A_206 = arith.constant 0 : i32
      %dma_start3A_207 = tpu.memref_slice %arg2[%dma_start3A_205, %dma_start3A_206] : memref<10000x128xf32, #tpu.memory_space<hbm>> -> memref<10000x128xf32, #tpu.memory_space<hbm>>
      tpu.enqueue_indirect_dma source(%dma_start3A_207 : memref<10000x128xf32, #tpu.memory_space<hbm>>) target(%arg6 : memref<128x128xf32, #tpu.memory_space<vmem>>) offsets(%dma_start3A_204 : memref<128xi32, #tpu.memory_space<vmem>>) semaphore(%arg9 : memref<!tpu.dma_semaphore, #tpu.memory_space<semaphore_mem>>)
      %dma_wait3A_208 = arith.constant 0 : i32
      %dma_wait3A_209 = arith.constant 5 : i32
      %dma_wait3A_210 = arith.constant 0 : i32
      %dma_wait3A_211 = tpu.memref_slice %arg5[%dma_wait3A_208, %dma_wait3A_209, %dma_wait3A_210] : memref<2x8x128xi32, #tpu.memory_space<vmem>> -> memref<1x1x128xi32, #tpu.memory_space<vmem>>
      %dma_wait3A_212 = tpu.memref_squeeze %dma_wait3A_211 : memref<1x1x128xi32, #tpu.memory_space<vmem>> -> memref<128xi32, #tpu.memory_space<vmem>>
      %dma_wait3A_213 = arith.constant 0 : i32
      %dma_wait3A_214 = arith.constant 0 : i32
      %dma_wait3A_215 = tpu.memref_slice %arg2[%dma_wait3A_213, %dma_wait3A_214] : memref<10000x128xf32, #tpu.memory_space<hbm>> -> memref<10000x128xf32, #tpu.memory_space<hbm>>
      tpu.wait_indirect_dma semaphore(%arg10 : memref<!tpu.dma_semaphore, #tpu.memory_space<semaphore_mem>>) src(%dma_wait3A_215 : memref<10000x128xf32, #tpu.memory_space<hbm>>) dst(%arg7 : memref<128x128xf32, #tpu.memory_space<vmem>>)
      %run_scoped3A_216 = arith.constant 1 : i32
      %run_scoped3A_217 = arith.constant 5 : i32
      "tpu.region"() ({
        %run_scoped3A_246 = tpu.sem_alloc : memref<!tpu.dma_semaphore, #tpu.memory_space<semaphore_mem>>
        %dma_start3A_247 = arith.constant 0 : i32
        %dma_start3A_248 = tpu.memref_slice %arg5[%run_scoped3A_216, %run_scoped3A_217, %dma_start3A_247] : memref<2x8x128xi32, #tpu.memory_space<vmem>> -> memref<1x1x128xi32, #tpu.memory_space<vmem>>
        %dma_start3A_249 = tpu.memref_squeeze %dma_start3A_248 : memref<1x1x128xi32, #tpu.memory_space<vmem>> -> memref<128xi32, #tpu.memory_space<vmem>>
        %dma_start3A_250 = arith.constant 0 : i32
        %dma_start3A_251 = arith.constant 0 : i32
        %dma_start3A_252 = tpu.memref_slice %arg8[%dma_start3A_250, %dma_start3A_251] : memref<10112x128xf32, #tpu.memory_space<vmem_shared>> -> memref<10112x128xf32, #tpu.memory_space<vmem_shared>>
        tpu.enqueue_indirect_dma source(%arg7 : memref<128x128xf32, #tpu.memory_space<vmem>>) target(%dma_start3A_252 : memref<10112x128xf32, #tpu.memory_space<vmem_shared>>) offsets(%dma_start3A_249 : memref<128xi32, #tpu.memory_space<vmem>>) semaphore(%run_scoped3A_246 : memref<!tpu.dma_semaphore, #tpu.memory_space<semaphore_mem>>) {add = true}
        %dma_wait3A_253 = arith.constant 0 : i32
        %dma_wait3A_254 = tpu.memref_slice %arg5[%run_scoped3A_216, %run_scoped3A_217, %dma_wait3A_253] : memref<2x8x128xi32, #tpu.memory_space<vmem>> -> memref<1x1x128xi32, #tpu.memory_space<vmem>>
        %dma_wait3A_255 = tpu.memref_squeeze %dma_wait3A_254 : memref<1x1x128xi32, #tpu.memory_space<vmem>> -> memref<128xi32, #tpu.memory_space<vmem>>
        %dma_wait3A_256 = arith.constant 0 : i32
        %dma_wait3A_257 = arith.constant 0 : i32
        %dma_wait3A_258 = tpu.memref_slice %arg8[%dma_wait3A_256, %dma_wait3A_257] : memref<10112x128xf32, #tpu.memory_space<vmem_shared>> -> memref<10112x128xf32, #tpu.memory_space<vmem_shared>>
        tpu.wait_indirect_dma semaphore(%run_scoped3A_246 : memref<!tpu.dma_semaphore, #tpu.memory_space<semaphore_mem>>) src(%arg7 : memref<128x128xf32, #tpu.memory_space<vmem>>) dst(%dma_wait3A_258 : memref<10112x128xf32, #tpu.memory_space<vmem_shared>>)
        tpu.yield
      }) : () -> ()
      %dma_start3A_218 = arith.constant 0 : i32
      %dma_start3A_219 = arith.constant 7 : i32
      %dma_start3A_220 = arith.constant 0 : i32
      %dma_start3A_221 = tpu.memref_slice %arg5[%dma_start3A_218, %dma_start3A_219, %dma_start3A_220] : memref<2x8x128xi32, #tpu.memory_space<vmem>> -> memref<1x1x128xi32, #tpu.memory_space<vmem>>
      %dma_start3A_222 = tpu.memref_squeeze %dma_start3A_221 : memref<1x1x128xi32, #tpu.memory_space<vmem>> -> memref<128xi32, #tpu.memory_space<vmem>>
      %dma_start3A_223 = arith.constant 0 : i32
      %dma_start3A_224 = arith.constant 0 : i32
      %dma_start3A_225 = tpu.memref_slice %arg2[%dma_start3A_223, %dma_start3A_224] : memref<10000x128xf32, #tpu.memory_space<hbm>> -> memref<10000x128xf32, #tpu.memory_space<hbm>>
      tpu.enqueue_indirect_dma source(%dma_start3A_225 : memref<10000x128xf32, #tpu.memory_space<hbm>>) target(%arg7 : memref<128x128xf32, #tpu.memory_space<vmem>>) offsets(%dma_start3A_222 : memref<128xi32, #tpu.memory_space<vmem>>) semaphore(%arg10 : memref<!tpu.dma_semaphore, #tpu.memory_space<semaphore_mem>>)
      %dma_wait3A_226 = arith.constant 0 : i32
      %dma_wait3A_227 = arith.constant 6 : i32
      %dma_wait3A_228 = arith.constant 0 : i32
      %dma_wait3A_229 = tpu.memref_slice %arg5[%dma_wait3A_226, %dma_wait3A_227, %dma_wait3A_228] : memref<2x8x128xi32, #tpu.memory_space<vmem>> -> memref<1x1x128xi32, #tpu.memory_space<vmem>>
      %dma_wait3A_230 = tpu.memref_squeeze %dma_wait3A_229 : memref<1x1x128xi32, #tpu.memory_space<vmem>> -> memref<128xi32, #tpu.memory_space<vmem>>
      %dma_wait3A_231 = arith.constant 0 : i32
      %dma_wait3A_232 = arith.constant 0 : i32
      %dma_wait3A_233 = tpu.memref_slice %arg2[%dma_wait3A_231, %dma_wait3A_232] : memref<10000x128xf32, #tpu.memory_space<hbm>> -> memref<10000x128xf32, #tpu.memory_space<hbm>>
      tpu.wait_indirect_dma semaphore(%arg9 : memref<!tpu.dma_semaphore, #tpu.memory_space<semaphore_mem>>) src(%dma_wait3A_233 : memref<10000x128xf32, #tpu.memory_space<hbm>>) dst(%arg6 : memref<128x128xf32, #tpu.memory_space<vmem>>)
      %run_scoped3A_234 = arith.constant 1 : i32
      %run_scoped3A_235 = arith.constant 6 : i32
      "tpu.region"() ({
        %run_scoped3A_246 = tpu.sem_alloc : memref<!tpu.dma_semaphore, #tpu.memory_space<semaphore_mem>>
        %dma_start3A_247 = arith.constant 0 : i32
        %dma_start3A_248 = tpu.memref_slice %arg5[%run_scoped3A_234, %run_scoped3A_235, %dma_start3A_247] : memref<2x8x128xi32, #tpu.memory_space<vmem>> -> memref<1x1x128xi32, #tpu.memory_space<vmem>>
        %dma_start3A_249 = tpu.memref_squeeze %dma_start3A_248 : memref<1x1x128xi32, #tpu.memory_space<vmem>> -> memref<128xi32, #tpu.memory_space<vmem>>
        %dma_start3A_250 = arith.constant 0 : i32
        %dma_start3A_251 = arith.constant 0 : i32
        %dma_start3A_252 = tpu.memref_slice %arg8[%dma_start3A_250, %dma_start3A_251] : memref<10112x128xf32, #tpu.memory_space<vmem_shared>> -> memref<10112x128xf32, #tpu.memory_space<vmem_shared>>
        tpu.enqueue_indirect_dma source(%arg6 : memref<128x128xf32, #tpu.memory_space<vmem>>) target(%dma_start3A_252 : memref<10112x128xf32, #tpu.memory_space<vmem_shared>>) offsets(%dma_start3A_249 : memref<128xi32, #tpu.memory_space<vmem>>) semaphore(%run_scoped3A_246 : memref<!tpu.dma_semaphore, #tpu.memory_space<semaphore_mem>>) {add = true}
        %dma_wait3A_253 = arith.constant 0 : i32
        %dma_wait3A_254 = tpu.memref_slice %arg5[%run_scoped3A_234, %run_scoped3A_235, %dma_wait3A_253] : memref<2x8x128xi32, #tpu.memory_space<vmem>> -> memref<1x1x128xi32, #tpu.memory_space<vmem>>
        %dma_wait3A_255 = tpu.memref_squeeze %dma_wait3A_254 : memref<1x1x128xi32, #tpu.memory_space<vmem>> -> memref<128xi32, #tpu.memory_space<vmem>>
        %dma_wait3A_256 = arith.constant 0 : i32
        %dma_wait3A_257 = arith.constant 0 : i32
        %dma_wait3A_258 = tpu.memref_slice %arg8[%dma_wait3A_256, %dma_wait3A_257] : memref<10112x128xf32, #tpu.memory_space<vmem_shared>> -> memref<10112x128xf32, #tpu.memory_space<vmem_shared>>
        tpu.wait_indirect_dma semaphore(%run_scoped3A_246 : memref<!tpu.dma_semaphore, #tpu.memory_space<semaphore_mem>>) src(%arg6 : memref<128x128xf32, #tpu.memory_space<vmem>>) dst(%dma_wait3A_258 : memref<10112x128xf32, #tpu.memory_space<vmem_shared>>)
        tpu.yield
      }) : () -> ()
      %dma_wait3A_236 = arith.constant 0 : i32
      %dma_wait3A_237 = arith.constant 7 : i32
      %dma_wait3A_238 = arith.constant 0 : i32
      %dma_wait3A_239 = tpu.memref_slice %arg5[%dma_wait3A_236, %dma_wait3A_237, %dma_wait3A_238] : memref<2x8x128xi32, #tpu.memory_space<vmem>> -> memref<1x1x128xi32, #tpu.memory_space<vmem>>
      %dma_wait3A_240 = tpu.memref_squeeze %dma_wait3A_239 : memref<1x1x128xi32, #tpu.memory_space<vmem>> -> memref<128xi32, #tpu.memory_space<vmem>>
      %dma_wait3A_241 = arith.constant 0 : i32
      %dma_wait3A_242 = arith.constant 0 : i32
      %dma_wait3A_243 = tpu.memref_slice %arg2[%dma_wait3A_241, %dma_wait3A_242] : memref<10000x128xf32, #tpu.memory_space<hbm>> -> memref<10000x128xf32, #tpu.memory_space<hbm>>
      tpu.wait_indirect_dma semaphore(%arg10 : memref<!tpu.dma_semaphore, #tpu.memory_space<semaphore_mem>>) src(%dma_wait3A_243 : memref<10000x128xf32, #tpu.memory_space<hbm>>) dst(%arg7 : memref<128x128xf32, #tpu.memory_space<vmem>>)
      %run_scoped3A_244 = arith.constant 1 : i32
      %run_scoped3A_245 = arith.constant 7 : i32
      "tpu.region"() ({
        %run_scoped3A_246 = tpu.sem_alloc : memref<!tpu.dma_semaphore, #tpu.memory_space<semaphore_mem>>
        %dma_start3A_247 = arith.constant 0 : i32
        %dma_start3A_248 = tpu.memref_slice %arg5[%run_scoped3A_244, %run_scoped3A_245, %dma_start3A_247] : memref<2x8x128xi32, #tpu.memory_space<vmem>> -> memref<1x1x128xi32, #tpu.memory_space<vmem>>
        %dma_start3A_249 = tpu.memref_squeeze %dma_start3A_248 : memref<1x1x128xi32, #tpu.memory_space<vmem>> -> memref<128xi32, #tpu.memory_space<vmem>>
        %dma_start3A_250 = arith.constant 0 : i32
        %dma_start3A_251 = arith.constant 0 : i32
        %dma_start3A_252 = tpu.memref_slice %arg8[%dma_start3A_250, %dma_start3A_251] : memref<10112x128xf32, #tpu.memory_space<vmem_shared>> -> memref<10112x128xf32, #tpu.memory_space<vmem_shared>>
        tpu.enqueue_indirect_dma source(%arg7 : memref<128x128xf32, #tpu.memory_space<vmem>>) target(%dma_start3A_252 : memref<10112x128xf32, #tpu.memory_space<vmem_shared>>) offsets(%dma_start3A_249 : memref<128xi32, #tpu.memory_space<vmem>>) semaphore(%run_scoped3A_246 : memref<!tpu.dma_semaphore, #tpu.memory_space<semaphore_mem>>) {add = true}
        %dma_wait3A_253 = arith.constant 0 : i32
        %dma_wait3A_254 = tpu.memref_slice %arg5[%run_scoped3A_244, %run_scoped3A_245, %dma_wait3A_253] : memref<2x8x128xi32, #tpu.memory_space<vmem>> -> memref<1x1x128xi32, #tpu.memory_space<vmem>>
        %dma_wait3A_255 = tpu.memref_squeeze %dma_wait3A_254 : memref<1x1x128xi32, #tpu.memory_space<vmem>> -> memref<128xi32, #tpu.memory_space<vmem>>
        %dma_wait3A_256 = arith.constant 0 : i32
        %dma_wait3A_257 = arith.constant 0 : i32
        %dma_wait3A_258 = tpu.memref_slice %arg8[%dma_wait3A_256, %dma_wait3A_257] : memref<10112x128xf32, #tpu.memory_space<vmem_shared>> -> memref<10112x128xf32, #tpu.memory_space<vmem_shared>>
        tpu.wait_indirect_dma semaphore(%run_scoped3A_246 : memref<!tpu.dma_semaphore, #tpu.memory_space<semaphore_mem>>) src(%arg7 : memref<128x128xf32, #tpu.memory_space<vmem>>) dst(%dma_wait3A_258 : memref<10112x128xf32, #tpu.memory_space<vmem_shared>>)
        tpu.yield
      }) : () -> ()
    }
    %barrier3A_58 = arith.constant 0 : index
    tpu.barrier barrier_id(%barrier3A_58)
    %add3A_59 = arith.constant 0 : i32
    %add3A_60 = arith.addi %arg1, %add3A_59 : i32
    %min3A_61 = arith.constant 78 : i32
    %min3A_62 = arith.minsi %add3A_60, %min3A_61 : i32
    %mul3A_63 = arith.constant 128 : i32
    %mul3A_64 = arith.muli %min3A_62, %mul3A_63 : i32
    %min3A_65 = arith.constant 9872 : i32
    %min3A_66 = arith.minsi %mul3A_64, %min3A_65 : i32
    "tpu.region"() ({
      %run_scoped3A = tpu.sem_alloc : memref<!tpu.dma_semaphore, #tpu.memory_space<semaphore_mem>>
      %dma_start3A = arith.constant 0 : i32
      %dma_start3A_99 = tpu.memref_slice %arg4[%arg0, %min3A_66, %dma_start3A] : memref<2x10000x128xf32, #tpu.memory_space<hbm>> -> memref<1x128x128xf32, #tpu.memory_space<hbm>>
      %dma_start3A_100 = tpu.memref_squeeze %dma_start3A_99 : memref<1x128x128xf32, #tpu.memory_space<hbm>> -> memref<128x128xf32, #tpu.memory_space<hbm>>
      %dma_start3A_101 = arith.constant 0 : i32
      %dma_start3A_102 = tpu.memref_slice %arg8[%min3A_66, %dma_start3A_101] : memref<10112x128xf32, #tpu.memory_space<vmem_shared>> -> memref<128x128xf32, #tpu.memory_space<vmem_shared>>
      tpu.enqueue_dma source(%dma_start3A_102 : memref<128x128xf32, #tpu.memory_space<vmem_shared>>) target(%dma_start3A_100 : memref<128x128xf32, #tpu.memory_space<hbm>>) target_semaphore(%run_scoped3A : memref<!tpu.dma_semaphore, #tpu.memory_space<semaphore_mem>>)
      %dma_wait3A = arith.constant 0 : i32
      %dma_wait3A_103 = tpu.memref_slice %arg4[%arg0, %min3A_66, %dma_wait3A] : memref<2x10000x128xf32, #tpu.memory_space<hbm>> -> memref<1x128x128xf32, #tpu.memory_space<hbm>>
      %dma_wait3A_104 = tpu.memref_squeeze %dma_wait3A_103 : memref<1x128x128xf32, #tpu.memory_space<hbm>> -> memref<128x128xf32, #tpu.memory_space<hbm>>
      %dma_wait3A_105 = arith.constant 0 : i32
      %dma_wait3A_106 = tpu.memref_slice %arg8[%min3A_66, %dma_wait3A_105] : memref<10112x128xf32, #tpu.memory_space<vmem_shared>> -> memref<128x128xf32, #tpu.memory_space<vmem_shared>>
      tpu.wait_dma2 semaphore(%run_scoped3A : memref<!tpu.dma_semaphore, #tpu.memory_space<semaphore_mem>>) src(%dma_wait3A_106 : memref<128x128xf32, #tpu.memory_space<vmem_shared>>) dst(%dma_wait3A_104 : memref<128x128xf32, #tpu.memory_space<hbm>>)
      tpu.yield
    }) : () -> ()
    %add3A_67 = arith.constant 16 : i32
    %add3A_68 = arith.addi %arg1, %add3A_67 : i32
    %min3A_69 = arith.constant 78 : i32
    %min3A_70 = arith.minsi %add3A_68, %min3A_69 : i32
    %mul3A_71 = arith.constant 128 : i32
    %mul3A_72 = arith.muli %min3A_70, %mul3A_71 : i32
    %min3A_73 = arith.constant 9872 : i32
    %min3A_74 = arith.minsi %mul3A_72, %min3A_73 : i32
    "tpu.region"() ({
      %run_scoped3A = tpu.sem_alloc : memref<!tpu.dma_semaphore, #tpu.memory_space<semaphore_mem>>
      %dma_start3A = arith.constant 0 : i32
      %dma_start3A_99 = tpu.memref_slice %arg4[%arg0, %min3A_74, %dma_start3A] : memref<2x10000x128xf32, #tpu.memory_space<hbm>> -> memref<1x128x128xf32, #tpu.memory_space<hbm>>
      %dma_start3A_100 = tpu.memref_squeeze %dma_start3A_99 : memref<1x128x128xf32, #tpu.memory_space<hbm>> -> memref<128x128xf32, #tpu.memory_space<hbm>>
      %dma_start3A_101 = arith.constant 0 : i32
      %dma_start3A_102 = tpu.memref_slice %arg8[%min3A_74, %dma_start3A_101] : memref<10112x128xf32, #tpu.memory_space<vmem_shared>> -> memref<128x128xf32, #tpu.memory_space<vmem_shared>>
      tpu.enqueue_dma source(%dma_start3A_102 : memref<128x128xf32, #tpu.memory_space<vmem_shared>>) target(%dma_start3A_100 : memref<128x128xf32, #tpu.memory_space<hbm>>) target_semaphore(%run_scoped3A : memref<!tpu.dma_semaphore, #tpu.memory_space<semaphore_mem>>)
      %dma_wait3A = arith.constant 0 : i32
      %dma_wait3A_103 = tpu.memref_slice %arg4[%arg0, %min3A_74, %dma_wait3A] : memref<2x10000x128xf32, #tpu.memory_space<hbm>> -> memref<1x128x128xf32, #tpu.memory_space<hbm>>
      %dma_wait3A_104 = tpu.memref_squeeze %dma_wait3A_103 : memref<1x128x128xf32, #tpu.memory_space<hbm>> -> memref<128x128xf32, #tpu.memory_space<hbm>>
      %dma_wait3A_105 = arith.constant 0 : i32
      %dma_wait3A_106 = tpu.memref_slice %arg8[%min3A_74, %dma_wait3A_105] : memref<10112x128xf32, #tpu.memory_space<vmem_shared>> -> memref<128x128xf32, #tpu.memory_space<vmem_shared>>
      tpu.wait_dma2 semaphore(%run_scoped3A : memref<!tpu.dma_semaphore, #tpu.memory_space<semaphore_mem>>) src(%dma_wait3A_106 : memref<128x128xf32, #tpu.memory_space<vmem_shared>>) dst(%dma_wait3A_104 : memref<128x128xf32, #tpu.memory_space<hbm>>)
      tpu.yield
    }) : () -> ()
    %add3A_75 = arith.constant 32 : i32
    %add3A_76 = arith.addi %arg1, %add3A_75 : i32
    %min3A_77 = arith.constant 78 : i32
    %min3A_78 = arith.minsi %add3A_76, %min3A_77 : i32
    %mul3A_79 = arith.constant 128 : i32
    %mul3A_80 = arith.muli %min3A_78, %mul3A_79 : i32
    %min3A_81 = arith.constant 9872 : i32
    %min3A_82 = arith.minsi %mul3A_80, %min3A_81 : i32
    "tpu.region"() ({
      %run_scoped3A = tpu.sem_alloc : memref<!tpu.dma_semaphore, #tpu.memory_space<semaphore_mem>>
      %dma_start3A = arith.constant 0 : i32
      %dma_start3A_99 = tpu.memref_slice %arg4[%arg0, %min3A_82, %dma_start3A] : memref<2x10000x128xf32, #tpu.memory_space<hbm>> -> memref<1x128x128xf32, #tpu.memory_space<hbm>>
      %dma_start3A_100 = tpu.memref_squeeze %dma_start3A_99 : memref<1x128x128xf32, #tpu.memory_space<hbm>> -> memref<128x128xf32, #tpu.memory_space<hbm>>
      %dma_start3A_101 = arith.constant 0 : i32
      %dma_start3A_102 = tpu.memref_slice %arg8[%min3A_82, %dma_start3A_101] : memref<10112x128xf32, #tpu.memory_space<vmem_shared>> -> memref<128x128xf32, #tpu.memory_space<vmem_shared>>
      tpu.enqueue_dma source(%dma_start3A_102 : memref<128x128xf32, #tpu.memory_space<vmem_shared>>) target(%dma_start3A_100 : memref<128x128xf32, #tpu.memory_space<hbm>>) target_semaphore(%run_scoped3A : memref<!tpu.dma_semaphore, #tpu.memory_space<semaphore_mem>>)
      %dma_wait3A = arith.constant 0 : i32
      %dma_wait3A_103 = tpu.memref_slice %arg4[%arg0, %min3A_82, %dma_wait3A] : memref<2x10000x128xf32, #tpu.memory_space<hbm>> -> memref<1x128x128xf32, #tpu.memory_space<hbm>>
      %dma_wait3A_104 = tpu.memref_squeeze %dma_wait3A_103 : memref<1x128x128xf32, #tpu.memory_space<hbm>> -> memref<128x128xf32, #tpu.memory_space<hbm>>
      %dma_wait3A_105 = arith.constant 0 : i32
      %dma_wait3A_106 = tpu.memref_slice %arg8[%min3A_82, %dma_wait3A_105] : memref<10112x128xf32, #tpu.memory_space<vmem_shared>> -> memref<128x128xf32, #tpu.memory_space<vmem_shared>>
      tpu.wait_dma2 semaphore(%run_scoped3A : memref<!tpu.dma_semaphore, #tpu.memory_space<semaphore_mem>>) src(%dma_wait3A_106 : memref<128x128xf32, #tpu.memory_space<vmem_shared>>) dst(%dma_wait3A_104 : memref<128x128xf32, #tpu.memory_space<hbm>>)
      tpu.yield
    }) : () -> ()
    %add3A_83 = arith.constant 48 : i32
    %add3A_84 = arith.addi %arg1, %add3A_83 : i32
    %min3A_85 = arith.constant 78 : i32
    %min3A_86 = arith.minsi %add3A_84, %min3A_85 : i32
    %mul3A_87 = arith.constant 128 : i32
    %mul3A_88 = arith.muli %min3A_86, %mul3A_87 : i32
    %min3A_89 = arith.constant 9872 : i32
    %min3A_90 = arith.minsi %mul3A_88, %min3A_89 : i32
    "tpu.region"() ({
      %run_scoped3A = tpu.sem_alloc : memref<!tpu.dma_semaphore, #tpu.memory_space<semaphore_mem>>
      %dma_start3A = arith.constant 0 : i32
      %dma_start3A_99 = tpu.memref_slice %arg4[%arg0, %min3A_90, %dma_start3A] : memref<2x10000x128xf32, #tpu.memory_space<hbm>> -> memref<1x128x128xf32, #tpu.memory_space<hbm>>
      %dma_start3A_100 = tpu.memref_squeeze %dma_start3A_99 : memref<1x128x128xf32, #tpu.memory_space<hbm>> -> memref<128x128xf32, #tpu.memory_space<hbm>>
      %dma_start3A_101 = arith.constant 0 : i32
      %dma_start3A_102 = tpu.memref_slice %arg8[%min3A_90, %dma_start3A_101] : memref<10112x128xf32, #tpu.memory_space<vmem_shared>> -> memref<128x128xf32, #tpu.memory_space<vmem_shared>>
      tpu.enqueue_dma source(%dma_start3A_102 : memref<128x128xf32, #tpu.memory_space<vmem_shared>>) target(%dma_start3A_100 : memref<128x128xf32, #tpu.memory_space<hbm>>) target_semaphore(%run_scoped3A : memref<!tpu.dma_semaphore, #tpu.memory_space<semaphore_mem>>)
      %dma_wait3A = arith.constant 0 : i32
      %dma_wait3A_103 = tpu.memref_slice %arg4[%arg0, %min3A_90, %dma_wait3A] : memref<2x10000x128xf32, #tpu.memory_space<hbm>> -> memref<1x128x128xf32, #tpu.memory_space<hbm>>
      %dma_wait3A_104 = tpu.memref_squeeze %dma_wait3A_103 : memref<1x128x128xf32, #tpu.memory_space<hbm>> -> memref<128x128xf32, #tpu.memory_space<hbm>>
      %dma_wait3A_105 = arith.constant 0 : i32
      %dma_wait3A_106 = tpu.memref_slice %arg8[%min3A_90, %dma_wait3A_105] : memref<10112x128xf32, #tpu.memory_space<vmem_shared>> -> memref<128x128xf32, #tpu.memory_space<vmem_shared>>
      tpu.wait_dma2 semaphore(%run_scoped3A : memref<!tpu.dma_semaphore, #tpu.memory_space<semaphore_mem>>) src(%dma_wait3A_106 : memref<128x128xf32, #tpu.memory_space<vmem_shared>>) dst(%dma_wait3A_104 : memref<128x128xf32, #tpu.memory_space<hbm>>)
      tpu.yield
    }) : () -> ()
    %add3A_91 = arith.constant 64 : i32
    %add3A_92 = arith.addi %arg1, %add3A_91 : i32
    %min3A_93 = arith.constant 78 : i32
    %min3A_94 = arith.minsi %add3A_92, %min3A_93 : i32
    %mul3A_95 = arith.constant 128 : i32
    %mul3A_96 = arith.muli %min3A_94, %mul3A_95 : i32
    %min3A_97 = arith.constant 9872 : i32
    %min3A_98 = arith.minsi %mul3A_96, %min3A_97 : i32
    "tpu.region"() ({
      %run_scoped3A = tpu.sem_alloc : memref<!tpu.dma_semaphore, #tpu.memory_space<semaphore_mem>>
      %dma_start3A = arith.constant 0 : i32
      %dma_start3A_99 = tpu.memref_slice %arg4[%arg0, %min3A_98, %dma_start3A] : memref<2x10000x128xf32, #tpu.memory_space<hbm>> -> memref<1x128x128xf32, #tpu.memory_space<hbm>>
      %dma_start3A_100 = tpu.memref_squeeze %dma_start3A_99 : memref<1x128x128xf32, #tpu.memory_space<hbm>> -> memref<128x128xf32, #tpu.memory_space<hbm>>
      %dma_start3A_101 = arith.constant 0 : i32
      %dma_start3A_102 = tpu.memref_slice %arg8[%min3A_98, %dma_start3A_101] : memref<10112x128xf32, #tpu.memory_space<vmem_shared>> -> memref<128x128xf32, #tpu.memory_space<vmem_shared>>
      tpu.enqueue_dma source(%dma_start3A_102 : memref<128x128xf32, #tpu.memory_space<vmem_shared>>) target(%dma_start3A_100 : memref<128x128xf32, #tpu.memory_space<hbm>>) target_semaphore(%run_scoped3A : memref<!tpu.dma_semaphore, #tpu.memory_space<semaphore_mem>>)
      %dma_wait3A = arith.constant 0 : i32
      %dma_wait3A_103 = tpu.memref_slice %arg4[%arg0, %min3A_98, %dma_wait3A] : memref<2x10000x128xf32, #tpu.memory_space<hbm>> -> memref<1x128x128xf32, #tpu.memory_space<hbm>>
      %dma_wait3A_104 = tpu.memref_squeeze %dma_wait3A_103 : memref<1x128x128xf32, #tpu.memory_space<hbm>> -> memref<128x128xf32, #tpu.memory_space<hbm>>
      %dma_wait3A_105 = arith.constant 0 : i32
      %dma_wait3A_106 = tpu.memref_slice %arg8[%min3A_98, %dma_wait3A_105] : memref<10112x128xf32, #tpu.memory_space<vmem_shared>> -> memref<128x128xf32, #tpu.memory_space<vmem_shared>>
      tpu.wait_dma2 semaphore(%run_scoped3A : memref<!tpu.dma_semaphore, #tpu.memory_space<semaphore_mem>>) src(%dma_wait3A_106 : memref<128x128xf32, #tpu.memory_space<vmem_shared>>) dst(%dma_wait3A_104 : memref<128x128xf32, #tpu.memory_space<hbm>>)
      tpu.yield
    }) : () -> ()
    return
  }
}

#map = affine_map<(d0, d1) -> (0, 0)>
#map1 = affine_map<(d0, d1) -> (0, 0, 0)>
module attributes {stable_mosaic.version = 14 : i64} {
  func.func @k(%arg0: i32, %arg1: i32, %arg2: memref<10000x128xf32, #tpu.memory_space<hbm>>, %arg3: memref<2x2560x128xi32, #tpu.memory_space<hbm>>, %arg4: memref<2x10000x128xf32, #tpu.memory_space<hbm>>, %arg5: memref<2x8x128xi32, #tpu.memory_space<vmem>>, %arg6: memref<128x128xf32, #tpu.memory_space<vmem>>, %arg7: memref<128x128xf32, #tpu.memory_space<vmem>>, %arg8: memref<10112x128xf32, #tpu.memory_space<vmem_shared>>, %arg9: memref<!tpu.dma_semaphore, #tpu.memory_space<semaphore_mem>>, %arg10: memref<!tpu.dma_semaphore, #tpu.memory_space<semaphore_mem>>) attributes {dimension_semantics = [#tpu.dimension_semantics<core_parallel>, #tpu.dimension_semantics<subcore_parallel>], iteration_bounds = array<i64: 2, 16>, scalar_prefetch = 0 : i64, scratch_operands = 6 : i64, tpu.core_type = #tpu.core_type<sc_vector_subcore>, window_params = [{transform_indices = #map}, {transform_indices = #map1}, {transform_indices = #map1}]} {
    %eq3A = arith.constant 0 : i32
    %eq3A_0 = arith.cmpi eq, %arg0, %eq3A : i32
    %jit3A = arith.constant 10 : i32
    %jit3A_1 = arith.constant 10 : i32
    %select_n3A = arith.select %eq3A_0, %jit3A, %jit3A_1 : i32
    %eq3A_2 = arith.constant 0 : i32
    %eq3A_3 = arith.cmpi eq, %arg0, %eq3A_2 : i32
    %mul3A = arith.constant 10 : i32
    %mul3A_4 = arith.muli %arg1, %mul3A : i32
    %mul3A_5 = arith.constant 10 : i32
    %mul3A_6 = arith.muli %arg1, %mul3A_5 : i32
    %add3A = arith.constant 160 : i32
    %add3A_7 = arith.addi %add3A, %mul3A_6 : i32
    %select_n3A_8 = arith.select %eq3A_3, %mul3A_4, %add3A_7 : i32
    %scan3A = arith.constant 0 : i32
    %scan3A_9 = arith.constant 128 : i32
    %scan3A_10 = arith.addi %scan3A, %scan3A_9 : i32
    %scan3A_11 = arith.constant 1 : i32
    scf.for %scan3A_99 = %scan3A to %scan3A_10 step %scan3A_11  : i32 {
      %mul3A_100 = arith.constant 1 : i32
      %mul3A_101 = arith.muli %scan3A_99, %mul3A_100 : i32
      %add3A_102 = arith.constant 0 : i32
      %add3A_103 = arith.addi %add3A_102, %mul3A_101 : i32
      %scan3A_104 = arith.constant 0 : i32
      %scan3A_105 = arith.constant 8 : i32
      %scan3A_106 = arith.addi %scan3A_104, %scan3A_105 : i32
      %scan3A_107 = arith.constant 1 : i32
      scf.for %scan3A_109 = %scan3A_104 to %scan3A_106 step %scan3A_107  : i32 {
        %mul3A_110 = arith.constant 16 : i32
        %mul3A_111 = arith.muli %scan3A_109, %mul3A_110 : i32
        %add3A_112 = arith.constant 0 : i32
        %add3A_113 = arith.addi %add3A_112, %mul3A_111 : i32
        %broadcast_in_dim3A = arith.constant 0.000000e+00 : f32
        %broadcast_in_dim3A_114 = vector.broadcast %broadcast_in_dim3A : f32 to vector<16xf32>
        %swap3A = arith.index_cast %add3A_103 : i32 to index
        %swap3A_115 = arith.index_cast %add3A_113 : i32 to index
        %swap3A_116 = tpu.vector_load %arg6[%swap3A, %swap3A_115] {strides = array<i32>} : memref<128x128xf32, #tpu.memory_space<vmem>>, vector<1x16xf32>,
        %swap3A_117 = vector.shape_cast %swap3A_116 : vector<1x16xf32> to vector<16xf32>
        %swap3A_118 = vector.shape_cast %broadcast_in_dim3A_114 : vector<16xf32> to vector<1x16xf32>
        tpu.vector_store %arg6[%swap3A, %swap3A_115], %swap3A_118 {strides = array<i32>} : memref<128x128xf32, #tpu.memory_space<vmem>>, vector<1x16xf32>,
      }
      %scan3A_108 = arith.constant 8 : i32
    }
    %scan3A_12 = arith.constant 128 : i32
    %add3A_13 = arith.constant 0 : i32
    %add3A_14 = arith.addi %arg1, %add3A_13 : i32
    %min3A = arith.constant 78 : i32
    %min3A_15 = arith.minsi %add3A_14, %min3A : i32
    %mul3A_16 = arith.constant 128 : i32
    %mul3A_17 = arith.muli %min3A_15, %mul3A_16 : i32
    "tpu.region"() ({
      %run_scoped3A = tpu.sem_alloc : memref<!tpu.dma_semaphore, #tpu.memory_space<semaphore_mem>>
      %dma_start3A = arith.constant 0 : i32
      %dma_start3A_99 = tpu.memref_slice %arg8[%mul3A_17, %dma_start3A] : memref<10112x128xf32, #tpu.memory_space<vmem_shared>> -> memref<128x128xf32, #tpu.memory_space<vmem_shared>>
      %dma_start3A_100 = arith.constant 0 : i32
      %dma_start3A_101 = tpu.memref_slice %arg8[%mul3A_17, %dma_start3A_100] : memref<10112x128xf32, #tpu.memory_space<vmem_shared>> -> memref<128x128xf32, #tpu.memory_space<vmem_shared>>
      tpu.enqueue_dma source(%arg6 : memref<128x128xf32, #tpu.memory_space<vmem>>) target(%dma_start3A_101 : memref<128x128xf32, #tpu.memory_space<vmem_shared>>) target_semaphore(%run_scoped3A : memref<!tpu.dma_semaphore, #tpu.memory_space<semaphore_mem>>)
      %dma_wait3A = arith.constant 0 : i32
      %dma_wait3A_102 = tpu.memref_slice %arg8[%mul3A_17, %dma_wait3A] : memref<10112x128xf32, #tpu.memory_space<vmem_shared>> -> memref<128x128xf32, #tpu.memory_space<vmem_shared>>
      %dma_wait3A_103 = arith.constant 0 : i32
      %dma_wait3A_104 = tpu.memref_slice %arg8[%mul3A_17, %dma_wait3A_103] : memref<10112x128xf32, #tpu.memory_space<vmem_shared>> -> memref<128x128xf32, #tpu.memory_space<vmem_shared>>
      tpu.wait_dma2 semaphore(%run_scoped3A : memref<!tpu.dma_semaphore, #tpu.memory_space<semaphore_mem>>) src(%arg6 : memref<128x128xf32, #tpu.memory_space<vmem>>) dst(%dma_wait3A_104 : memref<128x128xf32, #tpu.memory_space<vmem_shared>>)
      tpu.yield
    }) : () -> ()
    %add3A_18 = arith.constant 16 : i32
    %add3A_19 = arith.addi %arg1, %add3A_18 : i32
    %min3A_20 = arith.constant 78 : i32
    %min3A_21 = arith.minsi %add3A_19, %min3A_20 : i32
    %mul3A_22 = arith.constant 128 : i32
    %mul3A_23 = arith.muli %min3A_21, %mul3A_22 : i32
    "tpu.region"() ({
      %run_scoped3A = tpu.sem_alloc : memref<!tpu.dma_semaphore, #tpu.memory_space<semaphore_mem>>
      %dma_start3A = arith.constant 0 : i32
      %dma_start3A_99 = tpu.memref_slice %arg8[%mul3A_23, %dma_start3A] : memref<10112x128xf32, #tpu.memory_space<vmem_shared>> -> memref<128x128xf32, #tpu.memory_space<vmem_shared>>
      %dma_start3A_100 = arith.constant 0 : i32
      %dma_start3A_101 = tpu.memref_slice %arg8[%mul3A_23, %dma_start3A_100] : memref<10112x128xf32, #tpu.memory_space<vmem_shared>> -> memref<128x128xf32, #tpu.memory_space<vmem_shared>>
      tpu.enqueue_dma source(%arg6 : memref<128x128xf32, #tpu.memory_space<vmem>>) target(%dma_start3A_101 : memref<128x128xf32, #tpu.memory_space<vmem_shared>>) target_semaphore(%run_scoped3A : memref<!tpu.dma_semaphore, #tpu.memory_space<semaphore_mem>>)
      %dma_wait3A = arith.constant 0 : i32
      %dma_wait3A_102 = tpu.memref_slice %arg8[%mul3A_23, %dma_wait3A] : memref<10112x128xf32, #tpu.memory_space<vmem_shared>> -> memref<128x128xf32, #tpu.memory_space<vmem_shared>>
      %dma_wait3A_103 = arith.constant 0 : i32
      %dma_wait3A_104 = tpu.memref_slice %arg8[%mul3A_23, %dma_wait3A_103] : memref<10112x128xf32, #tpu.memory_space<vmem_shared>> -> memref<128x128xf32, #tpu.memory_space<vmem_shared>>
      tpu.wait_dma2 semaphore(%run_scoped3A : memref<!tpu.dma_semaphore, #tpu.memory_space<semaphore_mem>>) src(%arg6 : memref<128x128xf32, #tpu.memory_space<vmem>>) dst(%dma_wait3A_104 : memref<128x128xf32, #tpu.memory_space<vmem_shared>>)
      tpu.yield
    }) : () -> ()
    %add3A_24 = arith.constant 32 : i32
    %add3A_25 = arith.addi %arg1, %add3A_24 : i32
    %min3A_26 = arith.constant 78 : i32
    %min3A_27 = arith.minsi %add3A_25, %min3A_26 : i32
    %mul3A_28 = arith.constant 128 : i32
    %mul3A_29 = arith.muli %min3A_27, %mul3A_28 : i32
    "tpu.region"() ({
      %run_scoped3A = tpu.sem_alloc : memref<!tpu.dma_semaphore, #tpu.memory_space<semaphore_mem>>
      %dma_start3A = arith.constant 0 : i32
      %dma_start3A_99 = tpu.memref_slice %arg8[%mul3A_29, %dma_start3A] : memref<10112x128xf32, #tpu.memory_space<vmem_shared>> -> memref<128x128xf32, #tpu.memory_space<vmem_shared>>
      %dma_start3A_100 = arith.constant 0 : i32
      %dma_start3A_101 = tpu.memref_slice %arg8[%mul3A_29, %dma_start3A_100] : memref<10112x128xf32, #tpu.memory_space<vmem_shared>> -> memref<128x128xf32, #tpu.memory_space<vmem_shared>>
      tpu.enqueue_dma source(%arg6 : memref<128x128xf32, #tpu.memory_space<vmem>>) target(%dma_start3A_101 : memref<128x128xf32, #tpu.memory_space<vmem_shared>>) target_semaphore(%run_scoped3A : memref<!tpu.dma_semaphore, #tpu.memory_space<semaphore_mem>>)
      %dma_wait3A = arith.constant 0 : i32
      %dma_wait3A_102 = tpu.memref_slice %arg8[%mul3A_29, %dma_wait3A] : memref<10112x128xf32, #tpu.memory_space<vmem_shared>> -> memref<128x128xf32, #tpu.memory_space<vmem_shared>>
      %dma_wait3A_103 = arith.constant 0 : i32
      %dma_wait3A_104 = tpu.memref_slice %arg8[%mul3A_29, %dma_wait3A_103] : memref<10112x128xf32, #tpu.memory_space<vmem_shared>> -> memref<128x128xf32, #tpu.memory_space<vmem_shared>>
      tpu.wait_dma2 semaphore(%run_scoped3A : memref<!tpu.dma_semaphore, #tpu.memory_space<semaphore_mem>>) src(%arg6 : memref<128x128xf32, #tpu.memory_space<vmem>>) dst(%dma_wait3A_104 : memref<128x128xf32, #tpu.memory_space<vmem_shared>>)
      tpu.yield
    }) : () -> ()
    %add3A_30 = arith.constant 48 : i32
    %add3A_31 = arith.addi %arg1, %add3A_30 : i32
    %min3A_32 = arith.constant 78 : i32
    %min3A_33 = arith.minsi %add3A_31, %min3A_32 : i32
    %mul3A_34 = arith.constant 128 : i32
    %mul3A_35 = arith.muli %min3A_33, %mul3A_34 : i32
    "tpu.region"() ({
      %run_scoped3A = tpu.sem_alloc : memref<!tpu.dma_semaphore, #tpu.memory_space<semaphore_mem>>
      %dma_start3A = arith.constant 0 : i32
      %dma_start3A_99 = tpu.memref_slice %arg8[%mul3A_35, %dma_start3A] : memref<10112x128xf32, #tpu.memory_space<vmem_shared>> -> memref<128x128xf32, #tpu.memory_space<vmem_shared>>
      %dma_start3A_100 = arith.constant 0 : i32
      %dma_start3A_101 = tpu.memref_slice %arg8[%mul3A_35, %dma_start3A_100] : memref<10112x128xf32, #tpu.memory_space<vmem_shared>> -> memref<128x128xf32, #tpu.memory_space<vmem_shared>>
      tpu.enqueue_dma source(%arg6 : memref<128x128xf32, #tpu.memory_space<vmem>>) target(%dma_start3A_101 : memref<128x128xf32, #tpu.memory_space<vmem_shared>>) target_semaphore(%run_scoped3A : memref<!tpu.dma_semaphore, #tpu.memory_space<semaphore_mem>>)
      %dma_wait3A = arith.constant 0 : i32
      %dma_wait3A_102 = tpu.memref_slice %arg8[%mul3A_35, %dma_wait3A] : memref<10112x128xf32, #tpu.memory_space<vmem_shared>> -> memref<128x128xf32, #tpu.memory_space<vmem_shared>>
      %dma_wait3A_103 = arith.constant 0 : i32
      %dma_wait3A_104 = tpu.memref_slice %arg8[%mul3A_35, %dma_wait3A_103] : memref<10112x128xf32, #tpu.memory_space<vmem_shared>> -> memref<128x128xf32, #tpu.memory_space<vmem_shared>>
      tpu.wait_dma2 semaphore(%run_scoped3A : memref<!tpu.dma_semaphore, #tpu.memory_space<semaphore_mem>>) src(%arg6 : memref<128x128xf32, #tpu.memory_space<vmem>>) dst(%dma_wait3A_104 : memref<128x128xf32, #tpu.memory_space<vmem_shared>>)
      tpu.yield
    }) : () -> ()
    %add3A_36 = arith.constant 64 : i32
    %add3A_37 = arith.addi %arg1, %add3A_36 : i32
    %min3A_38 = arith.constant 78 : i32
    %min3A_39 = arith.minsi %add3A_37, %min3A_38 : i32
    %mul3A_40 = arith.constant 128 : i32
    %mul3A_41 = arith.muli %min3A_39, %mul3A_40 : i32
    "tpu.region"() ({
      %run_scoped3A = tpu.sem_alloc : memref<!tpu.dma_semaphore, #tpu.memory_space<semaphore_mem>>
      %dma_start3A = arith.constant 0 : i32
      %dma_start3A_99 = tpu.memref_slice %arg8[%mul3A_41, %dma_start3A] : memref<10112x128xf32, #tpu.memory_space<vmem_shared>> -> memref<128x128xf32, #tpu.memory_space<vmem_shared>>
      %dma_start3A_100 = arith.constant 0 : i32
      %dma_start3A_101 = tpu.memref_slice %arg8[%mul3A_41, %dma_start3A_100] : memref<10112x128xf32, #tpu.memory_space<vmem_shared>> -> memref<128x128xf32, #tpu.memory_space<vmem_shared>>
      tpu.enqueue_dma source(%arg6 : memref<128x128xf32, #tpu.memory_space<vmem>>) target(%dma_start3A_101 : memref<128x128xf32, #tpu.memory_space<vmem_shared>>) target_semaphore(%run_scoped3A : memref<!tpu.dma_semaphore, #tpu.memory_space<semaphore_mem>>)
      %dma_wait3A = arith.constant 0 : i32
      %dma_wait3A_102 = tpu.memref_slice %arg8[%mul3A_41, %dma_wait3A] : memref<10112x128xf32, #tpu.memory_space<vmem_shared>> -> memref<128x128xf32, #tpu.memory_space<vmem_shared>>
      %dma_wait3A_103 = arith.constant 0 : i32
      %dma_wait3A_104 = tpu.memref_slice %arg8[%mul3A_41, %dma_wait3A_103] : memref<10112x128xf32, #tpu.memory_space<vmem_shared>> -> memref<128x128xf32, #tpu.memory_space<vmem_shared>>
      tpu.wait_dma2 semaphore(%run_scoped3A : memref<!tpu.dma_semaphore, #tpu.memory_space<semaphore_mem>>) src(%arg6 : memref<128x128xf32, #tpu.memory_space<vmem>>) dst(%dma_wait3A_104 : memref<128x128xf32, #tpu.memory_space<vmem_shared>>)
      tpu.yield
    }) : () -> ()
    %barrier3A = arith.constant 0 : index
    tpu.barrier barrier_id(%barrier3A)
    %sub3A = arith.constant 0 : i32
    %sub3A_42 = arith.subi %select_n3A, %sub3A : i32
    %sub3A_43 = arith.constant 1 : i32
    %sub3A_44 = arith.constant 1 : i32
    %sub3A_45 = arith.subi %sub3A_43, %sub3A_44 : i32
    %add3A_46 = arith.addi %sub3A_42, %sub3A_45 : i32
    %div3A = arith.constant 1 : i32
    %div3A_47 = arith.divsi %add3A_46, %div3A : i32
    %while3A = arith.constant 1 : i32
    %while3A_48 = arith.constant 0 : i32
    %while3A_49 = arith.constant 0 : i32
    %while3A_50 = arith.subi %div3A_47, %while3A_49 : i32
    %while3A_51 = arith.addi %while3A_49, %while3A_50 : i32
    %while3A_52 = arith.constant 1 : i32
    %while3A_53 = arith.divsi %while3A_50, %while3A_52 : i32
    %while3A_54 = arith.muli %while3A_53, %while3A_52 : i32
    %while3A_55 = arith.addi %while3A_49, %while3A_54 : i32
    %while3A_56 = arith.constant 1 : i32
    scf.for %while3A_99 = %while3A_49 to %while3A_55 step %while3A_56  : i32 {
      %mul3A_100 = arith.muli %while3A_99, %while3A : i32
      %add3A_101 = arith.addi %while3A_48, %mul3A_100 : i32
      %add3A_102 = arith.addi %select_n3A_8, %add3A_101 : i32
      %mul3A_103 = arith.constant 8 : i32
      %mul3A_104 = arith.muli %add3A_102, %mul3A_103 : i32
      "tpu.region"() ({
        %run_scoped3A_246 = tpu.sem_alloc : memref<!tpu.dma_semaphore, #tpu.memory_space<semaphore_mem>>
        %dma_start3A_247 = arith.constant 0 : i32
        %dma_start3A_248 = arith.constant 0 : i32
        %dma_start3A_249 = tpu.memref_slice %arg3[%dma_start3A_247, %mul3A_104, %dma_start3A_248] : memref<2x2560x128xi32, #tpu.memory_space<hbm>> -> memref<2x8x128xi32, #tpu.memory_space<hbm>>
        %dma_start3A_250 = arith.constant 0 : i32
        %dma_start3A_251 = arith.constant 0 : i32
        %dma_start3A_252 = tpu.memref_slice %arg3[%dma_start3A_250, %mul3A_104, %dma_start3A_251] : memref<2x2560x128xi32, #tpu.memory_space<hbm>> -> memref<2x8x128xi32, #tpu.memory_space<hbm>>
        tpu.enqueue_dma source(%dma_start3A_252 : memref<2x8x128xi32, #tpu.memory_space<hbm>>) target(%arg5 : memref<2x8x128xi32, #tpu.memory_space<vmem>>) target_semaphore(%run_scoped3A_246 : memref<!tpu.dma_semaphore, #tpu.memory_space<semaphore_mem>>)
        %dma_wait3A_253 = arith.constant 0 : i32
        %dma_wait3A_254 = arith.constant 0 : i32
        %dma_wait3A_255 = tpu.memref_slice %arg3[%dma_wait3A_253, %mul3A_104, %dma_wait3A_254] : memref<2x2560x128xi32, #tpu.memory_space<hbm>> -> memref<2x8x128xi32, #tpu.memory_space<hbm>>
        %dma_wait3A_256 = arith.constant 0 : i32
        %dma_wait3A_257 = arith.constant 0 : i32
        %dma_wait3A_258 = tpu.memref_slice %arg3[%dma_wait3A_256, %mul3A_104, %dma_wait3A_257] : memref<2x2560x128xi32, #tpu.memory_space<hbm>> -> memref<2x8x128xi32, #tpu.memory_space<hbm>>
        tpu.wait_dma2 semaphore(%run_scoped3A_246 : memref<!tpu.dma_semaphore, #tpu.memory_space<semaphore_mem>>) src(%dma_wait3A_258 : memref<2x8x128xi32, #tpu.memory_space<hbm>>) dst(%arg5 : memref<2x8x128xi32, #tpu.memory_space<vmem>>)
        tpu.yield
      }) : () -> ()
      %dma_start3A = arith.constant 0 : i32
      %dma_start3A_105 = arith.constant 0 : i32
      %dma_start3A_106 = arith.constant 0 : i32
      %dma_start3A_107 = tpu.memref_slice %arg5[%dma_start3A, %dma_start3A_105, %dma_start3A_106] : memref<2x8x128xi32, #tpu.memory_space<vmem>> -> memref<1x1x128xi32, #tpu.memory_space<vmem>>
      %dma_start3A_108 = tpu.memref_squeeze %dma_start3A_107 : memref<1x1x128xi32, #tpu.memory_space<vmem>> -> memref<128xi32, #tpu.memory_space<vmem>>
      %dma_start3A_109 = arith.constant 0 : i32
      %dma_start3A_110 = arith.constant 0 : i32
      %dma_start3A_111 = tpu.memref_slice %arg2[%dma_start3A_109, %dma_start3A_110] : memref<10000x128xf32, #tpu.memory_space<hbm>> -> memref<10000x128xf32, #tpu.memory_space<hbm>>
      tpu.enqueue_indirect_dma source(%dma_start3A_111 : memref<10000x128xf32, #tpu.memory_space<hbm>>) target(%arg6 : memref<128x128xf32, #tpu.memory_space<vmem>>) offsets(%dma_start3A_108 : memref<128xi32, #tpu.memory_space<vmem>>) semaphore(%arg9 : memref<!tpu.dma_semaphore, #tpu.memory_space<semaphore_mem>>)
      %dma_start3A_112 = arith.constant 0 : i32
      %dma_start3A_113 = arith.constant 1 : i32
      %dma_start3A_114 = arith.constant 0 : i32
      %dma_start3A_115 = tpu.memref_slice %arg5[%dma_start3A_112, %dma_start3A_113, %dma_start3A_114] : memref<2x8x128xi32, #tpu.memory_space<vmem>> -> memref<1x1x128xi32, #tpu.memory_space<vmem>>
      %dma_start3A_116 = tpu.memref_squeeze %dma_start3A_115 : memref<1x1x128xi32, #tpu.memory_space<vmem>> -> memref<128xi32, #tpu.memory_space<vmem>>
      %dma_start3A_117 = arith.constant 0 : i32
      %dma_start3A_118 = arith.constant 0 : i32
      %dma_start3A_119 = tpu.memref_slice %arg2[%dma_start3A_117, %dma_start3A_118] : memref<10000x128xf32, #tpu.memory_space<hbm>> -> memref<10000x128xf32, #tpu.memory_space<hbm>>
      tpu.enqueue_indirect_dma source(%dma_start3A_119 : memref<10000x128xf32, #tpu.memory_space<hbm>>) target(%arg7 : memref<128x128xf32, #tpu.memory_space<vmem>>) offsets(%dma_start3A_116 : memref<128xi32, #tpu.memory_space<vmem>>) semaphore(%arg10 : memref<!tpu.dma_semaphore, #tpu.memory_space<semaphore_mem>>)
      %dma_wait3A = arith.constant 0 : i32
      %dma_wait3A_120 = arith.constant 0 : i32
      %dma_wait3A_121 = arith.constant 0 : i32
      %dma_wait3A_122 = tpu.memref_slice %arg5[%dma_wait3A, %dma_wait3A_120, %dma_wait3A_121] : memref<2x8x128xi32, #tpu.memory_space<vmem>> -> memref<1x1x128xi32, #tpu.memory_space<vmem>>
      %dma_wait3A_123 = tpu.memref_squeeze %dma_wait3A_122 : memref<1x1x128xi32, #tpu.memory_space<vmem>> -> memref<128xi32, #tpu.memory_space<vmem>>
      %dma_wait3A_124 = arith.constant 0 : i32
      %dma_wait3A_125 = arith.constant 0 : i32
      %dma_wait3A_126 = tpu.memref_slice %arg2[%dma_wait3A_124, %dma_wait3A_125] : memref<10000x128xf32, #tpu.memory_space<hbm>> -> memref<10000x128xf32, #tpu.memory_space<hbm>>
      tpu.wait_indirect_dma semaphore(%arg9 : memref<!tpu.dma_semaphore, #tpu.memory_space<semaphore_mem>>) src(%dma_wait3A_126 : memref<10000x128xf32, #tpu.memory_space<hbm>>) dst(%arg6 : memref<128x128xf32, #tpu.memory_space<vmem>>)
      %run_scoped3A = arith.constant 1 : i32
      %run_scoped3A_127 = arith.constant 0 : i32
      "tpu.region"() ({
        %run_scoped3A_246 = tpu.sem_alloc : memref<!tpu.dma_semaphore, #tpu.memory_space<semaphore_mem>>
        %dma_start3A_247 = arith.constant 0 : i32
        %dma_start3A_248 = tpu.memref_slice %arg5[%run_scoped3A, %run_scoped3A_127, %dma_start3A_247] : memref<2x8x128xi32, #tpu.memory_space<vmem>> -> memref<1x1x128xi32, #tpu.memory_space<vmem>>
        %dma_start3A_249 = tpu.memref_squeeze %dma_start3A_248 : memref<1x1x128xi32, #tpu.memory_space<vmem>> -> memref<128xi32, #tpu.memory_space<vmem>>
        %dma_start3A_250 = arith.constant 0 : i32
        %dma_start3A_251 = arith.constant 0 : i32
        %dma_start3A_252 = tpu.memref_slice %arg8[%dma_start3A_250, %dma_start3A_251] : memref<10112x128xf32, #tpu.memory_space<vmem_shared>> -> memref<10112x128xf32, #tpu.memory_space<vmem_shared>>
        tpu.enqueue_indirect_dma source(%arg6 : memref<128x128xf32, #tpu.memory_space<vmem>>) target(%dma_start3A_252 : memref<10112x128xf32, #tpu.memory_space<vmem_shared>>) offsets(%dma_start3A_249 : memref<128xi32, #tpu.memory_space<vmem>>) semaphore(%run_scoped3A_246 : memref<!tpu.dma_semaphore, #tpu.memory_space<semaphore_mem>>) {add = true}
        %dma_wait3A_253 = arith.constant 0 : i32
        %dma_wait3A_254 = tpu.memref_slice %arg5[%run_scoped3A, %run_scoped3A_127, %dma_wait3A_253] : memref<2x8x128xi32, #tpu.memory_space<vmem>> -> memref<1x1x128xi32, #tpu.memory_space<vmem>>
        %dma_wait3A_255 = tpu.memref_squeeze %dma_wait3A_254 : memref<1x1x128xi32, #tpu.memory_space<vmem>> -> memref<128xi32, #tpu.memory_space<vmem>>
        %dma_wait3A_256 = arith.constant 0 : i32
        %dma_wait3A_257 = arith.constant 0 : i32
        %dma_wait3A_258 = tpu.memref_slice %arg8[%dma_wait3A_256, %dma_wait3A_257] : memref<10112x128xf32, #tpu.memory_space<vmem_shared>> -> memref<10112x128xf32, #tpu.memory_space<vmem_shared>>
        tpu.wait_indirect_dma semaphore(%run_scoped3A_246 : memref<!tpu.dma_semaphore, #tpu.memory_space<semaphore_mem>>) src(%arg6 : memref<128x128xf32, #tpu.memory_space<vmem>>) dst(%dma_wait3A_258 : memref<10112x128xf32, #tpu.memory_space<vmem_shared>>)
        tpu.yield
      }) : () -> ()
      %dma_start3A_128 = arith.constant 0 : i32
      %dma_start3A_129 = arith.constant 2 : i32
      %dma_start3A_130 = arith.constant 0 : i32
      %dma_start3A_131 = tpu.memref_slice %arg5[%dma_start3A_128, %dma_start3A_129, %dma_start3A_130] : memref<2x8x128xi32, #tpu.memory_space<vmem>> -> memref<1x1x128xi32, #tpu.memory_space<vmem>>
      %dma_start3A_132 = tpu.memref_squeeze %dma_start3A_131 : memref<1x1x128xi32, #tpu.memory_space<vmem>> -> memref<128xi32, #tpu.memory_space<vmem>>
      %dma_start3A_133 = arith.constant 0 : i32
      %dma_start3A_134 = arith.constant 0 : i32
      %dma_start3A_135 = tpu.memref_slice %arg2[%dma_start3A_133, %dma_start3A_134] : memref<10000x128xf32, #tpu.memory_space<hbm>> -> memref<10000x128xf32, #tpu.memory_space<hbm>>
      tpu.enqueue_indirect_dma source(%dma_start3A_135 : memref<10000x128xf32, #tpu.memory_space<hbm>>) target(%arg6 : memref<128x128xf32, #tpu.memory_space<vmem>>) offsets(%dma_start3A_132 : memref<128xi32, #tpu.memory_space<vmem>>) semaphore(%arg9 : memref<!tpu.dma_semaphore, #tpu.memory_space<semaphore_mem>>)
      %dma_wait3A_136 = arith.constant 0 : i32
      %dma_wait3A_137 = arith.constant 1 : i32
      %dma_wait3A_138 = arith.constant 0 : i32
      %dma_wait3A_139 = tpu.memref_slice %arg5[%dma_wait3A_136, %dma_wait3A_137, %dma_wait3A_138] : memref<2x8x128xi32, #tpu.memory_space<vmem>> -> memref<1x1x128xi32, #tpu.memory_space<vmem>>
      %dma_wait3A_140 = tpu.memref_squeeze %dma_wait3A_139 : memref<1x1x128xi32, #tpu.memory_space<vmem>> -> memref<128xi32, #tpu.memory_space<vmem>>
      %dma_wait3A_141 = arith.constant 0 : i32
      %dma_wait3A_142 = arith.constant 0 : i32
      %dma_wait3A_143 = tpu.memref_slice %arg2[%dma_wait3A_141, %dma_wait3A_142] : memref<10000x128xf32, #tpu.memory_space<hbm>> -> memref<10000x128xf32, #tpu.memory_space<hbm>>
      tpu.wait_indirect_dma semaphore(%arg10 : memref<!tpu.dma_semaphore, #tpu.memory_space<semaphore_mem>>) src(%dma_wait3A_143 : memref<10000x128xf32, #tpu.memory_space<hbm>>) dst(%arg7 : memref<128x128xf32, #tpu.memory_space<vmem>>)
      %run_scoped3A_144 = arith.constant 1 : i32
      %run_scoped3A_145 = arith.constant 1 : i32
      "tpu.region"() ({
        %run_scoped3A_246 = tpu.sem_alloc : memref<!tpu.dma_semaphore, #tpu.memory_space<semaphore_mem>>
        %dma_start3A_247 = arith.constant 0 : i32
        %dma_start3A_248 = tpu.memref_slice %arg5[%run_scoped3A_144, %run_scoped3A_145, %dma_start3A_247] : memref<2x8x128xi32, #tpu.memory_space<vmem>> -> memref<1x1x128xi32, #tpu.memory_space<vmem>>
        %dma_start3A_249 = tpu.memref_squeeze %dma_start3A_248 : memref<1x1x128xi32, #tpu.memory_space<vmem>> -> memref<128xi32, #tpu.memory_space<vmem>>
        %dma_start3A_250 = arith.constant 0 : i32
        %dma_start3A_251 = arith.constant 0 : i32
        %dma_start3A_252 = tpu.memref_slice %arg8[%dma_start3A_250, %dma_start3A_251] : memref<10112x128xf32, #tpu.memory_space<vmem_shared>> -> memref<10112x128xf32, #tpu.memory_space<vmem_shared>>
        tpu.enqueue_indirect_dma source(%arg7 : memref<128x128xf32, #tpu.memory_space<vmem>>) target(%dma_start3A_252 : memref<10112x128xf32, #tpu.memory_space<vmem_shared>>) offsets(%dma_start3A_249 : memref<128xi32, #tpu.memory_space<vmem>>) semaphore(%run_scoped3A_246 : memref<!tpu.dma_semaphore, #tpu.memory_space<semaphore_mem>>) {add = true}
        %dma_wait3A_253 = arith.constant 0 : i32
        %dma_wait3A_254 = tpu.memref_slice %arg5[%run_scoped3A_144, %run_scoped3A_145, %dma_wait3A_253] : memref<2x8x128xi32, #tpu.memory_space<vmem>> -> memref<1x1x128xi32, #tpu.memory_space<vmem>>
        %dma_wait3A_255 = tpu.memref_squeeze %dma_wait3A_254 : memref<1x1x128xi32, #tpu.memory_space<vmem>> -> memref<128xi32, #tpu.memory_space<vmem>>
        %dma_wait3A_256 = arith.constant 0 : i32
        %dma_wait3A_257 = arith.constant 0 : i32
        %dma_wait3A_258 = tpu.memref_slice %arg8[%dma_wait3A_256, %dma_wait3A_257] : memref<10112x128xf32, #tpu.memory_space<vmem_shared>> -> memref<10112x128xf32, #tpu.memory_space<vmem_shared>>
        tpu.wait_indirect_dma semaphore(%run_scoped3A_246 : memref<!tpu.dma_semaphore, #tpu.memory_space<semaphore_mem>>) src(%arg7 : memref<128x128xf32, #tpu.memory_space<vmem>>) dst(%dma_wait3A_258 : memref<10112x128xf32, #tpu.memory_space<vmem_shared>>)
        tpu.yield
      }) : () -> ()
      %dma_start3A_146 = arith.constant 0 : i32
      %dma_start3A_147 = arith.constant 3 : i32
      %dma_start3A_148 = arith.constant 0 : i32
      %dma_start3A_149 = tpu.memref_slice %arg5[%dma_start3A_146, %dma_start3A_147, %dma_start3A_148] : memref<2x8x128xi32, #tpu.memory_space<vmem>> -> memref<1x1x128xi32, #tpu.memory_space<vmem>>
      %dma_start3A_150 = tpu.memref_squeeze %dma_start3A_149 : memref<1x1x128xi32, #tpu.memory_space<vmem>> -> memref<128xi32, #tpu.memory_space<vmem>>
      %dma_start3A_151 = arith.constant 0 : i32
      %dma_start3A_152 = arith.constant 0 : i32
      %dma_start3A_153 = tpu.memref_slice %arg2[%dma_start3A_151, %dma_start3A_152] : memref<10000x128xf32, #tpu.memory_space<hbm>> -> memref<10000x128xf32, #tpu.memory_space<hbm>>
      tpu.enqueue_indirect_dma source(%dma_start3A_153 : memref<10000x128xf32, #tpu.memory_space<hbm>>) target(%arg7 : memref<128x128xf32, #tpu.memory_space<vmem>>) offsets(%dma_start3A_150 : memref<128xi32, #tpu.memory_space<vmem>>) semaphore(%arg10 : memref<!tpu.dma_semaphore, #tpu.memory_space<semaphore_mem>>)
      %dma_wait3A_154 = arith.constant 0 : i32
      %dma_wait3A_155 = arith.constant 2 : i32
      %dma_wait3A_156 = arith.constant 0 : i32
      %dma_wait3A_157 = tpu.memref_slice %arg5[%dma_wait3A_154, %dma_wait3A_155, %dma_wait3A_156] : memref<2x8x128xi32, #tpu.memory_space<vmem>> -> memref<1x1x128xi32, #tpu.memory_space<vmem>>
      %dma_wait3A_158 = tpu.memref_squeeze %dma_wait3A_157 : memref<1x1x128xi32, #tpu.memory_space<vmem>> -> memref<128xi32, #tpu.memory_space<vmem>>
      %dma_wait3A_159 = arith.constant 0 : i32
      %dma_wait3A_160 = arith.constant 0 : i32
      %dma_wait3A_161 = tpu.memref_slice %arg2[%dma_wait3A_159, %dma_wait3A_160] : memref<10000x128xf32, #tpu.memory_space<hbm>> -> memref<10000x128xf32, #tpu.memory_space<hbm>>
      tpu.wait_indirect_dma semaphore(%arg9 : memref<!tpu.dma_semaphore, #tpu.memory_space<semaphore_mem>>) src(%dma_wait3A_161 : memref<10000x128xf32, #tpu.memory_space<hbm>>) dst(%arg6 : memref<128x128xf32, #tpu.memory_space<vmem>>)
      %run_scoped3A_162 = arith.constant 1 : i32
      %run_scoped3A_163 = arith.constant 2 : i32
      "tpu.region"() ({
        %run_scoped3A_246 = tpu.sem_alloc : memref<!tpu.dma_semaphore, #tpu.memory_space<semaphore_mem>>
        %dma_start3A_247 = arith.constant 0 : i32
        %dma_start3A_248 = tpu.memref_slice %arg5[%run_scoped3A_162, %run_scoped3A_163, %dma_start3A_247] : memref<2x8x128xi32, #tpu.memory_space<vmem>> -> memref<1x1x128xi32, #tpu.memory_space<vmem>>
        %dma_start3A_249 = tpu.memref_squeeze %dma_start3A_248 : memref<1x1x128xi32, #tpu.memory_space<vmem>> -> memref<128xi32, #tpu.memory_space<vmem>>
        %dma_start3A_250 = arith.constant 0 : i32
        %dma_start3A_251 = arith.constant 0 : i32
        %dma_start3A_252 = tpu.memref_slice %arg8[%dma_start3A_250, %dma_start3A_251] : memref<10112x128xf32, #tpu.memory_space<vmem_shared>> -> memref<10112x128xf32, #tpu.memory_space<vmem_shared>>
        tpu.enqueue_indirect_dma source(%arg6 : memref<128x128xf32, #tpu.memory_space<vmem>>) target(%dma_start3A_252 : memref<10112x128xf32, #tpu.memory_space<vmem_shared>>) offsets(%dma_start3A_249 : memref<128xi32, #tpu.memory_space<vmem>>) semaphore(%run_scoped3A_246 : memref<!tpu.dma_semaphore, #tpu.memory_space<semaphore_mem>>) {add = true}
        %dma_wait3A_253 = arith.constant 0 : i32
        %dma_wait3A_254 = tpu.memref_slice %arg5[%run_scoped3A_162, %run_scoped3A_163, %dma_wait3A_253] : memref<2x8x128xi32, #tpu.memory_space<vmem>> -> memref<1x1x128xi32, #tpu.memory_space<vmem>>
        %dma_wait3A_255 = tpu.memref_squeeze %dma_wait3A_254 : memref<1x1x128xi32, #tpu.memory_space<vmem>> -> memref<128xi32, #tpu.memory_space<vmem>>
        %dma_wait3A_256 = arith.constant 0 : i32
        %dma_wait3A_257 = arith.constant 0 : i32
        %dma_wait3A_258 = tpu.memref_slice %arg8[%dma_wait3A_256, %dma_wait3A_257] : memref<10112x128xf32, #tpu.memory_space<vmem_shared>> -> memref<10112x128xf32, #tpu.memory_space<vmem_shared>>
        tpu.wait_indirect_dma semaphore(%run_scoped3A_246 : memref<!tpu.dma_semaphore, #tpu.memory_space<semaphore_mem>>) src(%arg6 : memref<128x128xf32, #tpu.memory_space<vmem>>) dst(%dma_wait3A_258 : memref<10112x128xf32, #tpu.memory_space<vmem_shared>>)
        tpu.yield
      }) : () -> ()
      %dma_start3A_164 = arith.constant 0 : i32
      %dma_start3A_165 = arith.constant 4 : i32
      %dma_start3A_166 = arith.constant 0 : i32
      %dma_start3A_167 = tpu.memref_slice %arg5[%dma_start3A_164, %dma_start3A_165, %dma_start3A_166] : memref<2x8x128xi32, #tpu.memory_space<vmem>> -> memref<1x1x128xi32, #tpu.memory_space<vmem>>
      %dma_start3A_168 = tpu.memref_squeeze %dma_start3A_167 : memref<1x1x128xi32, #tpu.memory_space<vmem>> -> memref<128xi32, #tpu.memory_space<vmem>>
      %dma_start3A_169 = arith.constant 0 : i32
      %dma_start3A_170 = arith.constant 0 : i32
      %dma_start3A_171 = tpu.memref_slice %arg2[%dma_start3A_169, %dma_start3A_170] : memref<10000x128xf32, #tpu.memory_space<hbm>> -> memref<10000x128xf32, #tpu.memory_space<hbm>>
      tpu.enqueue_indirect_dma source(%dma_start3A_171 : memref<10000x128xf32, #tpu.memory_space<hbm>>) target(%arg6 : memref<128x128xf32, #tpu.memory_space<vmem>>) offsets(%dma_start3A_168 : memref<128xi32, #tpu.memory_space<vmem>>) semaphore(%arg9 : memref<!tpu.dma_semaphore, #tpu.memory_space<semaphore_mem>>)
      %dma_wait3A_172 = arith.constant 0 : i32
      %dma_wait3A_173 = arith.constant 3 : i32
      %dma_wait3A_174 = arith.constant 0 : i32
      %dma_wait3A_175 = tpu.memref_slice %arg5[%dma_wait3A_172, %dma_wait3A_173, %dma_wait3A_174] : memref<2x8x128xi32, #tpu.memory_space<vmem>> -> memref<1x1x128xi32, #tpu.memory_space<vmem>>
      %dma_wait3A_176 = tpu.memref_squeeze %dma_wait3A_175 : memref<1x1x128xi32, #tpu.memory_space<vmem>> -> memref<128xi32, #tpu.memory_space<vmem>>
      %dma_wait3A_177 = arith.constant 0 : i32
      %dma_wait3A_178 = arith.constant 0 : i32
      %dma_wait3A_179 = tpu.memref_slice %arg2[%dma_wait3A_177, %dma_wait3A_178] : memref<10000x128xf32, #tpu.memory_space<hbm>> -> memref<10000x128xf32, #tpu.memory_space<hbm>>
      tpu.wait_indirect_dma semaphore(%arg10 : memref<!tpu.dma_semaphore, #tpu.memory_space<semaphore_mem>>) src(%dma_wait3A_179 : memref<10000x128xf32, #tpu.memory_space<hbm>>) dst(%arg7 : memref<128x128xf32, #tpu.memory_space<vmem>>)
      %run_scoped3A_180 = arith.constant 1 : i32
      %run_scoped3A_181 = arith.constant 3 : i32
      "tpu.region"() ({
        %run_scoped3A_246 = tpu.sem_alloc : memref<!tpu.dma_semaphore, #tpu.memory_space<semaphore_mem>>
        %dma_start3A_247 = arith.constant 0 : i32
        %dma_start3A_248 = tpu.memref_slice %arg5[%run_scoped3A_180, %run_scoped3A_181, %dma_start3A_247] : memref<2x8x128xi32, #tpu.memory_space<vmem>> -> memref<1x1x128xi32, #tpu.memory_space<vmem>>
        %dma_start3A_249 = tpu.memref_squeeze %dma_start3A_248 : memref<1x1x128xi32, #tpu.memory_space<vmem>> -> memref<128xi32, #tpu.memory_space<vmem>>
        %dma_start3A_250 = arith.constant 0 : i32
        %dma_start3A_251 = arith.constant 0 : i32
        %dma_start3A_252 = tpu.memref_slice %arg8[%dma_start3A_250, %dma_start3A_251] : memref<10112x128xf32, #tpu.memory_space<vmem_shared>> -> memref<10112x128xf32, #tpu.memory_space<vmem_shared>>
        tpu.enqueue_indirect_dma source(%arg7 : memref<128x128xf32, #tpu.memory_space<vmem>>) target(%dma_start3A_252 : memref<10112x128xf32, #tpu.memory_space<vmem_shared>>) offsets(%dma_start3A_249 : memref<128xi32, #tpu.memory_space<vmem>>) semaphore(%run_scoped3A_246 : memref<!tpu.dma_semaphore, #tpu.memory_space<semaphore_mem>>) {add = true}
        %dma_wait3A_253 = arith.constant 0 : i32
        %dma_wait3A_254 = tpu.memref_slice %arg5[%run_scoped3A_180, %run_scoped3A_181, %dma_wait3A_253] : memref<2x8x128xi32, #tpu.memory_space<vmem>> -> memref<1x1x128xi32, #tpu.memory_space<vmem>>
        %dma_wait3A_255 = tpu.memref_squeeze %dma_wait3A_254 : memref<1x1x128xi32, #tpu.memory_space<vmem>> -> memref<128xi32, #tpu.memory_space<vmem>>
        %dma_wait3A_256 = arith.constant 0 : i32
        %dma_wait3A_257 = arith.constant 0 : i32
        %dma_wait3A_258 = tpu.memref_slice %arg8[%dma_wait3A_256, %dma_wait3A_257] : memref<10112x128xf32, #tpu.memory_space<vmem_shared>> -> memref<10112x128xf32, #tpu.memory_space<vmem_shared>>
        tpu.wait_indirect_dma semaphore(%run_scoped3A_246 : memref<!tpu.dma_semaphore, #tpu.memory_space<semaphore_mem>>) src(%arg7 : memref<128x128xf32, #tpu.memory_space<vmem>>) dst(%dma_wait3A_258 : memref<10112x128xf32, #tpu.memory_space<vmem_shared>>)
        tpu.yield
      }) : () -> ()
      %dma_start3A_182 = arith.constant 0 : i32
      %dma_start3A_183 = arith.constant 5 : i32
      %dma_start3A_184 = arith.constant 0 : i32
      %dma_start3A_185 = tpu.memref_slice %arg5[%dma_start3A_182, %dma_start3A_183, %dma_start3A_184] : memref<2x8x128xi32, #tpu.memory_space<vmem>> -> memref<1x1x128xi32, #tpu.memory_space<vmem>>
      %dma_start3A_186 = tpu.memref_squeeze %dma_start3A_185 : memref<1x1x128xi32, #tpu.memory_space<vmem>> -> memref<128xi32, #tpu.memory_space<vmem>>
      %dma_start3A_187 = arith.constant 0 : i32
      %dma_start3A_188 = arith.constant 0 : i32
      %dma_start3A_189 = tpu.memref_slice %arg2[%dma_start3A_187, %dma_start3A_188] : memref<10000x128xf32, #tpu.memory_space<hbm>> -> memref<10000x128xf32, #tpu.memory_space<hbm>>
      tpu.enqueue_indirect_dma source(%dma_start3A_189 : memref<10000x128xf32, #tpu.memory_space<hbm>>) target(%arg7 : memref<128x128xf32, #tpu.memory_space<vmem>>) offsets(%dma_start3A_186 : memref<128xi32, #tpu.memory_space<vmem>>) semaphore(%arg10 : memref<!tpu.dma_semaphore, #tpu.memory_space<semaphore_mem>>)
      %dma_wait3A_190 = arith.constant 0 : i32
      %dma_wait3A_191 = arith.constant 4 : i32
      %dma_wait3A_192 = arith.constant 0 : i32
      %dma_wait3A_193 = tpu.memref_slice %arg5[%dma_wait3A_190, %dma_wait3A_191, %dma_wait3A_192] : memref<2x8x128xi32, #tpu.memory_space<vmem>> -> memref<1x1x128xi32, #tpu.memory_space<vmem>>
      %dma_wait3A_194 = tpu.memref_squeeze %dma_wait3A_193 : memref<1x1x128xi32, #tpu.memory_space<vmem>> -> memref<128xi32, #tpu.memory_space<vmem>>
      %dma_wait3A_195 = arith.constant 0 : i32
      %dma_wait3A_196 = arith.constant 0 : i32
      %dma_wait3A_197 = tpu.memref_slice %arg2[%dma_wait3A_195, %dma_wait3A_196] : memref<10000x128xf32, #tpu.memory_space<hbm>> -> memref<10000x128xf32, #tpu.memory_space<hbm>>
      tpu.wait_indirect_dma semaphore(%arg9 : memref<!tpu.dma_semaphore, #tpu.memory_space<semaphore_mem>>) src(%dma_wait3A_197 : memref<10000x128xf32, #tpu.memory_space<hbm>>) dst(%arg6 : memref<128x128xf32, #tpu.memory_space<vmem>>)
      %run_scoped3A_198 = arith.constant 1 : i32
      %run_scoped3A_199 = arith.constant 4 : i32
      "tpu.region"() ({
        %run_scoped3A_246 = tpu.sem_alloc : memref<!tpu.dma_semaphore, #tpu.memory_space<semaphore_mem>>
        %dma_start3A_247 = arith.constant 0 : i32
        %dma_start3A_248 = tpu.memref_slice %arg5[%run_scoped3A_198, %run_scoped3A_199, %dma_start3A_247] : memref<2x8x128xi32, #tpu.memory_space<vmem>> -> memref<1x1x128xi32, #tpu.memory_space<vmem>>
        %dma_start3A_249 = tpu.memref_squeeze %dma_start3A_248 : memref<1x1x128xi32, #tpu.memory_space<vmem>> -> memref<128xi32, #tpu.memory_space<vmem>>
        %dma_start3A_250 = arith.constant 0 : i32
        %dma_start3A_251 = arith.constant 0 : i32
        %dma_start3A_252 = tpu.memref_slice %arg8[%dma_start3A_250, %dma_start3A_251] : memref<10112x128xf32, #tpu.memory_space<vmem_shared>> -> memref<10112x128xf32, #tpu.memory_space<vmem_shared>>
        tpu.enqueue_indirect_dma source(%arg6 : memref<128x128xf32, #tpu.memory_space<vmem>>) target(%dma_start3A_252 : memref<10112x128xf32, #tpu.memory_space<vmem_shared>>) offsets(%dma_start3A_249 : memref<128xi32, #tpu.memory_space<vmem>>) semaphore(%run_scoped3A_246 : memref<!tpu.dma_semaphore, #tpu.memory_space<semaphore_mem>>) {add = true}
        %dma_wait3A_253 = arith.constant 0 : i32
        %dma_wait3A_254 = tpu.memref_slice %arg5[%run_scoped3A_198, %run_scoped3A_199, %dma_wait3A_253] : memref<2x8x128xi32, #tpu.memory_space<vmem>> -> memref<1x1x128xi32, #tpu.memory_space<vmem>>
        %dma_wait3A_255 = tpu.memref_squeeze %dma_wait3A_254 : memref<1x1x128xi32, #tpu.memory_space<vmem>> -> memref<128xi32, #tpu.memory_space<vmem>>
        %dma_wait3A_256 = arith.constant 0 : i32
        %dma_wait3A_257 = arith.constant 0 : i32
        %dma_wait3A_258 = tpu.memref_slice %arg8[%dma_wait3A_256, %dma_wait3A_257] : memref<10112x128xf32, #tpu.memory_space<vmem_shared>> -> memref<10112x128xf32, #tpu.memory_space<vmem_shared>>
        tpu.wait_indirect_dma semaphore(%run_scoped3A_246 : memref<!tpu.dma_semaphore, #tpu.memory_space<semaphore_mem>>) src(%arg6 : memref<128x128xf32, #tpu.memory_space<vmem>>) dst(%dma_wait3A_258 : memref<10112x128xf32, #tpu.memory_space<vmem_shared>>)
        tpu.yield
      }) : () -> ()
      %dma_start3A_200 = arith.constant 0 : i32
      %dma_start3A_201 = arith.constant 6 : i32
      %dma_start3A_202 = arith.constant 0 : i32
      %dma_start3A_203 = tpu.memref_slice %arg5[%dma_start3A_200, %dma_start3A_201, %dma_start3A_202] : memref<2x8x128xi32, #tpu.memory_space<vmem>> -> memref<1x1x128xi32, #tpu.memory_space<vmem>>
      %dma_start3A_204 = tpu.memref_squeeze %dma_start3A_203 : memref<1x1x128xi32, #tpu.memory_space<vmem>> -> memref<128xi32, #tpu.memory_space<vmem>>
      %dma_start3A_205 = arith.constant 0 : i32
      %dma_start3A_206 = arith.constant 0 : i32
      %dma_start3A_207 = tpu.memref_slice %arg2[%dma_start3A_205, %dma_start3A_206] : memref<10000x128xf32, #tpu.memory_space<hbm>> -> memref<10000x128xf32, #tpu.memory_space<hbm>>
      tpu.enqueue_indirect_dma source(%dma_start3A_207 : memref<10000x128xf32, #tpu.memory_space<hbm>>) target(%arg6 : memref<128x128xf32, #tpu.memory_space<vmem>>) offsets(%dma_start3A_204 : memref<128xi32, #tpu.memory_space<vmem>>) semaphore(%arg9 : memref<!tpu.dma_semaphore, #tpu.memory_space<semaphore_mem>>)
      %dma_wait3A_208 = arith.constant 0 : i32
      %dma_wait3A_209 = arith.constant 5 : i32
      %dma_wait3A_210 = arith.constant 0 : i32
      %dma_wait3A_211 = tpu.memref_slice %arg5[%dma_wait3A_208, %dma_wait3A_209, %dma_wait3A_210] : memref<2x8x128xi32, #tpu.memory_space<vmem>> -> memref<1x1x128xi32, #tpu.memory_space<vmem>>
      %dma_wait3A_212 = tpu.memref_squeeze %dma_wait3A_211 : memref<1x1x128xi32, #tpu.memory_space<vmem>> -> memref<128xi32, #tpu.memory_space<vmem>>
      %dma_wait3A_213 = arith.constant 0 : i32
      %dma_wait3A_214 = arith.constant 0 : i32
      %dma_wait3A_215 = tpu.memref_slice %arg2[%dma_wait3A_213, %dma_wait3A_214] : memref<10000x128xf32, #tpu.memory_space<hbm>> -> memref<10000x128xf32, #tpu.memory_space<hbm>>
      tpu.wait_indirect_dma semaphore(%arg10 : memref<!tpu.dma_semaphore, #tpu.memory_space<semaphore_mem>>) src(%dma_wait3A_215 : memref<10000x128xf32, #tpu.memory_space<hbm>>) dst(%arg7 : memref<128x128xf32, #tpu.memory_space<vmem>>)
      %run_scoped3A_216 = arith.constant 1 : i32
      %run_scoped3A_217 = arith.constant 5 : i32
      "tpu.region"() ({
        %run_scoped3A_246 = tpu.sem_alloc : memref<!tpu.dma_semaphore, #tpu.memory_space<semaphore_mem>>
        %dma_start3A_247 = arith.constant 0 : i32
        %dma_start3A_248 = tpu.memref_slice %arg5[%run_scoped3A_216, %run_scoped3A_217, %dma_start3A_247] : memref<2x8x128xi32, #tpu.memory_space<vmem>> -> memref<1x1x128xi32, #tpu.memory_space<vmem>>
        %dma_start3A_249 = tpu.memref_squeeze %dma_start3A_248 : memref<1x1x128xi32, #tpu.memory_space<vmem>> -> memref<128xi32, #tpu.memory_space<vmem>>
        %dma_start3A_250 = arith.constant 0 : i32
        %dma_start3A_251 = arith.constant 0 : i32
        %dma_start3A_252 = tpu.memref_slice %arg8[%dma_start3A_250, %dma_start3A_251] : memref<10112x128xf32, #tpu.memory_space<vmem_shared>> -> memref<10112x128xf32, #tpu.memory_space<vmem_shared>>
        tpu.enqueue_indirect_dma source(%arg7 : memref<128x128xf32, #tpu.memory_space<vmem>>) target(%dma_start3A_252 : memref<10112x128xf32, #tpu.memory_space<vmem_shared>>) offsets(%dma_start3A_249 : memref<128xi32, #tpu.memory_space<vmem>>) semaphore(%run_scoped3A_246 : memref<!tpu.dma_semaphore, #tpu.memory_space<semaphore_mem>>) {add = true}
        %dma_wait3A_253 = arith.constant 0 : i32
        %dma_wait3A_254 = tpu.memref_slice %arg5[%run_scoped3A_216, %run_scoped3A_217, %dma_wait3A_253] : memref<2x8x128xi32, #tpu.memory_space<vmem>> -> memref<1x1x128xi32, #tpu.memory_space<vmem>>
        %dma_wait3A_255 = tpu.memref_squeeze %dma_wait3A_254 : memref<1x1x128xi32, #tpu.memory_space<vmem>> -> memref<128xi32, #tpu.memory_space<vmem>>
        %dma_wait3A_256 = arith.constant 0 : i32
        %dma_wait3A_257 = arith.constant 0 : i32
        %dma_wait3A_258 = tpu.memref_slice %arg8[%dma_wait3A_256, %dma_wait3A_257] : memref<10112x128xf32, #tpu.memory_space<vmem_shared>> -> memref<10112x128xf32, #tpu.memory_space<vmem_shared>>
        tpu.wait_indirect_dma semaphore(%run_scoped3A_246 : memref<!tpu.dma_semaphore, #tpu.memory_space<semaphore_mem>>) src(%arg7 : memref<128x128xf32, #tpu.memory_space<vmem>>) dst(%dma_wait3A_258 : memref<10112x128xf32, #tpu.memory_space<vmem_shared>>)
        tpu.yield
      }) : () -> ()
      %dma_start3A_218 = arith.constant 0 : i32
      %dma_start3A_219 = arith.constant 7 : i32
      %dma_start3A_220 = arith.constant 0 : i32
      %dma_start3A_221 = tpu.memref_slice %arg5[%dma_start3A_218, %dma_start3A_219, %dma_start3A_220] : memref<2x8x128xi32, #tpu.memory_space<vmem>> -> memref<1x1x128xi32, #tpu.memory_space<vmem>>
      %dma_start3A_222 = tpu.memref_squeeze %dma_start3A_221 : memref<1x1x128xi32, #tpu.memory_space<vmem>> -> memref<128xi32, #tpu.memory_space<vmem>>
      %dma_start3A_223 = arith.constant 0 : i32
      %dma_start3A_224 = arith.constant 0 : i32
      %dma_start3A_225 = tpu.memref_slice %arg2[%dma_start3A_223, %dma_start3A_224] : memref<10000x128xf32, #tpu.memory_space<hbm>> -> memref<10000x128xf32, #tpu.memory_space<hbm>>
      tpu.enqueue_indirect_dma source(%dma_start3A_225 : memref<10000x128xf32, #tpu.memory_space<hbm>>) target(%arg7 : memref<128x128xf32, #tpu.memory_space<vmem>>) offsets(%dma_start3A_222 : memref<128xi32, #tpu.memory_space<vmem>>) semaphore(%arg10 : memref<!tpu.dma_semaphore, #tpu.memory_space<semaphore_mem>>)
      %dma_wait3A_226 = arith.constant 0 : i32
      %dma_wait3A_227 = arith.constant 6 : i32
      %dma_wait3A_228 = arith.constant 0 : i32
      %dma_wait3A_229 = tpu.memref_slice %arg5[%dma_wait3A_226, %dma_wait3A_227, %dma_wait3A_228] : memref<2x8x128xi32, #tpu.memory_space<vmem>> -> memref<1x1x128xi32, #tpu.memory_space<vmem>>
      %dma_wait3A_230 = tpu.memref_squeeze %dma_wait3A_229 : memref<1x1x128xi32, #tpu.memory_space<vmem>> -> memref<128xi32, #tpu.memory_space<vmem>>
      %dma_wait3A_231 = arith.constant 0 : i32
      %dma_wait3A_232 = arith.constant 0 : i32
      %dma_wait3A_233 = tpu.memref_slice %arg2[%dma_wait3A_231, %dma_wait3A_232] : memref<10000x128xf32, #tpu.memory_space<hbm>> -> memref<10000x128xf32, #tpu.memory_space<hbm>>
      tpu.wait_indirect_dma semaphore(%arg9 : memref<!tpu.dma_semaphore, #tpu.memory_space<semaphore_mem>>) src(%dma_wait3A_233 : memref<10000x128xf32, #tpu.memory_space<hbm>>) dst(%arg6 : memref<128x128xf32, #tpu.memory_space<vmem>>)
      %run_scoped3A_234 = arith.constant 1 : i32
      %run_scoped3A_235 = arith.constant 6 : i32
      "tpu.region"() ({
        %run_scoped3A_246 = tpu.sem_alloc : memref<!tpu.dma_semaphore, #tpu.memory_space<semaphore_mem>>
        %dma_start3A_247 = arith.constant 0 : i32
        %dma_start3A_248 = tpu.memref_slice %arg5[%run_scoped3A_234, %run_scoped3A_235, %dma_start3A_247] : memref<2x8x128xi32, #tpu.memory_space<vmem>> -> memref<1x1x128xi32, #tpu.memory_space<vmem>>
        %dma_start3A_249 = tpu.memref_squeeze %dma_start3A_248 : memref<1x1x128xi32, #tpu.memory_space<vmem>> -> memref<128xi32, #tpu.memory_space<vmem>>
        %dma_start3A_250 = arith.constant 0 : i32
        %dma_start3A_251 = arith.constant 0 : i32
        %dma_start3A_252 = tpu.memref_slice %arg8[%dma_start3A_250, %dma_start3A_251] : memref<10112x128xf32, #tpu.memory_space<vmem_shared>> -> memref<10112x128xf32, #tpu.memory_space<vmem_shared>>
        tpu.enqueue_indirect_dma source(%arg6 : memref<128x128xf32, #tpu.memory_space<vmem>>) target(%dma_start3A_252 : memref<10112x128xf32, #tpu.memory_space<vmem_shared>>) offsets(%dma_start3A_249 : memref<128xi32, #tpu.memory_space<vmem>>) semaphore(%run_scoped3A_246 : memref<!tpu.dma_semaphore, #tpu.memory_space<semaphore_mem>>) {add = true}
        %dma_wait3A_253 = arith.constant 0 : i32
        %dma_wait3A_254 = tpu.memref_slice %arg5[%run_scoped3A_234, %run_scoped3A_235, %dma_wait3A_253] : memref<2x8x128xi32, #tpu.memory_space<vmem>> -> memref<1x1x128xi32, #tpu.memory_space<vmem>>
        %dma_wait3A_255 = tpu.memref_squeeze %dma_wait3A_254 : memref<1x1x128xi32, #tpu.memory_space<vmem>> -> memref<128xi32, #tpu.memory_space<vmem>>
        %dma_wait3A_256 = arith.constant 0 : i32
        %dma_wait3A_257 = arith.constant 0 : i32
        %dma_wait3A_258 = tpu.memref_slice %arg8[%dma_wait3A_256, %dma_wait3A_257] : memref<10112x128xf32, #tpu.memory_space<vmem_shared>> -> memref<10112x128xf32, #tpu.memory_space<vmem_shared>>
        tpu.wait_indirect_dma semaphore(%run_scoped3A_246 : memref<!tpu.dma_semaphore, #tpu.memory_space<semaphore_mem>>) src(%arg6 : memref<128x128xf32, #tpu.memory_space<vmem>>) dst(%dma_wait3A_258 : memref<10112x128xf32, #tpu.memory_space<vmem_shared>>)
        tpu.yield
      }) : () -> ()
      %dma_wait3A_236 = arith.constant 0 : i32
      %dma_wait3A_237 = arith.constant 7 : i32
      %dma_wait3A_238 = arith.constant 0 : i32
      %dma_wait3A_239 = tpu.memref_slice %arg5[%dma_wait3A_236, %dma_wait3A_237, %dma_wait3A_238] : memref<2x8x128xi32, #tpu.memory_space<vmem>> -> memref<1x1x128xi32, #tpu.memory_space<vmem>>
      %dma_wait3A_240 = tpu.memref_squeeze %dma_wait3A_239 : memref<1x1x128xi32, #tpu.memory_space<vmem>> -> memref<128xi32, #tpu.memory_space<vmem>>
      %dma_wait3A_241 = arith.constant 0 : i32
      %dma_wait3A_242 = arith.constant 0 : i32
      %dma_wait3A_243 = tpu.memref_slice %arg2[%dma_wait3A_241, %dma_wait3A_242] : memref<10000x128xf32, #tpu.memory_space<hbm>> -> memref<10000x128xf32, #tpu.memory_space<hbm>>
      tpu.wait_indirect_dma semaphore(%arg10 : memref<!tpu.dma_semaphore, #tpu.memory_space<semaphore_mem>>) src(%dma_wait3A_243 : memref<10000x128xf32, #tpu.memory_space<hbm>>) dst(%arg7 : memref<128x128xf32, #tpu.memory_space<vmem>>)
      %run_scoped3A_244 = arith.constant 1 : i32
      %run_scoped3A_245 = arith.constant 7 : i32
      "tpu.region"() ({
        %run_scoped3A_246 = tpu.sem_alloc : memref<!tpu.dma_semaphore, #tpu.memory_space<semaphore_mem>>
        %dma_start3A_247 = arith.constant 0 : i32
        %dma_start3A_248 = tpu.memref_slice %arg5[%run_scoped3A_244, %run_scoped3A_245, %dma_start3A_247] : memref<2x8x128xi32, #tpu.memory_space<vmem>> -> memref<1x1x128xi32, #tpu.memory_space<vmem>>
        %dma_start3A_249 = tpu.memref_squeeze %dma_start3A_248 : memref<1x1x128xi32, #tpu.memory_space<vmem>> -> memref<128xi32, #tpu.memory_space<vmem>>
        %dma_start3A_250 = arith.constant 0 : i32
        %dma_start3A_251 = arith.constant 0 : i32
        %dma_start3A_252 = tpu.memref_slice %arg8[%dma_start3A_250, %dma_start3A_251] : memref<10112x128xf32, #tpu.memory_space<vmem_shared>> -> memref<10112x128xf32, #tpu.memory_space<vmem_shared>>
        tpu.enqueue_indirect_dma source(%arg7 : memref<128x128xf32, #tpu.memory_space<vmem>>) target(%dma_start3A_252 : memref<10112x128xf32, #tpu.memory_space<vmem_shared>>) offsets(%dma_start3A_249 : memref<128xi32, #tpu.memory_space<vmem>>) semaphore(%run_scoped3A_246 : memref<!tpu.dma_semaphore, #tpu.memory_space<semaphore_mem>>) {add = true}
        %dma_wait3A_253 = arith.constant 0 : i32
        %dma_wait3A_254 = tpu.memref_slice %arg5[%run_scoped3A_244, %run_scoped3A_245, %dma_wait3A_253] : memref<2x8x128xi32, #tpu.memory_space<vmem>> -> memref<1x1x128xi32, #tpu.memory_space<vmem>>
        %dma_wait3A_255 = tpu.memref_squeeze %dma_wait3A_254 : memref<1x1x128xi32, #tpu.memory_space<vmem>> -> memref<128xi32, #tpu.memory_space<vmem>>
        %dma_wait3A_256 = arith.constant 0 : i32
        %dma_wait3A_257 = arith.constant 0 : i32
        %dma_wait3A_258 = tpu.memref_slice %arg8[%dma_wait3A_256, %dma_wait3A_257] : memref<10112x128xf32, #tpu.memory_space<vmem_shared>> -> memref<10112x128xf32, #tpu.memory_space<vmem_shared>>
        tpu.wait_indirect_dma semaphore(%run_scoped3A_246 : memref<!tpu.dma_semaphore, #tpu.memory_space<semaphore_mem>>) src(%arg7 : memref<128x128xf32, #tpu.memory_space<vmem>>) dst(%dma_wait3A_258 : memref<10112x128xf32, #tpu.memory_space<vmem_shared>>)
        tpu.yield
      }) : () -> ()
    }
    %while3A_57 = arith.constant 1 : i32
    scf.for %while3A_99 = %while3A_55 to %while3A_51 step %while3A_57  : i32 {
      %mul3A_100 = arith.muli %while3A_99, %while3A : i32
      %add3A_101 = arith.addi %while3A_48, %mul3A_100 : i32
      %add3A_102 = arith.addi %select_n3A_8, %add3A_101 : i32
      %mul3A_103 = arith.constant 8 : i32
      %mul3A_104 = arith.muli %add3A_102, %mul3A_103 : i32
      "tpu.region"() ({
        %run_scoped3A_246 = tpu.sem_alloc : memref<!tpu.dma_semaphore, #tpu.memory_space<semaphore_mem>>
        %dma_start3A_247 = arith.constant 0 : i32
        %dma_start3A_248 = arith.constant 0 : i32
        %dma_start3A_249 = tpu.memref_slice %arg3[%dma_start3A_247, %mul3A_104, %dma_start3A_248] : memref<2x2560x128xi32, #tpu.memory_space<hbm>> -> memref<2x8x128xi32, #tpu.memory_space<hbm>>
        %dma_start3A_250 = arith.constant 0 : i32
        %dma_start3A_251 = arith.constant 0 : i32
        %dma_start3A_252 = tpu.memref_slice %arg3[%dma_start3A_250, %mul3A_104, %dma_start3A_251] : memref<2x2560x128xi32, #tpu.memory_space<hbm>> -> memref<2x8x128xi32, #tpu.memory_space<hbm>>
        tpu.enqueue_dma source(%dma_start3A_252 : memref<2x8x128xi32, #tpu.memory_space<hbm>>) target(%arg5 : memref<2x8x128xi32, #tpu.memory_space<vmem>>) target_semaphore(%run_scoped3A_246 : memref<!tpu.dma_semaphore, #tpu.memory_space<semaphore_mem>>)
        %dma_wait3A_253 = arith.constant 0 : i32
        %dma_wait3A_254 = arith.constant 0 : i32
        %dma_wait3A_255 = tpu.memref_slice %arg3[%dma_wait3A_253, %mul3A_104, %dma_wait3A_254] : memref<2x2560x128xi32, #tpu.memory_space<hbm>> -> memref<2x8x128xi32, #tpu.memory_space<hbm>>
        %dma_wait3A_256 = arith.constant 0 : i32
        %dma_wait3A_257 = arith.constant 0 : i32
        %dma_wait3A_258 = tpu.memref_slice %arg3[%dma_wait3A_256, %mul3A_104, %dma_wait3A_257] : memref<2x2560x128xi32, #tpu.memory_space<hbm>> -> memref<2x8x128xi32, #tpu.memory_space<hbm>>
        tpu.wait_dma2 semaphore(%run_scoped3A_246 : memref<!tpu.dma_semaphore, #tpu.memory_space<semaphore_mem>>) src(%dma_wait3A_258 : memref<2x8x128xi32, #tpu.memory_space<hbm>>) dst(%arg5 : memref<2x8x128xi32, #tpu.memory_space<vmem>>)
        tpu.yield
      }) : () -> ()
      %dma_start3A = arith.constant 0 : i32
      %dma_start3A_105 = arith.constant 0 : i32
      %dma_start3A_106 = arith.constant 0 : i32
      %dma_start3A_107 = tpu.memref_slice %arg5[%dma_start3A, %dma_start3A_105, %dma_start3A_106] : memref<2x8x128xi32, #tpu.memory_space<vmem>> -> memref<1x1x128xi32, #tpu.memory_space<vmem>>
      %dma_start3A_108 = tpu.memref_squeeze %dma_start3A_107 : memref<1x1x128xi32, #tpu.memory_space<vmem>> -> memref<128xi32, #tpu.memory_space<vmem>>
      %dma_start3A_109 = arith.constant 0 : i32
      %dma_start3A_110 = arith.constant 0 : i32
      %dma_start3A_111 = tpu.memref_slice %arg2[%dma_start3A_109, %dma_start3A_110] : memref<10000x128xf32, #tpu.memory_space<hbm>> -> memref<10000x128xf32, #tpu.memory_space<hbm>>
      tpu.enqueue_indirect_dma source(%dma_start3A_111 : memref<10000x128xf32, #tpu.memory_space<hbm>>) target(%arg6 : memref<128x128xf32, #tpu.memory_space<vmem>>) offsets(%dma_start3A_108 : memref<128xi32, #tpu.memory_space<vmem>>) semaphore(%arg9 : memref<!tpu.dma_semaphore, #tpu.memory_space<semaphore_mem>>)
      %dma_start3A_112 = arith.constant 0 : i32
      %dma_start3A_113 = arith.constant 1 : i32
      %dma_start3A_114 = arith.constant 0 : i32
      %dma_start3A_115 = tpu.memref_slice %arg5[%dma_start3A_112, %dma_start3A_113, %dma_start3A_114] : memref<2x8x128xi32, #tpu.memory_space<vmem>> -> memref<1x1x128xi32, #tpu.memory_space<vmem>>
      %dma_start3A_116 = tpu.memref_squeeze %dma_start3A_115 : memref<1x1x128xi32, #tpu.memory_space<vmem>> -> memref<128xi32, #tpu.memory_space<vmem>>
      %dma_start3A_117 = arith.constant 0 : i32
      %dma_start3A_118 = arith.constant 0 : i32
      %dma_start3A_119 = tpu.memref_slice %arg2[%dma_start3A_117, %dma_start3A_118] : memref<10000x128xf32, #tpu.memory_space<hbm>> -> memref<10000x128xf32, #tpu.memory_space<hbm>>
      tpu.enqueue_indirect_dma source(%dma_start3A_119 : memref<10000x128xf32, #tpu.memory_space<hbm>>) target(%arg7 : memref<128x128xf32, #tpu.memory_space<vmem>>) offsets(%dma_start3A_116 : memref<128xi32, #tpu.memory_space<vmem>>) semaphore(%arg10 : memref<!tpu.dma_semaphore, #tpu.memory_space<semaphore_mem>>)
      %dma_wait3A = arith.constant 0 : i32
      %dma_wait3A_120 = arith.constant 0 : i32
      %dma_wait3A_121 = arith.constant 0 : i32
      %dma_wait3A_122 = tpu.memref_slice %arg5[%dma_wait3A, %dma_wait3A_120, %dma_wait3A_121] : memref<2x8x128xi32, #tpu.memory_space<vmem>> -> memref<1x1x128xi32, #tpu.memory_space<vmem>>
      %dma_wait3A_123 = tpu.memref_squeeze %dma_wait3A_122 : memref<1x1x128xi32, #tpu.memory_space<vmem>> -> memref<128xi32, #tpu.memory_space<vmem>>
      %dma_wait3A_124 = arith.constant 0 : i32
      %dma_wait3A_125 = arith.constant 0 : i32
      %dma_wait3A_126 = tpu.memref_slice %arg2[%dma_wait3A_124, %dma_wait3A_125] : memref<10000x128xf32, #tpu.memory_space<hbm>> -> memref<10000x128xf32, #tpu.memory_space<hbm>>
      tpu.wait_indirect_dma semaphore(%arg9 : memref<!tpu.dma_semaphore, #tpu.memory_space<semaphore_mem>>) src(%dma_wait3A_126 : memref<10000x128xf32, #tpu.memory_space<hbm>>) dst(%arg6 : memref<128x128xf32, #tpu.memory_space<vmem>>)
      %run_scoped3A = arith.constant 1 : i32
      %run_scoped3A_127 = arith.constant 0 : i32
      "tpu.region"() ({
        %run_scoped3A_246 = tpu.sem_alloc : memref<!tpu.dma_semaphore, #tpu.memory_space<semaphore_mem>>
        %dma_start3A_247 = arith.constant 0 : i32
        %dma_start3A_248 = tpu.memref_slice %arg5[%run_scoped3A, %run_scoped3A_127, %dma_start3A_247] : memref<2x8x128xi32, #tpu.memory_space<vmem>> -> memref<1x1x128xi32, #tpu.memory_space<vmem>>
        %dma_start3A_249 = tpu.memref_squeeze %dma_start3A_248 : memref<1x1x128xi32, #tpu.memory_space<vmem>> -> memref<128xi32, #tpu.memory_space<vmem>>
        %dma_start3A_250 = arith.constant 0 : i32
        %dma_start3A_251 = arith.constant 0 : i32
        %dma_start3A_252 = tpu.memref_slice %arg8[%dma_start3A_250, %dma_start3A_251] : memref<10112x128xf32, #tpu.memory_space<vmem_shared>> -> memref<10112x128xf32, #tpu.memory_space<vmem_shared>>
        tpu.enqueue_indirect_dma source(%arg6 : memref<128x128xf32, #tpu.memory_space<vmem>>) target(%dma_start3A_252 : memref<10112x128xf32, #tpu.memory_space<vmem_shared>>) offsets(%dma_start3A_249 : memref<128xi32, #tpu.memory_space<vmem>>) semaphore(%run_scoped3A_246 : memref<!tpu.dma_semaphore, #tpu.memory_space<semaphore_mem>>) {add = true}
        %dma_wait3A_253 = arith.constant 0 : i32
        %dma_wait3A_254 = tpu.memref_slice %arg5[%run_scoped3A, %run_scoped3A_127, %dma_wait3A_253] : memref<2x8x128xi32, #tpu.memory_space<vmem>> -> memref<1x1x128xi32, #tpu.memory_space<vmem>>
        %dma_wait3A_255 = tpu.memref_squeeze %dma_wait3A_254 : memref<1x1x128xi32, #tpu.memory_space<vmem>> -> memref<128xi32, #tpu.memory_space<vmem>>
        %dma_wait3A_256 = arith.constant 0 : i32
        %dma_wait3A_257 = arith.constant 0 : i32
        %dma_wait3A_258 = tpu.memref_slice %arg8[%dma_wait3A_256, %dma_wait3A_257] : memref<10112x128xf32, #tpu.memory_space<vmem_shared>> -> memref<10112x128xf32, #tpu.memory_space<vmem_shared>>
        tpu.wait_indirect_dma semaphore(%run_scoped3A_246 : memref<!tpu.dma_semaphore, #tpu.memory_space<semaphore_mem>>) src(%arg6 : memref<128x128xf32, #tpu.memory_space<vmem>>) dst(%dma_wait3A_258 : memref<10112x128xf32, #tpu.memory_space<vmem_shared>>)
        tpu.yield
      }) : () -> ()
      %dma_start3A_128 = arith.constant 0 : i32
      %dma_start3A_129 = arith.constant 2 : i32
      %dma_start3A_130 = arith.constant 0 : i32
      %dma_start3A_131 = tpu.memref_slice %arg5[%dma_start3A_128, %dma_start3A_129, %dma_start3A_130] : memref<2x8x128xi32, #tpu.memory_space<vmem>> -> memref<1x1x128xi32, #tpu.memory_space<vmem>>
      %dma_start3A_132 = tpu.memref_squeeze %dma_start3A_131 : memref<1x1x128xi32, #tpu.memory_space<vmem>> -> memref<128xi32, #tpu.memory_space<vmem>>
      %dma_start3A_133 = arith.constant 0 : i32
      %dma_start3A_134 = arith.constant 0 : i32
      %dma_start3A_135 = tpu.memref_slice %arg2[%dma_start3A_133, %dma_start3A_134] : memref<10000x128xf32, #tpu.memory_space<hbm>> -> memref<10000x128xf32, #tpu.memory_space<hbm>>
      tpu.enqueue_indirect_dma source(%dma_start3A_135 : memref<10000x128xf32, #tpu.memory_space<hbm>>) target(%arg6 : memref<128x128xf32, #tpu.memory_space<vmem>>) offsets(%dma_start3A_132 : memref<128xi32, #tpu.memory_space<vmem>>) semaphore(%arg9 : memref<!tpu.dma_semaphore, #tpu.memory_space<semaphore_mem>>)
      %dma_wait3A_136 = arith.constant 0 : i32
      %dma_wait3A_137 = arith.constant 1 : i32
      %dma_wait3A_138 = arith.constant 0 : i32
      %dma_wait3A_139 = tpu.memref_slice %arg5[%dma_wait3A_136, %dma_wait3A_137, %dma_wait3A_138] : memref<2x8x128xi32, #tpu.memory_space<vmem>> -> memref<1x1x128xi32, #tpu.memory_space<vmem>>
      %dma_wait3A_140 = tpu.memref_squeeze %dma_wait3A_139 : memref<1x1x128xi32, #tpu.memory_space<vmem>> -> memref<128xi32, #tpu.memory_space<vmem>>
      %dma_wait3A_141 = arith.constant 0 : i32
      %dma_wait3A_142 = arith.constant 0 : i32
      %dma_wait3A_143 = tpu.memref_slice %arg2[%dma_wait3A_141, %dma_wait3A_142] : memref<10000x128xf32, #tpu.memory_space<hbm>> -> memref<10000x128xf32, #tpu.memory_space<hbm>>
      tpu.wait_indirect_dma semaphore(%arg10 : memref<!tpu.dma_semaphore, #tpu.memory_space<semaphore_mem>>) src(%dma_wait3A_143 : memref<10000x128xf32, #tpu.memory_space<hbm>>) dst(%arg7 : memref<128x128xf32, #tpu.memory_space<vmem>>)
      %run_scoped3A_144 = arith.constant 1 : i32
      %run_scoped3A_145 = arith.constant 1 : i32
      "tpu.region"() ({
        %run_scoped3A_246 = tpu.sem_alloc : memref<!tpu.dma_semaphore, #tpu.memory_space<semaphore_mem>>
        %dma_start3A_247 = arith.constant 0 : i32
        %dma_start3A_248 = tpu.memref_slice %arg5[%run_scoped3A_144, %run_scoped3A_145, %dma_start3A_247] : memref<2x8x128xi32, #tpu.memory_space<vmem>> -> memref<1x1x128xi32, #tpu.memory_space<vmem>>
        %dma_start3A_249 = tpu.memref_squeeze %dma_start3A_248 : memref<1x1x128xi32, #tpu.memory_space<vmem>> -> memref<128xi32, #tpu.memory_space<vmem>>
        %dma_start3A_250 = arith.constant 0 : i32
        %dma_start3A_251 = arith.constant 0 : i32
        %dma_start3A_252 = tpu.memref_slice %arg8[%dma_start3A_250, %dma_start3A_251] : memref<10112x128xf32, #tpu.memory_space<vmem_shared>> -> memref<10112x128xf32, #tpu.memory_space<vmem_shared>>
        tpu.enqueue_indirect_dma source(%arg7 : memref<128x128xf32, #tpu.memory_space<vmem>>) target(%dma_start3A_252 : memref<10112x128xf32, #tpu.memory_space<vmem_shared>>) offsets(%dma_start3A_249 : memref<128xi32, #tpu.memory_space<vmem>>) semaphore(%run_scoped3A_246 : memref<!tpu.dma_semaphore, #tpu.memory_space<semaphore_mem>>) {add = true}
        %dma_wait3A_253 = arith.constant 0 : i32
        %dma_wait3A_254 = tpu.memref_slice %arg5[%run_scoped3A_144, %run_scoped3A_145, %dma_wait3A_253] : memref<2x8x128xi32, #tpu.memory_space<vmem>> -> memref<1x1x128xi32, #tpu.memory_space<vmem>>
        %dma_wait3A_255 = tpu.memref_squeeze %dma_wait3A_254 : memref<1x1x128xi32, #tpu.memory_space<vmem>> -> memref<128xi32, #tpu.memory_space<vmem>>
        %dma_wait3A_256 = arith.constant 0 : i32
        %dma_wait3A_257 = arith.constant 0 : i32
        %dma_wait3A_258 = tpu.memref_slice %arg8[%dma_wait3A_256, %dma_wait3A_257] : memref<10112x128xf32, #tpu.memory_space<vmem_shared>> -> memref<10112x128xf32, #tpu.memory_space<vmem_shared>>
        tpu.wait_indirect_dma semaphore(%run_scoped3A_246 : memref<!tpu.dma_semaphore, #tpu.memory_space<semaphore_mem>>) src(%arg7 : memref<128x128xf32, #tpu.memory_space<vmem>>) dst(%dma_wait3A_258 : memref<10112x128xf32, #tpu.memory_space<vmem_shared>>)
        tpu.yield
      }) : () -> ()
      %dma_start3A_146 = arith.constant 0 : i32
      %dma_start3A_147 = arith.constant 3 : i32
      %dma_start3A_148 = arith.constant 0 : i32
      %dma_start3A_149 = tpu.memref_slice %arg5[%dma_start3A_146, %dma_start3A_147, %dma_start3A_148] : memref<2x8x128xi32, #tpu.memory_space<vmem>> -> memref<1x1x128xi32, #tpu.memory_space<vmem>>
      %dma_start3A_150 = tpu.memref_squeeze %dma_start3A_149 : memref<1x1x128xi32, #tpu.memory_space<vmem>> -> memref<128xi32, #tpu.memory_space<vmem>>
      %dma_start3A_151 = arith.constant 0 : i32
      %dma_start3A_152 = arith.constant 0 : i32
      %dma_start3A_153 = tpu.memref_slice %arg2[%dma_start3A_151, %dma_start3A_152] : memref<10000x128xf32, #tpu.memory_space<hbm>> -> memref<10000x128xf32, #tpu.memory_space<hbm>>
      tpu.enqueue_indirect_dma source(%dma_start3A_153 : memref<10000x128xf32, #tpu.memory_space<hbm>>) target(%arg7 : memref<128x128xf32, #tpu.memory_space<vmem>>) offsets(%dma_start3A_150 : memref<128xi32, #tpu.memory_space<vmem>>) semaphore(%arg10 : memref<!tpu.dma_semaphore, #tpu.memory_space<semaphore_mem>>)
      %dma_wait3A_154 = arith.constant 0 : i32
      %dma_wait3A_155 = arith.constant 2 : i32
      %dma_wait3A_156 = arith.constant 0 : i32
      %dma_wait3A_157 = tpu.memref_slice %arg5[%dma_wait3A_154, %dma_wait3A_155, %dma_wait3A_156] : memref<2x8x128xi32, #tpu.memory_space<vmem>> -> memref<1x1x128xi32, #tpu.memory_space<vmem>>
      %dma_wait3A_158 = tpu.memref_squeeze %dma_wait3A_157 : memref<1x1x128xi32, #tpu.memory_space<vmem>> -> memref<128xi32, #tpu.memory_space<vmem>>
      %dma_wait3A_159 = arith.constant 0 : i32
      %dma_wait3A_160 = arith.constant 0 : i32
      %dma_wait3A_161 = tpu.memref_slice %arg2[%dma_wait3A_159, %dma_wait3A_160] : memref<10000x128xf32, #tpu.memory_space<hbm>> -> memref<10000x128xf32, #tpu.memory_space<hbm>>
      tpu.wait_indirect_dma semaphore(%arg9 : memref<!tpu.dma_semaphore, #tpu.memory_space<semaphore_mem>>) src(%dma_wait3A_161 : memref<10000x128xf32, #tpu.memory_space<hbm>>) dst(%arg6 : memref<128x128xf32, #tpu.memory_space<vmem>>)
      %run_scoped3A_162 = arith.constant 1 : i32
      %run_scoped3A_163 = arith.constant 2 : i32
      "tpu.region"() ({
        %run_scoped3A_246 = tpu.sem_alloc : memref<!tpu.dma_semaphore, #tpu.memory_space<semaphore_mem>>
        %dma_start3A_247 = arith.constant 0 : i32
        %dma_start3A_248 = tpu.memref_slice %arg5[%run_scoped3A_162, %run_scoped3A_163, %dma_start3A_247] : memref<2x8x128xi32, #tpu.memory_space<vmem>> -> memref<1x1x128xi32, #tpu.memory_space<vmem>>
        %dma_start3A_249 = tpu.memref_squeeze %dma_start3A_248 : memref<1x1x128xi32, #tpu.memory_space<vmem>> -> memref<128xi32, #tpu.memory_space<vmem>>
        %dma_start3A_250 = arith.constant 0 : i32
        %dma_start3A_251 = arith.constant 0 : i32
        %dma_start3A_252 = tpu.memref_slice %arg8[%dma_start3A_250, %dma_start3A_251] : memref<10112x128xf32, #tpu.memory_space<vmem_shared>> -> memref<10112x128xf32, #tpu.memory_space<vmem_shared>>
        tpu.enqueue_indirect_dma source(%arg6 : memref<128x128xf32, #tpu.memory_space<vmem>>) target(%dma_start3A_252 : memref<10112x128xf32, #tpu.memory_space<vmem_shared>>) offsets(%dma_start3A_249 : memref<128xi32, #tpu.memory_space<vmem>>) semaphore(%run_scoped3A_246 : memref<!tpu.dma_semaphore, #tpu.memory_space<semaphore_mem>>) {add = true}
        %dma_wait3A_253 = arith.constant 0 : i32
        %dma_wait3A_254 = tpu.memref_slice %arg5[%run_scoped3A_162, %run_scoped3A_163, %dma_wait3A_253] : memref<2x8x128xi32, #tpu.memory_space<vmem>> -> memref<1x1x128xi32, #tpu.memory_space<vmem>>
        %dma_wait3A_255 = tpu.memref_squeeze %dma_wait3A_254 : memref<1x1x128xi32, #tpu.memory_space<vmem>> -> memref<128xi32, #tpu.memory_space<vmem>>
        %dma_wait3A_256 = arith.constant 0 : i32
        %dma_wait3A_257 = arith.constant 0 : i32
        %dma_wait3A_258 = tpu.memref_slice %arg8[%dma_wait3A_256, %dma_wait3A_257] : memref<10112x128xf32, #tpu.memory_space<vmem_shared>> -> memref<10112x128xf32, #tpu.memory_space<vmem_shared>>
        tpu.wait_indirect_dma semaphore(%run_scoped3A_246 : memref<!tpu.dma_semaphore, #tpu.memory_space<semaphore_mem>>) src(%arg6 : memref<128x128xf32, #tpu.memory_space<vmem>>) dst(%dma_wait3A_258 : memref<10112x128xf32, #tpu.memory_space<vmem_shared>>)
        tpu.yield
      }) : () -> ()
      %dma_start3A_164 = arith.constant 0 : i32
      %dma_start3A_165 = arith.constant 4 : i32
      %dma_start3A_166 = arith.constant 0 : i32
      %dma_start3A_167 = tpu.memref_slice %arg5[%dma_start3A_164, %dma_start3A_165, %dma_start3A_166] : memref<2x8x128xi32, #tpu.memory_space<vmem>> -> memref<1x1x128xi32, #tpu.memory_space<vmem>>
      %dma_start3A_168 = tpu.memref_squeeze %dma_start3A_167 : memref<1x1x128xi32, #tpu.memory_space<vmem>> -> memref<128xi32, #tpu.memory_space<vmem>>
      %dma_start3A_169 = arith.constant 0 : i32
      %dma_start3A_170 = arith.constant 0 : i32
      %dma_start3A_171 = tpu.memref_slice %arg2[%dma_start3A_169, %dma_start3A_170] : memref<10000x128xf32, #tpu.memory_space<hbm>> -> memref<10000x128xf32, #tpu.memory_space<hbm>>
      tpu.enqueue_indirect_dma source(%dma_start3A_171 : memref<10000x128xf32, #tpu.memory_space<hbm>>) target(%arg6 : memref<128x128xf32, #tpu.memory_space<vmem>>) offsets(%dma_start3A_168 : memref<128xi32, #tpu.memory_space<vmem>>) semaphore(%arg9 : memref<!tpu.dma_semaphore, #tpu.memory_space<semaphore_mem>>)
      %dma_wait3A_172 = arith.constant 0 : i32
      %dma_wait3A_173 = arith.constant 3 : i32
      %dma_wait3A_174 = arith.constant 0 : i32
      %dma_wait3A_175 = tpu.memref_slice %arg5[%dma_wait3A_172, %dma_wait3A_173, %dma_wait3A_174] : memref<2x8x128xi32, #tpu.memory_space<vmem>> -> memref<1x1x128xi32, #tpu.memory_space<vmem>>
      %dma_wait3A_176 = tpu.memref_squeeze %dma_wait3A_175 : memref<1x1x128xi32, #tpu.memory_space<vmem>> -> memref<128xi32, #tpu.memory_space<vmem>>
      %dma_wait3A_177 = arith.constant 0 : i32
      %dma_wait3A_178 = arith.constant 0 : i32
      %dma_wait3A_179 = tpu.memref_slice %arg2[%dma_wait3A_177, %dma_wait3A_178] : memref<10000x128xf32, #tpu.memory_space<hbm>> -> memref<10000x128xf32, #tpu.memory_space<hbm>>
      tpu.wait_indirect_dma semaphore(%arg10 : memref<!tpu.dma_semaphore, #tpu.memory_space<semaphore_mem>>) src(%dma_wait3A_179 : memref<10000x128xf32, #tpu.memory_space<hbm>>) dst(%arg7 : memref<128x128xf32, #tpu.memory_space<vmem>>)
      %run_scoped3A_180 = arith.constant 1 : i32
      %run_scoped3A_181 = arith.constant 3 : i32
      "tpu.region"() ({
        %run_scoped3A_246 = tpu.sem_alloc : memref<!tpu.dma_semaphore, #tpu.memory_space<semaphore_mem>>
        %dma_start3A_247 = arith.constant 0 : i32
        %dma_start3A_248 = tpu.memref_slice %arg5[%run_scoped3A_180, %run_scoped3A_181, %dma_start3A_247] : memref<2x8x128xi32, #tpu.memory_space<vmem>> -> memref<1x1x128xi32, #tpu.memory_space<vmem>>
        %dma_start3A_249 = tpu.memref_squeeze %dma_start3A_248 : memref<1x1x128xi32, #tpu.memory_space<vmem>> -> memref<128xi32, #tpu.memory_space<vmem>>
        %dma_start3A_250 = arith.constant 0 : i32
        %dma_start3A_251 = arith.constant 0 : i32
        %dma_start3A_252 = tpu.memref_slice %arg8[%dma_start3A_250, %dma_start3A_251] : memref<10112x128xf32, #tpu.memory_space<vmem_shared>> -> memref<10112x128xf32, #tpu.memory_space<vmem_shared>>
        tpu.enqueue_indirect_dma source(%arg7 : memref<128x128xf32, #tpu.memory_space<vmem>>) target(%dma_start3A_252 : memref<10112x128xf32, #tpu.memory_space<vmem_shared>>) offsets(%dma_start3A_249 : memref<128xi32, #tpu.memory_space<vmem>>) semaphore(%run_scoped3A_246 : memref<!tpu.dma_semaphore, #tpu.memory_space<semaphore_mem>>) {add = true}
        %dma_wait3A_253 = arith.constant 0 : i32
        %dma_wait3A_254 = tpu.memref_slice %arg5[%run_scoped3A_180, %run_scoped3A_181, %dma_wait3A_253] : memref<2x8x128xi32, #tpu.memory_space<vmem>> -> memref<1x1x128xi32, #tpu.memory_space<vmem>>
        %dma_wait3A_255 = tpu.memref_squeeze %dma_wait3A_254 : memref<1x1x128xi32, #tpu.memory_space<vmem>> -> memref<128xi32, #tpu.memory_space<vmem>>
        %dma_wait3A_256 = arith.constant 0 : i32
        %dma_wait3A_257 = arith.constant 0 : i32
        %dma_wait3A_258 = tpu.memref_slice %arg8[%dma_wait3A_256, %dma_wait3A_257] : memref<10112x128xf32, #tpu.memory_space<vmem_shared>> -> memref<10112x128xf32, #tpu.memory_space<vmem_shared>>
        tpu.wait_indirect_dma semaphore(%run_scoped3A_246 : memref<!tpu.dma_semaphore, #tpu.memory_space<semaphore_mem>>) src(%arg7 : memref<128x128xf32, #tpu.memory_space<vmem>>) dst(%dma_wait3A_258 : memref<10112x128xf32, #tpu.memory_space<vmem_shared>>)
        tpu.yield
      }) : () -> ()
      %dma_start3A_182 = arith.constant 0 : i32
      %dma_start3A_183 = arith.constant 5 : i32
      %dma_start3A_184 = arith.constant 0 : i32
      %dma_start3A_185 = tpu.memref_slice %arg5[%dma_start3A_182, %dma_start3A_183, %dma_start3A_184] : memref<2x8x128xi32, #tpu.memory_space<vmem>> -> memref<1x1x128xi32, #tpu.memory_space<vmem>>
      %dma_start3A_186 = tpu.memref_squeeze %dma_start3A_185 : memref<1x1x128xi32, #tpu.memory_space<vmem>> -> memref<128xi32, #tpu.memory_space<vmem>>
      %dma_start3A_187 = arith.constant 0 : i32
      %dma_start3A_188 = arith.constant 0 : i32
      %dma_start3A_189 = tpu.memref_slice %arg2[%dma_start3A_187, %dma_start3A_188] : memref<10000x128xf32, #tpu.memory_space<hbm>> -> memref<10000x128xf32, #tpu.memory_space<hbm>>
      tpu.enqueue_indirect_dma source(%dma_start3A_189 : memref<10000x128xf32, #tpu.memory_space<hbm>>) target(%arg7 : memref<128x128xf32, #tpu.memory_space<vmem>>) offsets(%dma_start3A_186 : memref<128xi32, #tpu.memory_space<vmem>>) semaphore(%arg10 : memref<!tpu.dma_semaphore, #tpu.memory_space<semaphore_mem>>)
      %dma_wait3A_190 = arith.constant 0 : i32
      %dma_wait3A_191 = arith.constant 4 : i32
      %dma_wait3A_192 = arith.constant 0 : i32
      %dma_wait3A_193 = tpu.memref_slice %arg5[%dma_wait3A_190, %dma_wait3A_191, %dma_wait3A_192] : memref<2x8x128xi32, #tpu.memory_space<vmem>> -> memref<1x1x128xi32, #tpu.memory_space<vmem>>
      %dma_wait3A_194 = tpu.memref_squeeze %dma_wait3A_193 : memref<1x1x128xi32, #tpu.memory_space<vmem>> -> memref<128xi32, #tpu.memory_space<vmem>>
      %dma_wait3A_195 = arith.constant 0 : i32
      %dma_wait3A_196 = arith.constant 0 : i32
      %dma_wait3A_197 = tpu.memref_slice %arg2[%dma_wait3A_195, %dma_wait3A_196] : memref<10000x128xf32, #tpu.memory_space<hbm>> -> memref<10000x128xf32, #tpu.memory_space<hbm>>
      tpu.wait_indirect_dma semaphore(%arg9 : memref<!tpu.dma_semaphore, #tpu.memory_space<semaphore_mem>>) src(%dma_wait3A_197 : memref<10000x128xf32, #tpu.memory_space<hbm>>) dst(%arg6 : memref<128x128xf32, #tpu.memory_space<vmem>>)
      %run_scoped3A_198 = arith.constant 1 : i32
      %run_scoped3A_199 = arith.constant 4 : i32
      "tpu.region"() ({
        %run_scoped3A_246 = tpu.sem_alloc : memref<!tpu.dma_semaphore, #tpu.memory_space<semaphore_mem>>
        %dma_start3A_247 = arith.constant 0 : i32
        %dma_start3A_248 = tpu.memref_slice %arg5[%run_scoped3A_198, %run_scoped3A_199, %dma_start3A_247] : memref<2x8x128xi32, #tpu.memory_space<vmem>> -> memref<1x1x128xi32, #tpu.memory_space<vmem>>
        %dma_start3A_249 = tpu.memref_squeeze %dma_start3A_248 : memref<1x1x128xi32, #tpu.memory_space<vmem>> -> memref<128xi32, #tpu.memory_space<vmem>>
        %dma_start3A_250 = arith.constant 0 : i32
        %dma_start3A_251 = arith.constant 0 : i32
        %dma_start3A_252 = tpu.memref_slice %arg8[%dma_start3A_250, %dma_start3A_251] : memref<10112x128xf32, #tpu.memory_space<vmem_shared>> -> memref<10112x128xf32, #tpu.memory_space<vmem_shared>>
        tpu.enqueue_indirect_dma source(%arg6 : memref<128x128xf32, #tpu.memory_space<vmem>>) target(%dma_start3A_252 : memref<10112x128xf32, #tpu.memory_space<vmem_shared>>) offsets(%dma_start3A_249 : memref<128xi32, #tpu.memory_space<vmem>>) semaphore(%run_scoped3A_246 : memref<!tpu.dma_semaphore, #tpu.memory_space<semaphore_mem>>) {add = true}
        %dma_wait3A_253 = arith.constant 0 : i32
        %dma_wait3A_254 = tpu.memref_slice %arg5[%run_scoped3A_198, %run_scoped3A_199, %dma_wait3A_253] : memref<2x8x128xi32, #tpu.memory_space<vmem>> -> memref<1x1x128xi32, #tpu.memory_space<vmem>>
        %dma_wait3A_255 = tpu.memref_squeeze %dma_wait3A_254 : memref<1x1x128xi32, #tpu.memory_space<vmem>> -> memref<128xi32, #tpu.memory_space<vmem>>
        %dma_wait3A_256 = arith.constant 0 : i32
        %dma_wait3A_257 = arith.constant 0 : i32
        %dma_wait3A_258 = tpu.memref_slice %arg8[%dma_wait3A_256, %dma_wait3A_257] : memref<10112x128xf32, #tpu.memory_space<vmem_shared>> -> memref<10112x128xf32, #tpu.memory_space<vmem_shared>>
        tpu.wait_indirect_dma semaphore(%run_scoped3A_246 : memref<!tpu.dma_semaphore, #tpu.memory_space<semaphore_mem>>) src(%arg6 : memref<128x128xf32, #tpu.memory_space<vmem>>) dst(%dma_wait3A_258 : memref<10112x128xf32, #tpu.memory_space<vmem_shared>>)
        tpu.yield
      }) : () -> ()
      %dma_start3A_200 = arith.constant 0 : i32
      %dma_start3A_201 = arith.constant 6 : i32
      %dma_start3A_202 = arith.constant 0 : i32
      %dma_start3A_203 = tpu.memref_slice %arg5[%dma_start3A_200, %dma_start3A_201, %dma_start3A_202] : memref<2x8x128xi32, #tpu.memory_space<vmem>> -> memref<1x1x128xi32, #tpu.memory_space<vmem>>
      %dma_start3A_204 = tpu.memref_squeeze %dma_start3A_203 : memref<1x1x128xi32, #tpu.memory_space<vmem>> -> memref<128xi32, #tpu.memory_space<vmem>>
      %dma_start3A_205 = arith.constant 0 : i32
      %dma_start3A_206 = arith.constant 0 : i32
      %dma_start3A_207 = tpu.memref_slice %arg2[%dma_start3A_205, %dma_start3A_206] : memref<10000x128xf32, #tpu.memory_space<hbm>> -> memref<10000x128xf32, #tpu.memory_space<hbm>>
      tpu.enqueue_indirect_dma source(%dma_start3A_207 : memref<10000x128xf32, #tpu.memory_space<hbm>>) target(%arg6 : memref<128x128xf32, #tpu.memory_space<vmem>>) offsets(%dma_start3A_204 : memref<128xi32, #tpu.memory_space<vmem>>) semaphore(%arg9 : memref<!tpu.dma_semaphore, #tpu.memory_space<semaphore_mem>>)
      %dma_wait3A_208 = arith.constant 0 : i32
      %dma_wait3A_209 = arith.constant 5 : i32
      %dma_wait3A_210 = arith.constant 0 : i32
      %dma_wait3A_211 = tpu.memref_slice %arg5[%dma_wait3A_208, %dma_wait3A_209, %dma_wait3A_210] : memref<2x8x128xi32, #tpu.memory_space<vmem>> -> memref<1x1x128xi32, #tpu.memory_space<vmem>>
      %dma_wait3A_212 = tpu.memref_squeeze %dma_wait3A_211 : memref<1x1x128xi32, #tpu.memory_space<vmem>> -> memref<128xi32, #tpu.memory_space<vmem>>
      %dma_wait3A_213 = arith.constant 0 : i32
      %dma_wait3A_214 = arith.constant 0 : i32
      %dma_wait3A_215 = tpu.memref_slice %arg2[%dma_wait3A_213, %dma_wait3A_214] : memref<10000x128xf32, #tpu.memory_space<hbm>> -> memref<10000x128xf32, #tpu.memory_space<hbm>>
      tpu.wait_indirect_dma semaphore(%arg10 : memref<!tpu.dma_semaphore, #tpu.memory_space<semaphore_mem>>) src(%dma_wait3A_215 : memref<10000x128xf32, #tpu.memory_space<hbm>>) dst(%arg7 : memref<128x128xf32, #tpu.memory_space<vmem>>)
      %run_scoped3A_216 = arith.constant 1 : i32
      %run_scoped3A_217 = arith.constant 5 : i32
      "tpu.region"() ({
        %run_scoped3A_246 = tpu.sem_alloc : memref<!tpu.dma_semaphore, #tpu.memory_space<semaphore_mem>>
        %dma_start3A_247 = arith.constant 0 : i32
        %dma_start3A_248 = tpu.memref_slice %arg5[%run_scoped3A_216, %run_scoped3A_217, %dma_start3A_247] : memref<2x8x128xi32, #tpu.memory_space<vmem>> -> memref<1x1x128xi32, #tpu.memory_space<vmem>>
        %dma_start3A_249 = tpu.memref_squeeze %dma_start3A_248 : memref<1x1x128xi32, #tpu.memory_space<vmem>> -> memref<128xi32, #tpu.memory_space<vmem>>
        %dma_start3A_250 = arith.constant 0 : i32
        %dma_start3A_251 = arith.constant 0 : i32
        %dma_start3A_252 = tpu.memref_slice %arg8[%dma_start3A_250, %dma_start3A_251] : memref<10112x128xf32, #tpu.memory_space<vmem_shared>> -> memref<10112x128xf32, #tpu.memory_space<vmem_shared>>
        tpu.enqueue_indirect_dma source(%arg7 : memref<128x128xf32, #tpu.memory_space<vmem>>) target(%dma_start3A_252 : memref<10112x128xf32, #tpu.memory_space<vmem_shared>>) offsets(%dma_start3A_249 : memref<128xi32, #tpu.memory_space<vmem>>) semaphore(%run_scoped3A_246 : memref<!tpu.dma_semaphore, #tpu.memory_space<semaphore_mem>>) {add = true}
        %dma_wait3A_253 = arith.constant 0 : i32
        %dma_wait3A_254 = tpu.memref_slice %arg5[%run_scoped3A_216, %run_scoped3A_217, %dma_wait3A_253] : memref<2x8x128xi32, #tpu.memory_space<vmem>> -> memref<1x1x128xi32, #tpu.memory_space<vmem>>
        %dma_wait3A_255 = tpu.memref_squeeze %dma_wait3A_254 : memref<1x1x128xi32, #tpu.memory_space<vmem>> -> memref<128xi32, #tpu.memory_space<vmem>>
        %dma_wait3A_256 = arith.constant 0 : i32
        %dma_wait3A_257 = arith.constant 0 : i32
        %dma_wait3A_258 = tpu.memref_slice %arg8[%dma_wait3A_256, %dma_wait3A_257] : memref<10112x128xf32, #tpu.memory_space<vmem_shared>> -> memref<10112x128xf32, #tpu.memory_space<vmem_shared>>
        tpu.wait_indirect_dma semaphore(%run_scoped3A_246 : memref<!tpu.dma_semaphore, #tpu.memory_space<semaphore_mem>>) src(%arg7 : memref<128x128xf32, #tpu.memory_space<vmem>>) dst(%dma_wait3A_258 : memref<10112x128xf32, #tpu.memory_space<vmem_shared>>)
        tpu.yield
      }) : () -> ()
      %dma_start3A_218 = arith.constant 0 : i32
      %dma_start3A_219 = arith.constant 7 : i32
      %dma_start3A_220 = arith.constant 0 : i32
      %dma_start3A_221 = tpu.memref_slice %arg5[%dma_start3A_218, %dma_start3A_219, %dma_start3A_220] : memref<2x8x128xi32, #tpu.memory_space<vmem>> -> memref<1x1x128xi32, #tpu.memory_space<vmem>>
      %dma_start3A_222 = tpu.memref_squeeze %dma_start3A_221 : memref<1x1x128xi32, #tpu.memory_space<vmem>> -> memref<128xi32, #tpu.memory_space<vmem>>
      %dma_start3A_223 = arith.constant 0 : i32
      %dma_start3A_224 = arith.constant 0 : i32
      %dma_start3A_225 = tpu.memref_slice %arg2[%dma_start3A_223, %dma_start3A_224] : memref<10000x128xf32, #tpu.memory_space<hbm>> -> memref<10000x128xf32, #tpu.memory_space<hbm>>
      tpu.enqueue_indirect_dma source(%dma_start3A_225 : memref<10000x128xf32, #tpu.memory_space<hbm>>) target(%arg7 : memref<128x128xf32, #tpu.memory_space<vmem>>) offsets(%dma_start3A_222 : memref<128xi32, #tpu.memory_space<vmem>>) semaphore(%arg10 : memref<!tpu.dma_semaphore, #tpu.memory_space<semaphore_mem>>)
      %dma_wait3A_226 = arith.constant 0 : i32
      %dma_wait3A_227 = arith.constant 6 : i32
      %dma_wait3A_228 = arith.constant 0 : i32
      %dma_wait3A_229 = tpu.memref_slice %arg5[%dma_wait3A_226, %dma_wait3A_227, %dma_wait3A_228] : memref<2x8x128xi32, #tpu.memory_space<vmem>> -> memref<1x1x128xi32, #tpu.memory_space<vmem>>
      %dma_wait3A_230 = tpu.memref_squeeze %dma_wait3A_229 : memref<1x1x128xi32, #tpu.memory_space<vmem>> -> memref<128xi32, #tpu.memory_space<vmem>>
      %dma_wait3A_231 = arith.constant 0 : i32
      %dma_wait3A_232 = arith.constant 0 : i32
      %dma_wait3A_233 = tpu.memref_slice %arg2[%dma_wait3A_231, %dma_wait3A_232] : memref<10000x128xf32, #tpu.memory_space<hbm>> -> memref<10000x128xf32, #tpu.memory_space<hbm>>
      tpu.wait_indirect_dma semaphore(%arg9 : memref<!tpu.dma_semaphore, #tpu.memory_space<semaphore_mem>>) src(%dma_wait3A_233 : memref<10000x128xf32, #tpu.memory_space<hbm>>) dst(%arg6 : memref<128x128xf32, #tpu.memory_space<vmem>>)
      %run_scoped3A_234 = arith.constant 1 : i32
      %run_scoped3A_235 = arith.constant 6 : i32
      "tpu.region"() ({
        %run_scoped3A_246 = tpu.sem_alloc : memref<!tpu.dma_semaphore, #tpu.memory_space<semaphore_mem>>
        %dma_start3A_247 = arith.constant 0 : i32
        %dma_start3A_248 = tpu.memref_slice %arg5[%run_scoped3A_234, %run_scoped3A_235, %dma_start3A_247] : memref<2x8x128xi32, #tpu.memory_space<vmem>> -> memref<1x1x128xi32, #tpu.memory_space<vmem>>
        %dma_start3A_249 = tpu.memref_squeeze %dma_start3A_248 : memref<1x1x128xi32, #tpu.memory_space<vmem>> -> memref<128xi32, #tpu.memory_space<vmem>>
        %dma_start3A_250 = arith.constant 0 : i32
        %dma_start3A_251 = arith.constant 0 : i32
        %dma_start3A_252 = tpu.memref_slice %arg8[%dma_start3A_250, %dma_start3A_251] : memref<10112x128xf32, #tpu.memory_space<vmem_shared>> -> memref<10112x128xf32, #tpu.memory_space<vmem_shared>>
        tpu.enqueue_indirect_dma source(%arg6 : memref<128x128xf32, #tpu.memory_space<vmem>>) target(%dma_start3A_252 : memref<10112x128xf32, #tpu.memory_space<vmem_shared>>) offsets(%dma_start3A_249 : memref<128xi32, #tpu.memory_space<vmem>>) semaphore(%run_scoped3A_246 : memref<!tpu.dma_semaphore, #tpu.memory_space<semaphore_mem>>) {add = true}
        %dma_wait3A_253 = arith.constant 0 : i32
        %dma_wait3A_254 = tpu.memref_slice %arg5[%run_scoped3A_234, %run_scoped3A_235, %dma_wait3A_253] : memref<2x8x128xi32, #tpu.memory_space<vmem>> -> memref<1x1x128xi32, #tpu.memory_space<vmem>>
        %dma_wait3A_255 = tpu.memref_squeeze %dma_wait3A_254 : memref<1x1x128xi32, #tpu.memory_space<vmem>> -> memref<128xi32, #tpu.memory_space<vmem>>
        %dma_wait3A_256 = arith.constant 0 : i32
        %dma_wait3A_257 = arith.constant 0 : i32
        %dma_wait3A_258 = tpu.memref_slice %arg8[%dma_wait3A_256, %dma_wait3A_257] : memref<10112x128xf32, #tpu.memory_space<vmem_shared>> -> memref<10112x128xf32, #tpu.memory_space<vmem_shared>>
        tpu.wait_indirect_dma semaphore(%run_scoped3A_246 : memref<!tpu.dma_semaphore, #tpu.memory_space<semaphore_mem>>) src(%arg6 : memref<128x128xf32, #tpu.memory_space<vmem>>) dst(%dma_wait3A_258 : memref<10112x128xf32, #tpu.memory_space<vmem_shared>>)
        tpu.yield
      }) : () -> ()
      %dma_wait3A_236 = arith.constant 0 : i32
      %dma_wait3A_237 = arith.constant 7 : i32
      %dma_wait3A_238 = arith.constant 0 : i32
      %dma_wait3A_239 = tpu.memref_slice %arg5[%dma_wait3A_236, %dma_wait3A_237, %dma_wait3A_238] : memref<2x8x128xi32, #tpu.memory_space<vmem>> -> memref<1x1x128xi32, #tpu.memory_space<vmem>>
      %dma_wait3A_240 = tpu.memref_squeeze %dma_wait3A_239 : memref<1x1x128xi32, #tpu.memory_space<vmem>> -> memref<128xi32, #tpu.memory_space<vmem>>
      %dma_wait3A_241 = arith.constant 0 : i32
      %dma_wait3A_242 = arith.constant 0 : i32
      %dma_wait3A_243 = tpu.memref_slice %arg2[%dma_wait3A_241, %dma_wait3A_242] : memref<10000x128xf32, #tpu.memory_space<hbm>> -> memref<10000x128xf32, #tpu.memory_space<hbm>>
      tpu.wait_indirect_dma semaphore(%arg10 : memref<!tpu.dma_semaphore, #tpu.memory_space<semaphore_mem>>) src(%dma_wait3A_243 : memref<10000x128xf32, #tpu.memory_space<hbm>>) dst(%arg7 : memref<128x128xf32, #tpu.memory_space<vmem>>)
      %run_scoped3A_244 = arith.constant 1 : i32
      %run_scoped3A_245 = arith.constant 7 : i32
      "tpu.region"() ({
        %run_scoped3A_246 = tpu.sem_alloc : memref<!tpu.dma_semaphore, #tpu.memory_space<semaphore_mem>>
        %dma_start3A_247 = arith.constant 0 : i32
        %dma_start3A_248 = tpu.memref_slice %arg5[%run_scoped3A_244, %run_scoped3A_245, %dma_start3A_247] : memref<2x8x128xi32, #tpu.memory_space<vmem>> -> memref<1x1x128xi32, #tpu.memory_space<vmem>>
        %dma_start3A_249 = tpu.memref_squeeze %dma_start3A_248 : memref<1x1x128xi32, #tpu.memory_space<vmem>> -> memref<128xi32, #tpu.memory_space<vmem>>
        %dma_start3A_250 = arith.constant 0 : i32
        %dma_start3A_251 = arith.constant 0 : i32
        %dma_start3A_252 = tpu.memref_slice %arg8[%dma_start3A_250, %dma_start3A_251] : memref<10112x128xf32, #tpu.memory_space<vmem_shared>> -> memref<10112x128xf32, #tpu.memory_space<vmem_shared>>
        tpu.enqueue_indirect_dma source(%arg7 : memref<128x128xf32, #tpu.memory_space<vmem>>) target(%dma_start3A_252 : memref<10112x128xf32, #tpu.memory_space<vmem_shared>>) offsets(%dma_start3A_249 : memref<128xi32, #tpu.memory_space<vmem>>) semaphore(%run_scoped3A_246 : memref<!tpu.dma_semaphore, #tpu.memory_space<semaphore_mem>>) {add = true}
        %dma_wait3A_253 = arith.constant 0 : i32
        %dma_wait3A_254 = tpu.memref_slice %arg5[%run_scoped3A_244, %run_scoped3A_245, %dma_wait3A_253] : memref<2x8x128xi32, #tpu.memory_space<vmem>> -> memref<1x1x128xi32, #tpu.memory_space<vmem>>
        %dma_wait3A_255 = tpu.memref_squeeze %dma_wait3A_254 : memref<1x1x128xi32, #tpu.memory_space<vmem>> -> memref<128xi32, #tpu.memory_space<vmem>>
        %dma_wait3A_256 = arith.constant 0 : i32
        %dma_wait3A_257 = arith.constant 0 : i32
        %dma_wait3A_258 = tpu.memref_slice %arg8[%dma_wait3A_256, %dma_wait3A_257] : memref<10112x128xf32, #tpu.memory_space<vmem_shared>> -> memref<10112x128xf32, #tpu.memory_space<vmem_shared>>
        tpu.wait_indirect_dma semaphore(%run_scoped3A_246 : memref<!tpu.dma_semaphore, #tpu.memory_space<semaphore_mem>>) src(%arg7 : memref<128x128xf32, #tpu.memory_space<vmem>>) dst(%dma_wait3A_258 : memref<10112x128xf32, #tpu.memory_space<vmem_shared>>)
        tpu.yield
      }) : () -> ()
    }
    %barrier3A_58 = arith.constant 0 : index
    tpu.barrier barrier_id(%barrier3A_58)
    %add3A_59 = arith.constant 0 : i32
    %add3A_60 = arith.addi %arg1, %add3A_59 : i32
    %min3A_61 = arith.constant 78 : i32
    %min3A_62 = arith.minsi %add3A_60, %min3A_61 : i32
    %mul3A_63 = arith.constant 128 : i32
    %mul3A_64 = arith.muli %min3A_62, %mul3A_63 : i32
    %min3A_65 = arith.constant 9872 : i32
    %min3A_66 = arith.minsi %mul3A_64, %min3A_65 : i32
    "tpu.region"() ({
      %run_scoped3A = tpu.sem_alloc : memref<!tpu.dma_semaphore, #tpu.memory_space<semaphore_mem>>
      %dma_start3A = arith.constant 0 : i32
      %dma_start3A_99 = tpu.memref_slice %arg4[%arg0, %min3A_66, %dma_start3A] : memref<2x10000x128xf32, #tpu.memory_space<hbm>> -> memref<1x128x128xf32, #tpu.memory_space<hbm>>
      %dma_start3A_100 = tpu.memref_squeeze %dma_start3A_99 : memref<1x128x128xf32, #tpu.memory_space<hbm>> -> memref<128x128xf32, #tpu.memory_space<hbm>>
      %dma_start3A_101 = arith.constant 0 : i32
      %dma_start3A_102 = tpu.memref_slice %arg8[%min3A_66, %dma_start3A_101] : memref<10112x128xf32, #tpu.memory_space<vmem_shared>> -> memref<128x128xf32, #tpu.memory_space<vmem_shared>>
      tpu.enqueue_dma source(%dma_start3A_102 : memref<128x128xf32, #tpu.memory_space<vmem_shared>>) target(%dma_start3A_100 : memref<128x128xf32, #tpu.memory_space<hbm>>) target_semaphore(%run_scoped3A : memref<!tpu.dma_semaphore, #tpu.memory_space<semaphore_mem>>)
      %dma_wait3A = arith.constant 0 : i32
      %dma_wait3A_103 = tpu.memref_slice %arg4[%arg0, %min3A_66, %dma_wait3A] : memref<2x10000x128xf32, #tpu.memory_space<hbm>> -> memref<1x128x128xf32, #tpu.memory_space<hbm>>
      %dma_wait3A_104 = tpu.memref_squeeze %dma_wait3A_103 : memref<1x128x128xf32, #tpu.memory_space<hbm>> -> memref<128x128xf32, #tpu.memory_space<hbm>>
      %dma_wait3A_105 = arith.constant 0 : i32
      %dma_wait3A_106 = tpu.memref_slice %arg8[%min3A_66, %dma_wait3A_105] : memref<10112x128xf32, #tpu.memory_space<vmem_shared>> -> memref<128x128xf32, #tpu.memory_space<vmem_shared>>
      tpu.wait_dma2 semaphore(%run_scoped3A : memref<!tpu.dma_semaphore, #tpu.memory_space<semaphore_mem>>) src(%dma_wait3A_106 : memref<128x128xf32, #tpu.memory_space<vmem_shared>>) dst(%dma_wait3A_104 : memref<128x128xf32, #tpu.memory_space<hbm>>)
      tpu.yield
    }) : () -> ()
    %add3A_67 = arith.constant 16 : i32
    %add3A_68 = arith.addi %arg1, %add3A_67 : i32
    %min3A_69 = arith.constant 78 : i32
    %min3A_70 = arith.minsi %add3A_68, %min3A_69 : i32
    %mul3A_71 = arith.constant 128 : i32
    %mul3A_72 = arith.muli %min3A_70, %mul3A_71 : i32
    %min3A_73 = arith.constant 9872 : i32
    %min3A_74 = arith.minsi %mul3A_72, %min3A_73 : i32
    "tpu.region"() ({
      %run_scoped3A = tpu.sem_alloc : memref<!tpu.dma_semaphore, #tpu.memory_space<semaphore_mem>>
      %dma_start3A = arith.constant 0 : i32
      %dma_start3A_99 = tpu.memref_slice %arg4[%arg0, %min3A_74, %dma_start3A] : memref<2x10000x128xf32, #tpu.memory_space<hbm>> -> memref<1x128x128xf32, #tpu.memory_space<hbm>>
      %dma_start3A_100 = tpu.memref_squeeze %dma_start3A_99 : memref<1x128x128xf32, #tpu.memory_space<hbm>> -> memref<128x128xf32, #tpu.memory_space<hbm>>
      %dma_start3A_101 = arith.constant 0 : i32
      %dma_start3A_102 = tpu.memref_slice %arg8[%min3A_74, %dma_start3A_101] : memref<10112x128xf32, #tpu.memory_space<vmem_shared>> -> memref<128x128xf32, #tpu.memory_space<vmem_shared>>
      tpu.enqueue_dma source(%dma_start3A_102 : memref<128x128xf32, #tpu.memory_space<vmem_shared>>) target(%dma_start3A_100 : memref<128x128xf32, #tpu.memory_space<hbm>>) target_semaphore(%run_scoped3A : memref<!tpu.dma_semaphore, #tpu.memory_space<semaphore_mem>>)
      %dma_wait3A = arith.constant 0 : i32
      %dma_wait3A_103 = tpu.memref_slice %arg4[%arg0, %min3A_74, %dma_wait3A] : memref<2x10000x128xf32, #tpu.memory_space<hbm>> -> memref<1x128x128xf32, #tpu.memory_space<hbm>>
      %dma_wait3A_104 = tpu.memref_squeeze %dma_wait3A_103 : memref<1x128x128xf32, #tpu.memory_space<hbm>> -> memref<128x128xf32, #tpu.memory_space<hbm>>
      %dma_wait3A_105 = arith.constant 0 : i32
      %dma_wait3A_106 = tpu.memref_slice %arg8[%min3A_74, %dma_wait3A_105] : memref<10112x128xf32, #tpu.memory_space<vmem_shared>> -> memref<128x128xf32, #tpu.memory_space<vmem_shared>>
      tpu.wait_dma2 semaphore(%run_scoped3A : memref<!tpu.dma_semaphore, #tpu.memory_space<semaphore_mem>>) src(%dma_wait3A_106 : memref<128x128xf32, #tpu.memory_space<vmem_shared>>) dst(%dma_wait3A_104 : memref<128x128xf32, #tpu.memory_space<hbm>>)
      tpu.yield
    }) : () -> ()
    %add3A_75 = arith.constant 32 : i32
    %add3A_76 = arith.addi %arg1, %add3A_75 : i32
    %min3A_77 = arith.constant 78 : i32
    %min3A_78 = arith.minsi %add3A_76, %min3A_77 : i32
    %mul3A_79 = arith.constant 128 : i32
    %mul3A_80 = arith.muli %min3A_78, %mul3A_79 : i32
    %min3A_81 = arith.constant 9872 : i32
    %min3A_82 = arith.minsi %mul3A_80, %min3A_81 : i32
    "tpu.region"() ({
      %run_scoped3A = tpu.sem_alloc : memref<!tpu.dma_semaphore, #tpu.memory_space<semaphore_mem>>
      %dma_start3A = arith.constant 0 : i32
      %dma_start3A_99 = tpu.memref_slice %arg4[%arg0, %min3A_82, %dma_start3A] : memref<2x10000x128xf32, #tpu.memory_space<hbm>> -> memref<1x128x128xf32, #tpu.memory_space<hbm>>
      %dma_start3A_100 = tpu.memref_squeeze %dma_start3A_99 : memref<1x128x128xf32, #tpu.memory_space<hbm>> -> memref<128x128xf32, #tpu.memory_space<hbm>>
      %dma_start3A_101 = arith.constant 0 : i32
      %dma_start3A_102 = tpu.memref_slice %arg8[%min3A_82, %dma_start3A_101] : memref<10112x128xf32, #tpu.memory_space<vmem_shared>> -> memref<128x128xf32, #tpu.memory_space<vmem_shared>>
      tpu.enqueue_dma source(%dma_start3A_102 : memref<128x128xf32, #tpu.memory_space<vmem_shared>>) target(%dma_start3A_100 : memref<128x128xf32, #tpu.memory_space<hbm>>) target_semaphore(%run_scoped3A : memref<!tpu.dma_semaphore, #tpu.memory_space<semaphore_mem>>)
      %dma_wait3A = arith.constant 0 : i32
      %dma_wait3A_103 = tpu.memref_slice %arg4[%arg0, %min3A_82, %dma_wait3A] : memref<2x10000x128xf32, #tpu.memory_space<hbm>> -> memref<1x128x128xf32, #tpu.memory_space<hbm>>
      %dma_wait3A_104 = tpu.memref_squeeze %dma_wait3A_103 : memref<1x128x128xf32, #tpu.memory_space<hbm>> -> memref<128x128xf32, #tpu.memory_space<hbm>>
      %dma_wait3A_105 = arith.constant 0 : i32
      %dma_wait3A_106 = tpu.memref_slice %arg8[%min3A_82, %dma_wait3A_105] : memref<10112x128xf32, #tpu.memory_space<vmem_shared>> -> memref<128x128xf32, #tpu.memory_space<vmem_shared>>
      tpu.wait_dma2 semaphore(%run_scoped3A : memref<!tpu.dma_semaphore, #tpu.memory_space<semaphore_mem>>) src(%dma_wait3A_106 : memref<128x128xf32, #tpu.memory_space<vmem_shared>>) dst(%dma_wait3A_104 : memref<128x128xf32, #tpu.memory_space<hbm>>)
      tpu.yield
    }) : () -> ()
    %add3A_83 = arith.constant 48 : i32
    %add3A_84 = arith.addi %arg1, %add3A_83 : i32
    %min3A_85 = arith.constant 78 : i32
    %min3A_86 = arith.minsi %add3A_84, %min3A_85 : i32
    %mul3A_87 = arith.constant 128 : i32
    %mul3A_88 = arith.muli %min3A_86, %mul3A_87 : i32
    %min3A_89 = arith.constant 9872 : i32
    %min3A_90 = arith.minsi %mul3A_88, %min3A_89 : i32
    "tpu.region"() ({
      %run_scoped3A = tpu.sem_alloc : memref<!tpu.dma_semaphore, #tpu.memory_space<semaphore_mem>>
      %dma_start3A = arith.constant 0 : i32
      %dma_start3A_99 = tpu.memref_slice %arg4[%arg0, %min3A_90, %dma_start3A] : memref<2x10000x128xf32, #tpu.memory_space<hbm>> -> memref<1x128x128xf32, #tpu.memory_space<hbm>>
      %dma_start3A_100 = tpu.memref_squeeze %dma_start3A_99 : memref<1x128x128xf32, #tpu.memory_space<hbm>> -> memref<128x128xf32, #tpu.memory_space<hbm>>
      %dma_start3A_101 = arith.constant 0 : i32
      %dma_start3A_102 = tpu.memref_slice %arg8[%min3A_90, %dma_start3A_101] : memref<10112x128xf32, #tpu.memory_space<vmem_shared>> -> memref<128x128xf32, #tpu.memory_space<vmem_shared>>
      tpu.enqueue_dma source(%dma_start3A_102 : memref<128x128xf32, #tpu.memory_space<vmem_shared>>) target(%dma_start3A_100 : memref<128x128xf32, #tpu.memory_space<hbm>>) target_semaphore(%run_scoped3A : memref<!tpu.dma_semaphore, #tpu.memory_space<semaphore_mem>>)
      %dma_wait3A = arith.constant 0 : i32
      %dma_wait3A_103 = tpu.memref_slice %arg4[%arg0, %min3A_90, %dma_wait3A] : memref<2x10000x128xf32, #tpu.memory_space<hbm>> -> memref<1x128x128xf32, #tpu.memory_space<hbm>>
      %dma_wait3A_104 = tpu.memref_squeeze %dma_wait3A_103 : memref<1x128x128xf32, #tpu.memory_space<hbm>> -> memref<128x128xf32, #tpu.memory_space<hbm>>
      %dma_wait3A_105 = arith.constant 0 : i32
      %dma_wait3A_106 = tpu.memref_slice %arg8[%min3A_90, %dma_wait3A_105] : memref<10112x128xf32, #tpu.memory_space<vmem_shared>> -> memref<128x128xf32, #tpu.memory_space<vmem_shared>>
      tpu.wait_dma2 semaphore(%run_scoped3A : memref<!tpu.dma_semaphore, #tpu.memory_space<semaphore_mem>>) src(%dma_wait3A_106 : memref<128x128xf32, #tpu.memory_space<vmem_shared>>) dst(%dma_wait3A_104 : memref<128x128xf32, #tpu.memory_space<hbm>>)
      tpu.yield
    }) : () -> ()
    %add3A_91 = arith.constant 64 : i32
    %add3A_92 = arith.addi %arg1, %add3A_91 : i32
    %min3A_93 = arith.constant 78 : i32
    %min3A_94 = arith.minsi %add3A_92, %min3A_93 : i32
    %mul3A_95 = arith.constant 128 : i32
    %mul3A_96 = arith.muli %min3A_94, %mul3A_95 : i32
    %min3A_97 = arith.constant 9872 : i32
    %min3A_98 = arith.minsi %mul3A_96, %min3A_97 : i32
    "tpu.region"() ({
      %run_scoped3A = tpu.sem_alloc : memref<!tpu.dma_semaphore, #tpu.memory_space<semaphore_mem>>
      %dma_start3A = arith.constant 0 : i32
      %dma_start3A_99 = tpu.memref_slice %arg4[%arg0, %min3A_98, %dma_start3A] : memref<2x10000x128xf32, #tpu.memory_space<hbm>> -> memref<1x128x128xf32, #tpu.memory_space<hbm>>
      %dma_start3A_100 = tpu.memref_squeeze %dma_start3A_99 : memref<1x128x128xf32, #tpu.memory_space<hbm>> -> memref<128x128xf32, #tpu.memory_space<hbm>>
      %dma_start3A_101 = arith.constant 0 : i32
      %dma_start3A_102 = tpu.memref_slice %arg8[%min3A_98, %dma_start3A_101] : memref<10112x128xf32, #tpu.memory_space<vmem_shared>> -> memref<128x128xf32, #tpu.memory_space<vmem_shared>>
      tpu.enqueue_dma source(%dma_start3A_102 : memref<128x128xf32, #tpu.memory_space<vmem_shared>>) target(%dma_start3A_100 : memref<128x128xf32, #tpu.memory_space<hbm>>) target_semaphore(%run_scoped3A : memref<!tpu.dma_semaphore, #tpu.memory_space<semaphore_mem>>)
      %dma_wait3A = arith.constant 0 : i32
      %dma_wait3A_103 = tpu.memref_slice %arg4[%arg0, %min3A_98, %dma_wait3A] : memref<2x10000x128xf32, #tpu.memory_space<hbm>> -> memref<1x128x128xf32, #tpu.memory_space<hbm>>
      %dma_wait3A_104 = tpu.memref_squeeze %dma_wait3A_103 : memref<1x128x128xf32, #tpu.memory_space<hbm>> -> memref<128x128xf32, #tpu.memory_space<hbm>>
      %dma_wait3A_105 = arith.constant 0 : i32
      %dma_wait3A_106 = tpu.memref_slice %arg8[%min3A_98, %dma_wait3A_105] : memref<10112x128xf32, #tpu.memory_space<vmem_shared>> -> memref<128x128xf32, #tpu.memory_space<vmem_shared>>
      tpu.wait_dma2 semaphore(%run_scoped3A : memref<!tpu.dma_semaphore, #tpu.memory_space<semaphore_mem>>) src(%dma_wait3A_106 : memref<128x128xf32, #tpu.memory_space<vmem_shared>>) dst(%dma_wait3A_104 : memref<128x128xf32, #tpu.memory_space<hbm>>)
      tpu.yield
    }) : () -> ()
    return
  }
}

module attributes {stable_mosaic.version = 14 : i64} {
  func.func @_dinv_body(%arg0: memref<32x10112xf32, #tpu.memory_space<vmem>>, %arg1: memref<10112x8xf32, #tpu.memory_space<vmem>>) attributes {dimension_semantics = [], scalar_prefetch = 0 : i64, scratch_operands = 0 : i64, tpu.core_type = #tpu.core_type<tc>} {
    %get3A = arith.constant 0 : index
    %get3A_0 = arith.constant 0 : index
    %get3A_1 = vector.load %arg0[%get3A, %get3A_0] : memref<32x10112xf32, #tpu.memory_space<vmem>>, vector<32x10112xf32>
    %reduce_sum3A = arith.constant dense<0.000000e+00> : vector<10112xf32>
    %reduce_sum3A_2 = vector.multi_reduction <add>, %get3A_1, %reduce_sum3A [0] : vector<32x10112xf32> to vector<10112xf32>
    %broadcast_in_dim3A = vector.shape_cast %reduce_sum3A_2 : vector<10112xf32> to vector<1x10112xf32>
    %add3A = arith.constant 1.000000e+00 : f32
    %add3A_3 = vector.broadcast %add3A : f32 to vector<1x10112xf32>
    %add3A_4 = arith.addf %broadcast_in_dim3A, %add3A_3 : vector<1x10112xf32>
    %rsqrt3A = math.rsqrt %add3A_4 : vector<1x10112xf32>
    %transpose3A = tpu.transpose %rsqrt3A, [1, 0] : vector<1x10112xf32> -> vector<10112x1xf32>
    %broadcast_in_dim3A_5 = vector.shape_cast %transpose3A : vector<10112x1xf32> to vector<10112x1xf32>
    %broadcast_in_dim3A_6 = vector.broadcast %broadcast_in_dim3A_5 : vector<10112x1xf32> to vector<10112x8xf32>
    %swap3A = arith.constant 0 : index
    %swap3A_7 = arith.constant 0 : index
    %swap3A_8 = vector.load %arg1[%swap3A, %swap3A_7] : memref<10112x8xf32, #tpu.memory_space<vmem>>, vector<10112x8xf32>
    tpu.vector_store %arg1[%swap3A, %swap3A_7], %broadcast_in_dim3A_6 {strides = array<i32>} : memref<10112x8xf32, #tpu.memory_space<vmem>>, vector<10112x8xf32>,
    return
  }
}

module attributes {stable_mosaic.version = 14 : i64} {
  func.func @_prep_body(%arg0: i32, %arg1: memref<2000x8xf32, #tpu.memory_space<vmem>>, %arg2: memref<2000x128xf32, #tpu.memory_space<vmem>>, %arg3: memref<2000x128xf32, #tpu.memory_space<vmem>>) attributes {dimension_semantics = [#tpu.dimension_semantics<arbitrary>], iteration_bounds = array<i64: 5>, scalar_prefetch = 0 : i64, scratch_operands = 0 : i64, tpu.core_type = #tpu.core_type<tc>, window_params = [{transform_indices = @transform_0, window_bounds = array<i64: 2000, 8>}, {transform_indices = @transform_1, window_bounds = array<i64: 2000, 128>}, {transform_indices = @transform_2, window_bounds = array<i64: 2000, 128>}]} {
    %get3A = arith.constant 0 : index
    %get3A_0 = arith.constant 0 : index
    %get3A_1 = vector.load %arg2[%get3A, %get3A_0] : memref<2000x128xf32, #tpu.memory_space<vmem>>, vector<2000x128xf32>
    %get3A_2 = arith.constant 0 : index
    %get3A_3 = arith.constant 0 : index
    %get3A_4 = vector.load %arg1[%get3A_2, %get3A_3] : memref<2000x8xf32, #tpu.memory_space<vmem>>, vector<2000x1xf32>
    %mul3A = vector.broadcast %get3A_4 : vector<2000x1xf32> to vector<2000x128xf32>
    %mul3A_5 = arith.mulf %get3A_1, %mul3A : vector<2000x128xf32>
    %swap3A = arith.constant 0 : index
    %swap3A_6 = arith.constant 0 : index
    %swap3A_7 = vector.load %arg3[%swap3A, %swap3A_6] : memref<2000x128xf32, #tpu.memory_space<vmem>>, vector<2000x128xf32>
    tpu.vector_store %arg3[%swap3A, %swap3A_6], %mul3A_5 {strides = array<i32>} : memref<2000x128xf32, #tpu.memory_space<vmem>>, vector<2000x128xf32>,
    return
  }
  func.func @transform_0(%arg0: i32) -> (i32, i32) {
    %c0_i32 = arith.constant 0 : i32
    %c0_i32_0 = arith.constant 0 : i32
    return %arg0, %c0_i32 : i32, i32
  }
  func.func @transform_1(%arg0: i32) -> (i32, i32) {
    %c0_i32 = arith.constant 0 : i32
    %c0_i32_0 = arith.constant 0 : i32
    return %arg0, %c0_i32 : i32, i32
  }
  func.func @transform_2(%arg0: i32) -> (i32, i32) {
    %c0_i32 = arith.constant 0 : i32
    %c0_i32_0 = arith.constant 0 : i32
    return %arg0, %c0_i32 : i32, i32
  }
}

module attributes {stable_mosaic.version = 14 : i64} {
  func.func @_mid_body(%arg0: i32, %arg1: memref<2x2000x128xf32, #tpu.memory_space<vmem>>, %arg2: memref<2000x128xf32, #tpu.memory_space<vmem>>, %arg3: memref<2000x8xf32, #tpu.memory_space<vmem>>, %arg4: memref<128x128xf32, #tpu.memory_space<vmem>>, %arg5: memref<1x128xf32, #tpu.memory_space<vmem>>, %arg6: memref<2000x128xf32, #tpu.memory_space<vmem>>) attributes {dimension_semantics = [#tpu.dimension_semantics<arbitrary>], iteration_bounds = array<i64: 5>, scalar_prefetch = 0 : i64, scratch_operands = 0 : i64, tpu.core_type = #tpu.core_type<tc>, window_params = [{transform_indices = @transform_0, window_bounds = array<i64: 2, 2000, 128>}, {transform_indices = @transform_1, window_bounds = array<i64: 2000, 128>}, {transform_indices = @transform_2, window_bounds = array<i64: 2000, 8>}, {pipeline_mode = #tpu.pipeline_mode<synchronous>, transform_indices = @transform_3, window_bounds = array<i64: 128, 128>}, {pipeline_mode = #tpu.pipeline_mode<synchronous>, transform_indices = @transform_4, window_bounds = array<i64: 1, 128>}, {transform_indices = @transform_5, window_bounds = array<i64: 2000, 128>}]} {
    %get3A = arith.constant 0 : index
    %get3A_0 = arith.constant 0 : index
    %get3A_1 = vector.load %arg3[%get3A, %get3A_0] : memref<2000x8xf32, #tpu.memory_space<vmem>>, vector<2000x1xf32>
    %get3A_2 = arith.constant 0 : index
    %get3A_3 = arith.constant 0 : index
    %get3A_4 = arith.constant 0 : index
    %get3A_5 = vector.load %arg1[%get3A_2, %get3A_3, %get3A_4] : memref<2x2000x128xf32, #tpu.memory_space<vmem>>, vector<1x2000x128xf32>
    %get3A_6 = vector.shape_cast %get3A_5 : vector<1x2000x128xf32> to vector<2000x128xf32>
    %get3A_7 = arith.constant 1 : index
    %get3A_8 = arith.constant 0 : index
    %get3A_9 = arith.constant 0 : index
    %get3A_10 = vector.load %arg1[%get3A_7, %get3A_8, %get3A_9] : memref<2x2000x128xf32, #tpu.memory_space<vmem>>, vector<1x2000x128xf32>
    %get3A_11 = vector.shape_cast %get3A_10 : vector<1x2000x128xf32> to vector<2000x128xf32>
    %add3A = arith.addf %get3A_6, %get3A_11 : vector<2000x128xf32>
    %get3A_12 = arith.constant 0 : index
    %get3A_13 = arith.constant 0 : index
    %get3A_14 = vector.load %arg2[%get3A_12, %get3A_13] : memref<2000x128xf32, #tpu.memory_space<vmem>>, vector<2000x128xf32>
    %add3A_15 = arith.addf %add3A, %get3A_14 : vector<2000x128xf32>
    %mul3A = vector.broadcast %get3A_1 : vector<2000x1xf32> to vector<2000x128xf32>
    %mul3A_16 = arith.mulf %add3A_15, %mul3A : vector<2000x128xf32>
    %get3A_17 = arith.constant 0 : index
    %get3A_18 = arith.constant 0 : index
    %get3A_19 = vector.load %arg4[%get3A_17, %get3A_18] : memref<128x128xf32, #tpu.memory_space<vmem>>, vector<128x128xf32>
    %dot_general3A = arith.constant dense<0.000000e+00> : vector<2000x128xf32>
    %dot_general3A_20 = tpu.matmul %mul3A_16, %get3A_19, %dot_general3A {dimension_numbers = #tpu.dot_dimension_numbers<[1], [0], [0], [1], [0, 0, 1, 1], [], []>, transpose_lhs_hint = false} : vector<2000x128xf32>, vector<128x128xf32>, vector<2000x128xf32> -> vector<2000x128xf32>
    %get3A_21 = arith.constant 0 : index
    %get3A_22 = arith.constant 0 : index
    %get3A_23 = vector.load %arg5[%get3A_21, %get3A_22] : memref<1x128xf32, #tpu.memory_space<vmem>>, vector<1x128xf32>
    %add3A_24 = vector.broadcast %get3A_23 : vector<1x128xf32> to vector<2000x128xf32>
    %add3A_25 = arith.addf %dot_general3A_20, %add3A_24 : vector<2000x128xf32>
    %max3A = arith.constant 0.000000e+00 : f32
    %max3A_26 = vector.broadcast %max3A : f32 to vector<2000x128xf32>
    %max3A_27 = arith.maximumf %add3A_25, %max3A_26 : vector<2000x128xf32>
    %mul3A_28 = vector.broadcast %get3A_1 : vector<2000x1xf32> to vector<2000x128xf32>
    %mul3A_29 = arith.mulf %max3A_27, %mul3A_28 : vector<2000x128xf32>
    %swap3A = arith.constant 0 : index
    %swap3A_30 = arith.constant 0 : index
    %swap3A_31 = vector.load %arg6[%swap3A, %swap3A_30] : memref<2000x128xf32, #tpu.memory_space<vmem>>, vector<2000x128xf32>
    tpu.vector_store %arg6[%swap3A, %swap3A_30], %mul3A_29 {strides = array<i32>} : memref<2000x128xf32, #tpu.memory_space<vmem>>, vector<2000x128xf32>,
    return
  }
  func.func @transform_0(%arg0: i32) -> (i32, i32, i32) {
    %c0_i32 = arith.constant 0 : i32
    %c0_i32_0 = arith.constant 0 : i32
    %c0_i32_1 = arith.constant 0 : i32
    return %c0_i32, %arg0, %c0_i32_0 : i32, i32, i32
  }
  func.func @transform_1(%arg0: i32) -> (i32, i32) {
    %c0_i32 = arith.constant 0 : i32
    %c0_i32_0 = arith.constant 0 : i32
    return %arg0, %c0_i32 : i32, i32
  }
  func.func @transform_2(%arg0: i32) -> (i32, i32) {
    %c0_i32 = arith.constant 0 : i32
    %c0_i32_0 = arith.constant 0 : i32
    return %arg0, %c0_i32 : i32, i32
  }
  func.func @transform_3(%arg0: i32) -> (i32, i32) {
    %c0_i32 = arith.constant 0 : i32
    %c0_i32_0 = arith.constant 0 : i32
    %c0_i32_1 = arith.constant 0 : i32
    return %c0_i32, %c0_i32_0 : i32, i32
  }
  func.func @transform_4(%arg0: i32) -> (i32, i32) {
    %c0_i32 = arith.constant 0 : i32
    %c0_i32_0 = arith.constant 0 : i32
    %c0_i32_1 = arith.constant 0 : i32
    return %c0_i32, %c0_i32_0 : i32, i32
  }
  func.func @transform_5(%arg0: i32) -> (i32, i32) {
    %c0_i32 = arith.constant 0 : i32
    %c0_i32_0 = arith.constant 0 : i32
    return %arg0, %c0_i32 : i32, i32
  }
}

module attributes {stable_mosaic.version = 14 : i64} {
  func.func @_head_body(%arg0: i32, %arg1: memref<2x2000x128xf32, #tpu.memory_space<vmem>>, %arg2: memref<2000x128xf32, #tpu.memory_space<vmem>>, %arg3: memref<2000x8xf32, #tpu.memory_space<vmem>>, %arg4: memref<2000x128xf32, #tpu.memory_space<vmem>>, %arg5: memref<128x16xf32, #tpu.memory_space<vmem>>, %arg6: memref<1x16xf32, #tpu.memory_space<vmem>>, %arg7: memref<16x16xf32, #tpu.memory_space<vmem>>, %arg8: memref<1x16xf32, #tpu.memory_space<vmem>>, %arg9: memref<128x32xf32, #tpu.memory_space<vmem>>, %arg10: memref<1x32xf32, #tpu.memory_space<vmem>>, %arg11: memref<32x32xf32, #tpu.memory_space<vmem>>, %arg12: memref<1x32xf32, #tpu.memory_space<vmem>>, %arg13: memref<128x64xf32, #tpu.memory_space<vmem>>, %arg14: memref<1x64xf32, #tpu.memory_space<vmem>>, %arg15: memref<64x64xf32, #tpu.memory_space<vmem>>, %arg16: memref<1x64xf32, #tpu.memory_space<vmem>>, %arg17: memref<128x8xf32, #tpu.memory_space<vmem>>, %arg18: memref<1x8xf32, #tpu.memory_space<vmem>>, %arg19: memref<2000x16xf32, #tpu.memory_space<vmem>>, %arg20: memref<2000x32xf32, #tpu.memory_space<vmem>>, %arg21: memref<2000x8xf32, #tpu.memory_space<vmem>>, %arg22: memref<2000x64xf32, #tpu.memory_space<vmem>>) attributes {dimension_semantics = [#tpu.dimension_semantics<arbitrary>], iteration_bounds = array<i64: 5>, scalar_prefetch = 0 : i64, scratch_operands = 0 : i64, tpu.core_type = #tpu.core_type<tc>, window_params = [{transform_indices = @transform_0, window_bounds = array<i64: 2, 2000, 128>}, {transform_indices = @transform_1, window_bounds = array<i64: 2000, 128>}, {transform_indices = @transform_2, window_bounds = array<i64: 2000, 8>}, {transform_indices = @transform_3, window_bounds = array<i64: 2000, 128>}, {pipeline_mode = #tpu.pipeline_mode<synchronous>, transform_indices = @transform_4, window_bounds = array<i64: 128, 16>}, {pipeline_mode = #tpu.pipeline_mode<synchronous>, transform_indices = @transform_5, window_bounds = array<i64: 1, 16>}, {pipeline_mode = #tpu.pipeline_mode<synchronous>, transform_indices = @transform_6, window_bounds = array<i64: 16, 16>}, {pipeline_mode = #tpu.pipeline_mode<synchronous>, transform_indices = @transform_7, window_bounds = array<i64: 1, 16>}, {pipeline_mode = #tpu.pipeline_mode<synchronous>, transform_indices = @transform_8, window_bounds = array<i64: 128, 32>}, {pipeline_mode = #tpu.pipeline_mode<synchronous>, transform_indices = @transform_9, window_bounds = array<i64: 1, 32>}, {pipeline_mode = #tpu.pipeline_mode<synchronous>, transform_indices = @transform_10, window_bounds = array<i64: 32, 32>}, {pipeline_mode = #tpu.pipeline_mode<synchronous>, transform_indices = @transform_11, window_bounds = array<i64: 1, 32>}, {pipeline_mode = #tpu.pipeline_mode<synchronous>, transform_indices = @transform_12, window_bounds = array<i64: 128, 64>}, {pipeline_mode = #tpu.pipeline_mode<synchronous>, transform_indices = @transform_13, window_bounds = array<i64: 1, 64>}, {pipeline_mode = #tpu.pipeline_mode<synchronous>, transform_indices = @transform_14, window_bounds = array<i64: 64, 64>}, {pipeline_mode = #tpu.pipeline_mode<synchronous>, transform_indices = @transform_15, window_bounds = array<i64: 1, 64>}, {pipeline_mode = #tpu.pipeline_mode<synchronous>, transform_indices = @transform_16, window_bounds = array<i64: 128, 8>}, {pipeline_mode = #tpu.pipeline_mode<synchronous>, transform_indices = @transform_17, window_bounds = array<i64: 1, 8>}, {transform_indices = @transform_18, window_bounds = array<i64: 2000, 16>}, {transform_indices = @transform_19, window_bounds = array<i64: 2000, 32>}, {transform_indices = @transform_20, window_bounds = array<i64: 2000, 8>}, {transform_indices = @transform_21, window_bounds = array<i64: 2000, 64>}]} {
    %get3A = arith.constant 0 : index
    %get3A_0 = arith.constant 0 : index
    %get3A_1 = vector.load %arg3[%get3A, %get3A_0] : memref<2000x8xf32, #tpu.memory_space<vmem>>, vector<2000x1xf32>
    %get3A_2 = arith.constant 0 : index
    %get3A_3 = arith.constant 0 : index
    %get3A_4 = arith.constant 0 : index
    %get3A_5 = vector.load %arg1[%get3A_2, %get3A_3, %get3A_4] : memref<2x2000x128xf32, #tpu.memory_space<vmem>>, vector<1x2000x128xf32>
    %get3A_6 = vector.shape_cast %get3A_5 : vector<1x2000x128xf32> to vector<2000x128xf32>
    %get3A_7 = arith.constant 1 : index
    %get3A_8 = arith.constant 0 : index
    %get3A_9 = arith.constant 0 : index
    %get3A_10 = vector.load %arg1[%get3A_7, %get3A_8, %get3A_9] : memref<2x2000x128xf32, #tpu.memory_space<vmem>>, vector<1x2000x128xf32>
    %get3A_11 = vector.shape_cast %get3A_10 : vector<1x2000x128xf32> to vector<2000x128xf32>
    %add3A = arith.addf %get3A_6, %get3A_11 : vector<2000x128xf32>
    %get3A_12 = arith.constant 0 : index
    %get3A_13 = arith.constant 0 : index
    %get3A_14 = vector.load %arg2[%get3A_12, %get3A_13] : memref<2000x128xf32, #tpu.memory_space<vmem>>, vector<2000x128xf32>
    %add3A_15 = arith.addf %add3A, %get3A_14 : vector<2000x128xf32>
    %mul3A = vector.broadcast %get3A_1 : vector<2000x1xf32> to vector<2000x128xf32>
    %mul3A_16 = arith.mulf %add3A_15, %mul3A : vector<2000x128xf32>
    %get3A_17 = arith.constant 0 : index
    %get3A_18 = arith.constant 0 : index
    %get3A_19 = vector.load %arg5[%get3A_17, %get3A_18] : memref<128x16xf32, #tpu.memory_space<vmem>>, vector<128x16xf32>
    %dot_general3A = arith.constant dense<0.000000e+00> : vector<2000x16xf32>
    %dot_general3A_20 = tpu.matmul %mul3A_16, %get3A_19, %dot_general3A {dimension_numbers = #tpu.dot_dimension_numbers<[1], [0], [0], [1], [0, 0, 1, 1], [], []>, transpose_lhs_hint = false} : vector<2000x128xf32>, vector<128x16xf32>, vector<2000x16xf32> -> vector<2000x16xf32>
    %get3A_21 = arith.constant 0 : index
    %get3A_22 = arith.constant 0 : index
    %get3A_23 = vector.load %arg6[%get3A_21, %get3A_22] : memref<1x16xf32, #tpu.memory_space<vmem>>, vector<1x16xf32>
    %add3A_24 = vector.broadcast %get3A_23 : vector<1x16xf32> to vector<2000x16xf32>
    %add3A_25 = arith.addf %dot_general3A_20, %add3A_24 : vector<2000x16xf32>
    %get3A_26 = arith.constant 0 : index
    %get3A_27 = arith.constant 0 : index
    %get3A_28 = vector.load %arg7[%get3A_26, %get3A_27] : memref<16x16xf32, #tpu.memory_space<vmem>>, vector<16x16xf32>
    %dot_general3A_29 = arith.constant dense<0.000000e+00> : vector<2000x16xf32>
    %dot_general3A_30 = tpu.matmul %add3A_25, %get3A_28, %dot_general3A_29 {dimension_numbers = #tpu.dot_dimension_numbers<[1], [0], [0], [1], [0, 0, 1, 1], [], []>, transpose_lhs_hint = false} : vector<2000x16xf32>, vector<16x16xf32>, vector<2000x16xf32> -> vector<2000x16xf32>
    %get3A_31 = arith.constant 0 : index
    %get3A_32 = arith.constant 0 : index
    %get3A_33 = vector.load %arg8[%get3A_31, %get3A_32] : memref<1x16xf32, #tpu.memory_space<vmem>>, vector<1x16xf32>
    %add3A_34 = vector.broadcast %get3A_33 : vector<1x16xf32> to vector<2000x16xf32>
    %add3A_35 = arith.addf %dot_general3A_30, %add3A_34 : vector<2000x16xf32>
    %reduce_max3A = arith.constant dense<0xFF800000> : vector<2000xf32>
    %reduce_max3A_36 = vector.multi_reduction <maximumf>, %add3A_35, %reduce_max3A [1] : vector<2000x16xf32> to vector<2000xf32>
    %broadcast_in_dim3A = vector.shape_cast %reduce_max3A_36 : vector<2000xf32> to vector<2000x1xf32>
    %sub3A = vector.broadcast %broadcast_in_dim3A : vector<2000x1xf32> to vector<2000x16xf32>
    %sub3A_37 = arith.subf %add3A_35, %sub3A : vector<2000x16xf32>
    %exp3A = math.exp %sub3A_37 : vector<2000x16xf32>
    %reduce_sum3A = arith.constant dense<0.000000e+00> : vector<2000xf32>
    %reduce_sum3A_38 = vector.multi_reduction <add>, %exp3A, %reduce_sum3A [1] : vector<2000x16xf32> to vector<2000xf32>
    %broadcast_in_dim3A_39 = vector.shape_cast %reduce_sum3A_38 : vector<2000xf32> to vector<2000x1xf32>
    %div3A = vector.broadcast %broadcast_in_dim3A_39 : vector<2000x1xf32> to vector<2000x16xf32>
    %div3A_40 = arith.divf %exp3A, %div3A : vector<2000x16xf32>
    %swap3A = arith.constant 0 : index
    %swap3A_41 = arith.constant 0 : index
    %swap3A_42 = vector.load %arg19[%swap3A, %swap3A_41] : memref<2000x16xf32, #tpu.memory_space<vmem>>, vector<2000x16xf32>
    tpu.vector_store %arg19[%swap3A, %swap3A_41], %div3A_40 {strides = array<i32>} : memref<2000x16xf32, #tpu.memory_space<vmem>>, vector<2000x16xf32>,
    %get3A_43 = arith.constant 0 : index
    %get3A_44 = arith.constant 0 : index
    %get3A_45 = vector.load %arg9[%get3A_43, %get3A_44] : memref<128x32xf32, #tpu.memory_space<vmem>>, vector<128x32xf32>
    %dot_general3A_46 = arith.constant dense<0.000000e+00> : vector<2000x32xf32>
    %dot_general3A_47 = tpu.matmul %mul3A_16, %get3A_45, %dot_general3A_46 {dimension_numbers = #tpu.dot_dimension_numbers<[1], [0], [0], [1], [0, 0, 1, 1], [], []>, transpose_lhs_hint = false} : vector<2000x128xf32>, vector<128x32xf32>, vector<2000x32xf32> -> vector<2000x32xf32>
    %get3A_48 = arith.constant 0 : index
    %get3A_49 = arith.constant 0 : index
    %get3A_50 = vector.load %arg10[%get3A_48, %get3A_49] : memref<1x32xf32, #tpu.memory_space<vmem>>, vector<1x32xf32>
    %add3A_51 = vector.broadcast %get3A_50 : vector<1x32xf32> to vector<2000x32xf32>
    %add3A_52 = arith.addf %dot_general3A_47, %add3A_51 : vector<2000x32xf32>
    %get3A_53 = arith.constant 0 : index
    %get3A_54 = arith.constant 0 : index
    %get3A_55 = vector.load %arg11[%get3A_53, %get3A_54] : memref<32x32xf32, #tpu.memory_space<vmem>>, vector<32x32xf32>
    %dot_general3A_56 = arith.constant dense<0.000000e+00> : vector<2000x32xf32>
    %dot_general3A_57 = tpu.matmul %add3A_52, %get3A_55, %dot_general3A_56 {dimension_numbers = #tpu.dot_dimension_numbers<[1], [0], [0], [1], [0, 0, 1, 1], [], []>, transpose_lhs_hint = false} : vector<2000x32xf32>, vector<32x32xf32>, vector<2000x32xf32> -> vector<2000x32xf32>
    %get3A_58 = arith.constant 0 : index
    %get3A_59 = arith.constant 0 : index
    %get3A_60 = vector.load %arg12[%get3A_58, %get3A_59] : memref<1x32xf32, #tpu.memory_space<vmem>>, vector<1x32xf32>
    %add3A_61 = vector.broadcast %get3A_60 : vector<1x32xf32> to vector<2000x32xf32>
    %add3A_62 = arith.addf %dot_general3A_57, %add3A_61 : vector<2000x32xf32>
    %reduce_max3A_63 = arith.constant dense<0xFF800000> : vector<2000xf32>
    %reduce_max3A_64 = vector.multi_reduction <maximumf>, %add3A_62, %reduce_max3A_63 [1] : vector<2000x32xf32> to vector<2000xf32>
    %broadcast_in_dim3A_65 = vector.shape_cast %reduce_max3A_64 : vector<2000xf32> to vector<2000x1xf32>
    %sub3A_66 = vector.broadcast %broadcast_in_dim3A_65 : vector<2000x1xf32> to vector<2000x32xf32>
    %sub3A_67 = arith.subf %add3A_62, %sub3A_66 : vector<2000x32xf32>
    %exp3A_68 = math.exp %sub3A_67 : vector<2000x32xf32>
    %reduce_sum3A_69 = arith.constant dense<0.000000e+00> : vector<2000xf32>
    %reduce_sum3A_70 = vector.multi_reduction <add>, %exp3A_68, %reduce_sum3A_69 [1] : vector<2000x32xf32> to vector<2000xf32>
    %broadcast_in_dim3A_71 = vector.shape_cast %reduce_sum3A_70 : vector<2000xf32> to vector<2000x1xf32>
    %div3A_72 = vector.broadcast %broadcast_in_dim3A_71 : vector<2000x1xf32> to vector<2000x32xf32>
    %div3A_73 = arith.divf %exp3A_68, %div3A_72 : vector<2000x32xf32>
    %swap3A_74 = arith.constant 0 : index
    %swap3A_75 = arith.constant 0 : index
    %swap3A_76 = vector.load %arg20[%swap3A_74, %swap3A_75] : memref<2000x32xf32, #tpu.memory_space<vmem>>, vector<2000x32xf32>
    tpu.vector_store %arg20[%swap3A_74, %swap3A_75], %div3A_73 {strides = array<i32>} : memref<2000x32xf32, #tpu.memory_space<vmem>>, vector<2000x32xf32>,
    %get3A_77 = arith.constant 0 : index
    %get3A_78 = arith.constant 0 : index
    %get3A_79 = vector.load %arg13[%get3A_77, %get3A_78] : memref<128x64xf32, #tpu.memory_space<vmem>>, vector<128x64xf32>
    %dot_general3A_80 = arith.constant dense<0.000000e+00> : vector<2000x64xf32>
    %dot_general3A_81 = tpu.matmul %mul3A_16, %get3A_79, %dot_general3A_80 {dimension_numbers = #tpu.dot_dimension_numbers<[1], [0], [0], [1], [0, 0, 1, 1], [], []>, transpose_lhs_hint = false} : vector<2000x128xf32>, vector<128x64xf32>, vector<2000x64xf32> -> vector<2000x64xf32>
    %get3A_82 = arith.constant 0 : index
    %get3A_83 = arith.constant 0 : index
    %get3A_84 = vector.load %arg14[%get3A_82, %get3A_83] : memref<1x64xf32, #tpu.memory_space<vmem>>, vector<1x64xf32>
    %add3A_85 = vector.broadcast %get3A_84 : vector<1x64xf32> to vector<2000x64xf32>
    %add3A_86 = arith.addf %dot_general3A_81, %add3A_85 : vector<2000x64xf32>
    %get3A_87 = arith.constant 0 : index
    %get3A_88 = arith.constant 0 : index
    %get3A_89 = vector.load %arg15[%get3A_87, %get3A_88] : memref<64x64xf32, #tpu.memory_space<vmem>>, vector<64x64xf32>
    %dot_general3A_90 = arith.constant dense<0.000000e+00> : vector<2000x64xf32>
    %dot_general3A_91 = tpu.matmul %add3A_86, %get3A_89, %dot_general3A_90 {dimension_numbers = #tpu.dot_dimension_numbers<[1], [0], [0], [1], [0, 0, 1, 1], [], []>, transpose_lhs_hint = false} : vector<2000x64xf32>, vector<64x64xf32>, vector<2000x64xf32> -> vector<2000x64xf32>
    %get3A_92 = arith.constant 0 : index
    %get3A_93 = arith.constant 0 : index
    %get3A_94 = vector.load %arg16[%get3A_92, %get3A_93] : memref<1x64xf32, #tpu.memory_space<vmem>>, vector<1x64xf32>
    %add3A_95 = vector.broadcast %get3A_94 : vector<1x64xf32> to vector<2000x64xf32>
    %add3A_96 = arith.addf %dot_general3A_91, %add3A_95 : vector<2000x64xf32>
    %reduce_max3A_97 = arith.constant dense<0xFF800000> : vector<2000xf32>
    %reduce_max3A_98 = vector.multi_reduction <maximumf>, %add3A_96, %reduce_max3A_97 [1] : vector<2000x64xf32> to vector<2000xf32>
    %broadcast_in_dim3A_99 = vector.shape_cast %reduce_max3A_98 : vector<2000xf32> to vector<2000x1xf32>
    %sub3A_100 = vector.broadcast %broadcast_in_dim3A_99 : vector<2000x1xf32> to vector<2000x64xf32>
    %sub3A_101 = arith.subf %add3A_96, %sub3A_100 : vector<2000x64xf32>
    %exp3A_102 = math.exp %sub3A_101 : vector<2000x64xf32>
    %reduce_sum3A_103 = arith.constant dense<0.000000e+00> : vector<2000xf32>
    %reduce_sum3A_104 = vector.multi_reduction <add>, %exp3A_102, %reduce_sum3A_103 [1] : vector<2000x64xf32> to vector<2000xf32>
    %broadcast_in_dim3A_105 = vector.shape_cast %reduce_sum3A_104 : vector<2000xf32> to vector<2000x1xf32>
    %div3A_106 = vector.broadcast %broadcast_in_dim3A_105 : vector<2000x1xf32> to vector<2000x64xf32>
    %div3A_107 = arith.divf %exp3A_102, %div3A_106 : vector<2000x64xf32>
    %swap3A_108 = arith.constant 0 : index
    %swap3A_109 = arith.constant 0 : index
    %swap3A_110 = vector.load %arg22[%swap3A_108, %swap3A_109] : memref<2000x64xf32, #tpu.memory_space<vmem>>, vector<2000x64xf32>
    tpu.vector_store %arg22[%swap3A_108, %swap3A_109], %div3A_107 {strides = array<i32>} : memref<2000x64xf32, #tpu.memory_space<vmem>>, vector<2000x64xf32>,
    %get3A_111 = arith.constant 0 : index
    %get3A_112 = arith.constant 0 : index
    %get3A_113 = vector.load %arg4[%get3A_111, %get3A_112] : memref<2000x128xf32, #tpu.memory_space<vmem>>, vector<2000x128xf32>
    %get3A_114 = arith.constant 0 : index
    %get3A_115 = arith.constant 0 : index
    %get3A_116 = vector.load %arg17[%get3A_114, %get3A_115] : memref<128x8xf32, #tpu.memory_space<vmem>>, vector<128x8xf32>
    %dot_general3A_117 = arith.constant dense<0.000000e+00> : vector<2000x8xf32>
    %dot_general3A_118 = tpu.matmul %get3A_113, %get3A_116, %dot_general3A_117 {dimension_numbers = #tpu.dot_dimension_numbers<[1], [0], [0], [1], [0, 0, 1, 1], [], []>, transpose_lhs_hint = false} : vector<2000x128xf32>, vector<128x8xf32>, vector<2000x8xf32> -> vector<2000x8xf32>
    %get3A_119 = arith.constant 0 : index
    %get3A_120 = arith.constant 0 : index
    %get3A_121 = vector.load %arg18[%get3A_119, %get3A_120] : memref<1x8xf32, #tpu.memory_space<vmem>>, vector<1x8xf32>
    %add3A_122 = vector.broadcast %get3A_121 : vector<1x8xf32> to vector<2000x8xf32>
    %add3A_123 = arith.addf %dot_general3A_118, %add3A_122 : vector<2000x8xf32>
    %reduce_max3A_124 = arith.constant dense<0xFF800000> : vector<2000xf32>
    %reduce_max3A_125 = vector.multi_reduction <maximumf>, %add3A_123, %reduce_max3A_124 [1] : vector<2000x8xf32> to vector<2000xf32>
    %broadcast_in_dim3A_126 = vector.shape_cast %reduce_max3A_125 : vector<2000xf32> to vector<2000x1xf32>
    %sub3A_127 = vector.broadcast %broadcast_in_dim3A_126 : vector<2000x1xf32> to vector<2000x8xf32>
    %sub3A_128 = arith.subf %add3A_123, %sub3A_127 : vector<2000x8xf32>
    %exp3A_129 = math.exp %sub3A_128 : vector<2000x8xf32>
    %reduce_sum3A_130 = arith.constant dense<0.000000e+00> : vector<2000xf32>
    %reduce_sum3A_131 = vector.multi_reduction <add>, %exp3A_129, %reduce_sum3A_130 [1] : vector<2000x8xf32> to vector<2000xf32>
    %broadcast_in_dim3A_132 = vector.shape_cast %reduce_sum3A_131 : vector<2000xf32> to vector<2000x1xf32>
    %div3A_133 = vector.broadcast %broadcast_in_dim3A_132 : vector<2000x1xf32> to vector<2000x8xf32>
    %div3A_134 = arith.divf %exp3A_129, %div3A_133 : vector<2000x8xf32>
    %swap3A_135 = arith.constant 0 : index
    %swap3A_136 = arith.constant 0 : index
    %swap3A_137 = vector.load %arg21[%swap3A_135, %swap3A_136] : memref<2000x8xf32, #tpu.memory_space<vmem>>, vector<2000x8xf32>
    tpu.vector_store %arg21[%swap3A_135, %swap3A_136], %div3A_134 {strides = array<i32>} : memref<2000x8xf32, #tpu.memory_space<vmem>>, vector<2000x8xf32>,
    return
  }
  func.func @transform_0(%arg0: i32) -> (i32, i32, i32) {
    %c0_i32 = arith.constant 0 : i32
    %c0_i32_0 = arith.constant 0 : i32
    %c0_i32_1 = arith.constant 0 : i32
    return %c0_i32, %arg0, %c0_i32_0 : i32, i32, i32
  }
  func.func @transform_1(%arg0: i32) -> (i32, i32) {
    %c0_i32 = arith.constant 0 : i32
    %c0_i32_0 = arith.constant 0 : i32
    return %arg0, %c0_i32 : i32, i32
  }
  func.func @transform_2(%arg0: i32) -> (i32, i32) {
    %c0_i32 = arith.constant 0 : i32
    %c0_i32_0 = arith.constant 0 : i32
    return %arg0, %c0_i32 : i32, i32
  }
  func.func @transform_3(%arg0: i32) -> (i32, i32) {
    %c0_i32 = arith.constant 0 : i32
    %c0_i32_0 = arith.constant 0 : i32
    return %arg0, %c0_i32 : i32, i32
  }
  func.func @transform_4(%arg0: i32) -> (i32, i32) {
    %c0_i32 = arith.constant 0 : i32
    %c0_i32_0 = arith.constant 0 : i32
    %c0_i32_1 = arith.constant 0 : i32
    return %c0_i32, %c0_i32_0 : i32, i32
  }
  func.func @transform_5(%arg0: i32) -> (i32, i32) {
    %c0_i32 = arith.constant 0 : i32
    %c0_i32_0 = arith.constant 0 : i32
    %c0_i32_1 = arith.constant 0 : i32
    return %c0_i32, %c0_i32_0 : i32, i32
  }
  func.func @transform_6(%arg0: i32) -> (i32, i32) {
    %c0_i32 = arith.constant 0 : i32
    %c0_i32_0 = arith.constant 0 : i32
    %c0_i32_1 = arith.constant 0 : i32
    return %c0_i32, %c0_i32_0 : i32, i32
  }
  func.func @transform_7(%arg0: i32) -> (i32, i32) {
    %c0_i32 = arith.constant 0 : i32
    %c0_i32_0 = arith.constant 0 : i32
    %c0_i32_1 = arith.constant 0 : i32
    return %c0_i32, %c0_i32_0 : i32, i32
  }
  func.func @transform_8(%arg0: i32) -> (i32, i32) {
    %c0_i32 = arith.constant 0 : i32
    %c0_i32_0 = arith.constant 0 : i32
    %c0_i32_1 = arith.constant 0 : i32
    return %c0_i32, %c0_i32_0 : i32, i32
  }
  func.func @transform_9(%arg0: i32) -> (i32, i32) {
    %c0_i32 = arith.constant 0 : i32
    %c0_i32_0 = arith.constant 0 : i32
    %c0_i32_1 = arith.constant 0 : i32
    return %c0_i32, %c0_i32_0 : i32, i32
  }
  func.func @transform_10(%arg0: i32) -> (i32, i32) {
    %c0_i32 = arith.constant 0 : i32
    %c0_i32_0 = arith.constant 0 : i32
    %c0_i32_1 = arith.constant 0 : i32
    return %c0_i32, %c0_i32_0 : i32, i32
  }
  func.func @transform_11(%arg0: i32) -> (i32, i32) {
    %c0_i32 = arith.constant 0 : i32
    %c0_i32_0 = arith.constant 0 : i32
    %c0_i32_1 = arith.constant 0 : i32
    return %c0_i32, %c0_i32_0 : i32, i32
  }
  func.func @transform_12(%arg0: i32) -> (i32, i32) {
    %c0_i32 = arith.constant 0 : i32
    %c0_i32_0 = arith.constant 0 : i32
    %c0_i32_1 = arith.constant 0 : i32
    return %c0_i32, %c0_i32_0 : i32, i32
  }
  func.func @transform_13(%arg0: i32) -> (i32, i32) {
    %c0_i32 = arith.constant 0 : i32
    %c0_i32_0 = arith.constant 0 : i32
    %c0_i32_1 = arith.constant 0 : i32
    return %c0_i32, %c0_i32_0 : i32, i32
  }
  func.func @transform_14(%arg0: i32) -> (i32, i32) {
    %c0_i32 = arith.constant 0 : i32
    %c0_i32_0 = arith.constant 0 : i32
    %c0_i32_1 = arith.constant 0 : i32
    return %c0_i32, %c0_i32_0 : i32, i32
  }
  func.func @transform_15(%arg0: i32) -> (i32, i32) {
    %c0_i32 = arith.constant 0 : i32
    %c0_i32_0 = arith.constant 0 : i32
    %c0_i32_1 = arith.constant 0 : i32
    return %c0_i32, %c0_i32_0 : i32, i32
  }
  func.func @transform_16(%arg0: i32) -> (i32, i32) {
    %c0_i32 = arith.constant 0 : i32
    %c0_i32_0 = arith.constant 0 : i32
    %c0_i32_1 = arith.constant 0 : i32
    return %c0_i32, %c0_i32_0 : i32, i32
  }
  func.func @transform_17(%arg0: i32) -> (i32, i32) {
    %c0_i32 = arith.constant 0 : i32
    %c0_i32_0 = arith.constant 0 : i32
    %c0_i32_1 = arith.constant 0 : i32
    return %c0_i32, %c0_i32_0 : i32, i32
  }
  func.func @transform_18(%arg0: i32) -> (i32, i32) {
    %c0_i32 = arith.constant 0 : i32
    %c0_i32_0 = arith.constant 0 : i32
    return %arg0, %c0_i32 : i32, i32
  }
  func.func @transform_19(%arg0: i32) -> (i32, i32) {
    %c0_i32 = arith.constant 0 : i32
    %c0_i32_0 = arith.constant 0 : i32
    return %arg0, %c0_i32 : i32, i32
  }
  func.func @transform_20(%arg0: i32) -> (i32, i32) {
    %c0_i32 = arith.constant 0 : i32
    %c0_i32_0 = arith.constant 0 : i32
    return %arg0, %c0_i32 : i32, i32
  }
  func.func @transform_21(%arg0: i32) -> (i32, i32) {
    %c0_i32 = arith.constant 0 : i32
    %c0_i32_0 = arith.constant 0 : i32
    return %arg0, %c0_i32 : i32, i32
  }
}

</mosaic_0001>

<sc_bundles>
// kernel: kernel.12.cloned.1.call-start
scs
__scs_entry_jumppad:
0x0: {  	(pc) =	sbr.rel $0x88, $3  }
0x1: {  	(tag) =	ssettag $0x0;
	lr =	simm.s32 $0x1  }
0x2: {  	[smem:$0x3F8F] =	sst lr;
	_ =	strace $0xD0000000  }
0x3: {  	_ = 	snop  }
0x4: {  	_ = 	snop  }
0x5: {  	_ = 	snop  }
0x6: {  	_ = 	snop  }
0x7: {  	_ = 	snop  }
__scs_overlays_trampoline_lowered:
0x8: {  	[smem:$0x3F9E] =	sst s0  }
0x9: {  	[smem:$0x3F9F] =	sst s1  }
0xa: {  	[smem:$0x3FA0] =	sst s2  }
0xb: {  	[smem:$0x3FA1] =	sst s3  }
0xc: {  	[smem:$0x3FA2] =	sst s4  }
0xd: {  	[smem:$0x3FA3] =	sst s5  }
0xe: {  	[smem:$0x3FA4] =	sst s6  }
0xf: {  	[smem:$0x3FA5] =	sst s7  }
0x10: {  	[smem:$0x3FA6] =	sst s8  }
0x11: {  	[smem:$0x3FA7] =	sst s9;
	s0 =	simm.s32 @!p0 $0x0  }
0x12: {  	s1 =	sld [smem:$0x3F8D];
	s0 =	simm.s32 @p0 $0x1  }
0x13: {  	[smem:$0x3FA8] =	sst s0;
	s0 =	simm.s32 @!p1 $0x0  }
0x14: {  	s2 =	sld [smem:$0x3F8C];
	s0 =	simm.s32 @p1 $0x1  }
0x15: {  	[smem:$0x3FA9] =	sst s0;
	s0 =	simm.s32 @!p2 $0x0  }
0x16: {  	s3 =	sld [smem:$0x3FDB];
	s0 =	simm.s32 @p2 $0x1  }
0x17: {  	s4 =	simm.s32 $0x1BF5;
	[smem:$0x3FAB] =	sst s0  }
0x18: {  	s0 =	sld [smem:$0x3F8E];
	_ =	swait.ge [sflag:s4], $0x0  }
0x19: {  	s7 =	sld [smem:$0x3F8F]  }
0x1a: {  	s8 =	sadd.s32 $0xFFFFE003, lr  }
0x1b: {  	s9 =	sadd.s32 $0xFFFFFEF7, lr;
	s5 =	simm.s32 $0xFFFFFFFF;
	p2 =	slt.u32 s8, $0xFFFFF086  }
0x1c: {  	p1 =	slt.u32 s9, $0xF7A;
	s5 =	simm.s32 @!p2 $0x0  }
0x1d: {  	s5 =	simm.s32 @p1 $0x1;
	p0 =	seq.s32 s7, s2  }
0x1e: {  	s7 =	smul.u32 @!p0 $0xF7A, s2;
	p2 =	seq.s32 @!p0 s5, $0x0  }
0x1f: {  	s9 =	smul.u32 $0xF7A, s1;
	s8 =	simm.s32 @!p0 $0x1BF5;
	p2 =	por !p2, p0  }
0x20: {  	[sflag:s8] =	ssyncset.s32 @!p0 $0xFFFFF086;
	s6 =	sadd.s32 @!p0 s3, s7;
	s7 =	simm.s32 @!p0 $0x108  }
0x21: {  	s3 =	sadd.s32 s3, s9;
	s6 =	sadd.s32 @!p0 $0x88, s6;
	s7 =	simm.s32 @p2 $0x1082  }
0x22: {  	[simem:s7], [sflag:s8] =	dma.local @!p0 [hbm:s6], $0xF7A  }
0x23: {  	s9 =	sor.u32 $0xD0000000, s2;
	s6 =	simm.s32 $0x108;
	_ =	swait.ge @!p0 [sflag:s8], $0x0  }
0x24: {  	s3 =	sadd.s32 $0x88, s3;
	s6 =	simm.s32 @!p1 $0x1082;
	[sflag:s4] =	ssyncset.s32 $0xFFFFF086  }
0x25: {  	[simem:s6], [sflag:s4] =	dma.local [hbm:s3], $0xF7A  }
0x26: {  	[smem:$0x3F8F] =	sst s1;
	(tag) =	ssettag s2;
	_ =	strace s9  }
0x27: {  	s1 =	sld [smem:$0x3F9F]  }
0x28: {  	s2 =	sld [smem:$0x3FA0]  }
0x29: {  	s4 =	sld [smem:$0x3FA2]  }
0x2a: {  	p0 =	seq.s32 s5, $0x0;
	s5 =	sld [smem:$0x3FA3]  }
0x2b: {  	s6 =	sld [smem:$0x3FA4]  }
0x2c: {  	s7 =	sld [smem:$0x3FA5]  }
0x2d: {  	s3 =	simm.s32 $0x108;
	s8 =	sld [smem:$0x3FA6]  }
0x2e: {  	s3 =	simm.s32 @!p0 $0x1082;
	s9 =	sld [smem:$0x3FA7]  }
0x2f: {  	lr =	sadd.s32 s0, s3;
	s0 =	sld [smem:$0x3F9E]  }
0x30: {  	s3 =	sld [smem:$0x3FA1]  }
0x31: {  	[smem:$0x3FAA] =	sst s10  }
0x32: {  	s10 =	sld [smem:$0x3FA8];
	_ =	sdelay $0x3  }
0x33: {  	p0 =	seq.s32 s10, $0x1;
	s10 =	sld [smem:$0x3FAA];
	_ =	sdelay $0x3  }
0x34: {  	[smem:$0x3FAA] =	sst s10  }
0x35: {  	s10 =	sld [smem:$0x3FA9];
	_ =	sdelay $0x3  }
0x36: {  	p1 =	seq.s32 s10, $0x1;
	s10 =	sld [smem:$0x3FAA];
	_ =	sdelay $0x3  }
0x37: {  	[smem:$0x3FAA] =	sst s10  }
0x38: {  	s10 =	sld [smem:$0x3FAB]  }
0x39: {  	_ = 	snop;
	(pc) =	sbr.ind lr, $3  }
0x3a: {  	_ = 	snop  }
0x3b: {  	_ = 	snop  }
0x3c: {  	p2 =	seq.s32 s10, $0x1;
	s10 =	sld [smem:$0x3FAA]  }
0x3d: {  	_ =	shalt  }
0x3e: {  	_ =	shalt  }
0x3f: {  	_ =	shalt  }
0x40: {  	_ =	shalt  }
0x41: {  	_ =	shalt  }
0x42: {  	_ =	shalt  }
0x43: {  	_ =	shalt  }
0x44: {  	_ =	shalt  }
0x45: {  	_ =	shalt  }
0x46: {  	_ =	shalt  }
0x47: {  	_ =	shalt  }
0x48: {  	_ =	shalt  }
0x49: {  	_ =	shalt  }
0x4a: {  	_ =	shalt  }
0x4b: {  	_ =	shalt  }
0x4c: {  	_ =	shalt  }
0x4d: {  	_ =	shalt  }
0x4e: {  	_ =	shalt  }
0x4f: {  	_ =	shalt  }
0x50: {  	_ =	shalt  }
0x51: {  	_ =	shalt  }
0x52: {  	_ =	shalt  }
0x53: {  	_ =	shalt  }
0x54: {  	_ =	shalt  }
0x55: {  	_ =	shalt  }
0x56: {  	_ =	shalt  }
0x57: {  	_ =	shalt  }
0x58: {  	_ =	shalt  }
0x59: {  	_ =	shalt  }
0x5a: {  	_ =	shalt  }
0x5b: {  	_ =	shalt  }
0x5c: {  	_ =	shalt  }
0x5d: {  	_ =	shalt  }
0x5e: {  	_ =	shalt  }
0x5f: {  	_ =	shalt  }
0x60: {  	_ =	shalt  }
0x61: {  	_ =	shalt  }
0x62: {  	_ =	shalt  }
0x63: {  	_ =	shalt  }
0x64: {  	_ =	shalt  }
0x65: {  	_ =	shalt  }
0x66: {  	_ =	shalt  }
0x67: {  	_ =	shalt  }
0x68: {  	_ =	shalt  }
0x69: {  	_ =	shalt  }
0x6a: {  	_ =	shalt  }
0x6b: {  	_ =	shalt  }
0x6c: {  	_ =	shalt  }
0x6d: {  	_ =	shalt  }
0x6e: {  	_ =	shalt  }
0x6f: {  	_ =	shalt  }
0x70: {  	_ =	shalt  }
0x71: {  	_ =	shalt  }
0x72: {  	_ =	shalt  }
0x73: {  	_ =	shalt  }
0x74: {  	_ =	shalt  }
0x75: {  	_ =	shalt  }
0x76: {  	_ =	shalt  }
0x77: {  	_ =	shalt  }
0x78: {  	_ =	shalt  }
0x79: {  	_ =	shalt  }
0x7a: {  	_ =	shalt  }
0x7b: {  	_ =	shalt  }
0x7c: {  	_ =	shalt  }
0x7d: {  	_ =	shalt  }
0x7e: {  	_ =	shalt  }
0x7f: {  	_ =	shalt  }
0x80: {  	_ =	shalt  }
0x81: {  	_ =	shalt  }
0x82: {  	_ =	shalt  }
0x83: {  	_ =	shalt  }
0x84: {  	_ =	shalt  }
0x85: {  	_ =	shalt  }
0x86: {  	_ =	shalt  }
0x87: {  	_ =	shalt  }
.Lfunc_end0:
.L_simem_size_0:
called_computation.1_lowered:
.L_overlay_start_0:
0x88: {  	s2 =	sld [smem:$0x3FD9]  }
0x89: {  	s3 =	sld [smem:$0x3FFE];
	_ =	sdelay $0x1  }
0x8a: {  	s1 =	srdreg.scid  }
0x8b: {  	s0 =	sand.u32 $0x1, s1  }
0x8c: {  	s16 =	sshll.u32 s0, $0xA;
	s2 =	sadd.s32 s3, s2  }
0x8d: {  	s2 =	sadd.s32 s2, s16  }
0x8e: {  	[smem:$0x3FB6] =	sst s2  }
0x8f: {  	_ = 	snop  }
0x90: {  	(tm) =	ssettm $0x1  }
0x91: {  	s17 =	sld [smem:$0x3FFB];
	_ =	sdelay $0x3  }
0x92: {  	_ =	strace s17  }
0x93: {  	s2 =	sld [smem:$0x3FFC];
	_ =	sdelay $0x3  }
0x94: {  	_ =	strace s2  }
0x95: {  	s2 =	sld [smem:$0x3FFD];
	_ =	sdelay $0x3  }
0x96: {  	_ =	strace s2  }
0x97: {  	_ =	strace $0x8FFFFFFF  }
0x98: {  	s18 =	sld [smem:$0x3FDB];
	_ =	sdelay $0x1  }
0x99: {  	s19 =	simm.s32 $_scs_section_size  }
0x9a: {  	s4 =	simm.s32 $_size__tile_overlayer_lowered;
	s5 =	simm.s32 $_tile_overlayer_lowered  }
0x9b: {  	s22 =	simm.s32 $0x1BFF;
	s21 =	sshll.u32 s5, $0x1;
	s2 =	sadd.s32 s19, s18  }
0x9c: {  	s6 =	simm.s32 $0x0;
	s20 =	sshll.u32 s4, $0x1;
	s4 =	sadd.s32 s21, s2  }
0x9d: {  	[timem:s6], [sflag:s22] =	dma.local [hbm:s4], s20  }
0x9e: {  	_ =	swait.ge [sflag:s22], s20  }
0x9f: {  	s3 =	ssub.s32 $0x0, s20;
	[sflag:s22] =	ssyncset.done $0x0  }
0xa0: {  	[sflag:s22] =	ssyncadd.s32 s3;
	_ =	sdelay $0x1  }
0xa1: {  	s23 =	simm.s32 $0x1B8B  }
0xa2: {  	_ =	swait.ge [sflag:s23], $0x1  }
0xa3: {  	[sflag:s23] =	ssyncset.done $0x0  }
0xa4: {  	s25 =	simm.s32 $0x1B8E;
	s24 =	sld [smem:$0x3FFE];
	[sflag:s23] =	ssyncadd.s32 $0xFFFFFFFF  }
0xa5: {  	s26 =	simm.s32 $execute0_lowered;
	[smem:$0x3FD2] =	sst s25  }
0xa6: {  	s4 =	sshll.u32 s26, $0x1;
	_ =	strace $0x80000049;
	[dreg:$0x1] =	wrdreg $0xFFFFFFFF  }
0xa7: {  	s28 =	simm.s32 $_size_execute0_lowered;
	s2 =	sadd.s32 s2, s4;
	[dreg:$0x0] =	wrdreg $0x0  }
0xa8: {  	s4 =	sshll.u32 s28, $0x1;
	[dreg:$0x2] =	wrdreg s2  }
0xa9: {  	[dreg:$0x3] =	wrdreg s4  }
0xaa: {  	[dreg:$0x4] =	wrdreg $0xC0  }
0xab: {  	_ =	task [dreg:s6], $0x5FFFF  }
0xac: {  	[dreg:$0x1] =	wrdreg $0xFFFFFFFF  }
0xad: {  	[dreg:$0x0] =	wrdreg $0x60  }
0xae: {  	[dreg:$0x2] =	wrdreg s24  }
0xaf: {  	[dreg:$0x3] =	wrdreg $0x88000  }
0xb0: {  	[dreg:$0x4] =	wrdreg $0x9  }
0xb1: {  	_ =	task.clear_ibuf [dreg:s6], $0x5FFFF;
	_ =	strace $0x90000049  }
0xb2: {  	s29 =	simm.s32 $0x9;
	_ =	strace $0x8000004B  }
0xb3: {  	_ =	swait.ge [sflag:s29], $0x1  }
0xb4: {  	[sflag:s29] =	ssyncadd.s32 $0xFFFFFFFF  }
0xb5: {  	_ =	strace $0x9000004B  }
0xb6: {  	_ =	sfence  }
0xb7: {  	s30 =	sld [smem:$0x0];
	_ =	sdelay $0x2  }
0xb8: {  	s31 =	sshll.u32 s1, $0xD;
	s1 =	sshrl.u32 s1, $0x2  }
0xb9: {  	s3 =	sand.u32 $0x4000, s31;
	s1 =	sadd.s32 s1, s30  }
0xba: {  	s0 =	sor.u32 s3, s0;
	s1 =	sshll.u32 s1, $0x11  }
0xbb: {  	s0 =	sor.u32 s1, s0  }
0xbc: {  	s0 =	sadd.s32 $0x8F2B, s0  }
0xbd: {  	[sflag:s0] =	ssyncadd.remote.s32 $0x1  }
0xbe: {  	_ =	sfence.sel $0xFFFF  }
0xbf: {  	[dreg:$0x0] =	wrdreg $0xFFFFFFFF;
	(pc) =	sbr.abs _section_cstart, $3  }
0xc0: {  	[dreg:$0x1] =	wrdreg $0xFFFFFFFF  }
0xc1: {  	_ =	task.clear_ibuf [dreg:s6], $0x2FFFF;
	_ =	strace $0x9FFFFFFF  }
0xc2: {  	(tm) =	ssettm $0x7FFFFFFF  }
0xc3: {  	_ =	shalt  }
tec
execute0_lowered:
.L_overlay_start_1:
0x0: {  	(tag) =	ssettag $0x1  }
0x1: {  	s0 =	rddreg [dreg:$0x0]  }
0x2: {  	s2 =	rddreg [dreg:$0x1];
	s8 =	stileid.u32  }
0x3: {  	s1 =	srdreg.scid;
	s3 =	simm.s32 $0x0;
	s28 =	simm.s32 $0x480  }
0x4: {  	s29 =	simm.s32 $0x180;
	s30 =	simm.s32 $0x500;
	s31 =	simm.s32 $0x200  }
0x5: {  	s4 =	smul.u32 $0xA, s8;
	s1 =	sand.u32 $0x1, s1;
	[smem:$0x7FF] =	sst s3  }
0x6: {  	s9 =	sshll.u32 s8, $0xE;
	s15 =	smin.u32 s8, $0xE;
	p0 =	seq.s32 s1, $0x0  }
0x7: {  	_ =	strace $0x8000004A;
	s6 =	ssub.s32 $0x2, s1;
	s13 =	sadd.s32 s9, s2  }
0x8: {  	s10 =	sor.u32 $0x40000, s9;
	s11 =	sor.u32 $0x80000, s9;
	s12 =	sor.u32 $0xC0000, s9  }
0x9: {  	s1 =	smul.u32 $0x138800, s1;
	s5 =	sadd.s32 $0xA0, s4;
	s7 =	sshrl.u32 s6, $0x1  }
0xa: {  	[dreg:$0x3] =	wrdreg s13;
	s14 =	sadd.s32 s10, s2;
	s13 =	sor.u32 $0x40, s15  }
0xb: {  	s16 =	sadd.s32 s12, s2;
	s15 =	simm.s32 $0x0;
	s5 =	smov.u32 @p0 s4  }
0xc: {  	s4 =	sadd.s32 $0x3FA00, s0;
	s6 =	ssub.s32 s6, s7;
	[dreg:$0x4] =	wrdreg s14  }
0xd: {  	s7 =	sadd.s32 s11, s2;
	[dreg:$0x5] =	wrdreg s16;
	s14 =	sshll.u32 s13, $0x7  }
0xe: {  	s13 =	sshll.u32 s13, $0xE;
	s9 =	sadd.s32 s9, s1;
	s10 =	sadd.s32 s1, s10  }
0xf: {  	s21 =	sadd.s32 s1, s11;
	s22 =	sadd.s32 s1, s12;
	s12 =	simm.s32 $0x380  }
0x10: {  	s5 =	sshll.u32 s5, $0x7;
	s17 =	sadd.s32 s13, s2;
	s9 =	sshrl.u32 s9, $0x3  }
0x11: {  	s10 =	sshrl.u32 s10, $0x3;
	s20 =	smin.u32 s14, $0x2690;
	s11 =	sshrl.u32 s22, $0x3  }
0x12: {  	s26 =	smax.u32 s6, $0x1;
	s22 =	simm.s32 $0x4800;
	s13 =	simm.s32 $0x700  }
0x13: {  	s14 =	simm.s32 $0x780;
	s5 =	sadd.s32 s5, s0;
	[dreg:$0x6] =	wrdreg s17  }
0x14: {  	s0 =	sadd.s32 $0x66C00, s0;
	[dreg:$0xc] =	wrdreg s26;
	s17 =	simm.s32 $0x800  }
0x15: {  	s26 =	simm.s32 $0x2;
	s18 =	sadd.s32 s0, s9;
	s19 =	sadd.s32 s0, s10  }
0x16: {  	s9 =	sshll.u32 s20, $0x7;
	s10 =	sshrl.u32 s21, $0x3;
	s24 =	sadd.s32 s0, s11  }
0x17: {  	s16 =	sadd.s32 $0x4200, s5;
	s20 =	simm.s32 $0x50000;
	[dreg:$0x7] =	wrdreg s18  }
0x18: {  	s21 =	simm.s32 $0x80;
	s11 =	simm.s32 $0x680;
	[dreg:$0x8] =	wrdreg s19  }
0x19: {  	s1 =	sadd.s32 s1, s9;
	s23 =	sadd.s32 s0, s10;
	[dreg:$0xa] =	wrdreg s24  }
0x1a: {  	s25 =	sadd.s32 s9, s2;
	s18 =	simm.s32 $0x3;
	s19 =	simm.s32 $0x400  }
0x1b: {  	s24 =	simm.s32 $0x100;
	s9 =	simm.s32 $0x600;
	s1 =	sshrl.u32 s1, $0x3  }
0x1c: {  	s10 =	simm.s32 $0x300;
	[dreg:$0x9] =	wrdreg s23;
	s0 =	sadd.s32 s0, s1  }
0x1d: {  	s23 =	simm.s32 $0x1;
	[dreg:$0xb] =	wrdreg s0;
	s0 =	sshrl.u32 s25, $0x3  }
0x1e: {  	v0 =	vimm.f32 $0.0e+00;
	s1 =	simm.s32 $0x580;
	[dreg:$0xd] =	wrdreg s0;
	s0 =	simm.s32 $0x280  }
.LBB2_1:
0x1f: {  	s5 =	simm.s32 $0x0;
	s25 =	simm.s32 $0x200  }
.LBB2_2:
0x20: {  	p0 =	sne.s32 s25, $0xFE00;
	[tilespmem:s5+$0x870] =	vst v0  }
0x21: {  	[tilespmem:s5+$0x800] =	vst v0  }
0x22: {  	[tilespmem:s5+$0x810] =	vst v0  }
.Ltmp0:
0x23: {  	[tilespmem:s5+$0x820] =	vst v0;
	(pc) =	sbr.rel @p0 .LBB2_2-.Ltmp0, $4  }
0x24: {  	[tilespmem:s5+$0x830] =	vst v0  }
0x25: {  	[tilespmem:s5+$0x840] =	vst v0  }
0x26: {  	[tilespmem:s5+$0x850] =	vst v0  }
0x27: {  	[tilespmem:s5+$0x860] =	vst v0;
	s5 =	sshra.s32 s25, $0x2;
	s25 =	sadd.s32 $0x200, s25  }
0x28: {  	[tilespmem:s5+$0x870] =	vst v0  }
0x29: {  	[tilespmem:s5+$0x800] =	vst v0  }
0x2a: {  	[tilespmem:s5+$0x810] =	vst v0  }
0x2b: {  	[tilespmem:s5+$0x820] =	vst v0  }
0x2c: {  	[tilespmem:s5+$0x830] =	vst v0  }
0x2d: {  	[tilespmem:s5+$0x840] =	vst v0  }
0x2e: {  	[tilespmem:s5+$0x850] =	vst v0  }
0x2f: {  	[tilespmem:s5+$0x860] =	vst v0;
	s8 =	rddreg [dreg:$0x3]  }
0x30: {  	[spmem:s8] =	stream.linear.scatter [tilespmem:s17], [sflag:$0x3], $0x4000, $0x38;
	[tilespmem:$0x1C400] =	vst v63  }
0x31: {  	_ =	swait.ge [sflag:s18], $0x4000  }
0x32: {  	[sflag:s18] =	ssyncset.done $0x0  }
0x33: {  	s25 =	rddreg [dreg:$0x4];
	[sflag:s18] =	ssyncadd.s32 $0xFFFFC000  }
0x34: {  	[spmem:s25] =	stream.linear.scatter [tilespmem:s17], [sflag:$0x3], $0x4000, $0x38;
	[tilespmem:$0x1C400] =	vst v63  }
0x35: {  	_ =	swait.ge [sflag:s18], $0x4000  }
0x36: {  	[sflag:s18] =	ssyncset.done $0x0  }
0x37: {  	[sflag:s18] =	ssyncadd.s32 $0xFFFFC000  }
0x38: {  	[spmem:s7] =	stream.linear.scatter [tilespmem:s17], [sflag:$0x3], $0x4000, $0x38;
	[tilespmem:$0x1C400] =	vst v63  }
0x39: {  	_ =	swait.ge [sflag:s18], $0x4000  }
0x3a: {  	[sflag:s18] =	ssyncset.done $0x0  }
0x3b: {  	s6 =	rddreg [dreg:$0x5];
	[sflag:s18] =	ssyncadd.s32 $0xFFFFC000  }
0x3c: {  	[spmem:s6] =	stream.linear.scatter [tilespmem:s17], [sflag:$0x3], $0x4000, $0x38;
	[tilespmem:$0x1C400] =	vst v63  }
0x3d: {  	_ =	swait.ge [sflag:s18], $0x4000  }
0x3e: {  	[sflag:s18] =	ssyncset.done $0x0  }
0x3f: {  	s8 =	smov.u32 s7;
	s7 =	rddreg [dreg:$0x6];
	[sflag:s18] =	ssyncadd.s32 $0xFFFFC000  }
0x40: {  	[spmem:s7] =	stream.linear.scatter [tilespmem:s17], [sflag:$0x3], $0x4000, $0x38;
	[tilespmem:$0x1C400] =	vst v63  }
0x41: {  	_ =	swait.ge [sflag:s18], $0x4000  }
0x42: {  	[sflag:s18] =	ssyncset.done $0x0  }
0x43: {  	[sflag:s18] =	ssyncadd.s32 $0xFFFFC000  }
0x44: {  	s25 =	sadd.s32 $0x0, s16;
	[bflag:$0x0] =	sbarrier.arrive $0xFFFF  }
0x45: {  	[tilespmem:s3], [sflag:$0x3] =	stream.strided.gather [hbm4b:s25+s19], $0x800, s20, s19, $0x38;
	[tilespmem:$0x1C400] =	vst v63  }
0x46: {  	_ =	swait.ge [sflag:s18], $0x800  }
0x47: {  	[sflag:s18] =	ssyncset.done $0x0  }
0x48: {  	[sflag:s18] =	ssyncadd.s32 $0xFFFFF800  }
0x49: {  	[tilespmem:s17], [sflag:$0x1] =	stream.indirect.gather [hbm4b:s4+s21], $0x80, s3, s21, $0xb8;
	[tilespmem:$0x1C400] =	vst v63  }
0x4a: {  	_ = 	snop  }
0x4b: {  	[tilespmem:s22], [sflag:$0x2] =	stream.indirect.gather [hbm4b:s4+s21], $0x80, s21, s21, $0xb8;
	[tilespmem:$0x1C400] =	vst v63  }
0x4c: {  	_ =	swait.ge [sflag:s23], $0x4000  }
0x4d: {  	[sflag:s23] =	ssyncset.done $0x0  }
0x4e: {  	[sflag:s23] =	ssyncadd.s32 $0xFFFFC000  }
0x4f: {  	[spmem:s2] =	stream.indirect.scatter.add.f32 [tilespmem:s17], [sflag:$0x3], $0x80, s19, s21, $0xb8;
	[tilespmem:$0x1C400] =	vst v63  }
0x50: {  	_ =	swait.ge [sflag:s18], $0x4000  }
0x51: {  	[sflag:s18] =	ssyncset.done $0x0  }
0x52: {  	[sflag:s18] =	ssyncadd.s32 $0xFFFFC000  }
0x53: {  	[tilespmem:s17], [sflag:$0x1] =	stream.indirect.gather [hbm4b:s4+s21], $0x80, s24, s21, $0xb8;
	[tilespmem:$0x1C400] =	vst v63  }
0x54: {  	_ =	swait.ge [sflag:s26], $0x4000  }
0x55: {  	[sflag:s26] =	ssyncset.done $0x0  }
0x56: {  	[sflag:s26] =	ssyncadd.s32 $0xFFFFC000  }
0x57: {  	[spmem:s2] =	stream.indirect.scatter.add.f32 [tilespmem:s22], [sflag:$0x3], $0x80, s28, s21, $0xb8;
	[tilespmem:$0x1C400] =	vst v63  }
0x58: {  	_ =	swait.ge [sflag:s18], $0x4000  }
0x59: {  	[sflag:s18] =	ssyncset.done $0x0  }
0x5a: {  	[sflag:s18] =	ssyncadd.s32 $0xFFFFC000  }
0x5b: {  	[tilespmem:s22], [sflag:$0x2] =	stream.indirect.gather [hbm4b:s4+s21], $0x80, s29, s21, $0xb8;
	[tilespmem:$0x1C400] =	vst v63  }
0x5c: {  	_ =	swait.ge [sflag:s23], $0x4000  }
0x5d: {  	[sflag:s23] =	ssyncset.done $0x0  }
0x5e: {  	[sflag:s23] =	ssyncadd.s32 $0xFFFFC000  }
0x5f: {  	[spmem:s2] =	stream.indirect.scatter.add.f32 [tilespmem:s17], [sflag:$0x3], $0x80, s30, s21, $0xb8;
	[tilespmem:$0x1C400] =	vst v63  }
0x60: {  	_ =	swait.ge [sflag:s18], $0x4000  }
0x61: {  	[sflag:s18] =	ssyncset.done $0x0  }
0x62: {  	[sflag:s18] =	ssyncadd.s32 $0xFFFFC000  }
0x63: {  	[tilespmem:s17], [sflag:$0x1] =	stream.indirect.gather [hbm4b:s4+s21], $0x80, s31, s21, $0xb8;
	[tilespmem:$0x1C400] =	vst v63  }
0x64: {  	_ =	swait.ge [sflag:s26], $0x4000  }
0x65: {  	[sflag:s26] =	ssyncset.done $0x0  }
0x66: {  	[sflag:s26] =	ssyncadd.s32 $0xFFFFC000  }
0x67: {  	[spmem:s2] =	stream.indirect.scatter.add.f32 [tilespmem:s22], [sflag:$0x3], $0x80, s1, s21, $0xb8;
	[tilespmem:$0x1C400] =	vst v63  }
0x68: {  	_ =	swait.ge [sflag:s18], $0x4000  }
0x69: {  	[sflag:s18] =	ssyncset.done $0x0  }
0x6a: {  	[sflag:s18] =	ssyncadd.s32 $0xFFFFC000  }
0x6b: {  	[tilespmem:s22], [sflag:$0x2] =	stream.indirect.gather [hbm4b:s4+s21], $0x80, s0, s21, $0xb8;
	[tilespmem:$0x1C400] =	vst v63  }
0x6c: {  	_ =	swait.ge [sflag:s23], $0x4000  }
0x6d: {  	[sflag:s23] =	ssyncset.done $0x0  }
0x6e: {  	[sflag:s23] =	ssyncadd.s32 $0xFFFFC000  }
0x6f: {  	[spmem:s2] =	stream.indirect.scatter.add.f32 [tilespmem:s17], [sflag:$0x3], $0x80, s9, s21, $0xb8;
	[tilespmem:$0x1C400] =	vst v63  }
0x70: {  	_ =	swait.ge [sflag:s18], $0x4000  }
0x71: {  	[sflag:s18] =	ssyncset.done $0x0  }
0x72: {  	[sflag:s18] =	ssyncadd.s32 $0xFFFFC000  }
0x73: {  	[tilespmem:s17], [sflag:$0x1] =	stream.indirect.gather [hbm4b:s4+s21], $0x80, s10, s21, $0xb8;
	[tilespmem:$0x1C400] =	vst v63  }
0x74: {  	_ =	swait.ge [sflag:s26], $0x4000  }
0x75: {  	[sflag:s26] =	ssyncset.done $0x0  }
0x76: {  	[sflag:s26] =	ssyncadd.s32 $0xFFFFC000  }
0x77: {  	[spmem:s2] =	stream.indirect.scatter.add.f32 [tilespmem:s22], [sflag:$0x3], $0x80, s11, s21, $0xb8;
	[tilespmem:$0x1C400] =	vst v63  }
0x78: {  	_ =	swait.ge [sflag:s18], $0x4000  }
0x79: {  	[sflag:s18] =	ssyncset.done $0x0  }
0x7a: {  	[sflag:s18] =	ssyncadd.s32 $0xFFFFC000  }
0x7b: {  	[tilespmem:s22], [sflag:$0x2] =	stream.indirect.gather [hbm4b:s4+s21], $0x80, s12, s21, $0xb8;
	[tilespmem:$0x1C400] =	vst v63  }
0x7c: {  	_ =	swait.ge [sflag:s23], $0x4000  }
0x7d: {  	[sflag:s23] =	ssyncset.done $0x0  }
0x7e: {  	[sflag:s23] =	ssyncadd.s32 $0xFFFFC000  }
0x7f: {  	[spmem:s2] =	stream.indirect.scatter.add.f32 [tilespmem:s17], [sflag:$0x3], $0x80, s13, s21, $0xb8;
	[tilespmem:$0x1C400] =	vst v63  }
0x80: {  	_ =	swait.ge [sflag:s18], $0x4000  }
0x81: {  	[sflag:s18] =	ssyncset.done $0x0  }
0x82: {  	[sflag:s18] =	ssyncadd.s32 $0xFFFFC000  }
0x83: {  	_ =	swait.ge [sflag:s26], $0x4000  }
0x84: {  	[sflag:s26] =	ssyncset.done $0x0  }
0x85: {  	[sflag:s26] =	ssyncadd.s32 $0xFFFFC000  }
0x86: {  	[spmem:s2] =	stream.indirect.scatter.add.f32 [tilespmem:s22], [sflag:$0x3], $0x80, s14, s21, $0xb8;
	[tilespmem:$0x1C400] =	vst v63  }
0x87: {  	_ =	swait.ge [sflag:s18], $0x4000  }
0x88: {  	s5 =	simm.s32 $0x100;
	s25 =	simm.s32 $0x80;
	[sflag:s18] =	ssyncset.done $0x0  }
.LBB2_4:
0x89: {  	s7 =	sadd.s32 s25, s16  }
0x8a: {  	[sflag:s18] =	ssyncadd.s32 $0xFFFFC000;
	s25 =	smov.u32 s5;
	s6 =	sadd.s32 $0x80, s5  }
0x8b: {  	[tilespmem:s3], [sflag:$0x3] =	stream.strided.gather [hbm4b:s7+s19], $0x800, s20, s19, $0x38;
	[tilespmem:$0x1C400] =	vst v63  }
0x8c: {  	p0 =	sne.s32 s5, $0x480;
	_ =	swait.ge [sflag:s18], $0x800  }
0x8d: {  	[sflag:s18] =	ssyncset.done $0x0  }
0x8e: {  	[sflag:s18] =	ssyncadd.s32 $0xFFFFF800  }
0x8f: {  	[tilespmem:s17], [sflag:$0x1] =	stream.indirect.gather [hbm4b:s4+s21], $0x80, s3, s21, $0xb8;
	[tilespmem:$0x1C400] =	vst v63  }
0x90: {  	_ = 	snop  }
0x91: {  	[tilespmem:s22], [sflag:$0x2] =	stream.indirect.gather [hbm4b:s4+s21], $0x80, s21, s21, $0xb8;
	[tilespmem:$0x1C400] =	vst v63  }
0x92: {  	_ =	swait.ge [sflag:s23], $0x4000  }
0x93: {  	[sflag:s23] =	ssyncset.done $0x0  }
0x94: {  	[sflag:s23] =	ssyncadd.s32 $0xFFFFC000  }
0x95: {  	[spmem:s2] =	stream.indirect.scatter.add.f32 [tilespmem:s17], [sflag:$0x3], $0x80, s19, s21, $0xb8;
	[tilespmem:$0x1C400] =	vst v63  }
0x96: {  	_ =	swait.ge [sflag:s18], $0x4000  }
0x97: {  	[sflag:s18] =	ssyncset.done $0x0  }
0x98: {  	[sflag:s18] =	ssyncadd.s32 $0xFFFFC000  }
0x99: {  	[tilespmem:s17], [sflag:$0x1] =	stream.indirect.gather [hbm4b:s4+s21], $0x80, s24, s21, $0xb8;
	[tilespmem:$0x1C400] =	vst v63  }
0x9a: {  	_ =	swait.ge [sflag:s26], $0x4000  }
0x9b: {  	[sflag:s26] =	ssyncset.done $0x0  }
0x9c: {  	[sflag:s26] =	ssyncadd.s32 $0xFFFFC000  }
0x9d: {  	[spmem:s2] =	stream.indirect.scatter.add.f32 [tilespmem:s22], [sflag:$0x3], $0x80, s28, s21, $0xb8;
	[tilespmem:$0x1C400] =	vst v63  }
0x9e: {  	_ =	swait.ge [sflag:s18], $0x4000  }
0x9f: {  	[sflag:s18] =	ssyncset.done $0x0  }
0xa0: {  	[sflag:s18] =	ssyncadd.s32 $0xFFFFC000  }
0xa1: {  	[tilespmem:s22], [sflag:$0x2] =	stream.indirect.gather [hbm4b:s4+s21], $0x80, s29, s21, $0xb8;
	[tilespmem:$0x1C400] =	vst v63  }
0xa2: {  	_ =	swait.ge [sflag:s23], $0x4000  }
0xa3: {  	[sflag:s23] =	ssyncset.done $0x0  }
0xa4: {  	[sflag:s23] =	ssyncadd.s32 $0xFFFFC000  }
0xa5: {  	[spmem:s2] =	stream.indirect.scatter.add.f32 [tilespmem:s17], [sflag:$0x3], $0x80, s30, s21, $0xb8;
	[tilespmem:$0x1C400] =	vst v63  }
0xa6: {  	_ =	swait.ge [sflag:s18], $0x4000  }
0xa7: {  	[sflag:s18] =	ssyncset.done $0x0  }
0xa8: {  	[sflag:s18] =	ssyncadd.s32 $0xFFFFC000  }
0xa9: {  	[tilespmem:s17], [sflag:$0x1] =	stream.indirect.gather [hbm4b:s4+s21], $0x80, s31, s21, $0xb8;
	[tilespmem:$0x1C400] =	vst v63  }
0xaa: {  	_ =	swait.ge [sflag:s26], $0x4000  }
0xab: {  	[sflag:s26] =	ssyncset.done $0x0  }
0xac: {  	[sflag:s26] =	ssyncadd.s32 $0xFFFFC000  }
0xad: {  	[spmem:s2] =	stream.indirect.scatter.add.f32 [tilespmem:s22], [sflag:$0x3], $0x80, s1, s21, $0xb8;
	[tilespmem:$0x1C400] =	vst v63  }
0xae: {  	_ =	swait.ge [sflag:s18], $0x4000  }
0xaf: {  	[sflag:s18] =	ssyncset.done $0x0  }
0xb0: {  	[sflag:s18] =	ssyncadd.s32 $0xFFFFC000  }
0xb1: {  	[tilespmem:s22], [sflag:$0x2] =	stream.indirect.gather [hbm4b:s4+s21], $0x80, s0, s21, $0xb8;
	[tilespmem:$0x1C400] =	vst v63  }
0xb2: {  	_ =	swait.ge [sflag:s23], $0x4000  }
0xb3: {  	[sflag:s23] =	ssyncset.done $0x0  }
0xb4: {  	[sflag:s23] =	ssyncadd.s32 $0xFFFFC000  }
0xb5: {  	[spmem:s2] =	stream.indirect.scatter.add.f32 [tilespmem:s17], [sflag:$0x3], $0x80, s9, s21, $0xb8;
	[tilespmem:$0x1C400] =	vst v63  }
0xb6: {  	_ =	swait.ge [sflag:s18], $0x4000  }
0xb7: {  	[sflag:s18] =	ssyncset.done $0x0  }
0xb8: {  	[sflag:s18] =	ssyncadd.s32 $0xFFFFC000  }
0xb9: {  	[tilespmem:s17], [sflag:$0x1] =	stream.indirect.gather [hbm4b:s4+s21], $0x80, s10, s21, $0xb8;
	[tilespmem:$0x1C400] =	vst v63  }
0xba: {  	_ =	swait.ge [sflag:s26], $0x4000  }
0xbb: {  	[sflag:s26] =	ssyncset.done $0x0  }
0xbc: {  	[sflag:s26] =	ssyncadd.s32 $0xFFFFC000  }
0xbd: {  	[spmem:s2] =	stream.indirect.scatter.add.f32 [tilespmem:s22], [sflag:$0x3], $0x80, s11, s21, $0xb8;
	[tilespmem:$0x1C400] =	vst v63  }
0xbe: {  	_ =	swait.ge [sflag:s18], $0x4000  }
0xbf: {  	[sflag:s18] =	ssyncset.done $0x0  }
0xc0: {  	[sflag:s18] =	ssyncadd.s32 $0xFFFFC000  }
0xc1: {  	[tilespmem:s22], [sflag:$0x2] =	stream.indirect.gather [hbm4b:s4+s21], $0x80, s12, s21, $0xb8;
	[tilespmem:$0x1C400] =	vst v63  }
0xc2: {  	_ =	swait.ge [sflag:s23], $0x4000  }
0xc3: {  	[sflag:s23] =	ssyncset.done $0x0  }
0xc4: {  	[sflag:s23] =	ssyncadd.s32 $0xFFFFC000  }
0xc5: {  	[spmem:s2] =	stream.indirect.scatter.add.f32 [tilespmem:s17], [sflag:$0x3], $0x80, s13, s21, $0xb8;
	[tilespmem:$0x1C400] =	vst v63  }
0xc6: {  	_ =	swait.ge [sflag:s18], $0x4000  }
0xc7: {  	[sflag:s18] =	ssyncset.done $0x0  }
0xc8: {  	[sflag:s18] =	ssyncadd.s32 $0xFFFFC000  }
0xc9: {  	_ =	swait.ge [sflag:s26], $0x4000  }
.Ltmp1:
0xca: {  	[sflag:s26] =	ssyncset.done $0x0;
	(pc) =	sbr.rel @p0 .LBB2_4-.Ltmp1, $4  }
0xcb: {  	[sflag:s26] =	ssyncadd.s32 $0xFFFFC000  }
0xcc: {  	[spmem:s2] =	stream.indirect.scatter.add.f32 [tilespmem:s22], [sflag:$0x3], $0x80, s14, s21, $0xb8;
	[tilespmem:$0x1C400] =	vst v63  }
0xcd: {  	_ =	swait.ge [sflag:s18], $0x4000  }
0xce: {  	s5 =	smov.u32 s6;
	[sflag:s18] =	ssyncset.done $0x0  }
0xcf: {  	s5 =	sadd.s32 s25, s16;
	[sflag:s18] =	ssyncadd.s32 $0xFFFFC000  }
0xd0: {  	[tilespmem:s3], [sflag:$0x3] =	stream.strided.gather [hbm4b:s5+s19], $0x800, s20, s19, $0x38;
	[tilespmem:$0x1C400] =	vst v63  }
0xd1: {  	_ =	swait.ge [sflag:s18], $0x800  }
0xd2: {  	[sflag:s18] =	ssyncset.done $0x0  }
0xd3: {  	[sflag:s18] =	ssyncadd.s32 $0xFFFFF800  }
0xd4: {  	[tilespmem:s17], [sflag:$0x1] =	stream.indirect.gather [hbm4b:s4+s21], $0x80, s3, s21, $0xb8;
	[tilespmem:$0x1C400] =	vst v63  }
0xd5: {  	_ = 	snop  }
0xd6: {  	[tilespmem:s22], [sflag:$0x2] =	stream.indirect.gather [hbm4b:s4+s21], $0x80, s21, s21, $0xb8;
	[tilespmem:$0x1C400] =	vst v63  }
0xd7: {  	_ =	swait.ge [sflag:s23], $0x4000  }
0xd8: {  	[sflag:s23] =	ssyncset.done $0x0  }
0xd9: {  	[sflag:s23] =	ssyncadd.s32 $0xFFFFC000  }
0xda: {  	[spmem:s2] =	stream.indirect.scatter.add.f32 [tilespmem:s17], [sflag:$0x3], $0x80, s19, s21, $0xb8;
	[tilespmem:$0x1C400] =	vst v63  }
0xdb: {  	_ =	swait.ge [sflag:s18], $0x4000  }
0xdc: {  	[sflag:s18] =	ssyncset.done $0x0  }
0xdd: {  	[sflag:s18] =	ssyncadd.s32 $0xFFFFC000  }
0xde: {  	[tilespmem:s17], [sflag:$0x1] =	stream.indirect.gather [hbm4b:s4+s21], $0x80, s24, s21, $0xb8;
	[tilespmem:$0x1C400] =	vst v63  }
0xdf: {  	_ =	swait.ge [sflag:s26], $0x4000  }
0xe0: {  	[sflag:s26] =	ssyncset.done $0x0  }
0xe1: {  	[sflag:s26] =	ssyncadd.s32 $0xFFFFC000  }
0xe2: {  	[spmem:s2] =	stream.indirect.scatter.add.f32 [tilespmem:s22], [sflag:$0x3], $0x80, s28, s21, $0xb8;
	[tilespmem:$0x1C400] =	vst v63  }
0xe3: {  	_ =	swait.ge [sflag:s18], $0x4000  }
0xe4: {  	[sflag:s18] =	ssyncset.done $0x0  }
0xe5: {  	[sflag:s18] =	ssyncadd.s32 $0xFFFFC000  }
0xe6: {  	[tilespmem:s22], [sflag:$0x2] =	stream.indirect.gather [hbm4b:s4+s21], $0x80, s29, s21, $0xb8;
	[tilespmem:$0x1C400] =	vst v63  }
0xe7: {  	_ =	swait.ge [sflag:s23], $0x4000  }
0xe8: {  	[sflag:s23] =	ssyncset.done $0x0  }
0xe9: {  	[sflag:s23] =	ssyncadd.s32 $0xFFFFC000  }
0xea: {  	[spmem:s2] =	stream.indirect.scatter.add.f32 [tilespmem:s17], [sflag:$0x3], $0x80, s30, s21, $0xb8;
	[tilespmem:$0x1C400] =	vst v63  }
0xeb: {  	_ =	swait.ge [sflag:s18], $0x4000  }
0xec: {  	[sflag:s18] =	ssyncset.done $0x0  }
0xed: {  	[sflag:s18] =	ssyncadd.s32 $0xFFFFC000  }
0xee: {  	[tilespmem:s17], [sflag:$0x1] =	stream.indirect.gather [hbm4b:s4+s21], $0x80, s31, s21, $0xb8;
	[tilespmem:$0x1C400] =	vst v63  }
0xef: {  	_ =	swait.ge [sflag:s26], $0x4000  }
0xf0: {  	[sflag:s26] =	ssyncset.done $0x0  }
0xf1: {  	[sflag:s26] =	ssyncadd.s32 $0xFFFFC000  }
0xf2: {  	[spmem:s2] =	stream.indirect.scatter.add.f32 [tilespmem:s22], [sflag:$0x3], $0x80, s1, s21, $0xb8;
	[tilespmem:$0x1C400] =	vst v63  }
0xf3: {  	_ =	swait.ge [sflag:s18], $0x4000  }
0xf4: {  	[sflag:s18] =	ssyncset.done $0x0  }
0xf5: {  	[sflag:s18] =	ssyncadd.s32 $0xFFFFC000  }
0xf6: {  	[tilespmem:s22], [sflag:$0x2] =	stream.indirect.gather [hbm4b:s4+s21], $0x80, s0, s21, $0xb8;
	[tilespmem:$0x1C400] =	vst v63  }
0xf7: {  	_ =	swait.ge [sflag:s23], $0x4000  }
0xf8: {  	[sflag:s23] =	ssyncset.done $0x0  }
0xf9: {  	[sflag:s23] =	ssyncadd.s32 $0xFFFFC000  }
0xfa: {  	[spmem:s2] =	stream.indirect.scatter.add.f32 [tilespmem:s17], [sflag:$0x3], $0x80, s9, s21, $0xb8;
	[tilespmem:$0x1C400] =	vst v63  }
0xfb: {  	_ =	swait.ge [sflag:s18], $0x4000  }
0xfc: {  	[sflag:s18] =	ssyncset.done $0x0  }
0xfd: {  	[sflag:s18] =	ssyncadd.s32 $0xFFFFC000  }
0xfe: {  	[tilespmem:s17], [sflag:$0x1] =	stream.indirect.gather [hbm4b:s4+s21], $0x80, s10, s21, $0xb8;
	[tilespmem:$0x1C400] =	vst v63  }
0xff: {  	_ =	swait.ge [sflag:s26], $0x4000  }
0x100: {  	[sflag:s26] =	ssyncset.done $0x0  }
0x101: {  	[sflag:s26] =	ssyncadd.s32 $0xFFFFC000  }
0x102: {  	[spmem:s2] =	stream.indirect.scatter.add.f32 [tilespmem:s22], [sflag:$0x3], $0x80, s11, s21, $0xb8;
	[tilespmem:$0x1C400] =	vst v63  }
0x103: {  	_ =	swait.ge [sflag:s18], $0x4000  }
0x104: {  	[sflag:s18] =	ssyncset.done $0x0  }
0x105: {  	[sflag:s18] =	ssyncadd.s32 $0xFFFFC000  }
0x106: {  	[tilespmem:s22], [sflag:$0x2] =	stream.indirect.gather [hbm4b:s4+s21], $0x80, s12, s21, $0xb8;
	[tilespmem:$0x1C400] =	vst v63  }
0x107: {  	_ =	swait.ge [sflag:s23], $0x4000  }
0x108: {  	[sflag:s23] =	ssyncset.done $0x0  }
0x109: {  	[sflag:s23] =	ssyncadd.s32 $0xFFFFC000  }
0x10a: {  	[spmem:s2] =	stream.indirect.scatter.add.f32 [tilespmem:s17], [sflag:$0x3], $0x80, s13, s21, $0xb8;
	[tilespmem:$0x1C400] =	vst v63  }
0x10b: {  	_ =	swait.ge [sflag:s18], $0x4000  }
0x10c: {  	[sflag:s18] =	ssyncset.done $0x0  }
0x10d: {  	[sflag:s18] =	ssyncadd.s32 $0xFFFFC000  }
0x10e: {  	_ =	swait.ge [sflag:s26], $0x4000  }
0x10f: {  	[sflag:s26] =	ssyncset.done $0x0  }
0x110: {  	[sflag:s26] =	ssyncadd.s32 $0xFFFFC000  }
0x111: {  	[spmem:s2] =	stream.indirect.scatter.add.f32 [tilespmem:s22], [sflag:$0x3], $0x80, s14, s21, $0xb8;
	[tilespmem:$0x1C400] =	vst v63  }
0x112: {  	_ =	swait.ge [sflag:s18], $0x4000  }
0x113: {  	[sflag:s18] =	ssyncset.done $0x0  }
0x114: {  	[sflag:s18] =	ssyncadd.s32 $0xFFFFC000  }
0x115: {  	s6 =	stileid.u32;
	[bflag:$0x0] =	sbarrier.arrive $0xFFFF  }
0x116: {  	s5 =	sshll.u32 s6, $0x6;
	s6 =	rddreg [dreg:$0x3]  }
0x117: {  	s5 =	sor.u32 $0x1C03, s5;
	s7 =	rddreg [dreg:$0x7];
	s6 =	sshrl.u32 s6, $0x3  }
0x118: {  	[hbm:s7], [sflag:s5] =	dma.local [spmem:s6], $0x800  }
0x119: {  	_ =	swait.ge [sflag:s18], $0x800  }
0x11a: {  	[sflag:s18] =	ssyncset.done $0x0;
	s7 =	rddreg [dreg:$0x4]  }
0x11b: {  	s25 =	rddreg [dreg:$0x8];
	[sflag:s18] =	ssyncadd.s32 $0xFFFFF800;
	s6 =	sshrl.u32 s7, $0x3  }
0x11c: {  	[hbm:s25], [sflag:s5] =	dma.local [spmem:s6], $0x800  }
0x11d: {  	_ =	swait.ge [sflag:s18], $0x800  }
0x11e: {  	s7 =	smov.u32 s8;
	[sflag:s18] =	ssyncset.done $0x0  }
0x11f: {  	s8 =	sshrl.u32 s8, $0x3;
	s25 =	rddreg [dreg:$0x9];
	[sflag:s18] =	ssyncadd.s32 $0xFFFFF800  }
0x120: {  	[hbm:s25], [sflag:s5] =	dma.local [spmem:s8], $0x800  }
0x121: {  	_ =	swait.ge [sflag:s18], $0x800  }
0x122: {  	[sflag:s18] =	ssyncset.done $0x0;
	s8 =	rddreg [dreg:$0x5]  }
0x123: {  	s25 =	rddreg [dreg:$0xa];
	[sflag:s18] =	ssyncadd.s32 $0xFFFFF800;
	s6 =	sshrl.u32 s8, $0x3  }
0x124: {  	[hbm:s25], [sflag:s5] =	dma.local [spmem:s6], $0x800  }
0x125: {  	_ =	swait.ge [sflag:s18], $0x800  }
0x126: {  	[sflag:s18] =	ssyncset.done $0x0;
	s8 =	rddreg [dreg:$0xb]  }
0x127: {  	s25 =	rddreg [dreg:$0xd];
	[sflag:s18] =	ssyncadd.s32 $0xFFFFF800  }
0x128: {  	[hbm:s8], [sflag:s5] =	dma.local [spmem:s25], $0x800  }
0x129: {  	_ =	swait.ge [sflag:s18], $0x800  }
0x12a: {  	s15 =	sadd.s32 $0x1, s15;
	s25 =	rddreg [dreg:$0xc]  }
0x12b: {  	p0 =	sne.s32 s15, s25  }
.Ltmp2:
0x12c: {  	_ = 	snop;
	(pc) =	sbr.rel @p0 .LBB2_1-.Ltmp2, $3  }
0x12d: {  	_ =	sdelay $0x1  }
0x12e: {  	[sflag:s18] =	ssyncset.done $0x0  }
0x12f: {  	[sflag:s18] =	ssyncadd.s32 $0xFFFFF800  }
0x130: {  	_ =	sfence.sel $0x180000  }
0x131: {  	[bflag:$0x0] =	sbarrier.arrive $0xFFFF  }
0x132: {  	_ =	strace $0x9000004A  }
0x133: {  	s0 =	stileid.u32;
	[bflag:$0x2] =	sbarrier.arrive $0xFFFF  }
0x134: {  	p0 =	sne.s32 s0, $0x0;
	s0 =	rddreg [dreg:$0x2]  }
0x135: {  	s0 =	sadd.s32 @!p0 $0x100000, s0  }
0x136: {  	[sflag:s0] =	ssyncadd.tile.s32 @!p0 $0x1;
	_ =	shalt  }
.Lfunc_end2:
_tile_overlayer_lowered:
.L_overlay_start_2:
0x137: {  	(tag) =	ssettag $0x2  }
0x138: {  	s0 =	rddreg [dreg:$0x0];
	s2 =	stileid.u32  }
0x139: {  	s1 =	rddreg [dreg:$0x1];
	p0 =	sne.s32 s2, $0x0  }
0x13a: {  	s3 =	rddreg [dreg:$0x2];
	[bflag:$0x3] =	sbarrier.arrive $0xFFFF;
	s2 =	simm.s32 @!p0 $0x1C03  }
0x13b: {  	[timem:s3], [sflag:s2] =	dma.local @!p0 [hbm:s0], s1  }
0x13c: {  	s0 =	simm.s32 @!p0 $0x3  }
0x13d: {  	_ =	swait.ge @!p0 [sflag:s0], s1  }
0x13e: {  	s1 =	ssub.s32 @!p0 $0x0, s1;
	[sflag:s0] =	ssyncset.done @!p0 $0x0  }
0x13f: {  	[sflag:s0] =	ssyncadd.s32 @!p0 s1  }
0x140: {  	[bflag:$0x3] =	sbarrier.arrive $0xFFFF  }
0x141: {  	_ =	shalt  }

// kernel: kernel.15.cloned.1.call-start
scs
__scs_entry_jumppad:
0x0: {  	(pc) =	sbr.rel $0x88, $3  }
0x1: {  	(tag) =	ssettag $0x0;
	lr =	simm.s32 $0x1  }
0x2: {  	[smem:$0x3F8F] =	sst lr;
	_ =	strace $0xD0000000  }
0x3: {  	_ = 	snop  }
0x4: {  	_ = 	snop  }
0x5: {  	_ = 	snop  }
0x6: {  	_ = 	snop  }
0x7: {  	_ = 	snop  }
__scs_overlays_trampoline_lowered:
0x8: {  	[smem:$0x3F9E] =	sst s0  }
0x9: {  	[smem:$0x3F9F] =	sst s1  }
0xa: {  	[smem:$0x3FA0] =	sst s2  }
0xb: {  	[smem:$0x3FA1] =	sst s3  }
0xc: {  	[smem:$0x3FA2] =	sst s4  }
0xd: {  	[smem:$0x3FA3] =	sst s5  }
0xe: {  	[smem:$0x3FA4] =	sst s6  }
0xf: {  	[smem:$0x3FA5] =	sst s7  }
0x10: {  	[smem:$0x3FA6] =	sst s8  }
0x11: {  	[smem:$0x3FA7] =	sst s9;
	s0 =	simm.s32 @!p0 $0x0  }
0x12: {  	s1 =	sld [smem:$0x3F8D];
	s0 =	simm.s32 @p0 $0x1  }
0x13: {  	[smem:$0x3FA8] =	sst s0;
	s0 =	simm.s32 @!p1 $0x0  }
0x14: {  	s2 =	sld [smem:$0x3F8C];
	s0 =	simm.s32 @p1 $0x1  }
0x15: {  	[smem:$0x3FA9] =	sst s0;
	s0 =	simm.s32 @!p2 $0x0  }
0x16: {  	s3 =	sld [smem:$0x3FDB];
	s0 =	simm.s32 @p2 $0x1  }
0x17: {  	s4 =	simm.s32 $0x1BF5;
	[smem:$0x3FAB] =	sst s0  }
0x18: {  	s0 =	sld [smem:$0x3F8E];
	_ =	swait.ge [sflag:s4], $0x0  }
0x19: {  	s7 =	sld [smem:$0x3F8F]  }
0x1a: {  	s8 =	sadd.s32 $0xFFFFE003, lr  }
0x1b: {  	s9 =	sadd.s32 $0xFFFFFEF7, lr;
	s5 =	simm.s32 $0xFFFFFFFF;
	p2 =	slt.u32 s8, $0xFFFFF086  }
0x1c: {  	p1 =	slt.u32 s9, $0xF7A;
	s5 =	simm.s32 @!p2 $0x0  }
0x1d: {  	s5 =	simm.s32 @p1 $0x1;
	p0 =	seq.s32 s7, s2  }
0x1e: {  	s7 =	smul.u32 @!p0 $0xF7A, s2;
	p2 =	seq.s32 @!p0 s5, $0x0  }
0x1f: {  	s9 =	smul.u32 $0xF7A, s1;
	s8 =	simm.s32 @!p0 $0x1BF5;
	p2 =	por !p2, p0  }
0x20: {  	[sflag:s8] =	ssyncset.s32 @!p0 $0xFFFFF086;
	s6 =	sadd.s32 @!p0 s3, s7;
	s7 =	simm.s32 @!p0 $0x108  }
0x21: {  	s3 =	sadd.s32 s3, s9;
	s6 =	sadd.s32 @!p0 $0x88, s6;
	s7 =	simm.s32 @p2 $0x1082  }
0x22: {  	[simem:s7], [sflag:s8] =	dma.local @!p0 [hbm:s6], $0xF7A  }
0x23: {  	s9 =	sor.u32 $0xD0000000, s2;
	s6 =	simm.s32 $0x108;
	_ =	swait.ge @!p0 [sflag:s8], $0x0  }
0x24: {  	s3 =	sadd.s32 $0x88, s3;
	s6 =	simm.s32 @!p1 $0x1082;
	[sflag:s4] =	ssyncset.s32 $0xFFFFF086  }
0x25: {  	[simem:s6], [sflag:s4] =	dma.local [hbm:s3], $0xF7A  }
0x26: {  	[smem:$0x3F8F] =	sst s1;
	(tag) =	ssettag s2;
	_ =	strace s9  }
0x27: {  	s1 =	sld [smem:$0x3F9F]  }
0x28: {  	s2 =	sld [smem:$0x3FA0]  }
0x29: {  	s4 =	sld [smem:$0x3FA2]  }
0x2a: {  	p0 =	seq.s32 s5, $0x0;
	s5 =	sld [smem:$0x3FA3]  }
0x2b: {  	s6 =	sld [smem:$0x3FA4]  }
0x2c: {  	s7 =	sld [smem:$0x3FA5]  }
0x2d: {  	s3 =	simm.s32 $0x108;
	s8 =	sld [smem:$0x3FA6]  }
0x2e: {  	s3 =	simm.s32 @!p0 $0x1082;
	s9 =	sld [smem:$0x3FA7]  }
0x2f: {  	lr =	sadd.s32 s0, s3;
	s0 =	sld [smem:$0x3F9E]  }
0x30: {  	s3 =	sld [smem:$0x3FA1]  }
0x31: {  	[smem:$0x3FAA] =	sst s10  }
0x32: {  	s10 =	sld [smem:$0x3FA8];
	_ =	sdelay $0x3  }
0x33: {  	p0 =	seq.s32 s10, $0x1;
	s10 =	sld [smem:$0x3FAA];
	_ =	sdelay $0x3  }
0x34: {  	[smem:$0x3FAA] =	sst s10  }
0x35: {  	s10 =	sld [smem:$0x3FA9];
	_ =	sdelay $0x3  }
0x36: {  	p1 =	seq.s32 s10, $0x1;
	s10 =	sld [smem:$0x3FAA];
	_ =	sdelay $0x3  }
0x37: {  	[smem:$0x3FAA] =	sst s10  }
0x38: {  	s10 =	sld [smem:$0x3FAB]  }
0x39: {  	_ = 	snop;
	(pc) =	sbr.ind lr, $3  }
0x3a: {  	_ = 	snop  }
0x3b: {  	_ = 	snop  }
0x3c: {  	p2 =	seq.s32 s10, $0x1;
	s10 =	sld [smem:$0x3FAA]  }
0x3d: {  	_ =	shalt  }
0x3e: {  	_ =	shalt  }
0x3f: {  	_ =	shalt  }
0x40: {  	_ =	shalt  }
0x41: {  	_ =	shalt  }
0x42: {  	_ =	shalt  }
0x43: {  	_ =	shalt  }
0x44: {  	_ =	shalt  }
0x45: {  	_ =	shalt  }
0x46: {  	_ =	shalt  }
0x47: {  	_ =	shalt  }
0x48: {  	_ =	shalt  }
0x49: {  	_ =	shalt  }
0x4a: {  	_ =	shalt  }
0x4b: {  	_ =	shalt  }
0x4c: {  	_ =	shalt  }
0x4d: {  	_ =	shalt  }
0x4e: {  	_ =	shalt  }
0x4f: {  	_ =	shalt  }
0x50: {  	_ =	shalt  }
0x51: {  	_ =	shalt  }
0x52: {  	_ =	shalt  }
0x53: {  	_ =	shalt  }
0x54: {  	_ =	shalt  }
0x55: {  	_ =	shalt  }
0x56: {  	_ =	shalt  }
0x57: {  	_ =	shalt  }
0x58: {  	_ =	shalt  }
0x59: {  	_ =	shalt  }
0x5a: {  	_ =	shalt  }
0x5b: {  	_ =	shalt  }
0x5c: {  	_ =	shalt  }
0x5d: {  	_ =	shalt  }
0x5e: {  	_ =	shalt  }
0x5f: {  	_ =	shalt  }
0x60: {  	_ =	shalt  }
0x61: {  	_ =	shalt  }
0x62: {  	_ =	shalt  }
0x63: {  	_ =	shalt  }
0x64: {  	_ =	shalt  }
0x65: {  	_ =	shalt  }
0x66: {  	_ =	shalt  }
0x67: {  	_ =	shalt  }
0x68: {  	_ =	shalt  }
0x69: {  	_ =	shalt  }
0x6a: {  	_ =	shalt  }
0x6b: {  	_ =	shalt  }
0x6c: {  	_ =	shalt  }
0x6d: {  	_ =	shalt  }
0x6e: {  	_ =	shalt  }
0x6f: {  	_ =	shalt  }
0x70: {  	_ =	shalt  }
0x71: {  	_ =	shalt  }
0x72: {  	_ =	shalt  }
0x73: {  	_ =	shalt  }
0x74: {  	_ =	shalt  }
0x75: {  	_ =	shalt  }
0x76: {  	_ =	shalt  }
0x77: {  	_ =	shalt  }
0x78: {  	_ =	shalt  }
0x79: {  	_ =	shalt  }
0x7a: {  	_ =	shalt  }
0x7b: {  	_ =	shalt  }
0x7c: {  	_ =	shalt  }
0x7d: {  	_ =	shalt  }
0x7e: {  	_ =	shalt  }
0x7f: {  	_ =	shalt  }
0x80: {  	_ =	shalt  }
0x81: {  	_ =	shalt  }
0x82: {  	_ =	shalt  }
0x83: {  	_ =	shalt  }
0x84: {  	_ =	shalt  }
0x85: {  	_ =	shalt  }
0x86: {  	_ =	shalt  }
0x87: {  	_ =	shalt  }
.Lfunc_end0:
.L_simem_size_0:
called_computation.2_lowered:
.L_overlay_start_0:
0x88: {  	s2 =	sld [smem:$0x3FD9]  }
0x89: {  	s3 =	sld [smem:$0x3FFE];
	_ =	sdelay $0x1  }
0x8a: {  	s1 =	srdreg.scid  }
0x8b: {  	s0 =	sand.u32 $0x1, s1  }
0x8c: {  	s16 =	sshll.u32 s0, $0xA;
	s2 =	sadd.s32 s3, s2  }
0x8d: {  	s2 =	sadd.s32 s2, s16  }
0x8e: {  	[smem:$0x3FB6] =	sst s2  }
0x8f: {  	_ = 	snop  }
0x90: {  	(tm) =	ssettm $0x1  }
0x91: {  	s17 =	sld [smem:$0x3FFB];
	_ =	sdelay $0x3  }
0x92: {  	_ =	strace s17  }
0x93: {  	s2 =	sld [smem:$0x3FFC];
	_ =	sdelay $0x3  }
0x94: {  	_ =	strace s2  }
0x95: {  	s2 =	sld [smem:$0x3FFD];
	_ =	sdelay $0x3  }
0x96: {  	_ =	strace s2  }
0x97: {  	_ =	strace $0x8FFFFFFF  }
0x98: {  	s18 =	sld [smem:$0x3FDB];
	_ =	sdelay $0x1  }
0x99: {  	s19 =	simm.s32 $_scs_section_size  }
0x9a: {  	s4 =	simm.s32 $_size__tile_overlayer_lowered;
	s5 =	simm.s32 $_tile_overlayer_lowered  }
0x9b: {  	s22 =	simm.s32 $0x1BFF;
	s21 =	sshll.u32 s5, $0x1;
	s2 =	sadd.s32 s19, s18  }
0x9c: {  	s6 =	simm.s32 $0x0;
	s20 =	sshll.u32 s4, $0x1;
	s4 =	sadd.s32 s21, s2  }
0x9d: {  	[timem:s6], [sflag:s22] =	dma.local [hbm:s4], s20  }
0x9e: {  	_ =	swait.ge [sflag:s22], s20  }
0x9f: {  	s3 =	ssub.s32 $0x0, s20;
	[sflag:s22] =	ssyncset.done $0x0  }
0xa0: {  	[sflag:s22] =	ssyncadd.s32 s3;
	_ =	sdelay $0x1  }
0xa1: {  	s23 =	simm.s32 $0x1B8B  }
0xa2: {  	_ =	swait.ge [sflag:s23], $0x1  }
0xa3: {  	[sflag:s23] =	ssyncset.done $0x0  }
0xa4: {  	s25 =	simm.s32 $0x1B8E;
	s24 =	sld [smem:$0x3FFE];
	[sflag:s23] =	ssyncadd.s32 $0xFFFFFFFF  }
0xa5: {  	s26 =	simm.s32 $execute0_lowered;
	[smem:$0x3FD2] =	sst s25  }
0xa6: {  	s4 =	sshll.u32 s26, $0x1;
	_ =	strace $0x8000004C;
	[dreg:$0x1] =	wrdreg $0xFFFFFFFF  }
0xa7: {  	s28 =	simm.s32 $_size_execute0_lowered;
	s2 =	sadd.s32 s2, s4;
	[dreg:$0x0] =	wrdreg $0x0  }
0xa8: {  	s4 =	sshll.u32 s28, $0x1;
	[dreg:$0x2] =	wrdreg s2  }
0xa9: {  	[dreg:$0x3] =	wrdreg s4  }
0xaa: {  	[dreg:$0x4] =	wrdreg $0xC0  }
0xab: {  	_ =	task [dreg:s6], $0x5FFFF  }
0xac: {  	[dreg:$0x1] =	wrdreg $0xFFFFFFFF  }
0xad: {  	[dreg:$0x0] =	wrdreg $0x60  }
0xae: {  	[dreg:$0x2] =	wrdreg s24  }
0xaf: {  	[dreg:$0x3] =	wrdreg $0x88000  }
0xb0: {  	[dreg:$0x4] =	wrdreg $0x9  }
0xb1: {  	_ =	task.clear_ibuf [dreg:s6], $0x5FFFF;
	_ =	strace $0x9000004C  }
0xb2: {  	s29 =	simm.s32 $0x9;
	_ =	strace $0x8000004E  }
0xb3: {  	_ =	swait.ge [sflag:s29], $0x1  }
0xb4: {  	[sflag:s29] =	ssyncadd.s32 $0xFFFFFFFF  }
0xb5: {  	_ =	strace $0x9000004E  }
0xb6: {  	_ =	sfence  }
0xb7: {  	s30 =	sld [smem:$0x0];
	_ =	sdelay $0x2  }
0xb8: {  	s31 =	sshll.u32 s1, $0xD;
	s1 =	sshrl.u32 s1, $0x2  }
0xb9: {  	s3 =	sand.u32 $0x4000, s31;
	s1 =	sadd.s32 s1, s30  }
0xba: {  	s0 =	sor.u32 s3, s0;
	s1 =	sshll.u32 s1, $0x11  }
0xbb: {  	s0 =	sor.u32 s1, s0  }
0xbc: {  	s0 =	sadd.s32 $0x8F2B, s0  }
0xbd: {  	[sflag:s0] =	ssyncadd.remote.s32 $0x1  }
0xbe: {  	_ =	sfence.sel $0xFFFF  }
0xbf: {  	[dreg:$0x0] =	wrdreg $0xFFFFFFFF;
	(pc) =	sbr.abs _section_cstart, $3  }
0xc0: {  	[dreg:$0x1] =	wrdreg $0xFFFFFFFF  }
0xc1: {  	_ =	task.clear_ibuf [dreg:s6], $0x2FFFF;
	_ =	strace $0x9FFFFFFF  }
0xc2: {  	(tm) =	ssettm $0x7FFFFFFF  }
0xc3: {  	_ =	shalt  }
tec
execute0_lowered:
.L_overlay_start_1:
0x0: {  	(tag) =	ssettag $0x1  }
0x1: {  	s0 =	rddreg [dreg:$0x0]  }
0x2: {  	s2 =	rddreg [dreg:$0x1];
	s8 =	stileid.u32  }
0x3: {  	s1 =	srdreg.scid;
	s3 =	simm.s32 $0x0;
	s28 =	simm.s32 $0x480  }
0x4: {  	s29 =	simm.s32 $0x180;
	s30 =	simm.s32 $0x500;
	s31 =	simm.s32 $0x200  }
0x5: {  	s4 =	smul.u32 $0xA, s8;
	s1 =	sand.u32 $0x1, s1;
	[smem:$0x7FF] =	sst s3  }
0x6: {  	s9 =	sshll.u32 s8, $0xE;
	s15 =	smin.u32 s8, $0xE;
	p0 =	seq.s32 s1, $0x0  }
0x7: {  	_ =	strace $0x8000004D;
	s6 =	ssub.s32 $0x2, s1;
	s13 =	sadd.s32 s9, s2  }
0x8: {  	s10 =	sor.u32 $0x40000, s9;
	s11 =	sor.u32 $0x80000, s9;
	s12 =	sor.u32 $0xC0000, s9  }
0x9: {  	s1 =	smul.u32 $0x138800, s1;
	s5 =	sadd.s32 $0xA0, s4;
	s7 =	sshrl.u32 s6, $0x1  }
0xa: {  	[dreg:$0x3] =	wrdreg s13;
	s14 =	sadd.s32 s10, s2;
	s13 =	sor.u32 $0x40, s15  }
0xb: {  	s16 =	sadd.s32 s12, s2;
	s15 =	simm.s32 $0x0;
	s5 =	smov.u32 @p0 s4  }
0xc: {  	s4 =	sadd.s32 $0x3FA00, s0;
	s6 =	ssub.s32 s6, s7;
	[dreg:$0x4] =	wrdreg s14  }
0xd: {  	s7 =	sadd.s32 s11, s2;
	[dreg:$0x5] =	wrdreg s16;
	s14 =	sshll.u32 s13, $0x7  }
0xe: {  	s13 =	sshll.u32 s13, $0xE;
	s9 =	sadd.s32 s9, s1;
	s10 =	sadd.s32 s1, s10  }
0xf: {  	s21 =	sadd.s32 s1, s11;
	s22 =	sadd.s32 s1, s12;
	s12 =	simm.s32 $0x380  }
0x10: {  	s5 =	sshll.u32 s5, $0x7;
	s17 =	sadd.s32 s13, s2;
	s9 =	sshrl.u32 s9, $0x3  }
0x11: {  	s10 =	sshrl.u32 s10, $0x3;
	s20 =	smin.u32 s14, $0x2690;
	s11 =	sshrl.u32 s22, $0x3  }
0x12: {  	s26 =	smax.u32 s6, $0x1;
	s22 =	simm.s32 $0x4800;
	s13 =	simm.s32 $0x700  }
0x13: {  	s14 =	simm.s32 $0x780;
	s5 =	sadd.s32 s5, s0;
	[dreg:$0x6] =	wrdreg s17  }
0x14: {  	s0 =	sadd.s32 $0x66C00, s0;
	[dreg:$0xc] =	wrdreg s26;
	s17 =	simm.s32 $0x800  }
0x15: {  	s26 =	simm.s32 $0x2;
	s18 =	sadd.s32 s0, s9;
	s19 =	sadd.s32 s0, s10  }
0x16: {  	s9 =	sshll.u32 s20, $0x7;
	s10 =	sshrl.u32 s21, $0x3;
	s24 =	sadd.s32 s0, s11  }
0x17: {  	s16 =	sadd.s32 $0x4200, s5;
	s20 =	simm.s32 $0x50000;
	[dreg:$0x7] =	wrdreg s18  }
0x18: {  	s21 =	simm.s32 $0x80;
	s11 =	simm.s32 $0x680;
	[dreg:$0x8] =	wrdreg s19  }
0x19: {  	s1 =	sadd.s32 s1, s9;
	s23 =	sadd.s32 s0, s10;
	[dreg:$0xa] =	wrdreg s24  }
0x1a: {  	s25 =	sadd.s32 s9, s2;
	s18 =	simm.s32 $0x3;
	s19 =	simm.s32 $0x400  }
0x1b: {  	s24 =	simm.s32 $0x100;
	s9 =	simm.s32 $0x600;
	s1 =	sshrl.u32 s1, $0x3  }
0x1c: {  	s10 =	simm.s32 $0x300;
	[dreg:$0x9] =	wrdreg s23;
	s0 =	sadd.s32 s0, s1  }
0x1d: {  	s23 =	simm.s32 $0x1;
	[dreg:$0xb] =	wrdreg s0;
	s0 =	sshrl.u32 s25, $0x3  }
0x1e: {  	v0 =	vimm.f32 $0.0e+00;
	s1 =	simm.s32 $0x580;
	[dreg:$0xd] =	wrdreg s0;
	s0 =	simm.s32 $0x280  }
.LBB2_1:
0x1f: {  	s5 =	simm.s32 $0x0;
	s25 =	simm.s32 $0x200  }
.LBB2_2:
0x20: {  	p0 =	sne.s32 s25, $0xFE00;
	[tilespmem:s5+$0x870] =	vst v0  }
0x21: {  	[tilespmem:s5+$0x800] =	vst v0  }
0x22: {  	[tilespmem:s5+$0x810] =	vst v0  }
.Ltmp0:
0x23: {  	[tilespmem:s5+$0x820] =	vst v0;
	(pc) =	sbr.rel @p0 .LBB2_2-.Ltmp0, $4  }
0x24: {  	[tilespmem:s5+$0x830] =	vst v0  }
0x25: {  	[tilespmem:s5+$0x840] =	vst v0  }
0x26: {  	[tilespmem:s5+$0x850] =	vst v0  }
0x27: {  	[tilespmem:s5+$0x860] =	vst v0;
	s5 =	sshra.s32 s25, $0x2;
	s25 =	sadd.s32 $0x200, s25  }
0x28: {  	[tilespmem:s5+$0x870] =	vst v0  }
0x29: {  	[tilespmem:s5+$0x800] =	vst v0  }
0x2a: {  	[tilespmem:s5+$0x810] =	vst v0  }
0x2b: {  	[tilespmem:s5+$0x820] =	vst v0  }
0x2c: {  	[tilespmem:s5+$0x830] =	vst v0  }
0x2d: {  	[tilespmem:s5+$0x840] =	vst v0  }
0x2e: {  	[tilespmem:s5+$0x850] =	vst v0  }
0x2f: {  	[tilespmem:s5+$0x860] =	vst v0;
	s8 =	rddreg [dreg:$0x3]  }
0x30: {  	[spmem:s8] =	stream.linear.scatter [tilespmem:s17], [sflag:$0x3], $0x4000, $0x38;
	[tilespmem:$0x1C400] =	vst v63  }
0x31: {  	_ =	swait.ge [sflag:s18], $0x4000  }
0x32: {  	[sflag:s18] =	ssyncset.done $0x0  }
0x33: {  	s25 =	rddreg [dreg:$0x4];
	[sflag:s18] =	ssyncadd.s32 $0xFFFFC000  }
0x34: {  	[spmem:s25] =	stream.linear.scatter [tilespmem:s17], [sflag:$0x3], $0x4000, $0x38;
	[tilespmem:$0x1C400] =	vst v63  }
0x35: {  	_ =	swait.ge [sflag:s18], $0x4000  }
0x36: {  	[sflag:s18] =	ssyncset.done $0x0  }
0x37: {  	[sflag:s18] =	ssyncadd.s32 $0xFFFFC000  }
0x38: {  	[spmem:s7] =	stream.linear.scatter [tilespmem:s17], [sflag:$0x3], $0x4000, $0x38;
	[tilespmem:$0x1C400] =	vst v63  }
0x39: {  	_ =	swait.ge [sflag:s18], $0x4000  }
0x3a: {  	[sflag:s18] =	ssyncset.done $0x0  }
0x3b: {  	s6 =	rddreg [dreg:$0x5];
	[sflag:s18] =	ssyncadd.s32 $0xFFFFC000  }
0x3c: {  	[spmem:s6] =	stream.linear.scatter [tilespmem:s17], [sflag:$0x3], $0x4000, $0x38;
	[tilespmem:$0x1C400] =	vst v63  }
0x3d: {  	_ =	swait.ge [sflag:s18], $0x4000  }
0x3e: {  	[sflag:s18] =	ssyncset.done $0x0  }
0x3f: {  	s8 =	smov.u32 s7;
	s7 =	rddreg [dreg:$0x6];
	[sflag:s18] =	ssyncadd.s32 $0xFFFFC000  }
0x40: {  	[spmem:s7] =	stream.linear.scatter [tilespmem:s17], [sflag:$0x3], $0x4000, $0x38;
	[tilespmem:$0x1C400] =	vst v63  }
0x41: {  	_ =	swait.ge [sflag:s18], $0x4000  }
0x42: {  	[sflag:s18] =	ssyncset.done $0x0  }
0x43: {  	[sflag:s18] =	ssyncadd.s32 $0xFFFFC000  }
0x44: {  	s25 =	sadd.s32 $0x0, s16;
	[bflag:$0x0] =	sbarrier.arrive $0xFFFF  }
0x45: {  	[tilespmem:s3], [sflag:$0x3] =	stream.strided.gather [hbm4b:s25+s19], $0x800, s20, s19, $0x38;
	[tilespmem:$0x1C400] =	vst v63  }
0x46: {  	_ =	swait.ge [sflag:s18], $0x800  }
0x47: {  	[sflag:s18] =	ssyncset.done $0x0  }
0x48: {  	[sflag:s18] =	ssyncadd.s32 $0xFFFFF800  }
0x49: {  	[tilespmem:s17], [sflag:$0x1] =	stream.indirect.gather [hbm4b:s4+s21], $0x80, s3, s21, $0xb8;
	[tilespmem:$0x1C400] =	vst v63  }
0x4a: {  	_ = 	snop  }
0x4b: {  	[tilespmem:s22], [sflag:$0x2] =	stream.indirect.gather [hbm4b:s4+s21], $0x80, s21, s21, $0xb8;
	[tilespmem:$0x1C400] =	vst v63  }
0x4c: {  	_ =	swait.ge [sflag:s23], $0x4000  }
0x4d: {  	[sflag:s23] =	ssyncset.done $0x0  }
0x4e: {  	[sflag:s23] =	ssyncadd.s32 $0xFFFFC000  }
0x4f: {  	[spmem:s2] =	stream.indirect.scatter.add.f32 [tilespmem:s17], [sflag:$0x3], $0x80, s19, s21, $0xb8;
	[tilespmem:$0x1C400] =	vst v63  }
0x50: {  	_ =	swait.ge [sflag:s18], $0x4000  }
0x51: {  	[sflag:s18] =	ssyncset.done $0x0  }
0x52: {  	[sflag:s18] =	ssyncadd.s32 $0xFFFFC000  }
0x53: {  	[tilespmem:s17], [sflag:$0x1] =	stream.indirect.gather [hbm4b:s4+s21], $0x80, s24, s21, $0xb8;
	[tilespmem:$0x1C400] =	vst v63  }
0x54: {  	_ =	swait.ge [sflag:s26], $0x4000  }
0x55: {  	[sflag:s26] =	ssyncset.done $0x0  }
0x56: {  	[sflag:s26] =	ssyncadd.s32 $0xFFFFC000  }
0x57: {  	[spmem:s2] =	stream.indirect.scatter.add.f32 [tilespmem:s22], [sflag:$0x3], $0x80, s28, s21, $0xb8;
	[tilespmem:$0x1C400] =	vst v63  }
0x58: {  	_ =	swait.ge [sflag:s18], $0x4000  }
0x59: {  	[sflag:s18] =	ssyncset.done $0x0  }
0x5a: {  	[sflag:s18] =	ssyncadd.s32 $0xFFFFC000  }
0x5b: {  	[tilespmem:s22], [sflag:$0x2] =	stream.indirect.gather [hbm4b:s4+s21], $0x80, s29, s21, $0xb8;
	[tilespmem:$0x1C400] =	vst v63  }
0x5c: {  	_ =	swait.ge [sflag:s23], $0x4000  }
0x5d: {  	[sflag:s23] =	ssyncset.done $0x0  }
0x5e: {  	[sflag:s23] =	ssyncadd.s32 $0xFFFFC000  }
0x5f: {  	[spmem:s2] =	stream.indirect.scatter.add.f32 [tilespmem:s17], [sflag:$0x3], $0x80, s30, s21, $0xb8;
	[tilespmem:$0x1C400] =	vst v63  }
0x60: {  	_ =	swait.ge [sflag:s18], $0x4000  }
0x61: {  	[sflag:s18] =	ssyncset.done $0x0  }
0x62: {  	[sflag:s18] =	ssyncadd.s32 $0xFFFFC000  }
0x63: {  	[tilespmem:s17], [sflag:$0x1] =	stream.indirect.gather [hbm4b:s4+s21], $0x80, s31, s21, $0xb8;
	[tilespmem:$0x1C400] =	vst v63  }
0x64: {  	_ =	swait.ge [sflag:s26], $0x4000  }
0x65: {  	[sflag:s26] =	ssyncset.done $0x0  }
0x66: {  	[sflag:s26] =	ssyncadd.s32 $0xFFFFC000  }
0x67: {  	[spmem:s2] =	stream.indirect.scatter.add.f32 [tilespmem:s22], [sflag:$0x3], $0x80, s1, s21, $0xb8;
	[tilespmem:$0x1C400] =	vst v63  }
0x68: {  	_ =	swait.ge [sflag:s18], $0x4000  }
0x69: {  	[sflag:s18] =	ssyncset.done $0x0  }
0x6a: {  	[sflag:s18] =	ssyncadd.s32 $0xFFFFC000  }
0x6b: {  	[tilespmem:s22], [sflag:$0x2] =	stream.indirect.gather [hbm4b:s4+s21], $0x80, s0, s21, $0xb8;
	[tilespmem:$0x1C400] =	vst v63  }
0x6c: {  	_ =	swait.ge [sflag:s23], $0x4000  }
0x6d: {  	[sflag:s23] =	ssyncset.done $0x0  }
0x6e: {  	[sflag:s23] =	ssyncadd.s32 $0xFFFFC000  }
0x6f: {  	[spmem:s2] =	stream.indirect.scatter.add.f32 [tilespmem:s17], [sflag:$0x3], $0x80, s9, s21, $0xb8;
	[tilespmem:$0x1C400] =	vst v63  }
0x70: {  	_ =	swait.ge [sflag:s18], $0x4000  }
0x71: {  	[sflag:s18] =	ssyncset.done $0x0  }
0x72: {  	[sflag:s18] =	ssyncadd.s32 $0xFFFFC000  }
0x73: {  	[tilespmem:s17], [sflag:$0x1] =	stream.indirect.gather [hbm4b:s4+s21], $0x80, s10, s21, $0xb8;
	[tilespmem:$0x1C400] =	vst v63  }
0x74: {  	_ =	swait.ge [sflag:s26], $0x4000  }
0x75: {  	[sflag:s26] =	ssyncset.done $0x0  }
0x76: {  	[sflag:s26] =	ssyncadd.s32 $0xFFFFC000  }
0x77: {  	[spmem:s2] =	stream.indirect.scatter.add.f32 [tilespmem:s22], [sflag:$0x3], $0x80, s11, s21, $0xb8;
	[tilespmem:$0x1C400] =	vst v63  }
0x78: {  	_ =	swait.ge [sflag:s18], $0x4000  }
0x79: {  	[sflag:s18] =	ssyncset.done $0x0  }
0x7a: {  	[sflag:s18] =	ssyncadd.s32 $0xFFFFC000  }
0x7b: {  	[tilespmem:s22], [sflag:$0x2] =	stream.indirect.gather [hbm4b:s4+s21], $0x80, s12, s21, $0xb8;
	[tilespmem:$0x1C400] =	vst v63  }
0x7c: {  	_ =	swait.ge [sflag:s23], $0x4000  }
0x7d: {  	[sflag:s23] =	ssyncset.done $0x0  }
0x7e: {  	[sflag:s23] =	ssyncadd.s32 $0xFFFFC000  }
0x7f: {  	[spmem:s2] =	stream.indirect.scatter.add.f32 [tilespmem:s17], [sflag:$0x3], $0x80, s13, s21, $0xb8;
	[tilespmem:$0x1C400] =	vst v63  }
0x80: {  	_ =	swait.ge [sflag:s18], $0x4000  }
0x81: {  	[sflag:s18] =	ssyncset.done $0x0  }
0x82: {  	[sflag:s18] =	ssyncadd.s32 $0xFFFFC000  }
0x83: {  	_ =	swait.ge [sflag:s26], $0x4000  }
0x84: {  	[sflag:s26] =	ssyncset.done $0x0  }
0x85: {  	[sflag:s26] =	ssyncadd.s32 $0xFFFFC000  }
0x86: {  	[spmem:s2] =	stream.indirect.scatter.add.f32 [tilespmem:s22], [sflag:$0x3], $0x80, s14, s21, $0xb8;
	[tilespmem:$0x1C400] =	vst v63  }
0x87: {  	_ =	swait.ge [sflag:s18], $0x4000  }
0x88: {  	s5 =	simm.s32 $0x100;
	s25 =	simm.s32 $0x80;
	[sflag:s18] =	ssyncset.done $0x0  }
.LBB2_4:
0x89: {  	s7 =	sadd.s32 s25, s16  }
0x8a: {  	[sflag:s18] =	ssyncadd.s32 $0xFFFFC000;
	s25 =	smov.u32 s5;
	s6 =	sadd.s32 $0x80, s5  }
0x8b: {  	[tilespmem:s3], [sflag:$0x3] =	stream.strided.gather [hbm4b:s7+s19], $0x800, s20, s19, $0x38;
	[tilespmem:$0x1C400] =	vst v63  }
0x8c: {  	p0 =	sne.s32 s5, $0x480;
	_ =	swait.ge [sflag:s18], $0x800  }
0x8d: {  	[sflag:s18] =	ssyncset.done $0x0  }
0x8e: {  	[sflag:s18] =	ssyncadd.s32 $0xFFFFF800  }
0x8f: {  	[tilespmem:s17], [sflag:$0x1] =	stream.indirect.gather [hbm4b:s4+s21], $0x80, s3, s21, $0xb8;
	[tilespmem:$0x1C400] =	vst v63  }
0x90: {  	_ = 	snop  }
0x91: {  	[tilespmem:s22], [sflag:$0x2] =	stream.indirect.gather [hbm4b:s4+s21], $0x80, s21, s21, $0xb8;
	[tilespmem:$0x1C400] =	vst v63  }
0x92: {  	_ =	swait.ge [sflag:s23], $0x4000  }
0x93: {  	[sflag:s23] =	ssyncset.done $0x0  }
0x94: {  	[sflag:s23] =	ssyncadd.s32 $0xFFFFC000  }
0x95: {  	[spmem:s2] =	stream.indirect.scatter.add.f32 [tilespmem:s17], [sflag:$0x3], $0x80, s19, s21, $0xb8;
	[tilespmem:$0x1C400] =	vst v63  }
0x96: {  	_ =	swait.ge [sflag:s18], $0x4000  }
0x97: {  	[sflag:s18] =	ssyncset.done $0x0  }
0x98: {  	[sflag:s18] =	ssyncadd.s32 $0xFFFFC000  }
0x99: {  	[tilespmem:s17], [sflag:$0x1] =	stream.indirect.gather [hbm4b:s4+s21], $0x80, s24, s21, $0xb8;
	[tilespmem:$0x1C400] =	vst v63  }
0x9a: {  	_ =	swait.ge [sflag:s26], $0x4000  }
0x9b: {  	[sflag:s26] =	ssyncset.done $0x0  }
0x9c: {  	[sflag:s26] =	ssyncadd.s32 $0xFFFFC000  }
0x9d: {  	[spmem:s2] =	stream.indirect.scatter.add.f32 [tilespmem:s22], [sflag:$0x3], $0x80, s28, s21, $0xb8;
	[tilespmem:$0x1C400] =	vst v63  }
0x9e: {  	_ =	swait.ge [sflag:s18], $0x4000  }
0x9f: {  	[sflag:s18] =	ssyncset.done $0x0  }
0xa0: {  	[sflag:s18] =	ssyncadd.s32 $0xFFFFC000  }
0xa1: {  	[tilespmem:s22], [sflag:$0x2] =	stream.indirect.gather [hbm4b:s4+s21], $0x80, s29, s21, $0xb8;
	[tilespmem:$0x1C400] =	vst v63  }
0xa2: {  	_ =	swait.ge [sflag:s23], $0x4000  }
0xa3: {  	[sflag:s23] =	ssyncset.done $0x0  }
0xa4: {  	[sflag:s23] =	ssyncadd.s32 $0xFFFFC000  }
0xa5: {  	[spmem:s2] =	stream.indirect.scatter.add.f32 [tilespmem:s17], [sflag:$0x3], $0x80, s30, s21, $0xb8;
	[tilespmem:$0x1C400] =	vst v63  }
0xa6: {  	_ =	swait.ge [sflag:s18], $0x4000  }
0xa7: {  	[sflag:s18] =	ssyncset.done $0x0  }
0xa8: {  	[sflag:s18] =	ssyncadd.s32 $0xFFFFC000  }
0xa9: {  	[tilespmem:s17], [sflag:$0x1] =	stream.indirect.gather [hbm4b:s4+s21], $0x80, s31, s21, $0xb8;
	[tilespmem:$0x1C400] =	vst v63  }
0xaa: {  	_ =	swait.ge [sflag:s26], $0x4000  }
0xab: {  	[sflag:s26] =	ssyncset.done $0x0  }
0xac: {  	[sflag:s26] =	ssyncadd.s32 $0xFFFFC000  }
0xad: {  	[spmem:s2] =	stream.indirect.scatter.add.f32 [tilespmem:s22], [sflag:$0x3], $0x80, s1, s21, $0xb8;
	[tilespmem:$0x1C400] =	vst v63  }
0xae: {  	_ =	swait.ge [sflag:s18], $0x4000  }
0xaf: {  	[sflag:s18] =	ssyncset.done $0x0  }
0xb0: {  	[sflag:s18] =	ssyncadd.s32 $0xFFFFC000  }
0xb1: {  	[tilespmem:s22], [sflag:$0x2] =	stream.indirect.gather [hbm4b:s4+s21], $0x80, s0, s21, $0xb8;
	[tilespmem:$0x1C400] =	vst v63  }
0xb2: {  	_ =	swait.ge [sflag:s23], $0x4000  }
0xb3: {  	[sflag:s23] =	ssyncset.done $0x0  }
0xb4: {  	[sflag:s23] =	ssyncadd.s32 $0xFFFFC000  }
0xb5: {  	[spmem:s2] =	stream.indirect.scatter.add.f32 [tilespmem:s17], [sflag:$0x3], $0x80, s9, s21, $0xb8;
	[tilespmem:$0x1C400] =	vst v63  }
0xb6: {  	_ =	swait.ge [sflag:s18], $0x4000  }
0xb7: {  	[sflag:s18] =	ssyncset.done $0x0  }
0xb8: {  	[sflag:s18] =	ssyncadd.s32 $0xFFFFC000  }
0xb9: {  	[tilespmem:s17], [sflag:$0x1] =	stream.indirect.gather [hbm4b:s4+s21], $0x80, s10, s21, $0xb8;
	[tilespmem:$0x1C400] =	vst v63  }
0xba: {  	_ =	swait.ge [sflag:s26], $0x4000  }
0xbb: {  	[sflag:s26] =	ssyncset.done $0x0  }
0xbc: {  	[sflag:s26] =	ssyncadd.s32 $0xFFFFC000  }
0xbd: {  	[spmem:s2] =	stream.indirect.scatter.add.f32 [tilespmem:s22], [sflag:$0x3], $0x80, s11, s21, $0xb8;
	[tilespmem:$0x1C400] =	vst v63  }
0xbe: {  	_ =	swait.ge [sflag:s18], $0x4000  }
0xbf: {  	[sflag:s18] =	ssyncset.done $0x0  }
0xc0: {  	[sflag:s18] =	ssyncadd.s32 $0xFFFFC000  }
0xc1: {  	[tilespmem:s22], [sflag:$0x2] =	stream.indirect.gather [hbm4b:s4+s21], $0x80, s12, s21, $0xb8;
	[tilespmem:$0x1C400] =	vst v63  }
0xc2: {  	_ =	swait.ge [sflag:s23], $0x4000  }
0xc3: {  	[sflag:s23] =	ssyncset.done $0x0  }
0xc4: {  	[sflag:s23] =	ssyncadd.s32 $0xFFFFC000  }
0xc5: {  	[spmem:s2] =	stream.indirect.scatter.add.f32 [tilespmem:s17], [sflag:$0x3], $0x80, s13, s21, $0xb8;
	[tilespmem:$0x1C400] =	vst v63  }
0xc6: {  	_ =	swait.ge [sflag:s18], $0x4000  }
0xc7: {  	[sflag:s18] =	ssyncset.done $0x0  }
0xc8: {  	[sflag:s18] =	ssyncadd.s32 $0xFFFFC000  }
0xc9: {  	_ =	swait.ge [sflag:s26], $0x4000  }
.Ltmp1:
0xca: {  	[sflag:s26] =	ssyncset.done $0x0;
	(pc) =	sbr.rel @p0 .LBB2_4-.Ltmp1, $4  }
0xcb: {  	[sflag:s26] =	ssyncadd.s32 $0xFFFFC000  }
0xcc: {  	[spmem:s2] =	stream.indirect.scatter.add.f32 [tilespmem:s22], [sflag:$0x3], $0x80, s14, s21, $0xb8;
	[tilespmem:$0x1C400] =	vst v63  }
0xcd: {  	_ =	swait.ge [sflag:s18], $0x4000  }
0xce: {  	s5 =	smov.u32 s6;
	[sflag:s18] =	ssyncset.done $0x0  }
0xcf: {  	s5 =	sadd.s32 s25, s16;
	[sflag:s18] =	ssyncadd.s32 $0xFFFFC000  }
0xd0: {  	[tilespmem:s3], [sflag:$0x3] =	stream.strided.gather [hbm4b:s5+s19], $0x800, s20, s19, $0x38;
	[tilespmem:$0x1C400] =	vst v63  }
0xd1: {  	_ =	swait.ge [sflag:s18], $0x800  }
0xd2: {  	[sflag:s18] =	ssyncset.done $0x0  }
0xd3: {  	[sflag:s18] =	ssyncadd.s32 $0xFFFFF800  }
0xd4: {  	[tilespmem:s17], [sflag:$0x1] =	stream.indirect.gather [hbm4b:s4+s21], $0x80, s3, s21, $0xb8;
	[tilespmem:$0x1C400] =	vst v63  }
0xd5: {  	_ = 	snop  }
0xd6: {  	[tilespmem:s22], [sflag:$0x2] =	stream.indirect.gather [hbm4b:s4+s21], $0x80, s21, s21, $0xb8;
	[tilespmem:$0x1C400] =	vst v63  }
0xd7: {  	_ =	swait.ge [sflag:s23], $0x4000  }
0xd8: {  	[sflag:s23] =	ssyncset.done $0x0  }
0xd9: {  	[sflag:s23] =	ssyncadd.s32 $0xFFFFC000  }
0xda: {  	[spmem:s2] =	stream.indirect.scatter.add.f32 [tilespmem:s17], [sflag:$0x3], $0x80, s19, s21, $0xb8;
	[tilespmem:$0x1C400] =	vst v63  }
0xdb: {  	_ =	swait.ge [sflag:s18], $0x4000  }
0xdc: {  	[sflag:s18] =	ssyncset.done $0x0  }
0xdd: {  	[sflag:s18] =	ssyncadd.s32 $0xFFFFC000  }
0xde: {  	[tilespmem:s17], [sflag:$0x1] =	stream.indirect.gather [hbm4b:s4+s21], $0x80, s24, s21, $0xb8;
	[tilespmem:$0x1C400] =	vst v63  }
0xdf: {  	_ =	swait.ge [sflag:s26], $0x4000  }
0xe0: {  	[sflag:s26] =	ssyncset.done $0x0  }
0xe1: {  	[sflag:s26] =	ssyncadd.s32 $0xFFFFC000  }
0xe2: {  	[spmem:s2] =	stream.indirect.scatter.add.f32 [tilespmem:s22], [sflag:$0x3], $0x80, s28, s21, $0xb8;
	[tilespmem:$0x1C400] =	vst v63  }
0xe3: {  	_ =	swait.ge [sflag:s18], $0x4000  }
0xe4: {  	[sflag:s18] =	ssyncset.done $0x0  }
0xe5: {  	[sflag:s18] =	ssyncadd.s32 $0xFFFFC000  }
0xe6: {  	[tilespmem:s22], [sflag:$0x2] =	stream.indirect.gather [hbm4b:s4+s21], $0x80, s29, s21, $0xb8;
	[tilespmem:$0x1C400] =	vst v63  }
0xe7: {  	_ =	swait.ge [sflag:s23], $0x4000  }
0xe8: {  	[sflag:s23] =	ssyncset.done $0x0  }
0xe9: {  	[sflag:s23] =	ssyncadd.s32 $0xFFFFC000  }
0xea: {  	[spmem:s2] =	stream.indirect.scatter.add.f32 [tilespmem:s17], [sflag:$0x3], $0x80, s30, s21, $0xb8;
	[tilespmem:$0x1C400] =	vst v63  }
0xeb: {  	_ =	swait.ge [sflag:s18], $0x4000  }
0xec: {  	[sflag:s18] =	ssyncset.done $0x0  }
0xed: {  	[sflag:s18] =	ssyncadd.s32 $0xFFFFC000  }
0xee: {  	[tilespmem:s17], [sflag:$0x1] =	stream.indirect.gather [hbm4b:s4+s21], $0x80, s31, s21, $0xb8;
	[tilespmem:$0x1C400] =	vst v63  }
0xef: {  	_ =	swait.ge [sflag:s26], $0x4000  }
0xf0: {  	[sflag:s26] =	ssyncset.done $0x0  }
0xf1: {  	[sflag:s26] =	ssyncadd.s32 $0xFFFFC000  }
0xf2: {  	[spmem:s2] =	stream.indirect.scatter.add.f32 [tilespmem:s22], [sflag:$0x3], $0x80, s1, s21, $0xb8;
	[tilespmem:$0x1C400] =	vst v63  }
0xf3: {  	_ =	swait.ge [sflag:s18], $0x4000  }
0xf4: {  	[sflag:s18] =	ssyncset.done $0x0  }
0xf5: {  	[sflag:s18] =	ssyncadd.s32 $0xFFFFC000  }
0xf6: {  	[tilespmem:s22], [sflag:$0x2] =	stream.indirect.gather [hbm4b:s4+s21], $0x80, s0, s21, $0xb8;
	[tilespmem:$0x1C400] =	vst v63  }
0xf7: {  	_ =	swait.ge [sflag:s23], $0x4000  }
0xf8: {  	[sflag:s23] =	ssyncset.done $0x0  }
0xf9: {  	[sflag:s23] =	ssyncadd.s32 $0xFFFFC000  }
0xfa: {  	[spmem:s2] =	stream.indirect.scatter.add.f32 [tilespmem:s17], [sflag:$0x3], $0x80, s9, s21, $0xb8;
	[tilespmem:$0x1C400] =	vst v63  }
0xfb: {  	_ =	swait.ge [sflag:s18], $0x4000  }
0xfc: {  	[sflag:s18] =	ssyncset.done $0x0  }
0xfd: {  	[sflag:s18] =	ssyncadd.s32 $0xFFFFC000  }
0xfe: {  	[tilespmem:s17], [sflag:$0x1] =	stream.indirect.gather [hbm4b:s4+s21], $0x80, s10, s21, $0xb8;
	[tilespmem:$0x1C400] =	vst v63  }
0xff: {  	_ =	swait.ge [sflag:s26], $0x4000  }
0x100: {  	[sflag:s26] =	ssyncset.done $0x0  }
0x101: {  	[sflag:s26] =	ssyncadd.s32 $0xFFFFC000  }
0x102: {  	[spmem:s2] =	stream.indirect.scatter.add.f32 [tilespmem:s22], [sflag:$0x3], $0x80, s11, s21, $0xb8;
	[tilespmem:$0x1C400] =	vst v63  }
0x103: {  	_ =	swait.ge [sflag:s18], $0x4000  }
0x104: {  	[sflag:s18] =	ssyncset.done $0x0  }
0x105: {  	[sflag:s18] =	ssyncadd.s32 $0xFFFFC000  }
0x106: {  	[tilespmem:s22], [sflag:$0x2] =	stream.indirect.gather [hbm4b:s4+s21], $0x80, s12, s21, $0xb8;
	[tilespmem:$0x1C400] =	vst v63  }
0x107: {  	_ =	swait.ge [sflag:s23], $0x4000  }
0x108: {  	[sflag:s23] =	ssyncset.done $0x0  }
0x109: {  	[sflag:s23] =	ssyncadd.s32 $0xFFFFC000  }
0x10a: {  	[spmem:s2] =	stream.indirect.scatter.add.f32 [tilespmem:s17], [sflag:$0x3], $0x80, s13, s21, $0xb8;
	[tilespmem:$0x1C400] =	vst v63  }
0x10b: {  	_ =	swait.ge [sflag:s18], $0x4000  }
0x10c: {  	[sflag:s18] =	ssyncset.done $0x0  }
0x10d: {  	[sflag:s18] =	ssyncadd.s32 $0xFFFFC000  }
0x10e: {  	_ =	swait.ge [sflag:s26], $0x4000  }
0x10f: {  	[sflag:s26] =	ssyncset.done $0x0  }
0x110: {  	[sflag:s26] =	ssyncadd.s32 $0xFFFFC000  }
0x111: {  	[spmem:s2] =	stream.indirect.scatter.add.f32 [tilespmem:s22], [sflag:$0x3], $0x80, s14, s21, $0xb8;
	[tilespmem:$0x1C400] =	vst v63  }
0x112: {  	_ =	swait.ge [sflag:s18], $0x4000  }
0x113: {  	[sflag:s18] =	ssyncset.done $0x0  }
0x114: {  	[sflag:s18] =	ssyncadd.s32 $0xFFFFC000  }
0x115: {  	s6 =	stileid.u32;
	[bflag:$0x0] =	sbarrier.arrive $0xFFFF  }
0x116: {  	s5 =	sshll.u32 s6, $0x6;
	s6 =	rddreg [dreg:$0x3]  }
0x117: {  	s5 =	sor.u32 $0x1C03, s5;
	s7 =	rddreg [dreg:$0x7];
	s6 =	sshrl.u32 s6, $0x3  }
0x118: {  	[hbm:s7], [sflag:s5] =	dma.local [spmem:s6], $0x800  }
0x119: {  	_ =	swait.ge [sflag:s18], $0x800  }
0x11a: {  	[sflag:s18] =	ssyncset.done $0x0;
	s7 =	rddreg [dreg:$0x4]  }
0x11b: {  	s25 =	rddreg [dreg:$0x8];
	[sflag:s18] =	ssyncadd.s32 $0xFFFFF800;
	s6 =	sshrl.u32 s7, $0x3  }
0x11c: {  	[hbm:s25], [sflag:s5] =	dma.local [spmem:s6], $0x800  }
0x11d: {  	_ =	swait.ge [sflag:s18], $0x800  }
0x11e: {  	s7 =	smov.u32 s8;
	[sflag:s18] =	ssyncset.done $0x0  }
0x11f: {  	s8 =	sshrl.u32 s8, $0x3;
	s25 =	rddreg [dreg:$0x9];
	[sflag:s18] =	ssyncadd.s32 $0xFFFFF800  }
0x120: {  	[hbm:s25], [sflag:s5] =	dma.local [spmem:s8], $0x800  }
0x121: {  	_ =	swait.ge [sflag:s18], $0x800  }
0x122: {  	[sflag:s18] =	ssyncset.done $0x0;
	s8 =	rddreg [dreg:$0x5]  }
0x123: {  	s25 =	rddreg [dreg:$0xa];
	[sflag:s18] =	ssyncadd.s32 $0xFFFFF800;
	s6 =	sshrl.u32 s8, $0x3  }
0x124: {  	[hbm:s25], [sflag:s5] =	dma.local [spmem:s6], $0x800  }
0x125: {  	_ =	swait.ge [sflag:s18], $0x800  }
0x126: {  	[sflag:s18] =	ssyncset.done $0x0;
	s8 =	rddreg [dreg:$0xb]  }
0x127: {  	s25 =	rddreg [dreg:$0xd];
	[sflag:s18] =	ssyncadd.s32 $0xFFFFF800  }
0x128: {  	[hbm:s8], [sflag:s5] =	dma.local [spmem:s25], $0x800  }
0x129: {  	_ =	swait.ge [sflag:s18], $0x800  }
0x12a: {  	s15 =	sadd.s32 $0x1, s15;
	s25 =	rddreg [dreg:$0xc]  }
0x12b: {  	p0 =	sne.s32 s15, s25  }
.Ltmp2:
0x12c: {  	_ = 	snop;
	(pc) =	sbr.rel @p0 .LBB2_1-.Ltmp2, $3  }
0x12d: {  	_ =	sdelay $0x1  }
0x12e: {  	[sflag:s18] =	ssyncset.done $0x0  }
0x12f: {  	[sflag:s18] =	ssyncadd.s32 $0xFFFFF800  }
0x130: {  	_ =	sfence.sel $0x180000  }
0x131: {  	[bflag:$0x0] =	sbarrier.arrive $0xFFFF  }
0x132: {  	_ =	strace $0x9000004D  }
0x133: {  	s0 =	stileid.u32;
	[bflag:$0x2] =	sbarrier.arrive $0xFFFF  }
0x134: {  	p0 =	sne.s32 s0, $0x0;
	s0 =	rddreg [dreg:$0x2]  }
0x135: {  	s0 =	sadd.s32 @!p0 $0x100000, s0  }
0x136: {  	[sflag:s0] =	ssyncadd.tile.s32 @!p0 $0x1;
	_ =	shalt  }
.Lfunc_end2:
_tile_overlayer_lowered:
.L_overlay_start_2:
0x137: {  	(tag) =	ssettag $0x2  }
0x138: {  	s0 =	rddreg [dreg:$0x0];
	s2 =	stileid.u32  }
0x139: {  	s1 =	rddreg [dreg:$0x1];
	p0 =	sne.s32 s2, $0x0  }
0x13a: {  	s3 =	rddreg [dreg:$0x2];
	[bflag:$0x3] =	sbarrier.arrive $0xFFFF;
	s2 =	simm.s32 @!p0 $0x1C03  }
0x13b: {  	[timem:s3], [sflag:s2] =	dma.local @!p0 [hbm:s0], s1  }
0x13c: {  	s0 =	simm.s32 @!p0 $0x3  }
0x13d: {  	_ =	swait.ge @!p0 [sflag:s0], s1  }
0x13e: {  	s1 =	ssub.s32 @!p0 $0x0, s1;
	[sflag:s0] =	ssyncset.done @!p0 $0x0  }
0x13f: {  	[sflag:s0] =	ssyncadd.s32 @!p0 s1  }
0x140: {  	[bflag:$0x3] =	sbarrier.arrive $0xFFFF  }
0x141: {  	_ =	shalt  }

// kernel: kernel.9.cloned.1.call-start
scs
__scs_entry_jumppad:
0x0: {  	(pc) =	sbr.rel $0x88, $3  }
0x1: {  	(tag) =	ssettag $0x0;
	lr =	simm.s32 $0x1  }
0x2: {  	[smem:$0x3F8F] =	sst lr;
	_ =	strace $0xD0000000  }
0x3: {  	_ = 	snop  }
0x4: {  	_ = 	snop  }
0x5: {  	_ = 	snop  }
0x6: {  	_ = 	snop  }
0x7: {  	_ = 	snop  }
__scs_overlays_trampoline_lowered:
0x8: {  	[smem:$0x3F9E] =	sst s0  }
0x9: {  	[smem:$0x3F9F] =	sst s1  }
0xa: {  	[smem:$0x3FA0] =	sst s2  }
0xb: {  	[smem:$0x3FA1] =	sst s3  }
0xc: {  	[smem:$0x3FA2] =	sst s4  }
0xd: {  	[smem:$0x3FA3] =	sst s5  }
0xe: {  	[smem:$0x3FA4] =	sst s6  }
0xf: {  	[smem:$0x3FA5] =	sst s7  }
0x10: {  	[smem:$0x3FA6] =	sst s8  }
0x11: {  	[smem:$0x3FA7] =	sst s9;
	s0 =	simm.s32 @!p0 $0x0  }
0x12: {  	s1 =	sld [smem:$0x3F8D];
	s0 =	simm.s32 @p0 $0x1  }
0x13: {  	[smem:$0x3FA8] =	sst s0;
	s0 =	simm.s32 @!p1 $0x0  }
0x14: {  	s2 =	sld [smem:$0x3F8C];
	s0 =	simm.s32 @p1 $0x1  }
0x15: {  	[smem:$0x3FA9] =	sst s0;
	s0 =	simm.s32 @!p2 $0x0  }
0x16: {  	s3 =	sld [smem:$0x3FDB];
	s0 =	simm.s32 @p2 $0x1  }
0x17: {  	s4 =	simm.s32 $0x1BF5;
	[smem:$0x3FAB] =	sst s0  }
0x18: {  	s0 =	sld [smem:$0x3F8E];
	_ =	swait.ge [sflag:s4], $0x0  }
0x19: {  	s7 =	sld [smem:$0x3F8F]  }
0x1a: {  	s8 =	sadd.s32 $0xFFFFE003, lr  }
0x1b: {  	s9 =	sadd.s32 $0xFFFFFEF7, lr;
	s5 =	simm.s32 $0xFFFFFFFF;
	p2 =	slt.u32 s8, $0xFFFFF086  }
0x1c: {  	p1 =	slt.u32 s9, $0xF7A;
	s5 =	simm.s32 @!p2 $0x0  }
0x1d: {  	s5 =	simm.s32 @p1 $0x1;
	p0 =	seq.s32 s7, s2  }
0x1e: {  	s7 =	smul.u32 @!p0 $0xF7A, s2;
	p2 =	seq.s32 @!p0 s5, $0x0  }
0x1f: {  	s9 =	smul.u32 $0xF7A, s1;
	s8 =	simm.s32 @!p0 $0x1BF5;
	p2 =	por !p2, p0  }
0x20: {  	[sflag:s8] =	ssyncset.s32 @!p0 $0xFFFFF086;
	s6 =	sadd.s32 @!p0 s3, s7;
	s7 =	simm.s32 @!p0 $0x108  }
0x21: {  	s3 =	sadd.s32 s3, s9;
	s6 =	sadd.s32 @!p0 $0x88, s6;
	s7 =	simm.s32 @p2 $0x1082  }
0x22: {  	[simem:s7], [sflag:s8] =	dma.local @!p0 [hbm:s6], $0xF7A  }
0x23: {  	s9 =	sor.u32 $0xD0000000, s2;
	s6 =	simm.s32 $0x108;
	_ =	swait.ge @!p0 [sflag:s8], $0x0  }
0x24: {  	s3 =	sadd.s32 $0x88, s3;
	s6 =	simm.s32 @!p1 $0x1082;
	[sflag:s4] =	ssyncset.s32 $0xFFFFF086  }
0x25: {  	[simem:s6], [sflag:s4] =	dma.local [hbm:s3], $0xF7A  }
0x26: {  	[smem:$0x3F8F] =	sst s1;
	(tag) =	ssettag s2;
	_ =	strace s9  }
0x27: {  	s1 =	sld [smem:$0x3F9F]  }
0x28: {  	s2 =	sld [smem:$0x3FA0]  }
0x29: {  	s4 =	sld [smem:$0x3FA2]  }
0x2a: {  	p0 =	seq.s32 s5, $0x0;
	s5 =	sld [smem:$0x3FA3]  }
0x2b: {  	s6 =	sld [smem:$0x3FA4]  }
0x2c: {  	s7 =	sld [smem:$0x3FA5]  }
0x2d: {  	s3 =	simm.s32 $0x108;
	s8 =	sld [smem:$0x3FA6]  }
0x2e: {  	s3 =	simm.s32 @!p0 $0x1082;
	s9 =	sld [smem:$0x3FA7]  }
0x2f: {  	lr =	sadd.s32 s0, s3;
	s0 =	sld [smem:$0x3F9E]  }
0x30: {  	s3 =	sld [smem:$0x3FA1]  }
0x31: {  	[smem:$0x3FAA] =	sst s10  }
0x32: {  	s10 =	sld [smem:$0x3FA8];
	_ =	sdelay $0x3  }
0x33: {  	p0 =	seq.s32 s10, $0x1;
	s10 =	sld [smem:$0x3FAA];
	_ =	sdelay $0x3  }
0x34: {  	[smem:$0x3FAA] =	sst s10  }
0x35: {  	s10 =	sld [smem:$0x3FA9];
	_ =	sdelay $0x3  }
0x36: {  	p1 =	seq.s32 s10, $0x1;
	s10 =	sld [smem:$0x3FAA];
	_ =	sdelay $0x3  }
0x37: {  	[smem:$0x3FAA] =	sst s10  }
0x38: {  	s10 =	sld [smem:$0x3FAB]  }
0x39: {  	_ = 	snop;
	(pc) =	sbr.ind lr, $3  }
0x3a: {  	_ = 	snop  }
0x3b: {  	_ = 	snop  }
0x3c: {  	p2 =	seq.s32 s10, $0x1;
	s10 =	sld [smem:$0x3FAA]  }
0x3d: {  	_ =	shalt  }
0x3e: {  	_ =	shalt  }
0x3f: {  	_ =	shalt  }
0x40: {  	_ =	shalt  }
0x41: {  	_ =	shalt  }
0x42: {  	_ =	shalt  }
0x43: {  	_ =	shalt  }
0x44: {  	_ =	shalt  }
0x45: {  	_ =	shalt  }
0x46: {  	_ =	shalt  }
0x47: {  	_ =	shalt  }
0x48: {  	_ =	shalt  }
0x49: {  	_ =	shalt  }
0x4a: {  	_ =	shalt  }
0x4b: {  	_ =	shalt  }
0x4c: {  	_ =	shalt  }
0x4d: {  	_ =	shalt  }
0x4e: {  	_ =	shalt  }
0x4f: {  	_ =	shalt  }
0x50: {  	_ =	shalt  }
0x51: {  	_ =	shalt  }
0x52: {  	_ =	shalt  }
0x53: {  	_ =	shalt  }
0x54: {  	_ =	shalt  }
0x55: {  	_ =	shalt  }
0x56: {  	_ =	shalt  }
0x57: {  	_ =	shalt  }
0x58: {  	_ =	shalt  }
0x59: {  	_ =	shalt  }
0x5a: {  	_ =	shalt  }
0x5b: {  	_ =	shalt  }
0x5c: {  	_ =	shalt  }
0x5d: {  	_ =	shalt  }
0x5e: {  	_ =	shalt  }
0x5f: {  	_ =	shalt  }
0x60: {  	_ =	shalt  }
0x61: {  	_ =	shalt  }
0x62: {  	_ =	shalt  }
0x63: {  	_ =	shalt  }
0x64: {  	_ =	shalt  }
0x65: {  	_ =	shalt  }
0x66: {  	_ =	shalt  }
0x67: {  	_ =	shalt  }
0x68: {  	_ =	shalt  }
0x69: {  	_ =	shalt  }
0x6a: {  	_ =	shalt  }
0x6b: {  	_ =	shalt  }
0x6c: {  	_ =	shalt  }
0x6d: {  	_ =	shalt  }
0x6e: {  	_ =	shalt  }
0x6f: {  	_ =	shalt  }
0x70: {  	_ =	shalt  }
0x71: {  	_ =	shalt  }
0x72: {  	_ =	shalt  }
0x73: {  	_ =	shalt  }
0x74: {  	_ =	shalt  }
0x75: {  	_ =	shalt  }
0x76: {  	_ =	shalt  }
0x77: {  	_ =	shalt  }
0x78: {  	_ =	shalt  }
0x79: {  	_ =	shalt  }
0x7a: {  	_ =	shalt  }
0x7b: {  	_ =	shalt  }
0x7c: {  	_ =	shalt  }
0x7d: {  	_ =	shalt  }
0x7e: {  	_ =	shalt  }
0x7f: {  	_ =	shalt  }
0x80: {  	_ =	shalt  }
0x81: {  	_ =	shalt  }
0x82: {  	_ =	shalt  }
0x83: {  	_ =	shalt  }
0x84: {  	_ =	shalt  }
0x85: {  	_ =	shalt  }
0x86: {  	_ =	shalt  }
0x87: {  	_ =	shalt  }
.Lfunc_end0:
.L_simem_size_0:
called_computation_lowered:
.L_overlay_start_0:
0x88: {  	s2 =	sld [smem:$0x3FD9]  }
0x89: {  	s3 =	sld [smem:$0x3FFE];
	_ =	sdelay $0x1  }
0x8a: {  	s1 =	srdreg.scid  }
0x8b: {  	s0 =	sand.u32 $0x1, s1  }
0x8c: {  	s14 =	sshll.u32 s0, $0xA;
	s2 =	sadd.s32 s3, s2  }
0x8d: {  	s2 =	sadd.s32 s2, s14  }
0x8e: {  	[smem:$0x3FB6] =	sst s2  }
0x8f: {  	_ = 	snop  }
0x90: {  	s2 =	sld [smem:$0x3FD0];
	_ =	sdelay $0x2  }
0x91: {  	s15 =	simm.s32 $0xA;
	s4 =	simm.s32 $0x10  }
0x92: {  	[smem:s4], [sflag:s15] =	dma.local [hbm:s2], $0x1  }
0x93: {  	_ =	swait.eq [sflag:s15], $0x1  }
0x94: {  	[sflag:s15] =	ssyncset.done $0x0  }
0x95: {  	[sflag:s15] =	ssyncadd.s32 $0xFFFFFFFF  }
0x96: {  	s16 =	sld [smem:$0x11];
	(tm) =	ssettm $0x1  }
0x97: {  	s17 =	sld [smem:$0x3FFB];
	_ =	sdelay $0x3  }
0x98: {  	_ =	strace s17  }
0x99: {  	s3 =	sld [smem:$0x3FFC];
	_ =	sdelay $0x3  }
0x9a: {  	_ =	strace s3  }
0x9b: {  	s3 =	sld [smem:$0x3FFD];
	_ =	sdelay $0x3  }
0x9c: {  	_ =	strace s3  }
0x9d: {  	_ =	strace $0x8FFFFFFF  }
0x9e: {  	s18 =	sld [smem:$0x3FDB];
	_ =	sdelay $0x1  }
0x9f: {  	s19 =	simm.s32 $_scs_section_size  }
0xa0: {  	s5 =	simm.s32 $_size__tile_overlayer_lowered;
	s6 =	simm.s32 $_tile_overlayer_lowered  }
0xa1: {  	s22 =	simm.s32 $0x1BFF;
	s21 =	sshll.u32 s6, $0x1;
	s3 =	sadd.s32 s19, s18  }
0xa2: {  	s7 =	simm.s32 $0x0;
	s20 =	sshll.u32 s5, $0x1;
	s5 =	sadd.s32 s21, s3  }
0xa3: {  	[timem:s7], [sflag:s22] =	dma.local [hbm:s5], s20  }
0xa4: {  	_ =	swait.ge [sflag:s22], s20  }
0xa5: {  	s4 =	ssub.s32 $0x0, s20;
	[sflag:s22] =	ssyncset.done $0x0  }
0xa6: {  	[sflag:s22] =	ssyncadd.s32 s4;
	_ =	sdelay $0x1  }
0xa7: {  	s23 =	simm.s32 $0x1B8B  }
0xa8: {  	_ =	swait.ge [sflag:s23], $0x1  }
0xa9: {  	[sflag:s23] =	ssyncset.done $0x0  }
0xaa: {  	s25 =	simm.s32 $0x1B8E;
	s24 =	sld [smem:$0x3FFE];
	[sflag:s23] =	ssyncadd.s32 $0xFFFFFFFF  }
0xab: {  	s26 =	simm.s32 $execute0_lowered;
	[smem:$0x3FD2] =	sst s25  }
0xac: {  	s5 =	sshll.u32 s26, $0x1;
	_ =	strace $0x80000046;
	[dreg:$0x1] =	wrdreg $0xFFFFFFFF  }
0xad: {  	s28 =	simm.s32 $_size_execute0_lowered;
	s3 =	sadd.s32 s3, s5;
	[dreg:$0x0] =	wrdreg $0x0  }
0xae: {  	s5 =	sshll.u32 s28, $0x1;
	[dreg:$0x2] =	wrdreg s3  }
0xaf: {  	[dreg:$0x3] =	wrdreg s5  }
0xb0: {  	[dreg:$0x4] =	wrdreg $0xC0  }
0xb1: {  	_ =	task [dreg:s7], $0x5FFFF  }
0xb2: {  	[dreg:$0x1] =	wrdreg $0xFFFFFFFF  }
0xb3: {  	[dreg:$0x0] =	wrdreg $0x60  }
0xb4: {  	[dreg:$0x2] =	wrdreg s24  }
0xb5: {  	[dreg:$0x3] =	wrdreg s16  }
0xb6: {  	[dreg:$0x4] =	wrdreg $0x9  }
0xb7: {  	_ =	task.clear_ibuf [dreg:s7], $0x5FFFF;
	_ =	strace $0x90000046  }
0xb8: {  	s29 =	simm.s32 $0x9;
	_ =	strace $0x80000048  }
0xb9: {  	_ =	swait.ge [sflag:s29], $0x1  }
0xba: {  	[sflag:s29] =	ssyncadd.s32 $0xFFFFFFFF  }
0xbb: {  	_ =	strace $0x90000048  }
0xbc: {  	_ =	sfence  }
0xbd: {  	s30 =	sld [smem:$0x0];
	_ =	sdelay $0x2  }
0xbe: {  	s31 =	sshll.u32 s1, $0xD;
	s1 =	sshrl.u32 s1, $0x2  }
0xbf: {  	s3 =	sand.u32 $0x4000, s31;
	s1 =	sadd.s32 s1, s30  }
0xc0: {  	s0 =	sor.u32 s3, s0;
	s1 =	sshll.u32 s1, $0x11  }
0xc1: {  	s0 =	sor.u32 s1, s0  }
0xc2: {  	s0 =	sadd.s32 $0x8F2B, s0  }
0xc3: {  	[sflag:s0] =	ssyncadd.remote.s32 $0x1  }
0xc4: {  	_ =	sfence.sel $0xFFFF  }
0xc5: {  	[dreg:$0x0] =	wrdreg $0xFFFFFFFF;
	(pc) =	sbr.abs _section_cstart, $3  }
0xc6: {  	[dreg:$0x1] =	wrdreg $0xFFFFFFFF  }
0xc7: {  	_ =	task.clear_ibuf [dreg:s7], $0x2FFFF;
	_ =	strace $0x9FFFFFFF  }
0xc8: {  	(tm) =	ssettm $0x7FFFFFFF  }
0xc9: {  	_ =	shalt  }
tec
execute0_lowered:
.L_overlay_start_1:
0x0: {  	(tag) =	ssettag $0x1  }
0x1: {  	s3 =	rddreg [dreg:$0x0]  }
0x2: {  	s4 =	rddreg [dreg:$0x1]  }
0x3: {  	s1 =	srdreg.scid;
	s0 =	rddreg [dreg:$0x2];
	s2 =	simm.s32 $0x0  }
0x4: {  	s10 =	simm.s32 $0x80;
	s11 =	simm.s32 $0x0;
	s5 =	sand.u32 $0x1, s1  }
0x5: {  	s1 =	stileid.u32;
	[smem:$0x7FF] =	sst s2;
	s6 =	sshll.u32 s5, $0x4  }
0x6: {  	s7 =	smul.u32 $0xA, s1;
	_ =	strace $0x80000047;
	p0 =	seq.s32 s5, $0x0  }
0x7: {  	s9 =	sshll.u32 s1, $0x7;
	s5 =	ssub.s32 $0x2, s5;
	s6 =	sor.u32 s1, s6  }
0x8: {  	s28 =	sand.u32 $0x380, s9;
	s6 =	sshrl.u32 s6, $0x3;
	s8 =	sadd.s32 $0xA0, s7  }
0x9: {  	s29 =	sshrl.u32 s5, $0x1;
	s6 =	smul.u32 $0x13C00, s6;
	s8 =	smov.u32 @p0 s7  }
0xa: {  	s9 =	simm.s32 $0x800;
	s5 =	ssub.s32 s5, s29;
	s8 =	sshll.u32 s8, $0x7  }
0xb: {  	s7 =	simm.s32 $0x50000;
	s6 =	sor.u32 s28, s6;
	s30 =	sadd.s32 s8, s3  }
0xc: {  	s8 =	simm.s32 $0x1;
	s31 =	sshrl.u32 s6, $0x3;
	s6 =	simm.s32 $0x400  }
0xd: {  	v0 =	vimm.f32 $0.0e+00;
	v1 =	vimm.f32 $1.000000000e+00;
	s3 =	sadd.s32 s4, s31;
	s4 =	smax.u32 s5, $0x1;
	s5 =	sadd.s32 $0x4200, s30  }
.LBB2_1:
0xe: {  	s12 =	simm.s32 $0x0  }
.LBB2_2:
0xf: {  	p0 =	sne.s32 s12, $0x9DC0  }
.Ltmp0:
0x10: {  	_ = 	snop;
	(pc) =	sbr.rel @p0 .LBB2_2-.Ltmp0, $3  }
0x11: {  	_ =	sdelay $0x1  }
0x12: {  	s13 =	sshra.s32 s12, $0x2  }
0x13: {  	s12 =	sadd.s32 $0x40, s12;
	[tilespmem:s13+$0x800] =	vst v0  }
0x14: {  	s12 =	simm.s32 $0x0  }
.LBB2_4:
0x15: {  	s13 =	sadd.s32 s12, s5  }
0x16: {  	[tilespmem:s2], [sflag:$0x1] =	stream.strided.gather [hbm4b:s13+s6], $0x800, s7, s6, $0x38;
	[tilespmem:$0x2F80] =	vst v63  }
0x17: {  	_ =	swait.ge [sflag:s8], $0x800  }
0x18: {  	[sflag:s8] =	ssyncset.done $0x0  }
0x19: {  	[sflag:s8] =	ssyncadd.s32 $0xFFFFF800  }
0x1a: {  	v2 =	vld [tilespmem:$0x400];
	_ =	sdelay $0x7  }
0x1b: {  	[tilespmem:v2+s9+$0x0] =	vst.idx.add.f32.msk $0xffff, v1  }
0x1c: {  	v2 =	vld [tilespmem:$0x410];
	_ =	sdelay $0x7  }
0x1d: {  	[tilespmem:v2+s9+$0x0] =	vst.idx.add.f32.msk $0xffff, v1  }
0x1e: {  	v2 =	vld [tilespmem:$0x420];
	_ =	sdelay $0x7  }
0x1f: {  	[tilespmem:v2+s9+$0x0] =	vst.idx.add.f32.msk $0xffff, v1  }
0x20: {  	v2 =	vld [tilespmem:$0x430];
	_ =	sdelay $0x7  }
0x21: {  	[tilespmem:v2+s9+$0x0] =	vst.idx.add.f32.msk $0xffff, v1  }
0x22: {  	v2 =	vld [tilespmem:$0x440];
	_ =	sdelay $0x7  }
0x23: {  	[tilespmem:v2+s9+$0x0] =	vst.idx.add.f32.msk $0xffff, v1  }
0x24: {  	v2 =	vld [tilespmem:$0x450];
	_ =	sdelay $0x7  }
0x25: {  	[tilespmem:v2+s9+$0x0] =	vst.idx.add.f32.msk $0xffff, v1  }
0x26: {  	v2 =	vld [tilespmem:$0x460];
	_ =	sdelay $0x7  }
0x27: {  	[tilespmem:v2+s9+$0x0] =	vst.idx.add.f32.msk $0xffff, v1  }
0x28: {  	v2 =	vld [tilespmem:$0x470];
	_ =	sdelay $0x7  }
0x29: {  	[tilespmem:v2+s9+$0x0] =	vst.idx.add.f32.msk $0xffff, v1  }
0x2a: {  	v2 =	vld [tilespmem:$0x480];
	_ =	sdelay $0x7  }
0x2b: {  	[tilespmem:v2+s9+$0x0] =	vst.idx.add.f32.msk $0xffff, v1  }
0x2c: {  	v2 =	vld [tilespmem:$0x490];
	_ =	sdelay $0x7  }
0x2d: {  	[tilespmem:v2+s9+$0x0] =	vst.idx.add.f32.msk $0xffff, v1  }
0x2e: {  	v2 =	vld [tilespmem:$0x4A0];
	_ =	sdelay $0x7  }
0x2f: {  	[tilespmem:v2+s9+$0x0] =	vst.idx.add.f32.msk $0xffff, v1  }
0x30: {  	v2 =	vld [tilespmem:$0x4B0];
	_ =	sdelay $0x7  }
0x31: {  	[tilespmem:v2+s9+$0x0] =	vst.idx.add.f32.msk $0xffff, v1  }
0x32: {  	v2 =	vld [tilespmem:$0x4C0];
	_ =	sdelay $0x7  }
0x33: {  	[tilespmem:v2+s9+$0x0] =	vst.idx.add.f32.msk $0xffff, v1  }
0x34: {  	v2 =	vld [tilespmem:$0x4D0];
	_ =	sdelay $0x7  }
0x35: {  	[tilespmem:v2+s9+$0x0] =	vst.idx.add.f32.msk $0xffff, v1  }
0x36: {  	v2 =	vld [tilespmem:$0x4E0];
	_ =	sdelay $0x7  }
0x37: {  	[tilespmem:v2+s9+$0x0] =	vst.idx.add.f32.msk $0xffff, v1  }
0x38: {  	v2 =	vld [tilespmem:$0x4F0];
	_ =	sdelay $0x7  }
0x39: {  	[tilespmem:v2+s9+$0x0] =	vst.idx.add.f32.msk $0xffff, v1  }
0x3a: {  	v2 =	vld [tilespmem:$0x500];
	_ =	sdelay $0x7  }
0x3b: {  	[tilespmem:v2+s9+$0x0] =	vst.idx.add.f32.msk $0xffff, v1  }
0x3c: {  	v2 =	vld [tilespmem:$0x510];
	_ =	sdelay $0x7  }
0x3d: {  	[tilespmem:v2+s9+$0x0] =	vst.idx.add.f32.msk $0xffff, v1  }
0x3e: {  	v2 =	vld [tilespmem:$0x520];
	_ =	sdelay $0x7  }
0x3f: {  	[tilespmem:v2+s9+$0x0] =	vst.idx.add.f32.msk $0xffff, v1  }
0x40: {  	v2 =	vld [tilespmem:$0x530];
	_ =	sdelay $0x7  }
0x41: {  	[tilespmem:v2+s9+$0x0] =	vst.idx.add.f32.msk $0xffff, v1  }
0x42: {  	v2 =	vld [tilespmem:$0x540];
	_ =	sdelay $0x7  }
0x43: {  	[tilespmem:v2+s9+$0x0] =	vst.idx.add.f32.msk $0xffff, v1  }
0x44: {  	v2 =	vld [tilespmem:$0x550];
	_ =	sdelay $0x7  }
0x45: {  	[tilespmem:v2+s9+$0x0] =	vst.idx.add.f32.msk $0xffff, v1  }
0x46: {  	v2 =	vld [tilespmem:$0x560];
	_ =	sdelay $0x7  }
0x47: {  	[tilespmem:v2+s9+$0x0] =	vst.idx.add.f32.msk $0xffff, v1  }
0x48: {  	v2 =	vld [tilespmem:$0x570];
	_ =	sdelay $0x7  }
0x49: {  	[tilespmem:v2+s9+$0x0] =	vst.idx.add.f32.msk $0xffff, v1  }
0x4a: {  	v2 =	vld [tilespmem:$0x580];
	_ =	sdelay $0x7  }
0x4b: {  	[tilespmem:v2+s9+$0x0] =	vst.idx.add.f32.msk $0xffff, v1  }
0x4c: {  	v2 =	vld [tilespmem:$0x590];
	_ =	sdelay $0x7  }
0x4d: {  	[tilespmem:v2+s9+$0x0] =	vst.idx.add.f32.msk $0xffff, v1  }
0x4e: {  	v2 =	vld [tilespmem:$0x5A0];
	_ =	sdelay $0x7  }
0x4f: {  	[tilespmem:v2+s9+$0x0] =	vst.idx.add.f32.msk $0xffff, v1  }
0x50: {  	v2 =	vld [tilespmem:$0x5B0];
	_ =	sdelay $0x7  }
0x51: {  	[tilespmem:v2+s9+$0x0] =	vst.idx.add.f32.msk $0xffff, v1  }
0x52: {  	v2 =	vld [tilespmem:$0x5C0];
	_ =	sdelay $0x7  }
0x53: {  	[tilespmem:v2+s9+$0x0] =	vst.idx.add.f32.msk $0xffff, v1  }
0x54: {  	v2 =	vld [tilespmem:$0x5D0];
	_ =	sdelay $0x7  }
0x55: {  	[tilespmem:v2+s9+$0x0] =	vst.idx.add.f32.msk $0xffff, v1  }
0x56: {  	v2 =	vld [tilespmem:$0x5E0];
	_ =	sdelay $0x7  }
0x57: {  	[tilespmem:v2+s9+$0x0] =	vst.idx.add.f32.msk $0xffff, v1  }
0x58: {  	v2 =	vld [tilespmem:$0x5F0];
	_ =	sdelay $0x7  }
0x59: {  	[tilespmem:v2+s9+$0x0] =	vst.idx.add.f32.msk $0xffff, v1  }
0x5a: {  	v2 =	vld [tilespmem:$0x600];
	_ =	sdelay $0x7  }
0x5b: {  	[tilespmem:v2+s9+$0x0] =	vst.idx.add.f32.msk $0xffff, v1  }
0x5c: {  	v2 =	vld [tilespmem:$0x610];
	_ =	sdelay $0x7  }
0x5d: {  	[tilespmem:v2+s9+$0x0] =	vst.idx.add.f32.msk $0xffff, v1  }
0x5e: {  	v2 =	vld [tilespmem:$0x620];
	_ =	sdelay $0x7  }
0x5f: {  	[tilespmem:v2+s9+$0x0] =	vst.idx.add.f32.msk $0xffff, v1  }
0x60: {  	v2 =	vld [tilespmem:$0x630];
	_ =	sdelay $0x7  }
0x61: {  	[tilespmem:v2+s9+$0x0] =	vst.idx.add.f32.msk $0xffff, v1  }
0x62: {  	v2 =	vld [tilespmem:$0x640];
	_ =	sdelay $0x7  }
0x63: {  	[tilespmem:v2+s9+$0x0] =	vst.idx.add.f32.msk $0xffff, v1  }
0x64: {  	v2 =	vld [tilespmem:$0x650];
	_ =	sdelay $0x7  }
0x65: {  	[tilespmem:v2+s9+$0x0] =	vst.idx.add.f32.msk $0xffff, v1  }
0x66: {  	v2 =	vld [tilespmem:$0x660];
	_ =	sdelay $0x7  }
0x67: {  	[tilespmem:v2+s9+$0x0] =	vst.idx.add.f32.msk $0xffff, v1  }
0x68: {  	v2 =	vld [tilespmem:$0x670];
	_ =	sdelay $0x7  }
0x69: {  	[tilespmem:v2+s9+$0x0] =	vst.idx.add.f32.msk $0xffff, v1  }
0x6a: {  	v2 =	vld [tilespmem:$0x680];
	_ =	sdelay $0x7  }
0x6b: {  	[tilespmem:v2+s9+$0x0] =	vst.idx.add.f32.msk $0xffff, v1  }
0x6c: {  	v2 =	vld [tilespmem:$0x690];
	_ =	sdelay $0x7  }
0x6d: {  	[tilespmem:v2+s9+$0x0] =	vst.idx.add.f32.msk $0xffff, v1  }
0x6e: {  	v2 =	vld [tilespmem:$0x6A0];
	_ =	sdelay $0x7  }
0x6f: {  	[tilespmem:v2+s9+$0x0] =	vst.idx.add.f32.msk $0xffff, v1  }
0x70: {  	v2 =	vld [tilespmem:$0x6B0];
	_ =	sdelay $0x7  }
0x71: {  	[tilespmem:v2+s9+$0x0] =	vst.idx.add.f32.msk $0xffff, v1  }
0x72: {  	v2 =	vld [tilespmem:$0x6C0];
	_ =	sdelay $0x7  }
0x73: {  	[tilespmem:v2+s9+$0x0] =	vst.idx.add.f32.msk $0xffff, v1  }
0x74: {  	v2 =	vld [tilespmem:$0x6D0];
	_ =	sdelay $0x7  }
0x75: {  	[tilespmem:v2+s9+$0x0] =	vst.idx.add.f32.msk $0xffff, v1  }
0x76: {  	v2 =	vld [tilespmem:$0x6E0];
	_ =	sdelay $0x7  }
0x77: {  	[tilespmem:v2+s9+$0x0] =	vst.idx.add.f32.msk $0xffff, v1  }
0x78: {  	v2 =	vld [tilespmem:$0x6F0];
	_ =	sdelay $0x7  }
0x79: {  	[tilespmem:v2+s9+$0x0] =	vst.idx.add.f32.msk $0xffff, v1  }
0x7a: {  	v2 =	vld [tilespmem:$0x700];
	_ =	sdelay $0x7  }
0x7b: {  	[tilespmem:v2+s9+$0x0] =	vst.idx.add.f32.msk $0xffff, v1  }
0x7c: {  	v2 =	vld [tilespmem:$0x710];
	_ =	sdelay $0x7  }
0x7d: {  	[tilespmem:v2+s9+$0x0] =	vst.idx.add.f32.msk $0xffff, v1  }
0x7e: {  	v2 =	vld [tilespmem:$0x720];
	_ =	sdelay $0x7  }
0x7f: {  	[tilespmem:v2+s9+$0x0] =	vst.idx.add.f32.msk $0xffff, v1  }
0x80: {  	v2 =	vld [tilespmem:$0x730];
	_ =	sdelay $0x7  }
0x81: {  	[tilespmem:v2+s9+$0x0] =	vst.idx.add.f32.msk $0xffff, v1  }
0x82: {  	v2 =	vld [tilespmem:$0x740];
	_ =	sdelay $0x7  }
0x83: {  	[tilespmem:v2+s9+$0x0] =	vst.idx.add.f32.msk $0xffff, v1  }
0x84: {  	v2 =	vld [tilespmem:$0x750];
	_ =	sdelay $0x7  }
0x85: {  	[tilespmem:v2+s9+$0x0] =	vst.idx.add.f32.msk $0xffff, v1  }
0x86: {  	v2 =	vld [tilespmem:$0x760];
	_ =	sdelay $0x7  }
0x87: {  	[tilespmem:v2+s9+$0x0] =	vst.idx.add.f32.msk $0xffff, v1  }
0x88: {  	v2 =	vld [tilespmem:$0x770];
	_ =	sdelay $0x7  }
0x89: {  	[tilespmem:v2+s9+$0x0] =	vst.idx.add.f32.msk $0xffff, v1  }
0x8a: {  	v2 =	vld [tilespmem:$0x780];
	_ =	sdelay $0x7  }
0x8b: {  	[tilespmem:v2+s9+$0x0] =	vst.idx.add.f32.msk $0xffff, v1  }
0x8c: {  	v2 =	vld [tilespmem:$0x790];
	_ =	sdelay $0x7  }
0x8d: {  	[tilespmem:v2+s9+$0x0] =	vst.idx.add.f32.msk $0xffff, v1  }
0x8e: {  	v2 =	vld [tilespmem:$0x7A0];
	_ =	sdelay $0x7  }
0x8f: {  	[tilespmem:v2+s9+$0x0] =	vst.idx.add.f32.msk $0xffff, v1  }
0x90: {  	v2 =	vld [tilespmem:$0x7B0];
	_ =	sdelay $0x7  }
0x91: {  	[tilespmem:v2+s9+$0x0] =	vst.idx.add.f32.msk $0xffff, v1  }
0x92: {  	v2 =	vld [tilespmem:$0x7C0];
	_ =	sdelay $0x7  }
0x93: {  	[tilespmem:v2+s9+$0x0] =	vst.idx.add.f32.msk $0xffff, v1  }
0x94: {  	v2 =	vld [tilespmem:$0x7D0];
	_ =	sdelay $0x7  }
0x95: {  	[tilespmem:v2+s9+$0x0] =	vst.idx.add.f32.msk $0xffff, v1  }
0x96: {  	v2 =	vld [tilespmem:$0x7E0];
	_ =	sdelay $0x7  }
0x97: {  	[tilespmem:v2+s9+$0x0] =	vst.idx.add.f32.msk $0xffff, v1  }
0x98: {  	v2 =	vld [tilespmem:$0x7F0];
	_ =	sdelay $0x2  }
0x99: {  	p0 =	sne.s32 s12, $0x480  }
.Ltmp1:
0x9a: {  	_ = 	snop;
	(pc) =	sbr.rel @p0 .LBB2_4-.Ltmp1, $2  }
0x9b: {  	_ =	sdelay $0x2  }
0x9c: {  	s12 =	sadd.s32 $0x80, s12;
	[tilespmem:v2+s9+$0x0] =	vst.idx.add.f32.msk $0xffff, v1  }
0x9d: {  	s11 =	sadd.s32 $0x1, s11  }
0x9e: {  	p0 =	sne.s32 s11, s4  }
.Ltmp2:
0x9f: {  	_ = 	snop;
	(pc) =	sbr.rel @p0 .LBB2_1-.Ltmp2, $4  }
0xa0: {  	[hbm4b:s3+s10] =	stream.strided.scatter [tilespmem:s9], [sflag:$0x1], $0x2780, s6, s10, $0x38;
	[tilespmem:$0x2F80] =	vst v63  }
0xa1: {  	_ =	swait.ge [sflag:s8], $0x2780  }
0xa2: {  	[sflag:s8] =	ssyncset.done $0x0  }
0xa3: {  	[sflag:s8] =	ssyncadd.s32 $0xFFFFD880  }
0xa4: {  	_ =	sfence.sel $0x180000  }
0xa5: {  	[bflag:$0x0] =	sbarrier.arrive $0xFFFF  }
0xa6: {  	p0 =	sne.s32 s1, $0x0;
	_ =	strace $0x90000047  }
0xa7: {  	s0 =	sadd.s32 @!p0 $0x100000, s0;
	[bflag:$0x2] =	sbarrier.arrive $0xFFFF  }
0xa8: {  	[sflag:s0] =	ssyncadd.tile.s32 @!p0 $0x1;
	_ =	shalt  }
.Lfunc_end2:
_tile_overlayer_lowered:
.L_overlay_start_2:
0xa9: {  	(tag) =	ssettag $0x2  }
0xaa: {  	s0 =	rddreg [dreg:$0x0];
	s2 =	stileid.u32  }
0xab: {  	s1 =	rddreg [dreg:$0x1];
	p0 =	sne.s32 s2, $0x0  }
0xac: {  	s3 =	rddreg [dreg:$0x2];
	[bflag:$0x3] =	sbarrier.arrive $0xFFFF;
	s2 =	simm.s32 @!p0 $0x1C01  }
0xad: {  	[timem:s3], [sflag:s2] =	dma.local @!p0 [hbm:s0], s1  }
0xae: {  	s0 =	simm.s32 @!p0 $0x1  }
0xaf: {  	_ =	swait.ge @!p0 [sflag:s0], s1  }
0xb0: {  	s1 =	ssub.s32 @!p0 $0x0, s1;
	[sflag:s0] =	ssyncset.done @!p0 $0x0  }
0xb1: {  	[sflag:s0] =	ssyncadd.s32 @!p0 s1  }
0xb2: {  	[bflag:$0x3] =	sbarrier.arrive $0xFFFF  }
0xb3: {  	_ =	shalt  }

</sc_bundles>
